<compile_context>
chip_gen: v7x
topology: tpu7x:2x2x1
jax: 0.10.2.dev20260603
libtpu: 0.0.44.dev20260713+nightly
codegen_flags: <defaults>
</compile_context>

<pallas_src>
import jax
import jax.numpy as jnp
from jax import lax
from jax.experimental import pallas as pl
from jax.experimental.pallas import tpu as pltpu
from jax.experimental.pallas import tpu_sc as plsc

B = 16384
D = 32
H = 64
NU = 1000000
NP = 100000
NI = 1000
NC = 2
NS = 16
NW = NC * NS
L = 16
CH = 12800


def _chunks(n):
    nfull = n // CH
    out = [(k * CH, CH) for k in range(nfull - 1)]
    out.append(((nfull - 1) * CH, CH + n % CH))
    return out


def _sc_gather_body(uid_hbm, pid_hbm, iid_hbm, ut_hbm, pt_hbm, itF_hbm,
                    u_out, p_out, i_out, uscr, pscr,
                    ids_v, col_v, irow_v,
                    buf0, buf1, buf2, buf3, ubuf_last, pbuf_last,
                    sem_r0, sem_r1, sem_w0, sem_w1, sem_g):
    d = lax.axis_index("s") * NC + lax.axis_index("c")
    bufs = (buf0, buf1, buf2, buf3)
    rsems = (sem_r0, sem_r1)
    wsems = (sem_w0, sem_w1)

    def detile(tab_hbm, n_rows, scr, last_buf):
        base = d * n_rows
        chunks = _chunks(n_rows)
        n = len(chunks)
        bufmap = [last_buf if k == n - 1 else bufs[k % 4] for k in range(n)]
        reads = [None] * n
        writes = [None] * n
        w_waited = [False] * n

        def issue_read(k):
            off, sz = chunks[k]
            reads[k] = pltpu.async_copy(tab_hbm.at[d, pl.ds(off, sz)],
                                        bufmap[k], rsems[k % 2])

        issue_read(0)
        if n > 1:
            issue_read(1)
        for k in range(n):
            reads[k].wait()
            if k + 2 < n:
                if k - 2 >= 0 and not w_waited[k - 2]:
                    writes[k - 2].wait()
                    w_waited[k - 2] = True
                issue_read(k + 2)
            off, sz = chunks[k]
            writes[k] = pltpu.async_copy(bufmap[k],
                                         scr.at[pl.ds(base + off, sz)],
                                         wsems[k % 2])
        for k in range(n):
            if not w_waited[k]:
                writes[k].wait()

    def gather(ids_hbm, n_rows, scr, out_hbm):
        pltpu.sync_copy(ids_hbm, ids_v)
        pltpu.async_copy(scr.at[pl.ds(d * n_rows, n_rows)].at[ids_v],
                         col_v, sem_g).wait()
        pltpu.sync_copy(col_v, out_hbm.at[d])

    pltpu.sync_copy(itF_hbm.at[pl.ds(d * NI, NI)], irow_v)
    pltpu.sync_copy(iid_hbm, ids_v)

    def local_gather(j, _):
        sl = pl.ds(j * L, L)
        col_v[sl] = plsc.load_gather(irow_v, [ids_v[sl]])
        return _

    lax.fori_loop(0, B // L, local_gather, 0, unroll=8)
    pltpu.sync_copy(col_v, i_out.at[d])

    detile(ut_hbm, NU, uscr, ubuf_last)
    gather(uid_hbm, NU, uscr, u_out)
    detile(pt_hbm, NP, pscr, pbuf_last)
    gather(pid_hbm, NP, pscr, p_out)


_sc_gather = pl.kernel(
    _sc_gather_body,
    out_type=(
        jax.ShapeDtypeStruct((NW, B), jnp.float32),
        jax.ShapeDtypeStruct((NW, B), jnp.float32),
        jax.ShapeDtypeStruct((NW, B), jnp.float32),
        jax.ShapeDtypeStruct((NW * NU,), jnp.float32),
        jax.ShapeDtypeStruct((NW * NP,), jnp.float32),
    ),
    mesh=plsc.VectorSubcoreMesh(core_axis_name="c", subcore_axis_name="s"),
    scratch_types=[
        pltpu.VMEM((B,), jnp.int32),
        pltpu.VMEM((B,), jnp.float32),
        pltpu.VMEM((NI,), jnp.float32),
        pltpu.VMEM((CH,), jnp.float32),
        pltpu.VMEM((CH,), jnp.float32),
        pltpu.VMEM((CH,), jnp.float32),
        pltpu.VMEM((CH,), jnp.float32),
        pltpu.VMEM((CH + NU % CH,), jnp.float32),
        pltpu.VMEM((CH + NP % CH,), jnp.float32),
        pltpu.SemaphoreType.DMA,
        pltpu.SemaphoreType.DMA,
        pltpu.SemaphoreType.DMA,
        pltpu.SemaphoreType.DMA,
        pltpu.SemaphoreType.DMA,
    ],
    compiler_params=pltpu.CompilerParams(use_tc_tiling_on_sc=True,
                                        needs_layout_passes=False),
)


BS = 2048


def _mlp_body(u_ref, p_ref, i_ref, w1u_ref, w1p_ref, w1i_ref, b1_ref,
              w2_ref, b2_ref, out_ref):
    h = (jnp.dot(w1u_ref[...], u_ref[...], preferred_element_type=jnp.float32)
         + jnp.dot(w1p_ref[...], p_ref[...], preferred_element_type=jnp.float32)
         + jnp.dot(w1i_ref[...], i_ref[...], preferred_element_type=jnp.float32)
         + b1_ref[...])
    h = jnp.maximum(h, 0.0)
    out_ref[...] = (jnp.dot(w2_ref[...], h, preferred_element_type=jnp.float32)
                    + b2_ref[...])


def _tc_mlp(u, p, i, w1uT, w1pT, w1iT, b1c, w2T, b2c):
    grid = (B // BS,)
    emb_spec = pl.BlockSpec((D, BS), lambda j: (0, j))
    full = lambda shape: pl.BlockSpec(shape, lambda j: (0, 0))
    return pl.pallas_call(
        _mlp_body,
        grid=grid,
        in_specs=[emb_spec, emb_spec, emb_spec,
                  full((H, D)), full((H, D)), full((H, D)), full((H, 1)),
                  full((1, H)), full((1, 1))],
        out_specs=pl.BlockSpec((1, BS), lambda j: (0, j)),
        out_shape=jax.ShapeDtypeStruct((1, B), jnp.float32),
    )(u, p, i, w1uT, w1pT, w1iT, b1c, w2T, b2c)


def kernel(user_ids, product_ids, interaction_ids, user_table, product_table,
           interaction_table, W1, b1, W2, b2):
    uid = user_ids.astype(jnp.int32)
    pid = product_ids.astype(jnp.int32)
    iid = interaction_ids.astype(jnp.int32)
    u, p, i, _, _ = _sc_gather(uid, pid, iid, user_table.T, product_table.T,
                               interaction_table.T.reshape(-1))
    w1uT = W1[:D].T
    w1pT = W1[D:2 * D].T
    w1iT = W1[2 * D:].T
    outT = _tc_mlp(u, p, i, w1uT, w1pT, w1iT, b1.reshape(H, 1), W2.T,
                   b2.reshape(1, 1))
    return outT.reshape(B, 1)

# --- scband reference (transcript-rebuilt; emitter-appended) ---
"""Pipeline reference for scband-recommender-nn-16690242912324 (READ-ONLY COPY).

The authoritative reference and input builder live on the scoring server;
editing this copy changes nothing except your own understanding.
"""

import jax, jax.numpy as jnp
import numpy as np

NUM_USERS = 1000000
NUM_PRODUCTS = 100000
NUM_INTERACTIONS = 1000
EMBED_DIM = 32
BATCH = 16384
HIDDEN = 64


def setup_inputs(seed: int = 0) -> dict:
    key = jax.random.key(seed)
    ks = jax.random.split(key, 10)
    user_ids = jax.random.randint(ks[0], (BATCH,), 0, NUM_USERS, dtype=jnp.int64 if jax.config.jax_enable_x64 else jnp.int32)
    product_ids = jax.random.randint(ks[1], (BATCH,), 0, NUM_PRODUCTS, dtype=jnp.int64 if jax.config.jax_enable_x64 else jnp.int32)
    interaction_ids = jax.random.randint(ks[2], (BATCH,), 0, NUM_INTERACTIONS, dtype=jnp.int64 if jax.config.jax_enable_x64 else jnp.int32)
    user_table = jax.random.normal(ks[3], (NUM_USERS, EMBED_DIM), dtype=jnp.float32) * 0.05
    product_table = jax.random.normal(ks[4], (NUM_PRODUCTS, EMBED_DIM), dtype=jnp.float32) * 0.05
    interaction_table = jax.random.normal(ks[5], (NUM_INTERACTIONS, EMBED_DIM), dtype=jnp.float32) * 0.05
    W1 = jax.random.normal(ks[6], (3 * EMBED_DIM, HIDDEN), dtype=jnp.float32) * 0.05
    b1 = jnp.zeros((HIDDEN,), dtype=jnp.float32)
    W2 = jax.random.normal(ks[7], (HIDDEN, 1), dtype=jnp.float32) * 0.05
    b2 = jnp.zeros((1,), dtype=jnp.float32)
    return {
        "user_ids": user_ids,
        "product_ids": product_ids,
        "interaction_ids": interaction_ids,
        "user_table": user_table,
        "product_table": product_table,
        "interaction_table": interaction_table,
        "W1": W1,
        "b1": b1,
        "W2": W2,
        "b2": b2,
    }


def reference(user_ids, product_ids, interaction_ids, user_table, product_table, interaction_table, W1, b1, W2, b2):
    # embedding lookups (SparseCore gather)
    u = jnp.take(user_table, user_ids, axis=0)
    p = jnp.take(product_table, product_ids, axis=0)
    i = jnp.take(interaction_table, interaction_ids, axis=0)
    h = jnp.concatenate([u, p, i], axis=-1)
    h = jax.nn.relu(h @ W1 + b1)
    out = h @ W2 + b2
    return out

if __name__ == "__main__":
    import jax
    _d = setup_inputs()
    print(jax.jit(kernel)(*tuple(_d.values())))

</pallas_src>

<mosaic_0001>
#map = affine_map<(d0, d1) -> (0)>
#map1 = affine_map<(d0, d1) -> (0, 0)>
module attributes {stable_mosaic.version = 14 : i64} {
  func.func @_sc_gather_body(%arg0: i32, %arg1: i32, %arg2: memref<16384xi32, #tpu.memory_space<hbm>>, %arg3: memref<16384xi32, #tpu.memory_space<hbm>>, %arg4: memref<16384xi32, #tpu.memory_space<hbm>>, %arg5: memref<32x1000000xf32, #tpu.memory_space<hbm>>, %arg6: memref<32x100000xf32, #tpu.memory_space<hbm>>, %arg7: memref<32000xf32, #tpu.memory_space<hbm>>, %arg8: memref<32x16384xf32, #tpu.memory_space<hbm>>, %arg9: memref<32x16384xf32, #tpu.memory_space<hbm>>, %arg10: memref<32x16384xf32, #tpu.memory_space<hbm>>, %arg11: memref<32000000xf32, #tpu.memory_space<hbm>>, %arg12: memref<3200000xf32, #tpu.memory_space<hbm>>, %arg13: memref<16384xi32, #tpu.memory_space<vmem>>, %arg14: memref<16384xf32, #tpu.memory_space<vmem>>, %arg15: memref<1000xf32, #tpu.memory_space<vmem>>, %arg16: memref<12800xf32, #tpu.memory_space<vmem>>, %arg17: memref<12800xf32, #tpu.memory_space<vmem>>, %arg18: memref<12800xf32, #tpu.memory_space<vmem>>, %arg19: memref<12800xf32, #tpu.memory_space<vmem>>, %arg20: memref<14400xf32, #tpu.memory_space<vmem>>, %arg21: memref<23200xf32, #tpu.memory_space<vmem>>, %arg22: memref<!tpu.dma_semaphore, #tpu.memory_space<semaphore_mem>>, %arg23: memref<!tpu.dma_semaphore, #tpu.memory_space<semaphore_mem>>, %arg24: memref<!tpu.dma_semaphore, #tpu.memory_space<semaphore_mem>>, %arg25: memref<!tpu.dma_semaphore, #tpu.memory_space<semaphore_mem>>, %arg26: memref<!tpu.dma_semaphore, #tpu.memory_space<semaphore_mem>>) attributes {dimension_semantics = [#tpu.dimension_semantics<core_parallel>, #tpu.dimension_semantics<subcore_parallel>], iteration_bounds = array<i64: 2, 16>, scalar_prefetch = 0 : i64, scratch_operands = 14 : i64, tpu.core_type = #tpu.core_type<sc_vector_subcore>, window_params = [{transform_indices = #map}, {transform_indices = #map}, {transform_indices = #map}, {transform_indices = #map1}, {transform_indices = #map1}, {transform_indices = #map}, {transform_indices = #map1}, {transform_indices = #map1}, {transform_indices = #map1}, {transform_indices = #map}, {transform_indices = #map}]} {
    %mul3A = arith.constant 2 : i32
    %mul3A_0 = arith.muli %arg1, %mul3A : i32
    %add3A = arith.addi %mul3A_0, %arg0 : i32
    %mul3A_1 = arith.constant 1000 : i32
    %mul3A_2 = arith.muli %add3A, %mul3A_1 : i32
    "tpu.region"() ({
      %run_scoped3A = tpu.sem_alloc : memref<!tpu.dma_semaphore, #tpu.memory_space<semaphore_mem>>
      %dma_start3A_1556 = tpu.memref_slice %arg7[%mul3A_2] : memref<32000xf32, #tpu.memory_space<hbm>> -> memref<1000xf32, #tpu.memory_space<hbm>>
      %dma_start3A_1557 = tpu.memref_slice %arg7[%mul3A_2] : memref<32000xf32, #tpu.memory_space<hbm>> -> memref<1000xf32, #tpu.memory_space<hbm>>
      tpu.enqueue_dma source(%dma_start3A_1557 : memref<1000xf32, #tpu.memory_space<hbm>>) target(%arg15 : memref<1000xf32, #tpu.memory_space<vmem>>) target_semaphore(%run_scoped3A : memref<!tpu.dma_semaphore, #tpu.memory_space<semaphore_mem>>)
      %dma_wait3A_1558 = tpu.memref_slice %arg7[%mul3A_2] : memref<32000xf32, #tpu.memory_space<hbm>> -> memref<1000xf32, #tpu.memory_space<hbm>>
      %dma_wait3A_1559 = tpu.memref_slice %arg7[%mul3A_2] : memref<32000xf32, #tpu.memory_space<hbm>> -> memref<1000xf32, #tpu.memory_space<hbm>>
      tpu.wait_dma2 semaphore(%run_scoped3A : memref<!tpu.dma_semaphore, #tpu.memory_space<semaphore_mem>>) src(%dma_wait3A_1559 : memref<1000xf32, #tpu.memory_space<hbm>>) dst(%arg15 : memref<1000xf32, #tpu.memory_space<vmem>>)
      tpu.yield
    }) : () -> ()
    "tpu.region"() ({
      %run_scoped3A = tpu.sem_alloc : memref<!tpu.dma_semaphore, #tpu.memory_space<semaphore_mem>>
      tpu.enqueue_dma source(%arg4 : memref<16384xi32, #tpu.memory_space<hbm>>) target(%arg13 : memref<16384xi32, #tpu.memory_space<vmem>>) target_semaphore(%run_scoped3A : memref<!tpu.dma_semaphore, #tpu.memory_space<semaphore_mem>>)
      tpu.wait_dma2 semaphore(%run_scoped3A : memref<!tpu.dma_semaphore, #tpu.memory_space<semaphore_mem>>) src(%arg4 : memref<16384xi32, #tpu.memory_space<hbm>>) dst(%arg13 : memref<16384xi32, #tpu.memory_space<vmem>>)
      tpu.yield
    }) : () -> ()
    %scan3A = arith.constant 0 : i32
    %scan3A_3 = arith.constant 0 : i32
    %scan3A_4 = arith.constant 1024 : i32
    %scan3A_5 = arith.addi %scan3A_3, %scan3A_4 : i32
    %scan3A_6 = arith.constant 8 : i32
    scf.for %scan3A_1556 = %scan3A_3 to %scan3A_5 step %scan3A_6  : i32 {
      %mul3A_1557 = arith.constant 16 : i32
      %mul3A_1558 = arith.muli %scan3A_1556, %mul3A_1557 : i32
      %get3A = arith.index_cast %mul3A_1558 : i32 to index
      %get3A_1559 = tpu.vector_load %arg13[%get3A] {strides = array<i32>} : memref<16384xi32, #tpu.memory_space<vmem>>, vector<16xi32>,
      %gather3A = tpu.vector_load_idx %arg15[%get3A_1559] : memref<1000xf32, #tpu.memory_space<vmem>>[vector<16xi32>], vector<16xf32>,
      %swap3A = arith.index_cast %mul3A_1558 : i32 to index
      %swap3A_1560 = tpu.vector_load %arg14[%swap3A] {strides = array<i32>} : memref<16384xf32, #tpu.memory_space<vmem>>, vector<16xf32>,
      tpu.vector_store %arg14[%swap3A], %gather3A {strides = array<i32>} : memref<16384xf32, #tpu.memory_space<vmem>>, vector<16xf32>,
      %scan3A_1561 = arith.constant 1 : i32
      %scan3A_1562 = arith.addi %scan3A_1556, %scan3A_1561 : i32
      %mul3A_1563 = arith.constant 16 : i32
      %mul3A_1564 = arith.muli %scan3A_1562, %mul3A_1563 : i32
      %get3A_1565 = arith.index_cast %mul3A_1564 : i32 to index
      %get3A_1566 = tpu.vector_load %arg13[%get3A_1565] {strides = array<i32>} : memref<16384xi32, #tpu.memory_space<vmem>>, vector<16xi32>,
      %gather3A_1567 = tpu.vector_load_idx %arg15[%get3A_1566] : memref<1000xf32, #tpu.memory_space<vmem>>[vector<16xi32>], vector<16xf32>,
      %swap3A_1568 = arith.index_cast %mul3A_1564 : i32 to index
      %swap3A_1569 = tpu.vector_load %arg14[%swap3A_1568] {strides = array<i32>} : memref<16384xf32, #tpu.memory_space<vmem>>, vector<16xf32>,
      tpu.vector_store %arg14[%swap3A_1568], %gather3A_1567 {strides = array<i32>} : memref<16384xf32, #tpu.memory_space<vmem>>, vector<16xf32>,
      %scan3A_1570 = arith.constant 2 : i32
      %scan3A_1571 = arith.addi %scan3A_1556, %scan3A_1570 : i32
      %mul3A_1572 = arith.constant 16 : i32
      %mul3A_1573 = arith.muli %scan3A_1571, %mul3A_1572 : i32
      %get3A_1574 = arith.index_cast %mul3A_1573 : i32 to index
      %get3A_1575 = tpu.vector_load %arg13[%get3A_1574] {strides = array<i32>} : memref<16384xi32, #tpu.memory_space<vmem>>, vector<16xi32>,
      %gather3A_1576 = tpu.vector_load_idx %arg15[%get3A_1575] : memref<1000xf32, #tpu.memory_space<vmem>>[vector<16xi32>], vector<16xf32>,
      %swap3A_1577 = arith.index_cast %mul3A_1573 : i32 to index
      %swap3A_1578 = tpu.vector_load %arg14[%swap3A_1577] {strides = array<i32>} : memref<16384xf32, #tpu.memory_space<vmem>>, vector<16xf32>,
      tpu.vector_store %arg14[%swap3A_1577], %gather3A_1576 {strides = array<i32>} : memref<16384xf32, #tpu.memory_space<vmem>>, vector<16xf32>,
      %scan3A_1579 = arith.constant 3 : i32
      %scan3A_1580 = arith.addi %scan3A_1556, %scan3A_1579 : i32
      %mul3A_1581 = arith.constant 16 : i32
      %mul3A_1582 = arith.muli %scan3A_1580, %mul3A_1581 : i32
      %get3A_1583 = arith.index_cast %mul3A_1582 : i32 to index
      %get3A_1584 = tpu.vector_load %arg13[%get3A_1583] {strides = array<i32>} : memref<16384xi32, #tpu.memory_space<vmem>>, vector<16xi32>,
      %gather3A_1585 = tpu.vector_load_idx %arg15[%get3A_1584] : memref<1000xf32, #tpu.memory_space<vmem>>[vector<16xi32>], vector<16xf32>,
      %swap3A_1586 = arith.index_cast %mul3A_1582 : i32 to index
      %swap3A_1587 = tpu.vector_load %arg14[%swap3A_1586] {strides = array<i32>} : memref<16384xf32, #tpu.memory_space<vmem>>, vector<16xf32>,
      tpu.vector_store %arg14[%swap3A_1586], %gather3A_1585 {strides = array<i32>} : memref<16384xf32, #tpu.memory_space<vmem>>, vector<16xf32>,
      %scan3A_1588 = arith.constant 4 : i32
      %scan3A_1589 = arith.addi %scan3A_1556, %scan3A_1588 : i32
      %mul3A_1590 = arith.constant 16 : i32
      %mul3A_1591 = arith.muli %scan3A_1589, %mul3A_1590 : i32
      %get3A_1592 = arith.index_cast %mul3A_1591 : i32 to index
      %get3A_1593 = tpu.vector_load %arg13[%get3A_1592] {strides = array<i32>} : memref<16384xi32, #tpu.memory_space<vmem>>, vector<16xi32>,
      %gather3A_1594 = tpu.vector_load_idx %arg15[%get3A_1593] : memref<1000xf32, #tpu.memory_space<vmem>>[vector<16xi32>], vector<16xf32>,
      %swap3A_1595 = arith.index_cast %mul3A_1591 : i32 to index
      %swap3A_1596 = tpu.vector_load %arg14[%swap3A_1595] {strides = array<i32>} : memref<16384xf32, #tpu.memory_space<vmem>>, vector<16xf32>,
      tpu.vector_store %arg14[%swap3A_1595], %gather3A_1594 {strides = array<i32>} : memref<16384xf32, #tpu.memory_space<vmem>>, vector<16xf32>,
      %scan3A_1597 = arith.constant 5 : i32
      %scan3A_1598 = arith.addi %scan3A_1556, %scan3A_1597 : i32
      %mul3A_1599 = arith.constant 16 : i32
      %mul3A_1600 = arith.muli %scan3A_1598, %mul3A_1599 : i32
      %get3A_1601 = arith.index_cast %mul3A_1600 : i32 to index
      %get3A_1602 = tpu.vector_load %arg13[%get3A_1601] {strides = array<i32>} : memref<16384xi32, #tpu.memory_space<vmem>>, vector<16xi32>,
      %gather3A_1603 = tpu.vector_load_idx %arg15[%get3A_1602] : memref<1000xf32, #tpu.memory_space<vmem>>[vector<16xi32>], vector<16xf32>,
      %swap3A_1604 = arith.index_cast %mul3A_1600 : i32 to index
      %swap3A_1605 = tpu.vector_load %arg14[%swap3A_1604] {strides = array<i32>} : memref<16384xf32, #tpu.memory_space<vmem>>, vector<16xf32>,
      tpu.vector_store %arg14[%swap3A_1604], %gather3A_1603 {strides = array<i32>} : memref<16384xf32, #tpu.memory_space<vmem>>, vector<16xf32>,
      %scan3A_1606 = arith.constant 6 : i32
      %scan3A_1607 = arith.addi %scan3A_1556, %scan3A_1606 : i32
      %mul3A_1608 = arith.constant 16 : i32
      %mul3A_1609 = arith.muli %scan3A_1607, %mul3A_1608 : i32
      %get3A_1610 = arith.index_cast %mul3A_1609 : i32 to index
      %get3A_1611 = tpu.vector_load %arg13[%get3A_1610] {strides = array<i32>} : memref<16384xi32, #tpu.memory_space<vmem>>, vector<16xi32>,
      %gather3A_1612 = tpu.vector_load_idx %arg15[%get3A_1611] : memref<1000xf32, #tpu.memory_space<vmem>>[vector<16xi32>], vector<16xf32>,
      %swap3A_1613 = arith.index_cast %mul3A_1609 : i32 to index
      %swap3A_1614 = tpu.vector_load %arg14[%swap3A_1613] {strides = array<i32>} : memref<16384xf32, #tpu.memory_space<vmem>>, vector<16xf32>,
      tpu.vector_store %arg14[%swap3A_1613], %gather3A_1612 {strides = array<i32>} : memref<16384xf32, #tpu.memory_space<vmem>>, vector<16xf32>,
      %scan3A_1615 = arith.constant 7 : i32
      %scan3A_1616 = arith.addi %scan3A_1556, %scan3A_1615 : i32
      %mul3A_1617 = arith.constant 16 : i32
      %mul3A_1618 = arith.muli %scan3A_1616, %mul3A_1617 : i32
      %get3A_1619 = arith.index_cast %mul3A_1618 : i32 to index
      %get3A_1620 = tpu.vector_load %arg13[%get3A_1619] {strides = array<i32>} : memref<16384xi32, #tpu.memory_space<vmem>>, vector<16xi32>,
      %gather3A_1621 = tpu.vector_load_idx %arg15[%get3A_1620] : memref<1000xf32, #tpu.memory_space<vmem>>[vector<16xi32>], vector<16xf32>,
      %swap3A_1622 = arith.index_cast %mul3A_1618 : i32 to index
      %swap3A_1623 = tpu.vector_load %arg14[%swap3A_1622] {strides = array<i32>} : memref<16384xf32, #tpu.memory_space<vmem>>, vector<16xf32>,
      tpu.vector_store %arg14[%swap3A_1622], %gather3A_1621 {strides = array<i32>} : memref<16384xf32, #tpu.memory_space<vmem>>, vector<16xf32>,
    }
    %scan3A_7 = arith.constant 1024 : i32
    "tpu.region"() ({
      %run_scoped3A = tpu.sem_alloc : memref<!tpu.dma_semaphore, #tpu.memory_space<semaphore_mem>>
      %dma_start3A_1556 = arith.constant 0 : i32
      %dma_start3A_1557 = tpu.memref_slice %arg10[%add3A, %dma_start3A_1556] : memref<32x16384xf32, #tpu.memory_space<hbm>> -> memref<1x16384xf32, #tpu.memory_space<hbm>>
      %dma_start3A_1558 = tpu.memref_squeeze %dma_start3A_1557 : memref<1x16384xf32, #tpu.memory_space<hbm>> -> memref<16384xf32, #tpu.memory_space<hbm>>
      %dma_start3A_1559 = arith.constant 0 : i32
      %dma_start3A_1560 = tpu.memref_slice %arg10[%add3A, %dma_start3A_1559] : memref<32x16384xf32, #tpu.memory_space<hbm>> -> memref<1x16384xf32, #tpu.memory_space<hbm>>
      %dma_start3A_1561 = tpu.memref_squeeze %dma_start3A_1560 : memref<1x16384xf32, #tpu.memory_space<hbm>> -> memref<16384xf32, #tpu.memory_space<hbm>>
      tpu.enqueue_dma source(%arg14 : memref<16384xf32, #tpu.memory_space<vmem>>) target(%dma_start3A_1561 : memref<16384xf32, #tpu.memory_space<hbm>>) target_semaphore(%run_scoped3A : memref<!tpu.dma_semaphore, #tpu.memory_space<semaphore_mem>>)
      %dma_wait3A_1562 = arith.constant 0 : i32
      %dma_wait3A_1563 = tpu.memref_slice %arg10[%add3A, %dma_wait3A_1562] : memref<32x16384xf32, #tpu.memory_space<hbm>> -> memref<1x16384xf32, #tpu.memory_space<hbm>>
      %dma_wait3A_1564 = tpu.memref_squeeze %dma_wait3A_1563 : memref<1x16384xf32, #tpu.memory_space<hbm>> -> memref<16384xf32, #tpu.memory_space<hbm>>
      %dma_wait3A_1565 = arith.constant 0 : i32
      %dma_wait3A_1566 = tpu.memref_slice %arg10[%add3A, %dma_wait3A_1565] : memref<32x16384xf32, #tpu.memory_space<hbm>> -> memref<1x16384xf32, #tpu.memory_space<hbm>>
      %dma_wait3A_1567 = tpu.memref_squeeze %dma_wait3A_1566 : memref<1x16384xf32, #tpu.memory_space<hbm>> -> memref<16384xf32, #tpu.memory_space<hbm>>
      tpu.wait_dma2 semaphore(%run_scoped3A : memref<!tpu.dma_semaphore, #tpu.memory_space<semaphore_mem>>) src(%arg14 : memref<16384xf32, #tpu.memory_space<vmem>>) dst(%dma_wait3A_1567 : memref<16384xf32, #tpu.memory_space<hbm>>)
      tpu.yield
    }) : () -> ()
    %mul3A_8 = arith.constant 1000000 : i32
    %mul3A_9 = arith.muli %add3A, %mul3A_8 : i32
    %dma_start3A = arith.constant 0 : i32
    %dma_start3A_10 = tpu.memref_slice %arg5[%add3A, %dma_start3A] : memref<32x1000000xf32, #tpu.memory_space<hbm>> -> memref<1x12800xf32, #tpu.memory_space<hbm>>
    %dma_start3A_11 = tpu.memref_squeeze %dma_start3A_10 : memref<1x12800xf32, #tpu.memory_space<hbm>> -> memref<12800xf32, #tpu.memory_space<hbm>>
    %dma_start3A_12 = arith.constant 0 : i32
    %dma_start3A_13 = tpu.memref_slice %arg5[%add3A, %dma_start3A_12] : memref<32x1000000xf32, #tpu.memory_space<hbm>> -> memref<1x12800xf32, #tpu.memory_space<hbm>>
    %dma_start3A_14 = tpu.memref_squeeze %dma_start3A_13 : memref<1x12800xf32, #tpu.memory_space<hbm>> -> memref<12800xf32, #tpu.memory_space<hbm>>
    tpu.enqueue_dma source(%dma_start3A_14 : memref<12800xf32, #tpu.memory_space<hbm>>) target(%arg16 : memref<12800xf32, #tpu.memory_space<vmem>>) target_semaphore(%arg22 : memref<!tpu.dma_semaphore, #tpu.memory_space<semaphore_mem>>)
    %dma_start3A_15 = arith.constant 12800 : i32
    %dma_start3A_16 = tpu.memref_slice %arg5[%add3A, %dma_start3A_15] : memref<32x1000000xf32, #tpu.memory_space<hbm>> -> memref<1x12800xf32, #tpu.memory_space<hbm>>
    %dma_start3A_17 = tpu.memref_squeeze %dma_start3A_16 : memref<1x12800xf32, #tpu.memory_space<hbm>> -> memref<12800xf32, #tpu.memory_space<hbm>>
    %dma_start3A_18 = arith.constant 12800 : i32
    %dma_start3A_19 = tpu.memref_slice %arg5[%add3A, %dma_start3A_18] : memref<32x1000000xf32, #tpu.memory_space<hbm>> -> memref<1x12800xf32, #tpu.memory_space<hbm>>
    %dma_start3A_20 = tpu.memref_squeeze %dma_start3A_19 : memref<1x12800xf32, #tpu.memory_space<hbm>> -> memref<12800xf32, #tpu.memory_space<hbm>>
    tpu.enqueue_dma source(%dma_start3A_20 : memref<12800xf32, #tpu.memory_space<hbm>>) target(%arg17 : memref<12800xf32, #tpu.memory_space<vmem>>) target_semaphore(%arg23 : memref<!tpu.dma_semaphore, #tpu.memory_space<semaphore_mem>>)
    %dma_wait3A = arith.constant 0 : i32
    %dma_wait3A_21 = tpu.memref_slice %arg5[%add3A, %dma_wait3A] : memref<32x1000000xf32, #tpu.memory_space<hbm>> -> memref<1x12800xf32, #tpu.memory_space<hbm>>
    %dma_wait3A_22 = tpu.memref_squeeze %dma_wait3A_21 : memref<1x12800xf32, #tpu.memory_space<hbm>> -> memref<12800xf32, #tpu.memory_space<hbm>>
    %dma_wait3A_23 = arith.constant 0 : i32
    %dma_wait3A_24 = tpu.memref_slice %arg5[%add3A, %dma_wait3A_23] : memref<32x1000000xf32, #tpu.memory_space<hbm>> -> memref<1x12800xf32, #tpu.memory_space<hbm>>
    %dma_wait3A_25 = tpu.memref_squeeze %dma_wait3A_24 : memref<1x12800xf32, #tpu.memory_space<hbm>> -> memref<12800xf32, #tpu.memory_space<hbm>>
    tpu.wait_dma2 semaphore(%arg22 : memref<!tpu.dma_semaphore, #tpu.memory_space<semaphore_mem>>) src(%dma_wait3A_25 : memref<12800xf32, #tpu.memory_space<hbm>>) dst(%arg16 : memref<12800xf32, #tpu.memory_space<vmem>>)
    %dma_start3A_26 = arith.constant 25600 : i32
    %dma_start3A_27 = tpu.memref_slice %arg5[%add3A, %dma_start3A_26] : memref<32x1000000xf32, #tpu.memory_space<hbm>> -> memref<1x12800xf32, #tpu.memory_space<hbm>>
    %dma_start3A_28 = tpu.memref_squeeze %dma_start3A_27 : memref<1x12800xf32, #tpu.memory_space<hbm>> -> memref<12800xf32, #tpu.memory_space<hbm>>
    %dma_start3A_29 = arith.constant 25600 : i32
    %dma_start3A_30 = tpu.memref_slice %arg5[%add3A, %dma_start3A_29] : memref<32x1000000xf32, #tpu.memory_space<hbm>> -> memref<1x12800xf32, #tpu.memory_space<hbm>>
    %dma_start3A_31 = tpu.memref_squeeze %dma_start3A_30 : memref<1x12800xf32, #tpu.memory_space<hbm>> -> memref<12800xf32, #tpu.memory_space<hbm>>
    tpu.enqueue_dma source(%dma_start3A_31 : memref<12800xf32, #tpu.memory_space<hbm>>) target(%arg18 : memref<12800xf32, #tpu.memory_space<vmem>>) target_semaphore(%arg22 : memref<!tpu.dma_semaphore, #tpu.memory_space<semaphore_mem>>)
    %add3A_32 = arith.constant 0 : i32
    %add3A_33 = arith.addi %mul3A_9, %add3A_32 : i32
    %dma_start3A_34 = tpu.memref_slice %arg11[%add3A_33] : memref<32000000xf32, #tpu.memory_space<hbm>> -> memref<12800xf32, #tpu.memory_space<hbm>>
    %dma_start3A_35 = tpu.memref_slice %arg11[%add3A_33] : memref<32000000xf32, #tpu.memory_space<hbm>> -> memref<12800xf32, #tpu.memory_space<hbm>>
    tpu.enqueue_dma source(%arg16 : memref<12800xf32, #tpu.memory_space<vmem>>) target(%dma_start3A_35 : memref<12800xf32, #tpu.memory_space<hbm>>) target_semaphore(%arg24 : memref<!tpu.dma_semaphore, #tpu.memory_space<semaphore_mem>>)
    %dma_wait3A_36 = arith.constant 12800 : i32
    %dma_wait3A_37 = tpu.memref_slice %arg5[%add3A, %dma_wait3A_36] : memref<32x1000000xf32, #tpu.memory_space<hbm>> -> memref<1x12800xf32, #tpu.memory_space<hbm>>
    %dma_wait3A_38 = tpu.memref_squeeze %dma_wait3A_37 : memref<1x12800xf32, #tpu.memory_space<hbm>> -> memref<12800xf32, #tpu.memory_space<hbm>>
    %dma_wait3A_39 = arith.constant 12800 : i32
    %dma_wait3A_40 = tpu.memref_slice %arg5[%add3A, %dma_wait3A_39] : memref<32x1000000xf32, #tpu.memory_space<hbm>> -> memref<1x12800xf32, #tpu.memory_space<hbm>>
    %dma_wait3A_41 = tpu.memref_squeeze %dma_wait3A_40 : memref<1x12800xf32, #tpu.memory_space<hbm>> -> memref<12800xf32, #tpu.memory_space<hbm>>
    tpu.wait_dma2 semaphore(%arg23 : memref<!tpu.dma_semaphore, #tpu.memory_space<semaphore_mem>>) src(%dma_wait3A_41 : memref<12800xf32, #tpu.memory_space<hbm>>) dst(%arg17 : memref<12800xf32, #tpu.memory_space<vmem>>)
    %dma_start3A_42 = arith.constant 38400 : i32
    %dma_start3A_43 = tpu.memref_slice %arg5[%add3A, %dma_start3A_42] : memref<32x1000000xf32, #tpu.memory_space<hbm>> -> memref<1x12800xf32, #tpu.memory_space<hbm>>
    %dma_start3A_44 = tpu.memref_squeeze %dma_start3A_43 : memref<1x12800xf32, #tpu.memory_space<hbm>> -> memref<12800xf32, #tpu.memory_space<hbm>>
    %dma_start3A_45 = arith.constant 38400 : i32
    %dma_start3A_46 = tpu.memref_slice %arg5[%add3A, %dma_start3A_45] : memref<32x1000000xf32, #tpu.memory_space<hbm>> -> memref<1x12800xf32, #tpu.memory_space<hbm>>
    %dma_start3A_47 = tpu.memref_squeeze %dma_start3A_46 : memref<1x12800xf32, #tpu.memory_space<hbm>> -> memref<12800xf32, #tpu.memory_space<hbm>>
    tpu.enqueue_dma source(%dma_start3A_47 : memref<12800xf32, #tpu.memory_space<hbm>>) target(%arg19 : memref<12800xf32, #tpu.memory_space<vmem>>) target_semaphore(%arg23 : memref<!tpu.dma_semaphore, #tpu.memory_space<semaphore_mem>>)
    %add3A_48 = arith.constant 12800 : i32
    %add3A_49 = arith.addi %mul3A_9, %add3A_48 : i32
    %dma_start3A_50 = tpu.memref_slice %arg11[%add3A_49] : memref<32000000xf32, #tpu.memory_space<hbm>> -> memref<12800xf32, #tpu.memory_space<hbm>>
    %dma_start3A_51 = tpu.memref_slice %arg11[%add3A_49] : memref<32000000xf32, #tpu.memory_space<hbm>> -> memref<12800xf32, #tpu.memory_space<hbm>>
    tpu.enqueue_dma source(%arg17 : memref<12800xf32, #tpu.memory_space<vmem>>) target(%dma_start3A_51 : memref<12800xf32, #tpu.memory_space<hbm>>) target_semaphore(%arg25 : memref<!tpu.dma_semaphore, #tpu.memory_space<semaphore_mem>>)
    %dma_wait3A_52 = arith.constant 25600 : i32
    %dma_wait3A_53 = tpu.memref_slice %arg5[%add3A, %dma_wait3A_52] : memref<32x1000000xf32, #tpu.memory_space<hbm>> -> memref<1x12800xf32, #tpu.memory_space<hbm>>
    %dma_wait3A_54 = tpu.memref_squeeze %dma_wait3A_53 : memref<1x12800xf32, #tpu.memory_space<hbm>> -> memref<12800xf32, #tpu.memory_space<hbm>>
    %dma_wait3A_55 = arith.constant 25600 : i32
    %dma_wait3A_56 = tpu.memref_slice %arg5[%add3A, %dma_wait3A_55] : memref<32x1000000xf32, #tpu.memory_space<hbm>> -> memref<1x12800xf32, #tpu.memory_space<hbm>>
    %dma_wait3A_57 = tpu.memref_squeeze %dma_wait3A_56 : memref<1x12800xf32, #tpu.memory_space<hbm>> -> memref<12800xf32, #tpu.memory_space<hbm>>
    tpu.wait_dma2 semaphore(%arg22 : memref<!tpu.dma_semaphore, #tpu.memory_space<semaphore_mem>>) src(%dma_wait3A_57 : memref<12800xf32, #tpu.memory_space<hbm>>) dst(%arg18 : memref<12800xf32, #tpu.memory_space<vmem>>)
    %dma_wait3A_58 = tpu.memref_slice %arg11[%add3A_33] : memref<32000000xf32, #tpu.memory_space<hbm>> -> memref<12800xf32, #tpu.memory_space<hbm>>
    %dma_wait3A_59 = tpu.memref_slice %arg11[%add3A_33] : memref<32000000xf32, #tpu.memory_space<hbm>> -> memref<12800xf32, #tpu.memory_space<hbm>>
    tpu.wait_dma2 semaphore(%arg24 : memref<!tpu.dma_semaphore, #tpu.memory_space<semaphore_mem>>) src(%arg16 : memref<12800xf32, #tpu.memory_space<vmem>>) dst(%dma_wait3A_59 : memref<12800xf32, #tpu.memory_space<hbm>>)
    %dma_start3A_60 = arith.constant 51200 : i32
    %dma_start3A_61 = tpu.memref_slice %arg5[%add3A, %dma_start3A_60] : memref<32x1000000xf32, #tpu.memory_space<hbm>> -> memref<1x12800xf32, #tpu.memory_space<hbm>>
    %dma_start3A_62 = tpu.memref_squeeze %dma_start3A_61 : memref<1x12800xf32, #tpu.memory_space<hbm>> -> memref<12800xf32, #tpu.memory_space<hbm>>
    %dma_start3A_63 = arith.constant 51200 : i32
    %dma_start3A_64 = tpu.memref_slice %arg5[%add3A, %dma_start3A_63] : memref<32x1000000xf32, #tpu.memory_space<hbm>> -> memref<1x12800xf32, #tpu.memory_space<hbm>>
    %dma_start3A_65 = tpu.memref_squeeze %dma_start3A_64 : memref<1x12800xf32, #tpu.memory_space<hbm>> -> memref<12800xf32, #tpu.memory_space<hbm>>
    tpu.enqueue_dma source(%dma_start3A_65 : memref<12800xf32, #tpu.memory_space<hbm>>) target(%arg16 : memref<12800xf32, #tpu.memory_space<vmem>>) target_semaphore(%arg22 : memref<!tpu.dma_semaphore, #tpu.memory_space<semaphore_mem>>)
    %add3A_66 = arith.constant 25600 : i32
    %add3A_67 = arith.addi %mul3A_9, %add3A_66 : i32
    %dma_start3A_68 = tpu.memref_slice %arg11[%add3A_67] : memref<32000000xf32, #tpu.memory_space<hbm>> -> memref<12800xf32, #tpu.memory_space<hbm>>
    %dma_start3A_69 = tpu.memref_slice %arg11[%add3A_67] : memref<32000000xf32, #tpu.memory_space<hbm>> -> memref<12800xf32, #tpu.memory_space<hbm>>
    tpu.enqueue_dma source(%arg18 : memref<12800xf32, #tpu.memory_space<vmem>>) target(%dma_start3A_69 : memref<12800xf32, #tpu.memory_space<hbm>>) target_semaphore(%arg24 : memref<!tpu.dma_semaphore, #tpu.memory_space<semaphore_mem>>)
    %dma_wait3A_70 = arith.constant 38400 : i32
    %dma_wait3A_71 = tpu.memref_slice %arg5[%add3A, %dma_wait3A_70] : memref<32x1000000xf32, #tpu.memory_space<hbm>> -> memref<1x12800xf32, #tpu.memory_space<hbm>>
    %dma_wait3A_72 = tpu.memref_squeeze %dma_wait3A_71 : memref<1x12800xf32, #tpu.memory_space<hbm>> -> memref<12800xf32, #tpu.memory_space<hbm>>
    %dma_wait3A_73 = arith.constant 38400 : i32
    %dma_wait3A_74 = tpu.memref_slice %arg5[%add3A, %dma_wait3A_73] : memref<32x1000000xf32, #tpu.memory_space<hbm>> -> memref<1x12800xf32, #tpu.memory_space<hbm>>
    %dma_wait3A_75 = tpu.memref_squeeze %dma_wait3A_74 : memref<1x12800xf32, #tpu.memory_space<hbm>> -> memref<12800xf32, #tpu.memory_space<hbm>>
    tpu.wait_dma2 semaphore(%arg23 : memref<!tpu.dma_semaphore, #tpu.memory_space<semaphore_mem>>) src(%dma_wait3A_75 : memref<12800xf32, #tpu.memory_space<hbm>>) dst(%arg19 : memref<12800xf32, #tpu.memory_space<vmem>>)
    %dma_wait3A_76 = tpu.memref_slice %arg11[%add3A_49] : memref<32000000xf32, #tpu.memory_space<hbm>> -> memref<12800xf32, #tpu.memory_space<hbm>>
    %dma_wait3A_77 = tpu.memref_slice %arg11[%add3A_49] : memref<32000000xf32, #tpu.memory_space<hbm>> -> memref<12800xf32, #tpu.memory_space<hbm>>
    tpu.wait_dma2 semaphore(%arg25 : memref<!tpu.dma_semaphore, #tpu.memory_space<semaphore_mem>>) src(%arg17 : memref<12800xf32, #tpu.memory_space<vmem>>) dst(%dma_wait3A_77 : memref<12800xf32, #tpu.memory_space<hbm>>)
    %dma_start3A_78 = arith.constant 64000 : i32
    %dma_start3A_79 = tpu.memref_slice %arg5[%add3A, %dma_start3A_78] : memref<32x1000000xf32, #tpu.memory_space<hbm>> -> memref<1x12800xf32, #tpu.memory_space<hbm>>
    %dma_start3A_80 = tpu.memref_squeeze %dma_start3A_79 : memref<1x12800xf32, #tpu.memory_space<hbm>> -> memref<12800xf32, #tpu.memory_space<hbm>>
    %dma_start3A_81 = arith.constant 64000 : i32
    %dma_start3A_82 = tpu.memref_slice %arg5[%add3A, %dma_start3A_81] : memref<32x1000000xf32, #tpu.memory_space<hbm>> -> memref<1x12800xf32, #tpu.memory_space<hbm>>
    %dma_start3A_83 = tpu.memref_squeeze %dma_start3A_82 : memref<1x12800xf32, #tpu.memory_space<hbm>> -> memref<12800xf32, #tpu.memory_space<hbm>>
    tpu.enqueue_dma source(%dma_start3A_83 : memref<12800xf32, #tpu.memory_space<hbm>>) target(%arg17 : memref<12800xf32, #tpu.memory_space<vmem>>) target_semaphore(%arg23 : memref<!tpu.dma_semaphore, #tpu.memory_space<semaphore_mem>>)
    %add3A_84 = arith.constant 38400 : i32
    %add3A_85 = arith.addi %mul3A_9, %add3A_84 : i32
    %dma_start3A_86 = tpu.memref_slice %arg11[%add3A_85] : memref<32000000xf32, #tpu.memory_space<hbm>> -> memref<12800xf32, #tpu.memory_space<hbm>>
    %dma_start3A_87 = tpu.memref_slice %arg11[%add3A_85] : memref<32000000xf32, #tpu.memory_space<hbm>> -> memref<12800xf32, #tpu.memory_space<hbm>>
    tpu.enqueue_dma source(%arg19 : memref<12800xf32, #tpu.memory_space<vmem>>) target(%dma_start3A_87 : memref<12800xf32, #tpu.memory_space<hbm>>) target_semaphore(%arg25 : memref<!tpu.dma_semaphore, #tpu.memory_space<semaphore_mem>>)
    %dma_wait3A_88 = arith.constant 51200 : i32
    %dma_wait3A_89 = tpu.memref_slice %arg5[%add3A, %dma_wait3A_88] : memref<32x1000000xf32, #tpu.memory_space<hbm>> -> memref<1x12800xf32, #tpu.memory_space<hbm>>
    %dma_wait3A_90 = tpu.memref_squeeze %dma_wait3A_89 : memref<1x12800xf32, #tpu.memory_space<hbm>> -> memref<12800xf32, #tpu.memory_space<hbm>>
    %dma_wait3A_91 = arith.constant 51200 : i32
    %dma_wait3A_92 = tpu.memref_slice %arg5[%add3A, %dma_wait3A_91] : memref<32x1000000xf32, #tpu.memory_space<hbm>> -> memref<1x12800xf32, #tpu.memory_space<hbm>>
    %dma_wait3A_93 = tpu.memref_squeeze %dma_wait3A_92 : memref<1x12800xf32, #tpu.memory_space<hbm>> -> memref<12800xf32, #tpu.memory_space<hbm>>
    tpu.wait_dma2 semaphore(%arg22 : memref<!tpu.dma_semaphore, #tpu.memory_space<semaphore_mem>>) src(%dma_wait3A_93 : memref<12800xf32, #tpu.memory_space<hbm>>) dst(%arg16 : memref<12800xf32, #tpu.memory_space<vmem>>)
    %dma_wait3A_94 = tpu.memref_slice %arg11[%add3A_67] : memref<32000000xf32, #tpu.memory_space<hbm>> -> memref<12800xf32, #tpu.memory_space<hbm>>
    %dma_wait3A_95 = tpu.memref_slice %arg11[%add3A_67] : memref<32000000xf32, #tpu.memory_space<hbm>> -> memref<12800xf32, #tpu.memory_space<hbm>>
    tpu.wait_dma2 semaphore(%arg24 : memref<!tpu.dma_semaphore, #tpu.memory_space<semaphore_mem>>) src(%arg18 : memref<12800xf32, #tpu.memory_space<vmem>>) dst(%dma_wait3A_95 : memref<12800xf32, #tpu.memory_space<hbm>>)
    %dma_start3A_96 = arith.constant 76800 : i32
    %dma_start3A_97 = tpu.memref_slice %arg5[%add3A, %dma_start3A_96] : memref<32x1000000xf32, #tpu.memory_space<hbm>> -> memref<1x12800xf32, #tpu.memory_space<hbm>>
    %dma_start3A_98 = tpu.memref_squeeze %dma_start3A_97 : memref<1x12800xf32, #tpu.memory_space<hbm>> -> memref<12800xf32, #tpu.memory_space<hbm>>
    %dma_start3A_99 = arith.constant 76800 : i32
    %dma_start3A_100 = tpu.memref_slice %arg5[%add3A, %dma_start3A_99] : memref<32x1000000xf32, #tpu.memory_space<hbm>> -> memref<1x12800xf32, #tpu.memory_space<hbm>>
    %dma_start3A_101 = tpu.memref_squeeze %dma_start3A_100 : memref<1x12800xf32, #tpu.memory_space<hbm>> -> memref<12800xf32, #tpu.memory_space<hbm>>
    tpu.enqueue_dma source(%dma_start3A_101 : memref<12800xf32, #tpu.memory_space<hbm>>) target(%arg18 : memref<12800xf32, #tpu.memory_space<vmem>>) target_semaphore(%arg22 : memref<!tpu.dma_semaphore, #tpu.memory_space<semaphore_mem>>)
    %add3A_102 = arith.constant 51200 : i32
    %add3A_103 = arith.addi %mul3A_9, %add3A_102 : i32
    %dma_start3A_104 = tpu.memref_slice %arg11[%add3A_103] : memref<32000000xf32, #tpu.memory_space<hbm>> -> memref<12800xf32, #tpu.memory_space<hbm>>
    %dma_start3A_105 = tpu.memref_slice %arg11[%add3A_103] : memref<32000000xf32, #tpu.memory_space<hbm>> -> memref<12800xf32, #tpu.memory_space<hbm>>
    tpu.enqueue_dma source(%arg16 : memref<12800xf32, #tpu.memory_space<vmem>>) target(%dma_start3A_105 : memref<12800xf32, #tpu.memory_space<hbm>>) target_semaphore(%arg24 : memref<!tpu.dma_semaphore, #tpu.memory_space<semaphore_mem>>)
    %dma_wait3A_106 = arith.constant 64000 : i32
    %dma_wait3A_107 = tpu.memref_slice %arg5[%add3A, %dma_wait3A_106] : memref<32x1000000xf32, #tpu.memory_space<hbm>> -> memref<1x12800xf32, #tpu.memory_space<hbm>>
    %dma_wait3A_108 = tpu.memref_squeeze %dma_wait3A_107 : memref<1x12800xf32, #tpu.memory_space<hbm>> -> memref<12800xf32, #tpu.memory_space<hbm>>
    %dma_wait3A_109 = arith.constant 64000 : i32
    %dma_wait3A_110 = tpu.memref_slice %arg5[%add3A, %dma_wait3A_109] : memref<32x1000000xf32, #tpu.memory_space<hbm>> -> memref<1x12800xf32, #tpu.memory_space<hbm>>
    %dma_wait3A_111 = tpu.memref_squeeze %dma_wait3A_110 : memref<1x12800xf32, #tpu.memory_space<hbm>> -> memref<12800xf32, #tpu.memory_space<hbm>>
    tpu.wait_dma2 semaphore(%arg23 : memref<!tpu.dma_semaphore, #tpu.memory_space<semaphore_mem>>) src(%dma_wait3A_111 : memref<12800xf32, #tpu.memory_space<hbm>>) dst(%arg17 : memref<12800xf32, #tpu.memory_space<vmem>>)
    %dma_wait3A_112 = tpu.memref_slice %arg11[%add3A_85] : memref<32000000xf32, #tpu.memory_space<hbm>> -> memref<12800xf32, #tpu.memory_space<hbm>>
    %dma_wait3A_113 = tpu.memref_slice %arg11[%add3A_85] : memref<32000000xf32, #tpu.memory_space<hbm>> -> memref<12800xf32, #tpu.memory_space<hbm>>
    tpu.wait_dma2 semaphore(%arg25 : memref<!tpu.dma_semaphore, #tpu.memory_space<semaphore_mem>>) src(%arg19 : memref<12800xf32, #tpu.memory_space<vmem>>) dst(%dma_wait3A_113 : memref<12800xf32, #tpu.memory_space<hbm>>)
    %dma_start3A_114 = arith.constant 89600 : i32
    %dma_start3A_115 = tpu.memref_slice %arg5[%add3A, %dma_start3A_114] : memref<32x1000000xf32, #tpu.memory_space<hbm>> -> memref<1x12800xf32, #tpu.memory_space<hbm>>
    %dma_start3A_116 = tpu.memref_squeeze %dma_start3A_115 : memref<1x12800xf32, #tpu.memory_space<hbm>> -> memref<12800xf32, #tpu.memory_space<hbm>>
    %dma_start3A_117 = arith.constant 89600 : i32
    %dma_start3A_118 = tpu.memref_slice %arg5[%add3A, %dma_start3A_117] : memref<32x1000000xf32, #tpu.memory_space<hbm>> -> memref<1x12800xf32, #tpu.memory_space<hbm>>
    %dma_start3A_119 = tpu.memref_squeeze %dma_start3A_118 : memref<1x12800xf32, #tpu.memory_space<hbm>> -> memref<12800xf32, #tpu.memory_space<hbm>>
    tpu.enqueue_dma source(%dma_start3A_119 : memref<12800xf32, #tpu.memory_space<hbm>>) target(%arg19 : memref<12800xf32, #tpu.memory_space<vmem>>) target_semaphore(%arg23 : memref<!tpu.dma_semaphore, #tpu.memory_space<semaphore_mem>>)
    %add3A_120 = arith.constant 64000 : i32
    %add3A_121 = arith.addi %mul3A_9, %add3A_120 : i32
    %dma_start3A_122 = tpu.memref_slice %arg11[%add3A_121] : memref<32000000xf32, #tpu.memory_space<hbm>> -> memref<12800xf32, #tpu.memory_space<hbm>>
    %dma_start3A_123 = tpu.memref_slice %arg11[%add3A_121] : memref<32000000xf32, #tpu.memory_space<hbm>> -> memref<12800xf32, #tpu.memory_space<hbm>>
    tpu.enqueue_dma source(%arg17 : memref<12800xf32, #tpu.memory_space<vmem>>) target(%dma_start3A_123 : memref<12800xf32, #tpu.memory_space<hbm>>) target_semaphore(%arg25 : memref<!tpu.dma_semaphore, #tpu.memory_space<semaphore_mem>>)
    %dma_wait3A_124 = arith.constant 76800 : i32
    %dma_wait3A_125 = tpu.memref_slice %arg5[%add3A, %dma_wait3A_124] : memref<32x1000000xf32, #tpu.memory_space<hbm>> -> memref<1x12800xf32, #tpu.memory_space<hbm>>
    %dma_wait3A_126 = tpu.memref_squeeze %dma_wait3A_125 : memref<1x12800xf32, #tpu.memory_space<hbm>> -> memref<12800xf32, #tpu.memory_space<hbm>>
    %dma_wait3A_127 = arith.constant 76800 : i32
    %dma_wait3A_128 = tpu.memref_slice %arg5[%add3A, %dma_wait3A_127] : memref<32x1000000xf32, #tpu.memory_space<hbm>> -> memref<1x12800xf32, #tpu.memory_space<hbm>>
    %dma_wait3A_129 = tpu.memref_squeeze %dma_wait3A_128 : memref<1x12800xf32, #tpu.memory_space<hbm>> -> memref<12800xf32, #tpu.memory_space<hbm>>
    tpu.wait_dma2 semaphore(%arg22 : memref<!tpu.dma_semaphore, #tpu.memory_space<semaphore_mem>>) src(%dma_wait3A_129 : memref<12800xf32, #tpu.memory_space<hbm>>) dst(%arg18 : memref<12800xf32, #tpu.memory_space<vmem>>)
    %dma_wait3A_130 = tpu.memref_slice %arg11[%add3A_103] : memref<32000000xf32, #tpu.memory_space<hbm>> -> memref<12800xf32, #tpu.memory_space<hbm>>
    %dma_wait3A_131 = tpu.memref_slice %arg11[%add3A_103] : memref<32000000xf32, #tpu.memory_space<hbm>> -> memref<12800xf32, #tpu.memory_space<hbm>>
    tpu.wait_dma2 semaphore(%arg24 : memref<!tpu.dma_semaphore, #tpu.memory_space<semaphore_mem>>) src(%arg16 : memref<12800xf32, #tpu.memory_space<vmem>>) dst(%dma_wait3A_131 : memref<12800xf32, #tpu.memory_space<hbm>>)
    %dma_start3A_132 = arith.constant 102400 : i32
    %dma_start3A_133 = tpu.memref_slice %arg5[%add3A, %dma_start3A_132] : memref<32x1000000xf32, #tpu.memory_space<hbm>> -> memref<1x12800xf32, #tpu.memory_space<hbm>>
    %dma_start3A_134 = tpu.memref_squeeze %dma_start3A_133 : memref<1x12800xf32, #tpu.memory_space<hbm>> -> memref<12800xf32, #tpu.memory_space<hbm>>
    %dma_start3A_135 = arith.constant 102400 : i32
    %dma_start3A_136 = tpu.memref_slice %arg5[%add3A, %dma_start3A_135] : memref<32x1000000xf32, #tpu.memory_space<hbm>> -> memref<1x12800xf32, #tpu.memory_space<hbm>>
    %dma_start3A_137 = tpu.memref_squeeze %dma_start3A_136 : memref<1x12800xf32, #tpu.memory_space<hbm>> -> memref<12800xf32, #tpu.memory_space<hbm>>
    tpu.enqueue_dma source(%dma_start3A_137 : memref<12800xf32, #tpu.memory_space<hbm>>) target(%arg16 : memref<12800xf32, #tpu.memory_space<vmem>>) target_semaphore(%arg22 : memref<!tpu.dma_semaphore, #tpu.memory_space<semaphore_mem>>)
    %add3A_138 = arith.constant 76800 : i32
    %add3A_139 = arith.addi %mul3A_9, %add3A_138 : i32
    %dma_start3A_140 = tpu.memref_slice %arg11[%add3A_139] : memref<32000000xf32, #tpu.memory_space<hbm>> -> memref<12800xf32, #tpu.memory_space<hbm>>
    %dma_start3A_141 = tpu.memref_slice %arg11[%add3A_139] : memref<32000000xf32, #tpu.memory_space<hbm>> -> memref<12800xf32, #tpu.memory_space<hbm>>
    tpu.enqueue_dma source(%arg18 : memref<12800xf32, #tpu.memory_space<vmem>>) target(%dma_start3A_141 : memref<12800xf32, #tpu.memory_space<hbm>>) target_semaphore(%arg24 : memref<!tpu.dma_semaphore, #tpu.memory_space<semaphore_mem>>)
    %dma_wait3A_142 = arith.constant 89600 : i32
    %dma_wait3A_143 = tpu.memref_slice %arg5[%add3A, %dma_wait3A_142] : memref<32x1000000xf32, #tpu.memory_space<hbm>> -> memref<1x12800xf32, #tpu.memory_space<hbm>>
    %dma_wait3A_144 = tpu.memref_squeeze %dma_wait3A_143 : memref<1x12800xf32, #tpu.memory_space<hbm>> -> memref<12800xf32, #tpu.memory_space<hbm>>
    %dma_wait3A_145 = arith.constant 89600 : i32
    %dma_wait3A_146 = tpu.memref_slice %arg5[%add3A, %dma_wait3A_145] : memref<32x1000000xf32, #tpu.memory_space<hbm>> -> memref<1x12800xf32, #tpu.memory_space<hbm>>
    %dma_wait3A_147 = tpu.memref_squeeze %dma_wait3A_146 : memref<1x12800xf32, #tpu.memory_space<hbm>> -> memref<12800xf32, #tpu.memory_space<hbm>>
    tpu.wait_dma2 semaphore(%arg23 : memref<!tpu.dma_semaphore, #tpu.memory_space<semaphore_mem>>) src(%dma_wait3A_147 : memref<12800xf32, #tpu.memory_space<hbm>>) dst(%arg19 : memref<12800xf32, #tpu.memory_space<vmem>>)
    %dma_wait3A_148 = tpu.memref_slice %arg11[%add3A_121] : memref<32000000xf32, #tpu.memory_space<hbm>> -> memref<12800xf32, #tpu.memory_space<hbm>>
    %dma_wait3A_149 = tpu.memref_slice %arg11[%add3A_121] : memref<32000000xf32, #tpu.memory_space<hbm>> -> memref<12800xf32, #tpu.memory_space<hbm>>
    tpu.wait_dma2 semaphore(%arg25 : memref<!tpu.dma_semaphore, #tpu.memory_space<semaphore_mem>>) src(%arg17 : memref<12800xf32, #tpu.memory_space<vmem>>) dst(%dma_wait3A_149 : memref<12800xf32, #tpu.memory_space<hbm>>)
    %dma_start3A_150 = arith.constant 115200 : i32
    %dma_start3A_151 = tpu.memref_slice %arg5[%add3A, %dma_start3A_150] : memref<32x1000000xf32, #tpu.memory_space<hbm>> -> memref<1x12800xf32, #tpu.memory_space<hbm>>
    %dma_start3A_152 = tpu.memref_squeeze %dma_start3A_151 : memref<1x12800xf32, #tpu.memory_space<hbm>> -> memref<12800xf32, #tpu.memory_space<hbm>>
    %dma_start3A_153 = arith.constant 115200 : i32
    %dma_start3A_154 = tpu.memref_slice %arg5[%add3A, %dma_start3A_153] : memref<32x1000000xf32, #tpu.memory_space<hbm>> -> memref<1x12800xf32, #tpu.memory_space<hbm>>
    %dma_start3A_155 = tpu.memref_squeeze %dma_start3A_154 : memref<1x12800xf32, #tpu.memory_space<hbm>> -> memref<12800xf32, #tpu.memory_space<hbm>>
    tpu.enqueue_dma source(%dma_start3A_155 : memref<12800xf32, #tpu.memory_space<hbm>>) target(%arg17 : memref<12800xf32, #tpu.memory_space<vmem>>) target_semaphore(%arg23 : memref<!tpu.dma_semaphore, #tpu.memory_space<semaphore_mem>>)
    %add3A_156 = arith.constant 89600 : i32
    %add3A_157 = arith.addi %mul3A_9, %add3A_156 : i32
    %dma_start3A_158 = tpu.memref_slice %arg11[%add3A_157] : memref<32000000xf32, #tpu.memory_space<hbm>> -> memref<12800xf32, #tpu.memory_space<hbm>>
    %dma_start3A_159 = tpu.memref_slice %arg11[%add3A_157] : memref<32000000xf32, #tpu.memory_space<hbm>> -> memref<12800xf32, #tpu.memory_space<hbm>>
    tpu.enqueue_dma source(%arg19 : memref<12800xf32, #tpu.memory_space<vmem>>) target(%dma_start3A_159 : memref<12800xf32, #tpu.memory_space<hbm>>) target_semaphore(%arg25 : memref<!tpu.dma_semaphore, #tpu.memory_space<semaphore_mem>>)
    %dma_wait3A_160 = arith.constant 102400 : i32
    %dma_wait3A_161 = tpu.memref_slice %arg5[%add3A, %dma_wait3A_160] : memref<32x1000000xf32, #tpu.memory_space<hbm>> -> memref<1x12800xf32, #tpu.memory_space<hbm>>
    %dma_wait3A_162 = tpu.memref_squeeze %dma_wait3A_161 : memref<1x12800xf32, #tpu.memory_space<hbm>> -> memref<12800xf32, #tpu.memory_space<hbm>>
    %dma_wait3A_163 = arith.constant 102400 : i32
    %dma_wait3A_164 = tpu.memref_slice %arg5[%add3A, %dma_wait3A_163] : memref<32x1000000xf32, #tpu.memory_space<hbm>> -> memref<1x12800xf32, #tpu.memory_space<hbm>>
    %dma_wait3A_165 = tpu.memref_squeeze %dma_wait3A_164 : memref<1x12800xf32, #tpu.memory_space<hbm>> -> memref<12800xf32, #tpu.memory_space<hbm>>
    tpu.wait_dma2 semaphore(%arg22 : memref<!tpu.dma_semaphore, #tpu.memory_space<semaphore_mem>>) src(%dma_wait3A_165 : memref<12800xf32, #tpu.memory_space<hbm>>) dst(%arg16 : memref<12800xf32, #tpu.memory_space<vmem>>)
    %dma_wait3A_166 = tpu.memref_slice %arg11[%add3A_139] : memref<32000000xf32, #tpu.memory_space<hbm>> -> memref<12800xf32, #tpu.memory_space<hbm>>
    %dma_wait3A_167 = tpu.memref_slice %arg11[%add3A_139] : memref<32000000xf32, #tpu.memory_space<hbm>> -> memref<12800xf32, #tpu.memory_space<hbm>>
    tpu.wait_dma2 semaphore(%arg24 : memref<!tpu.dma_semaphore, #tpu.memory_space<semaphore_mem>>) src(%arg18 : memref<12800xf32, #tpu.memory_space<vmem>>) dst(%dma_wait3A_167 : memref<12800xf32, #tpu.memory_space<hbm>>)
    %dma_start3A_168 = arith.constant 128000 : i32
    %dma_start3A_169 = tpu.memref_slice %arg5[%add3A, %dma_start3A_168] : memref<32x1000000xf32, #tpu.memory_space<hbm>> -> memref<1x12800xf32, #tpu.memory_space<hbm>>
    %dma_start3A_170 = tpu.memref_squeeze %dma_start3A_169 : memref<1x12800xf32, #tpu.memory_space<hbm>> -> memref<12800xf32, #tpu.memory_space<hbm>>
    %dma_start3A_171 = arith.constant 128000 : i32
    %dma_start3A_172 = tpu.memref_slice %arg5[%add3A, %dma_start3A_171] : memref<32x1000000xf32, #tpu.memory_space<hbm>> -> memref<1x12800xf32, #tpu.memory_space<hbm>>
    %dma_start3A_173 = tpu.memref_squeeze %dma_start3A_172 : memref<1x12800xf32, #tpu.memory_space<hbm>> -> memref<12800xf32, #tpu.memory_space<hbm>>
    tpu.enqueue_dma source(%dma_start3A_173 : memref<12800xf32, #tpu.memory_space<hbm>>) target(%arg18 : memref<12800xf32, #tpu.memory_space<vmem>>) target_semaphore(%arg22 : memref<!tpu.dma_semaphore, #tpu.memory_space<semaphore_mem>>)
    %add3A_174 = arith.constant 102400 : i32
    %add3A_175 = arith.addi %mul3A_9, %add3A_174 : i32
    %dma_start3A_176 = tpu.memref_slice %arg11[%add3A_175] : memref<32000000xf32, #tpu.memory_space<hbm>> -> memref<12800xf32, #tpu.memory_space<hbm>>
    %dma_start3A_177 = tpu.memref_slice %arg11[%add3A_175] : memref<32000000xf32, #tpu.memory_space<hbm>> -> memref<12800xf32, #tpu.memory_space<hbm>>
    tpu.enqueue_dma source(%arg16 : memref<12800xf32, #tpu.memory_space<vmem>>) target(%dma_start3A_177 : memref<12800xf32, #tpu.memory_space<hbm>>) target_semaphore(%arg24 : memref<!tpu.dma_semaphore, #tpu.memory_space<semaphore_mem>>)
    %dma_wait3A_178 = arith.constant 115200 : i32
    %dma_wait3A_179 = tpu.memref_slice %arg5[%add3A, %dma_wait3A_178] : memref<32x1000000xf32, #tpu.memory_space<hbm>> -> memref<1x12800xf32, #tpu.memory_space<hbm>>
    %dma_wait3A_180 = tpu.memref_squeeze %dma_wait3A_179 : memref<1x12800xf32, #tpu.memory_space<hbm>> -> memref<12800xf32, #tpu.memory_space<hbm>>
    %dma_wait3A_181 = arith.constant 115200 : i32
    %dma_wait3A_182 = tpu.memref_slice %arg5[%add3A, %dma_wait3A_181] : memref<32x1000000xf32, #tpu.memory_space<hbm>> -> memref<1x12800xf32, #tpu.memory_space<hbm>>
    %dma_wait3A_183 = tpu.memref_squeeze %dma_wait3A_182 : memref<1x12800xf32, #tpu.memory_space<hbm>> -> memref<12800xf32, #tpu.memory_space<hbm>>
    tpu.wait_dma2 semaphore(%arg23 : memref<!tpu.dma_semaphore, #tpu.memory_space<semaphore_mem>>) src(%dma_wait3A_183 : memref<12800xf32, #tpu.memory_space<hbm>>) dst(%arg17 : memref<12800xf32, #tpu.memory_space<vmem>>)
    %dma_wait3A_184 = tpu.memref_slice %arg11[%add3A_157] : memref<32000000xf32, #tpu.memory_space<hbm>> -> memref<12800xf32, #tpu.memory_space<hbm>>
    %dma_wait3A_185 = tpu.memref_slice %arg11[%add3A_157] : memref<32000000xf32, #tpu.memory_space<hbm>> -> memref<12800xf32, #tpu.memory_space<hbm>>
    tpu.wait_dma2 semaphore(%arg25 : memref<!tpu.dma_semaphore, #tpu.memory_space<semaphore_mem>>) src(%arg19 : memref<12800xf32, #tpu.memory_space<vmem>>) dst(%dma_wait3A_185 : memref<12800xf32, #tpu.memory_space<hbm>>)
    %dma_start3A_186 = arith.constant 140800 : i32
    %dma_start3A_187 = tpu.memref_slice %arg5[%add3A, %dma_start3A_186] : memref<32x1000000xf32, #tpu.memory_space<hbm>> -> memref<1x12800xf32, #tpu.memory_space<hbm>>
    %dma_start3A_188 = tpu.memref_squeeze %dma_start3A_187 : memref<1x12800xf32, #tpu.memory_space<hbm>> -> memref<12800xf32, #tpu.memory_space<hbm>>
    %dma_start3A_189 = arith.constant 140800 : i32
    %dma_start3A_190 = tpu.memref_slice %arg5[%add3A, %dma_start3A_189] : memref<32x1000000xf32, #tpu.memory_space<hbm>> -> memref<1x12800xf32, #tpu.memory_space<hbm>>
    %dma_start3A_191 = tpu.memref_squeeze %dma_start3A_190 : memref<1x12800xf32, #tpu.memory_space<hbm>> -> memref<12800xf32, #tpu.memory_space<hbm>>
    tpu.enqueue_dma source(%dma_start3A_191 : memref<12800xf32, #tpu.memory_space<hbm>>) target(%arg19 : memref<12800xf32, #tpu.memory_space<vmem>>) target_semaphore(%arg23 : memref<!tpu.dma_semaphore, #tpu.memory_space<semaphore_mem>>)
    %add3A_192 = arith.constant 115200 : i32
    %add3A_193 = arith.addi %mul3A_9, %add3A_192 : i32
    %dma_start3A_194 = tpu.memref_slice %arg11[%add3A_193] : memref<32000000xf32, #tpu.memory_space<hbm>> -> memref<12800xf32, #tpu.memory_space<hbm>>
    %dma_start3A_195 = tpu.memref_slice %arg11[%add3A_193] : memref<32000000xf32, #tpu.memory_space<hbm>> -> memref<12800xf32, #tpu.memory_space<hbm>>
    tpu.enqueue_dma source(%arg17 : memref<12800xf32, #tpu.memory_space<vmem>>) target(%dma_start3A_195 : memref<12800xf32, #tpu.memory_space<hbm>>) target_semaphore(%arg25 : memref<!tpu.dma_semaphore, #tpu.memory_space<semaphore_mem>>)
    %dma_wait3A_196 = arith.constant 128000 : i32
    %dma_wait3A_197 = tpu.memref_slice %arg5[%add3A, %dma_wait3A_196] : memref<32x1000000xf32, #tpu.memory_space<hbm>> -> memref<1x12800xf32, #tpu.memory_space<hbm>>
    %dma_wait3A_198 = tpu.memref_squeeze %dma_wait3A_197 : memref<1x12800xf32, #tpu.memory_space<hbm>> -> memref<12800xf32, #tpu.memory_space<hbm>>
    %dma_wait3A_199 = arith.constant 128000 : i32
    %dma_wait3A_200 = tpu.memref_slice %arg5[%add3A, %dma_wait3A_199] : memref<32x1000000xf32, #tpu.memory_space<hbm>> -> memref<1x12800xf32, #tpu.memory_space<hbm>>
    %dma_wait3A_201 = tpu.memref_squeeze %dma_wait3A_200 : memref<1x12800xf32, #tpu.memory_space<hbm>> -> memref<12800xf32, #tpu.memory_space<hbm>>
    tpu.wait_dma2 semaphore(%arg22 : memref<!tpu.dma_semaphore, #tpu.memory_space<semaphore_mem>>) src(%dma_wait3A_201 : memref<12800xf32, #tpu.memory_space<hbm>>) dst(%arg18 : memref<12800xf32, #tpu.memory_space<vmem>>)
    %dma_wait3A_202 = tpu.memref_slice %arg11[%add3A_175] : memref<32000000xf32, #tpu.memory_space<hbm>> -> memref<12800xf32, #tpu.memory_space<hbm>>
    %dma_wait3A_203 = tpu.memref_slice %arg11[%add3A_175] : memref<32000000xf32, #tpu.memory_space<hbm>> -> memref<12800xf32, #tpu.memory_space<hbm>>
    tpu.wait_dma2 semaphore(%arg24 : memref<!tpu.dma_semaphore, #tpu.memory_space<semaphore_mem>>) src(%arg16 : memref<12800xf32, #tpu.memory_space<vmem>>) dst(%dma_wait3A_203 : memref<12800xf32, #tpu.memory_space<hbm>>)
    %dma_start3A_204 = arith.constant 153600 : i32
    %dma_start3A_205 = tpu.memref_slice %arg5[%add3A, %dma_start3A_204] : memref<32x1000000xf32, #tpu.memory_space<hbm>> -> memref<1x12800xf32, #tpu.memory_space<hbm>>
    %dma_start3A_206 = tpu.memref_squeeze %dma_start3A_205 : memref<1x12800xf32, #tpu.memory_space<hbm>> -> memref<12800xf32, #tpu.memory_space<hbm>>
    %dma_start3A_207 = arith.constant 153600 : i32
    %dma_start3A_208 = tpu.memref_slice %arg5[%add3A, %dma_start3A_207] : memref<32x1000000xf32, #tpu.memory_space<hbm>> -> memref<1x12800xf32, #tpu.memory_space<hbm>>
    %dma_start3A_209 = tpu.memref_squeeze %dma_start3A_208 : memref<1x12800xf32, #tpu.memory_space<hbm>> -> memref<12800xf32, #tpu.memory_space<hbm>>
    tpu.enqueue_dma source(%dma_start3A_209 : memref<12800xf32, #tpu.memory_space<hbm>>) target(%arg16 : memref<12800xf32, #tpu.memory_space<vmem>>) target_semaphore(%arg22 : memref<!tpu.dma_semaphore, #tpu.memory_space<semaphore_mem>>)
    %add3A_210 = arith.constant 128000 : i32
    %add3A_211 = arith.addi %mul3A_9, %add3A_210 : i32
    %dma_start3A_212 = tpu.memref_slice %arg11[%add3A_211] : memref<32000000xf32, #tpu.memory_space<hbm>> -> memref<12800xf32, #tpu.memory_space<hbm>>
    %dma_start3A_213 = tpu.memref_slice %arg11[%add3A_211] : memref<32000000xf32, #tpu.memory_space<hbm>> -> memref<12800xf32, #tpu.memory_space<hbm>>
    tpu.enqueue_dma source(%arg18 : memref<12800xf32, #tpu.memory_space<vmem>>) target(%dma_start3A_213 : memref<12800xf32, #tpu.memory_space<hbm>>) target_semaphore(%arg24 : memref<!tpu.dma_semaphore, #tpu.memory_space<semaphore_mem>>)
    %dma_wait3A_214 = arith.constant 140800 : i32
    %dma_wait3A_215 = tpu.memref_slice %arg5[%add3A, %dma_wait3A_214] : memref<32x1000000xf32, #tpu.memory_space<hbm>> -> memref<1x12800xf32, #tpu.memory_space<hbm>>
    %dma_wait3A_216 = tpu.memref_squeeze %dma_wait3A_215 : memref<1x12800xf32, #tpu.memory_space<hbm>> -> memref<12800xf32, #tpu.memory_space<hbm>>
    %dma_wait3A_217 = arith.constant 140800 : i32
    %dma_wait3A_218 = tpu.memref_slice %arg5[%add3A, %dma_wait3A_217] : memref<32x1000000xf32, #tpu.memory_space<hbm>> -> memref<1x12800xf32, #tpu.memory_space<hbm>>
    %dma_wait3A_219 = tpu.memref_squeeze %dma_wait3A_218 : memref<1x12800xf32, #tpu.memory_space<hbm>> -> memref<12800xf32, #tpu.memory_space<hbm>>
    tpu.wait_dma2 semaphore(%arg23 : memref<!tpu.dma_semaphore, #tpu.memory_space<semaphore_mem>>) src(%dma_wait3A_219 : memref<12800xf32, #tpu.memory_space<hbm>>) dst(%arg19 : memref<12800xf32, #tpu.memory_space<vmem>>)
    %dma_wait3A_220 = tpu.memref_slice %arg11[%add3A_193] : memref<32000000xf32, #tpu.memory_space<hbm>> -> memref<12800xf32, #tpu.memory_space<hbm>>
    %dma_wait3A_221 = tpu.memref_slice %arg11[%add3A_193] : memref<32000000xf32, #tpu.memory_space<hbm>> -> memref<12800xf32, #tpu.memory_space<hbm>>
    tpu.wait_dma2 semaphore(%arg25 : memref<!tpu.dma_semaphore, #tpu.memory_space<semaphore_mem>>) src(%arg17 : memref<12800xf32, #tpu.memory_space<vmem>>) dst(%dma_wait3A_221 : memref<12800xf32, #tpu.memory_space<hbm>>)
    %dma_start3A_222 = arith.constant 166400 : i32
    %dma_start3A_223 = tpu.memref_slice %arg5[%add3A, %dma_start3A_222] : memref<32x1000000xf32, #tpu.memory_space<hbm>> -> memref<1x12800xf32, #tpu.memory_space<hbm>>
    %dma_start3A_224 = tpu.memref_squeeze %dma_start3A_223 : memref<1x12800xf32, #tpu.memory_space<hbm>> -> memref<12800xf32, #tpu.memory_space<hbm>>
    %dma_start3A_225 = arith.constant 166400 : i32
    %dma_start3A_226 = tpu.memref_slice %arg5[%add3A, %dma_start3A_225] : memref<32x1000000xf32, #tpu.memory_space<hbm>> -> memref<1x12800xf32, #tpu.memory_space<hbm>>
    %dma_start3A_227 = tpu.memref_squeeze %dma_start3A_226 : memref<1x12800xf32, #tpu.memory_space<hbm>> -> memref<12800xf32, #tpu.memory_space<hbm>>
    tpu.enqueue_dma source(%dma_start3A_227 : memref<12800xf32, #tpu.memory_space<hbm>>) target(%arg17 : memref<12800xf32, #tpu.memory_space<vmem>>) target_semaphore(%arg23 : memref<!tpu.dma_semaphore, #tpu.memory_space<semaphore_mem>>)
    %add3A_228 = arith.constant 140800 : i32
    %add3A_229 = arith.addi %mul3A_9, %add3A_228 : i32
    %dma_start3A_230 = tpu.memref_slice %arg11[%add3A_229] : memref<32000000xf32, #tpu.memory_space<hbm>> -> memref<12800xf32, #tpu.memory_space<hbm>>
    %dma_start3A_231 = tpu.memref_slice %arg11[%add3A_229] : memref<32000000xf32, #tpu.memory_space<hbm>> -> memref<12800xf32, #tpu.memory_space<hbm>>
    tpu.enqueue_dma source(%arg19 : memref<12800xf32, #tpu.memory_space<vmem>>) target(%dma_start3A_231 : memref<12800xf32, #tpu.memory_space<hbm>>) target_semaphore(%arg25 : memref<!tpu.dma_semaphore, #tpu.memory_space<semaphore_mem>>)
    %dma_wait3A_232 = arith.constant 153600 : i32
    %dma_wait3A_233 = tpu.memref_slice %arg5[%add3A, %dma_wait3A_232] : memref<32x1000000xf32, #tpu.memory_space<hbm>> -> memref<1x12800xf32, #tpu.memory_space<hbm>>
    %dma_wait3A_234 = tpu.memref_squeeze %dma_wait3A_233 : memref<1x12800xf32, #tpu.memory_space<hbm>> -> memref<12800xf32, #tpu.memory_space<hbm>>
    %dma_wait3A_235 = arith.constant 153600 : i32
    %dma_wait3A_236 = tpu.memref_slice %arg5[%add3A, %dma_wait3A_235] : memref<32x1000000xf32, #tpu.memory_space<hbm>> -> memref<1x12800xf32, #tpu.memory_space<hbm>>
    %dma_wait3A_237 = tpu.memref_squeeze %dma_wait3A_236 : memref<1x12800xf32, #tpu.memory_space<hbm>> -> memref<12800xf32, #tpu.memory_space<hbm>>
    tpu.wait_dma2 semaphore(%arg22 : memref<!tpu.dma_semaphore, #tpu.memory_space<semaphore_mem>>) src(%dma_wait3A_237 : memref<12800xf32, #tpu.memory_space<hbm>>) dst(%arg16 : memref<12800xf32, #tpu.memory_space<vmem>>)
    %dma_wait3A_238 = tpu.memref_slice %arg11[%add3A_211] : memref<32000000xf32, #tpu.memory_space<hbm>> -> memref<12800xf32, #tpu.memory_space<hbm>>
    %dma_wait3A_239 = tpu.memref_slice %arg11[%add3A_211] : memref<32000000xf32, #tpu.memory_space<hbm>> -> memref<12800xf32, #tpu.memory_space<hbm>>
    tpu.wait_dma2 semaphore(%arg24 : memref<!tpu.dma_semaphore, #tpu.memory_space<semaphore_mem>>) src(%arg18 : memref<12800xf32, #tpu.memory_space<vmem>>) dst(%dma_wait3A_239 : memref<12800xf32, #tpu.memory_space<hbm>>)
    %dma_start3A_240 = arith.constant 179200 : i32
    %dma_start3A_241 = tpu.memref_slice %arg5[%add3A, %dma_start3A_240] : memref<32x1000000xf32, #tpu.memory_space<hbm>> -> memref<1x12800xf32, #tpu.memory_space<hbm>>
    %dma_start3A_242 = tpu.memref_squeeze %dma_start3A_241 : memref<1x12800xf32, #tpu.memory_space<hbm>> -> memref<12800xf32, #tpu.memory_space<hbm>>
    %dma_start3A_243 = arith.constant 179200 : i32
    %dma_start3A_244 = tpu.memref_slice %arg5[%add3A, %dma_start3A_243] : memref<32x1000000xf32, #tpu.memory_space<hbm>> -> memref<1x12800xf32, #tpu.memory_space<hbm>>
    %dma_start3A_245 = tpu.memref_squeeze %dma_start3A_244 : memref<1x12800xf32, #tpu.memory_space<hbm>> -> memref<12800xf32, #tpu.memory_space<hbm>>
    tpu.enqueue_dma source(%dma_start3A_245 : memref<12800xf32, #tpu.memory_space<hbm>>) target(%arg18 : memref<12800xf32, #tpu.memory_space<vmem>>) target_semaphore(%arg22 : memref<!tpu.dma_semaphore, #tpu.memory_space<semaphore_mem>>)
    %add3A_246 = arith.constant 153600 : i32
    %add3A_247 = arith.addi %mul3A_9, %add3A_246 : i32
    %dma_start3A_248 = tpu.memref_slice %arg11[%add3A_247] : memref<32000000xf32, #tpu.memory_space<hbm>> -> memref<12800xf32, #tpu.memory_space<hbm>>
    %dma_start3A_249 = tpu.memref_slice %arg11[%add3A_247] : memref<32000000xf32, #tpu.memory_space<hbm>> -> memref<12800xf32, #tpu.memory_space<hbm>>
    tpu.enqueue_dma source(%arg16 : memref<12800xf32, #tpu.memory_space<vmem>>) target(%dma_start3A_249 : memref<12800xf32, #tpu.memory_space<hbm>>) target_semaphore(%arg24 : memref<!tpu.dma_semaphore, #tpu.memory_space<semaphore_mem>>)
    %dma_wait3A_250 = arith.constant 166400 : i32
    %dma_wait3A_251 = tpu.memref_slice %arg5[%add3A, %dma_wait3A_250] : memref<32x1000000xf32, #tpu.memory_space<hbm>> -> memref<1x12800xf32, #tpu.memory_space<hbm>>
    %dma_wait3A_252 = tpu.memref_squeeze %dma_wait3A_251 : memref<1x12800xf32, #tpu.memory_space<hbm>> -> memref<12800xf32, #tpu.memory_space<hbm>>
    %dma_wait3A_253 = arith.constant 166400 : i32
    %dma_wait3A_254 = tpu.memref_slice %arg5[%add3A, %dma_wait3A_253] : memref<32x1000000xf32, #tpu.memory_space<hbm>> -> memref<1x12800xf32, #tpu.memory_space<hbm>>
    %dma_wait3A_255 = tpu.memref_squeeze %dma_wait3A_254 : memref<1x12800xf32, #tpu.memory_space<hbm>> -> memref<12800xf32, #tpu.memory_space<hbm>>
    tpu.wait_dma2 semaphore(%arg23 : memref<!tpu.dma_semaphore, #tpu.memory_space<semaphore_mem>>) src(%dma_wait3A_255 : memref<12800xf32, #tpu.memory_space<hbm>>) dst(%arg17 : memref<12800xf32, #tpu.memory_space<vmem>>)
    %dma_wait3A_256 = tpu.memref_slice %arg11[%add3A_229] : memref<32000000xf32, #tpu.memory_space<hbm>> -> memref<12800xf32, #tpu.memory_space<hbm>>
    %dma_wait3A_257 = tpu.memref_slice %arg11[%add3A_229] : memref<32000000xf32, #tpu.memory_space<hbm>> -> memref<12800xf32, #tpu.memory_space<hbm>>
    tpu.wait_dma2 semaphore(%arg25 : memref<!tpu.dma_semaphore, #tpu.memory_space<semaphore_mem>>) src(%arg19 : memref<12800xf32, #tpu.memory_space<vmem>>) dst(%dma_wait3A_257 : memref<12800xf32, #tpu.memory_space<hbm>>)
    %dma_start3A_258 = arith.constant 192000 : i32
    %dma_start3A_259 = tpu.memref_slice %arg5[%add3A, %dma_start3A_258] : memref<32x1000000xf32, #tpu.memory_space<hbm>> -> memref<1x12800xf32, #tpu.memory_space<hbm>>
    %dma_start3A_260 = tpu.memref_squeeze %dma_start3A_259 : memref<1x12800xf32, #tpu.memory_space<hbm>> -> memref<12800xf32, #tpu.memory_space<hbm>>
    %dma_start3A_261 = arith.constant 192000 : i32
    %dma_start3A_262 = tpu.memref_slice %arg5[%add3A, %dma_start3A_261] : memref<32x1000000xf32, #tpu.memory_space<hbm>> -> memref<1x12800xf32, #tpu.memory_space<hbm>>
    %dma_start3A_263 = tpu.memref_squeeze %dma_start3A_262 : memref<1x12800xf32, #tpu.memory_space<hbm>> -> memref<12800xf32, #tpu.memory_space<hbm>>
    tpu.enqueue_dma source(%dma_start3A_263 : memref<12800xf32, #tpu.memory_space<hbm>>) target(%arg19 : memref<12800xf32, #tpu.memory_space<vmem>>) target_semaphore(%arg23 : memref<!tpu.dma_semaphore, #tpu.memory_space<semaphore_mem>>)
    %add3A_264 = arith.constant 166400 : i32
    %add3A_265 = arith.addi %mul3A_9, %add3A_264 : i32
    %dma_start3A_266 = tpu.memref_slice %arg11[%add3A_265] : memref<32000000xf32, #tpu.memory_space<hbm>> -> memref<12800xf32, #tpu.memory_space<hbm>>
    %dma_start3A_267 = tpu.memref_slice %arg11[%add3A_265] : memref<32000000xf32, #tpu.memory_space<hbm>> -> memref<12800xf32, #tpu.memory_space<hbm>>
    tpu.enqueue_dma source(%arg17 : memref<12800xf32, #tpu.memory_space<vmem>>) target(%dma_start3A_267 : memref<12800xf32, #tpu.memory_space<hbm>>) target_semaphore(%arg25 : memref<!tpu.dma_semaphore, #tpu.memory_space<semaphore_mem>>)
    %dma_wait3A_268 = arith.constant 179200 : i32
    %dma_wait3A_269 = tpu.memref_slice %arg5[%add3A, %dma_wait3A_268] : memref<32x1000000xf32, #tpu.memory_space<hbm>> -> memref<1x12800xf32, #tpu.memory_space<hbm>>
    %dma_wait3A_270 = tpu.memref_squeeze %dma_wait3A_269 : memref<1x12800xf32, #tpu.memory_space<hbm>> -> memref<12800xf32, #tpu.memory_space<hbm>>
    %dma_wait3A_271 = arith.constant 179200 : i32
    %dma_wait3A_272 = tpu.memref_slice %arg5[%add3A, %dma_wait3A_271] : memref<32x1000000xf32, #tpu.memory_space<hbm>> -> memref<1x12800xf32, #tpu.memory_space<hbm>>
    %dma_wait3A_273 = tpu.memref_squeeze %dma_wait3A_272 : memref<1x12800xf32, #tpu.memory_space<hbm>> -> memref<12800xf32, #tpu.memory_space<hbm>>
    tpu.wait_dma2 semaphore(%arg22 : memref<!tpu.dma_semaphore, #tpu.memory_space<semaphore_mem>>) src(%dma_wait3A_273 : memref<12800xf32, #tpu.memory_space<hbm>>) dst(%arg18 : memref<12800xf32, #tpu.memory_space<vmem>>)
    %dma_wait3A_274 = tpu.memref_slice %arg11[%add3A_247] : memref<32000000xf32, #tpu.memory_space<hbm>> -> memref<12800xf32, #tpu.memory_space<hbm>>
    %dma_wait3A_275 = tpu.memref_slice %arg11[%add3A_247] : memref<32000000xf32, #tpu.memory_space<hbm>> -> memref<12800xf32, #tpu.memory_space<hbm>>
    tpu.wait_dma2 semaphore(%arg24 : memref<!tpu.dma_semaphore, #tpu.memory_space<semaphore_mem>>) src(%arg16 : memref<12800xf32, #tpu.memory_space<vmem>>) dst(%dma_wait3A_275 : memref<12800xf32, #tpu.memory_space<hbm>>)
    %dma_start3A_276 = arith.constant 204800 : i32
    %dma_start3A_277 = tpu.memref_slice %arg5[%add3A, %dma_start3A_276] : memref<32x1000000xf32, #tpu.memory_space<hbm>> -> memref<1x12800xf32, #tpu.memory_space<hbm>>
    %dma_start3A_278 = tpu.memref_squeeze %dma_start3A_277 : memref<1x12800xf32, #tpu.memory_space<hbm>> -> memref<12800xf32, #tpu.memory_space<hbm>>
    %dma_start3A_279 = arith.constant 204800 : i32
    %dma_start3A_280 = tpu.memref_slice %arg5[%add3A, %dma_start3A_279] : memref<32x1000000xf32, #tpu.memory_space<hbm>> -> memref<1x12800xf32, #tpu.memory_space<hbm>>
    %dma_start3A_281 = tpu.memref_squeeze %dma_start3A_280 : memref<1x12800xf32, #tpu.memory_space<hbm>> -> memref<12800xf32, #tpu.memory_space<hbm>>
    tpu.enqueue_dma source(%dma_start3A_281 : memref<12800xf32, #tpu.memory_space<hbm>>) target(%arg16 : memref<12800xf32, #tpu.memory_space<vmem>>) target_semaphore(%arg22 : memref<!tpu.dma_semaphore, #tpu.memory_space<semaphore_mem>>)
    %add3A_282 = arith.constant 179200 : i32
    %add3A_283 = arith.addi %mul3A_9, %add3A_282 : i32
    %dma_start3A_284 = tpu.memref_slice %arg11[%add3A_283] : memref<32000000xf32, #tpu.memory_space<hbm>> -> memref<12800xf32, #tpu.memory_space<hbm>>
    %dma_start3A_285 = tpu.memref_slice %arg11[%add3A_283] : memref<32000000xf32, #tpu.memory_space<hbm>> -> memref<12800xf32, #tpu.memory_space<hbm>>
    tpu.enqueue_dma source(%arg18 : memref<12800xf32, #tpu.memory_space<vmem>>) target(%dma_start3A_285 : memref<12800xf32, #tpu.memory_space<hbm>>) target_semaphore(%arg24 : memref<!tpu.dma_semaphore, #tpu.memory_space<semaphore_mem>>)
    %dma_wait3A_286 = arith.constant 192000 : i32
    %dma_wait3A_287 = tpu.memref_slice %arg5[%add3A, %dma_wait3A_286] : memref<32x1000000xf32, #tpu.memory_space<hbm>> -> memref<1x12800xf32, #tpu.memory_space<hbm>>
    %dma_wait3A_288 = tpu.memref_squeeze %dma_wait3A_287 : memref<1x12800xf32, #tpu.memory_space<hbm>> -> memref<12800xf32, #tpu.memory_space<hbm>>
    %dma_wait3A_289 = arith.constant 192000 : i32
    %dma_wait3A_290 = tpu.memref_slice %arg5[%add3A, %dma_wait3A_289] : memref<32x1000000xf32, #tpu.memory_space<hbm>> -> memref<1x12800xf32, #tpu.memory_space<hbm>>
    %dma_wait3A_291 = tpu.memref_squeeze %dma_wait3A_290 : memref<1x12800xf32, #tpu.memory_space<hbm>> -> memref<12800xf32, #tpu.memory_space<hbm>>
    tpu.wait_dma2 semaphore(%arg23 : memref<!tpu.dma_semaphore, #tpu.memory_space<semaphore_mem>>) src(%dma_wait3A_291 : memref<12800xf32, #tpu.memory_space<hbm>>) dst(%arg19 : memref<12800xf32, #tpu.memory_space<vmem>>)
    %dma_wait3A_292 = tpu.memref_slice %arg11[%add3A_265] : memref<32000000xf32, #tpu.memory_space<hbm>> -> memref<12800xf32, #tpu.memory_space<hbm>>
    %dma_wait3A_293 = tpu.memref_slice %arg11[%add3A_265] : memref<32000000xf32, #tpu.memory_space<hbm>> -> memref<12800xf32, #tpu.memory_space<hbm>>
    tpu.wait_dma2 semaphore(%arg25 : memref<!tpu.dma_semaphore, #tpu.memory_space<semaphore_mem>>) src(%arg17 : memref<12800xf32, #tpu.memory_space<vmem>>) dst(%dma_wait3A_293 : memref<12800xf32, #tpu.memory_space<hbm>>)
    %dma_start3A_294 = arith.constant 217600 : i32
    %dma_start3A_295 = tpu.memref_slice %arg5[%add3A, %dma_start3A_294] : memref<32x1000000xf32, #tpu.memory_space<hbm>> -> memref<1x12800xf32, #tpu.memory_space<hbm>>
    %dma_start3A_296 = tpu.memref_squeeze %dma_start3A_295 : memref<1x12800xf32, #tpu.memory_space<hbm>> -> memref<12800xf32, #tpu.memory_space<hbm>>
    %dma_start3A_297 = arith.constant 217600 : i32
    %dma_start3A_298 = tpu.memref_slice %arg5[%add3A, %dma_start3A_297] : memref<32x1000000xf32, #tpu.memory_space<hbm>> -> memref<1x12800xf32, #tpu.memory_space<hbm>>
    %dma_start3A_299 = tpu.memref_squeeze %dma_start3A_298 : memref<1x12800xf32, #tpu.memory_space<hbm>> -> memref<12800xf32, #tpu.memory_space<hbm>>
    tpu.enqueue_dma source(%dma_start3A_299 : memref<12800xf32, #tpu.memory_space<hbm>>) target(%arg17 : memref<12800xf32, #tpu.memory_space<vmem>>) target_semaphore(%arg23 : memref<!tpu.dma_semaphore, #tpu.memory_space<semaphore_mem>>)
    %add3A_300 = arith.constant 192000 : i32
    %add3A_301 = arith.addi %mul3A_9, %add3A_300 : i32
    %dma_start3A_302 = tpu.memref_slice %arg11[%add3A_301] : memref<32000000xf32, #tpu.memory_space<hbm>> -> memref<12800xf32, #tpu.memory_space<hbm>>
    %dma_start3A_303 = tpu.memref_slice %arg11[%add3A_301] : memref<32000000xf32, #tpu.memory_space<hbm>> -> memref<12800xf32, #tpu.memory_space<hbm>>
    tpu.enqueue_dma source(%arg19 : memref<12800xf32, #tpu.memory_space<vmem>>) target(%dma_start3A_303 : memref<12800xf32, #tpu.memory_space<hbm>>) target_semaphore(%arg25 : memref<!tpu.dma_semaphore, #tpu.memory_space<semaphore_mem>>)
    %dma_wait3A_304 = arith.constant 204800 : i32
    %dma_wait3A_305 = tpu.memref_slice %arg5[%add3A, %dma_wait3A_304] : memref<32x1000000xf32, #tpu.memory_space<hbm>> -> memref<1x12800xf32, #tpu.memory_space<hbm>>
    %dma_wait3A_306 = tpu.memref_squeeze %dma_wait3A_305 : memref<1x12800xf32, #tpu.memory_space<hbm>> -> memref<12800xf32, #tpu.memory_space<hbm>>
    %dma_wait3A_307 = arith.constant 204800 : i32
    %dma_wait3A_308 = tpu.memref_slice %arg5[%add3A, %dma_wait3A_307] : memref<32x1000000xf32, #tpu.memory_space<hbm>> -> memref<1x12800xf32, #tpu.memory_space<hbm>>
    %dma_wait3A_309 = tpu.memref_squeeze %dma_wait3A_308 : memref<1x12800xf32, #tpu.memory_space<hbm>> -> memref<12800xf32, #tpu.memory_space<hbm>>
    tpu.wait_dma2 semaphore(%arg22 : memref<!tpu.dma_semaphore, #tpu.memory_space<semaphore_mem>>) src(%dma_wait3A_309 : memref<12800xf32, #tpu.memory_space<hbm>>) dst(%arg16 : memref<12800xf32, #tpu.memory_space<vmem>>)
    %dma_wait3A_310 = tpu.memref_slice %arg11[%add3A_283] : memref<32000000xf32, #tpu.memory_space<hbm>> -> memref<12800xf32, #tpu.memory_space<hbm>>
    %dma_wait3A_311 = tpu.memref_slice %arg11[%add3A_283] : memref<32000000xf32, #tpu.memory_space<hbm>> -> memref<12800xf32, #tpu.memory_space<hbm>>
    tpu.wait_dma2 semaphore(%arg24 : memref<!tpu.dma_semaphore, #tpu.memory_space<semaphore_mem>>) src(%arg18 : memref<12800xf32, #tpu.memory_space<vmem>>) dst(%dma_wait3A_311 : memref<12800xf32, #tpu.memory_space<hbm>>)
    %dma_start3A_312 = arith.constant 230400 : i32
    %dma_start3A_313 = tpu.memref_slice %arg5[%add3A, %dma_start3A_312] : memref<32x1000000xf32, #tpu.memory_space<hbm>> -> memref<1x12800xf32, #tpu.memory_space<hbm>>
    %dma_start3A_314 = tpu.memref_squeeze %dma_start3A_313 : memref<1x12800xf32, #tpu.memory_space<hbm>> -> memref<12800xf32, #tpu.memory_space<hbm>>
    %dma_start3A_315 = arith.constant 230400 : i32
    %dma_start3A_316 = tpu.memref_slice %arg5[%add3A, %dma_start3A_315] : memref<32x1000000xf32, #tpu.memory_space<hbm>> -> memref<1x12800xf32, #tpu.memory_space<hbm>>
    %dma_start3A_317 = tpu.memref_squeeze %dma_start3A_316 : memref<1x12800xf32, #tpu.memory_space<hbm>> -> memref<12800xf32, #tpu.memory_space<hbm>>
    tpu.enqueue_dma source(%dma_start3A_317 : memref<12800xf32, #tpu.memory_space<hbm>>) target(%arg18 : memref<12800xf32, #tpu.memory_space<vmem>>) target_semaphore(%arg22 : memref<!tpu.dma_semaphore, #tpu.memory_space<semaphore_mem>>)
    %add3A_318 = arith.constant 204800 : i32
    %add3A_319 = arith.addi %mul3A_9, %add3A_318 : i32
    %dma_start3A_320 = tpu.memref_slice %arg11[%add3A_319] : memref<32000000xf32, #tpu.memory_space<hbm>> -> memref<12800xf32, #tpu.memory_space<hbm>>
    %dma_start3A_321 = tpu.memref_slice %arg11[%add3A_319] : memref<32000000xf32, #tpu.memory_space<hbm>> -> memref<12800xf32, #tpu.memory_space<hbm>>
    tpu.enqueue_dma source(%arg16 : memref<12800xf32, #tpu.memory_space<vmem>>) target(%dma_start3A_321 : memref<12800xf32, #tpu.memory_space<hbm>>) target_semaphore(%arg24 : memref<!tpu.dma_semaphore, #tpu.memory_space<semaphore_mem>>)
    %dma_wait3A_322 = arith.constant 217600 : i32
    %dma_wait3A_323 = tpu.memref_slice %arg5[%add3A, %dma_wait3A_322] : memref<32x1000000xf32, #tpu.memory_space<hbm>> -> memref<1x12800xf32, #tpu.memory_space<hbm>>
    %dma_wait3A_324 = tpu.memref_squeeze %dma_wait3A_323 : memref<1x12800xf32, #tpu.memory_space<hbm>> -> memref<12800xf32, #tpu.memory_space<hbm>>
    %dma_wait3A_325 = arith.constant 217600 : i32
    %dma_wait3A_326 = tpu.memref_slice %arg5[%add3A, %dma_wait3A_325] : memref<32x1000000xf32, #tpu.memory_space<hbm>> -> memref<1x12800xf32, #tpu.memory_space<hbm>>
    %dma_wait3A_327 = tpu.memref_squeeze %dma_wait3A_326 : memref<1x12800xf32, #tpu.memory_space<hbm>> -> memref<12800xf32, #tpu.memory_space<hbm>>
    tpu.wait_dma2 semaphore(%arg23 : memref<!tpu.dma_semaphore, #tpu.memory_space<semaphore_mem>>) src(%dma_wait3A_327 : memref<12800xf32, #tpu.memory_space<hbm>>) dst(%arg17 : memref<12800xf32, #tpu.memory_space<vmem>>)
    %dma_wait3A_328 = tpu.memref_slice %arg11[%add3A_301] : memref<32000000xf32, #tpu.memory_space<hbm>> -> memref<12800xf32, #tpu.memory_space<hbm>>
    %dma_wait3A_329 = tpu.memref_slice %arg11[%add3A_301] : memref<32000000xf32, #tpu.memory_space<hbm>> -> memref<12800xf32, #tpu.memory_space<hbm>>
    tpu.wait_dma2 semaphore(%arg25 : memref<!tpu.dma_semaphore, #tpu.memory_space<semaphore_mem>>) src(%arg19 : memref<12800xf32, #tpu.memory_space<vmem>>) dst(%dma_wait3A_329 : memref<12800xf32, #tpu.memory_space<hbm>>)
    %dma_start3A_330 = arith.constant 243200 : i32
    %dma_start3A_331 = tpu.memref_slice %arg5[%add3A, %dma_start3A_330] : memref<32x1000000xf32, #tpu.memory_space<hbm>> -> memref<1x12800xf32, #tpu.memory_space<hbm>>
    %dma_start3A_332 = tpu.memref_squeeze %dma_start3A_331 : memref<1x12800xf32, #tpu.memory_space<hbm>> -> memref<12800xf32, #tpu.memory_space<hbm>>
    %dma_start3A_333 = arith.constant 243200 : i32
    %dma_start3A_334 = tpu.memref_slice %arg5[%add3A, %dma_start3A_333] : memref<32x1000000xf32, #tpu.memory_space<hbm>> -> memref<1x12800xf32, #tpu.memory_space<hbm>>
    %dma_start3A_335 = tpu.memref_squeeze %dma_start3A_334 : memref<1x12800xf32, #tpu.memory_space<hbm>> -> memref<12800xf32, #tpu.memory_space<hbm>>
    tpu.enqueue_dma source(%dma_start3A_335 : memref<12800xf32, #tpu.memory_space<hbm>>) target(%arg19 : memref<12800xf32, #tpu.memory_space<vmem>>) target_semaphore(%arg23 : memref<!tpu.dma_semaphore, #tpu.memory_space<semaphore_mem>>)
    %add3A_336 = arith.constant 217600 : i32
    %add3A_337 = arith.addi %mul3A_9, %add3A_336 : i32
    %dma_start3A_338 = tpu.memref_slice %arg11[%add3A_337] : memref<32000000xf32, #tpu.memory_space<hbm>> -> memref<12800xf32, #tpu.memory_space<hbm>>
    %dma_start3A_339 = tpu.memref_slice %arg11[%add3A_337] : memref<32000000xf32, #tpu.memory_space<hbm>> -> memref<12800xf32, #tpu.memory_space<hbm>>
    tpu.enqueue_dma source(%arg17 : memref<12800xf32, #tpu.memory_space<vmem>>) target(%dma_start3A_339 : memref<12800xf32, #tpu.memory_space<hbm>>) target_semaphore(%arg25 : memref<!tpu.dma_semaphore, #tpu.memory_space<semaphore_mem>>)
    %dma_wait3A_340 = arith.constant 230400 : i32
    %dma_wait3A_341 = tpu.memref_slice %arg5[%add3A, %dma_wait3A_340] : memref<32x1000000xf32, #tpu.memory_space<hbm>> -> memref<1x12800xf32, #tpu.memory_space<hbm>>
    %dma_wait3A_342 = tpu.memref_squeeze %dma_wait3A_341 : memref<1x12800xf32, #tpu.memory_space<hbm>> -> memref<12800xf32, #tpu.memory_space<hbm>>
    %dma_wait3A_343 = arith.constant 230400 : i32
    %dma_wait3A_344 = tpu.memref_slice %arg5[%add3A, %dma_wait3A_343] : memref<32x1000000xf32, #tpu.memory_space<hbm>> -> memref<1x12800xf32, #tpu.memory_space<hbm>>
    %dma_wait3A_345 = tpu.memref_squeeze %dma_wait3A_344 : memref<1x12800xf32, #tpu.memory_space<hbm>> -> memref<12800xf32, #tpu.memory_space<hbm>>
    tpu.wait_dma2 semaphore(%arg22 : memref<!tpu.dma_semaphore, #tpu.memory_space<semaphore_mem>>) src(%dma_wait3A_345 : memref<12800xf32, #tpu.memory_space<hbm>>) dst(%arg18 : memref<12800xf32, #tpu.memory_space<vmem>>)
    %dma_wait3A_346 = tpu.memref_slice %arg11[%add3A_319] : memref<32000000xf32, #tpu.memory_space<hbm>> -> memref<12800xf32, #tpu.memory_space<hbm>>
    %dma_wait3A_347 = tpu.memref_slice %arg11[%add3A_319] : memref<32000000xf32, #tpu.memory_space<hbm>> -> memref<12800xf32, #tpu.memory_space<hbm>>
    tpu.wait_dma2 semaphore(%arg24 : memref<!tpu.dma_semaphore, #tpu.memory_space<semaphore_mem>>) src(%arg16 : memref<12800xf32, #tpu.memory_space<vmem>>) dst(%dma_wait3A_347 : memref<12800xf32, #tpu.memory_space<hbm>>)
    %dma_start3A_348 = arith.constant 256000 : i32
    %dma_start3A_349 = tpu.memref_slice %arg5[%add3A, %dma_start3A_348] : memref<32x1000000xf32, #tpu.memory_space<hbm>> -> memref<1x12800xf32, #tpu.memory_space<hbm>>
    %dma_start3A_350 = tpu.memref_squeeze %dma_start3A_349 : memref<1x12800xf32, #tpu.memory_space<hbm>> -> memref<12800xf32, #tpu.memory_space<hbm>>
    %dma_start3A_351 = arith.constant 256000 : i32
    %dma_start3A_352 = tpu.memref_slice %arg5[%add3A, %dma_start3A_351] : memref<32x1000000xf32, #tpu.memory_space<hbm>> -> memref<1x12800xf32, #tpu.memory_space<hbm>>
    %dma_start3A_353 = tpu.memref_squeeze %dma_start3A_352 : memref<1x12800xf32, #tpu.memory_space<hbm>> -> memref<12800xf32, #tpu.memory_space<hbm>>
    tpu.enqueue_dma source(%dma_start3A_353 : memref<12800xf32, #tpu.memory_space<hbm>>) target(%arg16 : memref<12800xf32, #tpu.memory_space<vmem>>) target_semaphore(%arg22 : memref<!tpu.dma_semaphore, #tpu.memory_space<semaphore_mem>>)
    %add3A_354 = arith.constant 230400 : i32
    %add3A_355 = arith.addi %mul3A_9, %add3A_354 : i32
    %dma_start3A_356 = tpu.memref_slice %arg11[%add3A_355] : memref<32000000xf32, #tpu.memory_space<hbm>> -> memref<12800xf32, #tpu.memory_space<hbm>>
    %dma_start3A_357 = tpu.memref_slice %arg11[%add3A_355] : memref<32000000xf32, #tpu.memory_space<hbm>> -> memref<12800xf32, #tpu.memory_space<hbm>>
    tpu.enqueue_dma source(%arg18 : memref<12800xf32, #tpu.memory_space<vmem>>) target(%dma_start3A_357 : memref<12800xf32, #tpu.memory_space<hbm>>) target_semaphore(%arg24 : memref<!tpu.dma_semaphore, #tpu.memory_space<semaphore_mem>>)
    %dma_wait3A_358 = arith.constant 243200 : i32
    %dma_wait3A_359 = tpu.memref_slice %arg5[%add3A, %dma_wait3A_358] : memref<32x1000000xf32, #tpu.memory_space<hbm>> -> memref<1x12800xf32, #tpu.memory_space<hbm>>
    %dma_wait3A_360 = tpu.memref_squeeze %dma_wait3A_359 : memref<1x12800xf32, #tpu.memory_space<hbm>> -> memref<12800xf32, #tpu.memory_space<hbm>>
    %dma_wait3A_361 = arith.constant 243200 : i32
    %dma_wait3A_362 = tpu.memref_slice %arg5[%add3A, %dma_wait3A_361] : memref<32x1000000xf32, #tpu.memory_space<hbm>> -> memref<1x12800xf32, #tpu.memory_space<hbm>>
    %dma_wait3A_363 = tpu.memref_squeeze %dma_wait3A_362 : memref<1x12800xf32, #tpu.memory_space<hbm>> -> memref<12800xf32, #tpu.memory_space<hbm>>
    tpu.wait_dma2 semaphore(%arg23 : memref<!tpu.dma_semaphore, #tpu.memory_space<semaphore_mem>>) src(%dma_wait3A_363 : memref<12800xf32, #tpu.memory_space<hbm>>) dst(%arg19 : memref<12800xf32, #tpu.memory_space<vmem>>)
    %dma_wait3A_364 = tpu.memref_slice %arg11[%add3A_337] : memref<32000000xf32, #tpu.memory_space<hbm>> -> memref<12800xf32, #tpu.memory_space<hbm>>
    %dma_wait3A_365 = tpu.memref_slice %arg11[%add3A_337] : memref<32000000xf32, #tpu.memory_space<hbm>> -> memref<12800xf32, #tpu.memory_space<hbm>>
    tpu.wait_dma2 semaphore(%arg25 : memref<!tpu.dma_semaphore, #tpu.memory_space<semaphore_mem>>) src(%arg17 : memref<12800xf32, #tpu.memory_space<vmem>>) dst(%dma_wait3A_365 : memref<12800xf32, #tpu.memory_space<hbm>>)
    %dma_start3A_366 = arith.constant 268800 : i32
    %dma_start3A_367 = tpu.memref_slice %arg5[%add3A, %dma_start3A_366] : memref<32x1000000xf32, #tpu.memory_space<hbm>> -> memref<1x12800xf32, #tpu.memory_space<hbm>>
    %dma_start3A_368 = tpu.memref_squeeze %dma_start3A_367 : memref<1x12800xf32, #tpu.memory_space<hbm>> -> memref<12800xf32, #tpu.memory_space<hbm>>
    %dma_start3A_369 = arith.constant 268800 : i32
    %dma_start3A_370 = tpu.memref_slice %arg5[%add3A, %dma_start3A_369] : memref<32x1000000xf32, #tpu.memory_space<hbm>> -> memref<1x12800xf32, #tpu.memory_space<hbm>>
    %dma_start3A_371 = tpu.memref_squeeze %dma_start3A_370 : memref<1x12800xf32, #tpu.memory_space<hbm>> -> memref<12800xf32, #tpu.memory_space<hbm>>
    tpu.enqueue_dma source(%dma_start3A_371 : memref<12800xf32, #tpu.memory_space<hbm>>) target(%arg17 : memref<12800xf32, #tpu.memory_space<vmem>>) target_semaphore(%arg23 : memref<!tpu.dma_semaphore, #tpu.memory_space<semaphore_mem>>)
    %add3A_372 = arith.constant 243200 : i32
    %add3A_373 = arith.addi %mul3A_9, %add3A_372 : i32
    %dma_start3A_374 = tpu.memref_slice %arg11[%add3A_373] : memref<32000000xf32, #tpu.memory_space<hbm>> -> memref<12800xf32, #tpu.memory_space<hbm>>
    %dma_start3A_375 = tpu.memref_slice %arg11[%add3A_373] : memref<32000000xf32, #tpu.memory_space<hbm>> -> memref<12800xf32, #tpu.memory_space<hbm>>
    tpu.enqueue_dma source(%arg19 : memref<12800xf32, #tpu.memory_space<vmem>>) target(%dma_start3A_375 : memref<12800xf32, #tpu.memory_space<hbm>>) target_semaphore(%arg25 : memref<!tpu.dma_semaphore, #tpu.memory_space<semaphore_mem>>)
    %dma_wait3A_376 = arith.constant 256000 : i32
    %dma_wait3A_377 = tpu.memref_slice %arg5[%add3A, %dma_wait3A_376] : memref<32x1000000xf32, #tpu.memory_space<hbm>> -> memref<1x12800xf32, #tpu.memory_space<hbm>>
    %dma_wait3A_378 = tpu.memref_squeeze %dma_wait3A_377 : memref<1x12800xf32, #tpu.memory_space<hbm>> -> memref<12800xf32, #tpu.memory_space<hbm>>
    %dma_wait3A_379 = arith.constant 256000 : i32
    %dma_wait3A_380 = tpu.memref_slice %arg5[%add3A, %dma_wait3A_379] : memref<32x1000000xf32, #tpu.memory_space<hbm>> -> memref<1x12800xf32, #tpu.memory_space<hbm>>
    %dma_wait3A_381 = tpu.memref_squeeze %dma_wait3A_380 : memref<1x12800xf32, #tpu.memory_space<hbm>> -> memref<12800xf32, #tpu.memory_space<hbm>>
    tpu.wait_dma2 semaphore(%arg22 : memref<!tpu.dma_semaphore, #tpu.memory_space<semaphore_mem>>) src(%dma_wait3A_381 : memref<12800xf32, #tpu.memory_space<hbm>>) dst(%arg16 : memref<12800xf32, #tpu.memory_space<vmem>>)
    %dma_wait3A_382 = tpu.memref_slice %arg11[%add3A_355] : memref<32000000xf32, #tpu.memory_space<hbm>> -> memref<12800xf32, #tpu.memory_space<hbm>>
    %dma_wait3A_383 = tpu.memref_slice %arg11[%add3A_355] : memref<32000000xf32, #tpu.memory_space<hbm>> -> memref<12800xf32, #tpu.memory_space<hbm>>
    tpu.wait_dma2 semaphore(%arg24 : memref<!tpu.dma_semaphore, #tpu.memory_space<semaphore_mem>>) src(%arg18 : memref<12800xf32, #tpu.memory_space<vmem>>) dst(%dma_wait3A_383 : memref<12800xf32, #tpu.memory_space<hbm>>)
    %dma_start3A_384 = arith.constant 281600 : i32
    %dma_start3A_385 = tpu.memref_slice %arg5[%add3A, %dma_start3A_384] : memref<32x1000000xf32, #tpu.memory_space<hbm>> -> memref<1x12800xf32, #tpu.memory_space<hbm>>
    %dma_start3A_386 = tpu.memref_squeeze %dma_start3A_385 : memref<1x12800xf32, #tpu.memory_space<hbm>> -> memref<12800xf32, #tpu.memory_space<hbm>>
    %dma_start3A_387 = arith.constant 281600 : i32
    %dma_start3A_388 = tpu.memref_slice %arg5[%add3A, %dma_start3A_387] : memref<32x1000000xf32, #tpu.memory_space<hbm>> -> memref<1x12800xf32, #tpu.memory_space<hbm>>
    %dma_start3A_389 = tpu.memref_squeeze %dma_start3A_388 : memref<1x12800xf32, #tpu.memory_space<hbm>> -> memref<12800xf32, #tpu.memory_space<hbm>>
    tpu.enqueue_dma source(%dma_start3A_389 : memref<12800xf32, #tpu.memory_space<hbm>>) target(%arg18 : memref<12800xf32, #tpu.memory_space<vmem>>) target_semaphore(%arg22 : memref<!tpu.dma_semaphore, #tpu.memory_space<semaphore_mem>>)
    %add3A_390 = arith.constant 256000 : i32
    %add3A_391 = arith.addi %mul3A_9, %add3A_390 : i32
    %dma_start3A_392 = tpu.memref_slice %arg11[%add3A_391] : memref<32000000xf32, #tpu.memory_space<hbm>> -> memref<12800xf32, #tpu.memory_space<hbm>>
    %dma_start3A_393 = tpu.memref_slice %arg11[%add3A_391] : memref<32000000xf32, #tpu.memory_space<hbm>> -> memref<12800xf32, #tpu.memory_space<hbm>>
    tpu.enqueue_dma source(%arg16 : memref<12800xf32, #tpu.memory_space<vmem>>) target(%dma_start3A_393 : memref<12800xf32, #tpu.memory_space<hbm>>) target_semaphore(%arg24 : memref<!tpu.dma_semaphore, #tpu.memory_space<semaphore_mem>>)
    %dma_wait3A_394 = arith.constant 268800 : i32
    %dma_wait3A_395 = tpu.memref_slice %arg5[%add3A, %dma_wait3A_394] : memref<32x1000000xf32, #tpu.memory_space<hbm>> -> memref<1x12800xf32, #tpu.memory_space<hbm>>
    %dma_wait3A_396 = tpu.memref_squeeze %dma_wait3A_395 : memref<1x12800xf32, #tpu.memory_space<hbm>> -> memref<12800xf32, #tpu.memory_space<hbm>>
    %dma_wait3A_397 = arith.constant 268800 : i32
    %dma_wait3A_398 = tpu.memref_slice %arg5[%add3A, %dma_wait3A_397] : memref<32x1000000xf32, #tpu.memory_space<hbm>> -> memref<1x12800xf32, #tpu.memory_space<hbm>>
    %dma_wait3A_399 = tpu.memref_squeeze %dma_wait3A_398 : memref<1x12800xf32, #tpu.memory_space<hbm>> -> memref<12800xf32, #tpu.memory_space<hbm>>
    tpu.wait_dma2 semaphore(%arg23 : memref<!tpu.dma_semaphore, #tpu.memory_space<semaphore_mem>>) src(%dma_wait3A_399 : memref<12800xf32, #tpu.memory_space<hbm>>) dst(%arg17 : memref<12800xf32, #tpu.memory_space<vmem>>)
    %dma_wait3A_400 = tpu.memref_slice %arg11[%add3A_373] : memref<32000000xf32, #tpu.memory_space<hbm>> -> memref<12800xf32, #tpu.memory_space<hbm>>
    %dma_wait3A_401 = tpu.memref_slice %arg11[%add3A_373] : memref<32000000xf32, #tpu.memory_space<hbm>> -> memref<12800xf32, #tpu.memory_space<hbm>>
    tpu.wait_dma2 semaphore(%arg25 : memref<!tpu.dma_semaphore, #tpu.memory_space<semaphore_mem>>) src(%arg19 : memref<12800xf32, #tpu.memory_space<vmem>>) dst(%dma_wait3A_401 : memref<12800xf32, #tpu.memory_space<hbm>>)
    %dma_start3A_402 = arith.constant 294400 : i32
    %dma_start3A_403 = tpu.memref_slice %arg5[%add3A, %dma_start3A_402] : memref<32x1000000xf32, #tpu.memory_space<hbm>> -> memref<1x12800xf32, #tpu.memory_space<hbm>>
    %dma_start3A_404 = tpu.memref_squeeze %dma_start3A_403 : memref<1x12800xf32, #tpu.memory_space<hbm>> -> memref<12800xf32, #tpu.memory_space<hbm>>
    %dma_start3A_405 = arith.constant 294400 : i32
    %dma_start3A_406 = tpu.memref_slice %arg5[%add3A, %dma_start3A_405] : memref<32x1000000xf32, #tpu.memory_space<hbm>> -> memref<1x12800xf32, #tpu.memory_space<hbm>>
    %dma_start3A_407 = tpu.memref_squeeze %dma_start3A_406 : memref<1x12800xf32, #tpu.memory_space<hbm>> -> memref<12800xf32, #tpu.memory_space<hbm>>
    tpu.enqueue_dma source(%dma_start3A_407 : memref<12800xf32, #tpu.memory_space<hbm>>) target(%arg19 : memref<12800xf32, #tpu.memory_space<vmem>>) target_semaphore(%arg23 : memref<!tpu.dma_semaphore, #tpu.memory_space<semaphore_mem>>)
    %add3A_408 = arith.constant 268800 : i32
    %add3A_409 = arith.addi %mul3A_9, %add3A_408 : i32
    %dma_start3A_410 = tpu.memref_slice %arg11[%add3A_409] : memref<32000000xf32, #tpu.memory_space<hbm>> -> memref<12800xf32, #tpu.memory_space<hbm>>
    %dma_start3A_411 = tpu.memref_slice %arg11[%add3A_409] : memref<32000000xf32, #tpu.memory_space<hbm>> -> memref<12800xf32, #tpu.memory_space<hbm>>
    tpu.enqueue_dma source(%arg17 : memref<12800xf32, #tpu.memory_space<vmem>>) target(%dma_start3A_411 : memref<12800xf32, #tpu.memory_space<hbm>>) target_semaphore(%arg25 : memref<!tpu.dma_semaphore, #tpu.memory_space<semaphore_mem>>)
    %dma_wait3A_412 = arith.constant 281600 : i32
    %dma_wait3A_413 = tpu.memref_slice %arg5[%add3A, %dma_wait3A_412] : memref<32x1000000xf32, #tpu.memory_space<hbm>> -> memref<1x12800xf32, #tpu.memory_space<hbm>>
    %dma_wait3A_414 = tpu.memref_squeeze %dma_wait3A_413 : memref<1x12800xf32, #tpu.memory_space<hbm>> -> memref<12800xf32, #tpu.memory_space<hbm>>
    %dma_wait3A_415 = arith.constant 281600 : i32
    %dma_wait3A_416 = tpu.memref_slice %arg5[%add3A, %dma_wait3A_415] : memref<32x1000000xf32, #tpu.memory_space<hbm>> -> memref<1x12800xf32, #tpu.memory_space<hbm>>
    %dma_wait3A_417 = tpu.memref_squeeze %dma_wait3A_416 : memref<1x12800xf32, #tpu.memory_space<hbm>> -> memref<12800xf32, #tpu.memory_space<hbm>>
    tpu.wait_dma2 semaphore(%arg22 : memref<!tpu.dma_semaphore, #tpu.memory_space<semaphore_mem>>) src(%dma_wait3A_417 : memref<12800xf32, #tpu.memory_space<hbm>>) dst(%arg18 : memref<12800xf32, #tpu.memory_space<vmem>>)
    %dma_wait3A_418 = tpu.memref_slice %arg11[%add3A_391] : memref<32000000xf32, #tpu.memory_space<hbm>> -> memref<12800xf32, #tpu.memory_space<hbm>>
    %dma_wait3A_419 = tpu.memref_slice %arg11[%add3A_391] : memref<32000000xf32, #tpu.memory_space<hbm>> -> memref<12800xf32, #tpu.memory_space<hbm>>
    tpu.wait_dma2 semaphore(%arg24 : memref<!tpu.dma_semaphore, #tpu.memory_space<semaphore_mem>>) src(%arg16 : memref<12800xf32, #tpu.memory_space<vmem>>) dst(%dma_wait3A_419 : memref<12800xf32, #tpu.memory_space<hbm>>)
    %dma_start3A_420 = arith.constant 307200 : i32
    %dma_start3A_421 = tpu.memref_slice %arg5[%add3A, %dma_start3A_420] : memref<32x1000000xf32, #tpu.memory_space<hbm>> -> memref<1x12800xf32, #tpu.memory_space<hbm>>
    %dma_start3A_422 = tpu.memref_squeeze %dma_start3A_421 : memref<1x12800xf32, #tpu.memory_space<hbm>> -> memref<12800xf32, #tpu.memory_space<hbm>>
    %dma_start3A_423 = arith.constant 307200 : i32
    %dma_start3A_424 = tpu.memref_slice %arg5[%add3A, %dma_start3A_423] : memref<32x1000000xf32, #tpu.memory_space<hbm>> -> memref<1x12800xf32, #tpu.memory_space<hbm>>
    %dma_start3A_425 = tpu.memref_squeeze %dma_start3A_424 : memref<1x12800xf32, #tpu.memory_space<hbm>> -> memref<12800xf32, #tpu.memory_space<hbm>>
    tpu.enqueue_dma source(%dma_start3A_425 : memref<12800xf32, #tpu.memory_space<hbm>>) target(%arg16 : memref<12800xf32, #tpu.memory_space<vmem>>) target_semaphore(%arg22 : memref<!tpu.dma_semaphore, #tpu.memory_space<semaphore_mem>>)
    %add3A_426 = arith.constant 281600 : i32
    %add3A_427 = arith.addi %mul3A_9, %add3A_426 : i32
    %dma_start3A_428 = tpu.memref_slice %arg11[%add3A_427] : memref<32000000xf32, #tpu.memory_space<hbm>> -> memref<12800xf32, #tpu.memory_space<hbm>>
    %dma_start3A_429 = tpu.memref_slice %arg11[%add3A_427] : memref<32000000xf32, #tpu.memory_space<hbm>> -> memref<12800xf32, #tpu.memory_space<hbm>>
    tpu.enqueue_dma source(%arg18 : memref<12800xf32, #tpu.memory_space<vmem>>) target(%dma_start3A_429 : memref<12800xf32, #tpu.memory_space<hbm>>) target_semaphore(%arg24 : memref<!tpu.dma_semaphore, #tpu.memory_space<semaphore_mem>>)
    %dma_wait3A_430 = arith.constant 294400 : i32
    %dma_wait3A_431 = tpu.memref_slice %arg5[%add3A, %dma_wait3A_430] : memref<32x1000000xf32, #tpu.memory_space<hbm>> -> memref<1x12800xf32, #tpu.memory_space<hbm>>
    %dma_wait3A_432 = tpu.memref_squeeze %dma_wait3A_431 : memref<1x12800xf32, #tpu.memory_space<hbm>> -> memref<12800xf32, #tpu.memory_space<hbm>>
    %dma_wait3A_433 = arith.constant 294400 : i32
    %dma_wait3A_434 = tpu.memref_slice %arg5[%add3A, %dma_wait3A_433] : memref<32x1000000xf32, #tpu.memory_space<hbm>> -> memref<1x12800xf32, #tpu.memory_space<hbm>>
    %dma_wait3A_435 = tpu.memref_squeeze %dma_wait3A_434 : memref<1x12800xf32, #tpu.memory_space<hbm>> -> memref<12800xf32, #tpu.memory_space<hbm>>
    tpu.wait_dma2 semaphore(%arg23 : memref<!tpu.dma_semaphore, #tpu.memory_space<semaphore_mem>>) src(%dma_wait3A_435 : memref<12800xf32, #tpu.memory_space<hbm>>) dst(%arg19 : memref<12800xf32, #tpu.memory_space<vmem>>)
    %dma_wait3A_436 = tpu.memref_slice %arg11[%add3A_409] : memref<32000000xf32, #tpu.memory_space<hbm>> -> memref<12800xf32, #tpu.memory_space<hbm>>
    %dma_wait3A_437 = tpu.memref_slice %arg11[%add3A_409] : memref<32000000xf32, #tpu.memory_space<hbm>> -> memref<12800xf32, #tpu.memory_space<hbm>>
    tpu.wait_dma2 semaphore(%arg25 : memref<!tpu.dma_semaphore, #tpu.memory_space<semaphore_mem>>) src(%arg17 : memref<12800xf32, #tpu.memory_space<vmem>>) dst(%dma_wait3A_437 : memref<12800xf32, #tpu.memory_space<hbm>>)
    %dma_start3A_438 = arith.constant 320000 : i32
    %dma_start3A_439 = tpu.memref_slice %arg5[%add3A, %dma_start3A_438] : memref<32x1000000xf32, #tpu.memory_space<hbm>> -> memref<1x12800xf32, #tpu.memory_space<hbm>>
    %dma_start3A_440 = tpu.memref_squeeze %dma_start3A_439 : memref<1x12800xf32, #tpu.memory_space<hbm>> -> memref<12800xf32, #tpu.memory_space<hbm>>
    %dma_start3A_441 = arith.constant 320000 : i32
    %dma_start3A_442 = tpu.memref_slice %arg5[%add3A, %dma_start3A_441] : memref<32x1000000xf32, #tpu.memory_space<hbm>> -> memref<1x12800xf32, #tpu.memory_space<hbm>>
    %dma_start3A_443 = tpu.memref_squeeze %dma_start3A_442 : memref<1x12800xf32, #tpu.memory_space<hbm>> -> memref<12800xf32, #tpu.memory_space<hbm>>
    tpu.enqueue_dma source(%dma_start3A_443 : memref<12800xf32, #tpu.memory_space<hbm>>) target(%arg17 : memref<12800xf32, #tpu.memory_space<vmem>>) target_semaphore(%arg23 : memref<!tpu.dma_semaphore, #tpu.memory_space<semaphore_mem>>)
    %add3A_444 = arith.constant 294400 : i32
    %add3A_445 = arith.addi %mul3A_9, %add3A_444 : i32
    %dma_start3A_446 = tpu.memref_slice %arg11[%add3A_445] : memref<32000000xf32, #tpu.memory_space<hbm>> -> memref<12800xf32, #tpu.memory_space<hbm>>
    %dma_start3A_447 = tpu.memref_slice %arg11[%add3A_445] : memref<32000000xf32, #tpu.memory_space<hbm>> -> memref<12800xf32, #tpu.memory_space<hbm>>
    tpu.enqueue_dma source(%arg19 : memref<12800xf32, #tpu.memory_space<vmem>>) target(%dma_start3A_447 : memref<12800xf32, #tpu.memory_space<hbm>>) target_semaphore(%arg25 : memref<!tpu.dma_semaphore, #tpu.memory_space<semaphore_mem>>)
    %dma_wait3A_448 = arith.constant 307200 : i32
    %dma_wait3A_449 = tpu.memref_slice %arg5[%add3A, %dma_wait3A_448] : memref<32x1000000xf32, #tpu.memory_space<hbm>> -> memref<1x12800xf32, #tpu.memory_space<hbm>>
    %dma_wait3A_450 = tpu.memref_squeeze %dma_wait3A_449 : memref<1x12800xf32, #tpu.memory_space<hbm>> -> memref<12800xf32, #tpu.memory_space<hbm>>
    %dma_wait3A_451 = arith.constant 307200 : i32
    %dma_wait3A_452 = tpu.memref_slice %arg5[%add3A, %dma_wait3A_451] : memref<32x1000000xf32, #tpu.memory_space<hbm>> -> memref<1x12800xf32, #tpu.memory_space<hbm>>
    %dma_wait3A_453 = tpu.memref_squeeze %dma_wait3A_452 : memref<1x12800xf32, #tpu.memory_space<hbm>> -> memref<12800xf32, #tpu.memory_space<hbm>>
    tpu.wait_dma2 semaphore(%arg22 : memref<!tpu.dma_semaphore, #tpu.memory_space<semaphore_mem>>) src(%dma_wait3A_453 : memref<12800xf32, #tpu.memory_space<hbm>>) dst(%arg16 : memref<12800xf32, #tpu.memory_space<vmem>>)
    %dma_wait3A_454 = tpu.memref_slice %arg11[%add3A_427] : memref<32000000xf32, #tpu.memory_space<hbm>> -> memref<12800xf32, #tpu.memory_space<hbm>>
    %dma_wait3A_455 = tpu.memref_slice %arg11[%add3A_427] : memref<32000000xf32, #tpu.memory_space<hbm>> -> memref<12800xf32, #tpu.memory_space<hbm>>
    tpu.wait_dma2 semaphore(%arg24 : memref<!tpu.dma_semaphore, #tpu.memory_space<semaphore_mem>>) src(%arg18 : memref<12800xf32, #tpu.memory_space<vmem>>) dst(%dma_wait3A_455 : memref<12800xf32, #tpu.memory_space<hbm>>)
    %dma_start3A_456 = arith.constant 332800 : i32
    %dma_start3A_457 = tpu.memref_slice %arg5[%add3A, %dma_start3A_456] : memref<32x1000000xf32, #tpu.memory_space<hbm>> -> memref<1x12800xf32, #tpu.memory_space<hbm>>
    %dma_start3A_458 = tpu.memref_squeeze %dma_start3A_457 : memref<1x12800xf32, #tpu.memory_space<hbm>> -> memref<12800xf32, #tpu.memory_space<hbm>>
    %dma_start3A_459 = arith.constant 332800 : i32
    %dma_start3A_460 = tpu.memref_slice %arg5[%add3A, %dma_start3A_459] : memref<32x1000000xf32, #tpu.memory_space<hbm>> -> memref<1x12800xf32, #tpu.memory_space<hbm>>
    %dma_start3A_461 = tpu.memref_squeeze %dma_start3A_460 : memref<1x12800xf32, #tpu.memory_space<hbm>> -> memref<12800xf32, #tpu.memory_space<hbm>>
    tpu.enqueue_dma source(%dma_start3A_461 : memref<12800xf32, #tpu.memory_space<hbm>>) target(%arg18 : memref<12800xf32, #tpu.memory_space<vmem>>) target_semaphore(%arg22 : memref<!tpu.dma_semaphore, #tpu.memory_space<semaphore_mem>>)
    %add3A_462 = arith.constant 307200 : i32
    %add3A_463 = arith.addi %mul3A_9, %add3A_462 : i32
    %dma_start3A_464 = tpu.memref_slice %arg11[%add3A_463] : memref<32000000xf32, #tpu.memory_space<hbm>> -> memref<12800xf32, #tpu.memory_space<hbm>>
    %dma_start3A_465 = tpu.memref_slice %arg11[%add3A_463] : memref<32000000xf32, #tpu.memory_space<hbm>> -> memref<12800xf32, #tpu.memory_space<hbm>>
    tpu.enqueue_dma source(%arg16 : memref<12800xf32, #tpu.memory_space<vmem>>) target(%dma_start3A_465 : memref<12800xf32, #tpu.memory_space<hbm>>) target_semaphore(%arg24 : memref<!tpu.dma_semaphore, #tpu.memory_space<semaphore_mem>>)
    %dma_wait3A_466 = arith.constant 320000 : i32
    %dma_wait3A_467 = tpu.memref_slice %arg5[%add3A, %dma_wait3A_466] : memref<32x1000000xf32, #tpu.memory_space<hbm>> -> memref<1x12800xf32, #tpu.memory_space<hbm>>
    %dma_wait3A_468 = tpu.memref_squeeze %dma_wait3A_467 : memref<1x12800xf32, #tpu.memory_space<hbm>> -> memref<12800xf32, #tpu.memory_space<hbm>>
    %dma_wait3A_469 = arith.constant 320000 : i32
    %dma_wait3A_470 = tpu.memref_slice %arg5[%add3A, %dma_wait3A_469] : memref<32x1000000xf32, #tpu.memory_space<hbm>> -> memref<1x12800xf32, #tpu.memory_space<hbm>>
    %dma_wait3A_471 = tpu.memref_squeeze %dma_wait3A_470 : memref<1x12800xf32, #tpu.memory_space<hbm>> -> memref<12800xf32, #tpu.memory_space<hbm>>
    tpu.wait_dma2 semaphore(%arg23 : memref<!tpu.dma_semaphore, #tpu.memory_space<semaphore_mem>>) src(%dma_wait3A_471 : memref<12800xf32, #tpu.memory_space<hbm>>) dst(%arg17 : memref<12800xf32, #tpu.memory_space<vmem>>)
    %dma_wait3A_472 = tpu.memref_slice %arg11[%add3A_445] : memref<32000000xf32, #tpu.memory_space<hbm>> -> memref<12800xf32, #tpu.memory_space<hbm>>
    %dma_wait3A_473 = tpu.memref_slice %arg11[%add3A_445] : memref<32000000xf32, #tpu.memory_space<hbm>> -> memref<12800xf32, #tpu.memory_space<hbm>>
    tpu.wait_dma2 semaphore(%arg25 : memref<!tpu.dma_semaphore, #tpu.memory_space<semaphore_mem>>) src(%arg19 : memref<12800xf32, #tpu.memory_space<vmem>>) dst(%dma_wait3A_473 : memref<12800xf32, #tpu.memory_space<hbm>>)
    %dma_start3A_474 = arith.constant 345600 : i32
    %dma_start3A_475 = tpu.memref_slice %arg5[%add3A, %dma_start3A_474] : memref<32x1000000xf32, #tpu.memory_space<hbm>> -> memref<1x12800xf32, #tpu.memory_space<hbm>>
    %dma_start3A_476 = tpu.memref_squeeze %dma_start3A_475 : memref<1x12800xf32, #tpu.memory_space<hbm>> -> memref<12800xf32, #tpu.memory_space<hbm>>
    %dma_start3A_477 = arith.constant 345600 : i32
    %dma_start3A_478 = tpu.memref_slice %arg5[%add3A, %dma_start3A_477] : memref<32x1000000xf32, #tpu.memory_space<hbm>> -> memref<1x12800xf32, #tpu.memory_space<hbm>>
    %dma_start3A_479 = tpu.memref_squeeze %dma_start3A_478 : memref<1x12800xf32, #tpu.memory_space<hbm>> -> memref<12800xf32, #tpu.memory_space<hbm>>
    tpu.enqueue_dma source(%dma_start3A_479 : memref<12800xf32, #tpu.memory_space<hbm>>) target(%arg19 : memref<12800xf32, #tpu.memory_space<vmem>>) target_semaphore(%arg23 : memref<!tpu.dma_semaphore, #tpu.memory_space<semaphore_mem>>)
    %add3A_480 = arith.constant 320000 : i32
    %add3A_481 = arith.addi %mul3A_9, %add3A_480 : i32
    %dma_start3A_482 = tpu.memref_slice %arg11[%add3A_481] : memref<32000000xf32, #tpu.memory_space<hbm>> -> memref<12800xf32, #tpu.memory_space<hbm>>
    %dma_start3A_483 = tpu.memref_slice %arg11[%add3A_481] : memref<32000000xf32, #tpu.memory_space<hbm>> -> memref<12800xf32, #tpu.memory_space<hbm>>
    tpu.enqueue_dma source(%arg17 : memref<12800xf32, #tpu.memory_space<vmem>>) target(%dma_start3A_483 : memref<12800xf32, #tpu.memory_space<hbm>>) target_semaphore(%arg25 : memref<!tpu.dma_semaphore, #tpu.memory_space<semaphore_mem>>)
    %dma_wait3A_484 = arith.constant 332800 : i32
    %dma_wait3A_485 = tpu.memref_slice %arg5[%add3A, %dma_wait3A_484] : memref<32x1000000xf32, #tpu.memory_space<hbm>> -> memref<1x12800xf32, #tpu.memory_space<hbm>>
    %dma_wait3A_486 = tpu.memref_squeeze %dma_wait3A_485 : memref<1x12800xf32, #tpu.memory_space<hbm>> -> memref<12800xf32, #tpu.memory_space<hbm>>
    %dma_wait3A_487 = arith.constant 332800 : i32
    %dma_wait3A_488 = tpu.memref_slice %arg5[%add3A, %dma_wait3A_487] : memref<32x1000000xf32, #tpu.memory_space<hbm>> -> memref<1x12800xf32, #tpu.memory_space<hbm>>
    %dma_wait3A_489 = tpu.memref_squeeze %dma_wait3A_488 : memref<1x12800xf32, #tpu.memory_space<hbm>> -> memref<12800xf32, #tpu.memory_space<hbm>>
    tpu.wait_dma2 semaphore(%arg22 : memref<!tpu.dma_semaphore, #tpu.memory_space<semaphore_mem>>) src(%dma_wait3A_489 : memref<12800xf32, #tpu.memory_space<hbm>>) dst(%arg18 : memref<12800xf32, #tpu.memory_space<vmem>>)
    %dma_wait3A_490 = tpu.memref_slice %arg11[%add3A_463] : memref<32000000xf32, #tpu.memory_space<hbm>> -> memref<12800xf32, #tpu.memory_space<hbm>>
    %dma_wait3A_491 = tpu.memref_slice %arg11[%add3A_463] : memref<32000000xf32, #tpu.memory_space<hbm>> -> memref<12800xf32, #tpu.memory_space<hbm>>
    tpu.wait_dma2 semaphore(%arg24 : memref<!tpu.dma_semaphore, #tpu.memory_space<semaphore_mem>>) src(%arg16 : memref<12800xf32, #tpu.memory_space<vmem>>) dst(%dma_wait3A_491 : memref<12800xf32, #tpu.memory_space<hbm>>)
    %dma_start3A_492 = arith.constant 358400 : i32
    %dma_start3A_493 = tpu.memref_slice %arg5[%add3A, %dma_start3A_492] : memref<32x1000000xf32, #tpu.memory_space<hbm>> -> memref<1x12800xf32, #tpu.memory_space<hbm>>
    %dma_start3A_494 = tpu.memref_squeeze %dma_start3A_493 : memref<1x12800xf32, #tpu.memory_space<hbm>> -> memref<12800xf32, #tpu.memory_space<hbm>>
    %dma_start3A_495 = arith.constant 358400 : i32
    %dma_start3A_496 = tpu.memref_slice %arg5[%add3A, %dma_start3A_495] : memref<32x1000000xf32, #tpu.memory_space<hbm>> -> memref<1x12800xf32, #tpu.memory_space<hbm>>
    %dma_start3A_497 = tpu.memref_squeeze %dma_start3A_496 : memref<1x12800xf32, #tpu.memory_space<hbm>> -> memref<12800xf32, #tpu.memory_space<hbm>>
    tpu.enqueue_dma source(%dma_start3A_497 : memref<12800xf32, #tpu.memory_space<hbm>>) target(%arg16 : memref<12800xf32, #tpu.memory_space<vmem>>) target_semaphore(%arg22 : memref<!tpu.dma_semaphore, #tpu.memory_space<semaphore_mem>>)
    %add3A_498 = arith.constant 332800 : i32
    %add3A_499 = arith.addi %mul3A_9, %add3A_498 : i32
    %dma_start3A_500 = tpu.memref_slice %arg11[%add3A_499] : memref<32000000xf32, #tpu.memory_space<hbm>> -> memref<12800xf32, #tpu.memory_space<hbm>>
    %dma_start3A_501 = tpu.memref_slice %arg11[%add3A_499] : memref<32000000xf32, #tpu.memory_space<hbm>> -> memref<12800xf32, #tpu.memory_space<hbm>>
    tpu.enqueue_dma source(%arg18 : memref<12800xf32, #tpu.memory_space<vmem>>) target(%dma_start3A_501 : memref<12800xf32, #tpu.memory_space<hbm>>) target_semaphore(%arg24 : memref<!tpu.dma_semaphore, #tpu.memory_space<semaphore_mem>>)
    %dma_wait3A_502 = arith.constant 345600 : i32
    %dma_wait3A_503 = tpu.memref_slice %arg5[%add3A, %dma_wait3A_502] : memref<32x1000000xf32, #tpu.memory_space<hbm>> -> memref<1x12800xf32, #tpu.memory_space<hbm>>
    %dma_wait3A_504 = tpu.memref_squeeze %dma_wait3A_503 : memref<1x12800xf32, #tpu.memory_space<hbm>> -> memref<12800xf32, #tpu.memory_space<hbm>>
    %dma_wait3A_505 = arith.constant 345600 : i32
    %dma_wait3A_506 = tpu.memref_slice %arg5[%add3A, %dma_wait3A_505] : memref<32x1000000xf32, #tpu.memory_space<hbm>> -> memref<1x12800xf32, #tpu.memory_space<hbm>>
    %dma_wait3A_507 = tpu.memref_squeeze %dma_wait3A_506 : memref<1x12800xf32, #tpu.memory_space<hbm>> -> memref<12800xf32, #tpu.memory_space<hbm>>
    tpu.wait_dma2 semaphore(%arg23 : memref<!tpu.dma_semaphore, #tpu.memory_space<semaphore_mem>>) src(%dma_wait3A_507 : memref<12800xf32, #tpu.memory_space<hbm>>) dst(%arg19 : memref<12800xf32, #tpu.memory_space<vmem>>)
    %dma_wait3A_508 = tpu.memref_slice %arg11[%add3A_481] : memref<32000000xf32, #tpu.memory_space<hbm>> -> memref<12800xf32, #tpu.memory_space<hbm>>
    %dma_wait3A_509 = tpu.memref_slice %arg11[%add3A_481] : memref<32000000xf32, #tpu.memory_space<hbm>> -> memref<12800xf32, #tpu.memory_space<hbm>>
    tpu.wait_dma2 semaphore(%arg25 : memref<!tpu.dma_semaphore, #tpu.memory_space<semaphore_mem>>) src(%arg17 : memref<12800xf32, #tpu.memory_space<vmem>>) dst(%dma_wait3A_509 : memref<12800xf32, #tpu.memory_space<hbm>>)
    %dma_start3A_510 = arith.constant 371200 : i32
    %dma_start3A_511 = tpu.memref_slice %arg5[%add3A, %dma_start3A_510] : memref<32x1000000xf32, #tpu.memory_space<hbm>> -> memref<1x12800xf32, #tpu.memory_space<hbm>>
    %dma_start3A_512 = tpu.memref_squeeze %dma_start3A_511 : memref<1x12800xf32, #tpu.memory_space<hbm>> -> memref<12800xf32, #tpu.memory_space<hbm>>
    %dma_start3A_513 = arith.constant 371200 : i32
    %dma_start3A_514 = tpu.memref_slice %arg5[%add3A, %dma_start3A_513] : memref<32x1000000xf32, #tpu.memory_space<hbm>> -> memref<1x12800xf32, #tpu.memory_space<hbm>>
    %dma_start3A_515 = tpu.memref_squeeze %dma_start3A_514 : memref<1x12800xf32, #tpu.memory_space<hbm>> -> memref<12800xf32, #tpu.memory_space<hbm>>
    tpu.enqueue_dma source(%dma_start3A_515 : memref<12800xf32, #tpu.memory_space<hbm>>) target(%arg17 : memref<12800xf32, #tpu.memory_space<vmem>>) target_semaphore(%arg23 : memref<!tpu.dma_semaphore, #tpu.memory_space<semaphore_mem>>)
    %add3A_516 = arith.constant 345600 : i32
    %add3A_517 = arith.addi %mul3A_9, %add3A_516 : i32
    %dma_start3A_518 = tpu.memref_slice %arg11[%add3A_517] : memref<32000000xf32, #tpu.memory_space<hbm>> -> memref<12800xf32, #tpu.memory_space<hbm>>
    %dma_start3A_519 = tpu.memref_slice %arg11[%add3A_517] : memref<32000000xf32, #tpu.memory_space<hbm>> -> memref<12800xf32, #tpu.memory_space<hbm>>
    tpu.enqueue_dma source(%arg19 : memref<12800xf32, #tpu.memory_space<vmem>>) target(%dma_start3A_519 : memref<12800xf32, #tpu.memory_space<hbm>>) target_semaphore(%arg25 : memref<!tpu.dma_semaphore, #tpu.memory_space<semaphore_mem>>)
    %dma_wait3A_520 = arith.constant 358400 : i32
    %dma_wait3A_521 = tpu.memref_slice %arg5[%add3A, %dma_wait3A_520] : memref<32x1000000xf32, #tpu.memory_space<hbm>> -> memref<1x12800xf32, #tpu.memory_space<hbm>>
    %dma_wait3A_522 = tpu.memref_squeeze %dma_wait3A_521 : memref<1x12800xf32, #tpu.memory_space<hbm>> -> memref<12800xf32, #tpu.memory_space<hbm>>
    %dma_wait3A_523 = arith.constant 358400 : i32
    %dma_wait3A_524 = tpu.memref_slice %arg5[%add3A, %dma_wait3A_523] : memref<32x1000000xf32, #tpu.memory_space<hbm>> -> memref<1x12800xf32, #tpu.memory_space<hbm>>
    %dma_wait3A_525 = tpu.memref_squeeze %dma_wait3A_524 : memref<1x12800xf32, #tpu.memory_space<hbm>> -> memref<12800xf32, #tpu.memory_space<hbm>>
    tpu.wait_dma2 semaphore(%arg22 : memref<!tpu.dma_semaphore, #tpu.memory_space<semaphore_mem>>) src(%dma_wait3A_525 : memref<12800xf32, #tpu.memory_space<hbm>>) dst(%arg16 : memref<12800xf32, #tpu.memory_space<vmem>>)
    %dma_wait3A_526 = tpu.memref_slice %arg11[%add3A_499] : memref<32000000xf32, #tpu.memory_space<hbm>> -> memref<12800xf32, #tpu.memory_space<hbm>>
    %dma_wait3A_527 = tpu.memref_slice %arg11[%add3A_499] : memref<32000000xf32, #tpu.memory_space<hbm>> -> memref<12800xf32, #tpu.memory_space<hbm>>
    tpu.wait_dma2 semaphore(%arg24 : memref<!tpu.dma_semaphore, #tpu.memory_space<semaphore_mem>>) src(%arg18 : memref<12800xf32, #tpu.memory_space<vmem>>) dst(%dma_wait3A_527 : memref<12800xf32, #tpu.memory_space<hbm>>)
    %dma_start3A_528 = arith.constant 384000 : i32
    %dma_start3A_529 = tpu.memref_slice %arg5[%add3A, %dma_start3A_528] : memref<32x1000000xf32, #tpu.memory_space<hbm>> -> memref<1x12800xf32, #tpu.memory_space<hbm>>
    %dma_start3A_530 = tpu.memref_squeeze %dma_start3A_529 : memref<1x12800xf32, #tpu.memory_space<hbm>> -> memref<12800xf32, #tpu.memory_space<hbm>>
    %dma_start3A_531 = arith.constant 384000 : i32
    %dma_start3A_532 = tpu.memref_slice %arg5[%add3A, %dma_start3A_531] : memref<32x1000000xf32, #tpu.memory_space<hbm>> -> memref<1x12800xf32, #tpu.memory_space<hbm>>
    %dma_start3A_533 = tpu.memref_squeeze %dma_start3A_532 : memref<1x12800xf32, #tpu.memory_space<hbm>> -> memref<12800xf32, #tpu.memory_space<hbm>>
    tpu.enqueue_dma source(%dma_start3A_533 : memref<12800xf32, #tpu.memory_space<hbm>>) target(%arg18 : memref<12800xf32, #tpu.memory_space<vmem>>) target_semaphore(%arg22 : memref<!tpu.dma_semaphore, #tpu.memory_space<semaphore_mem>>)
    %add3A_534 = arith.constant 358400 : i32
    %add3A_535 = arith.addi %mul3A_9, %add3A_534 : i32
    %dma_start3A_536 = tpu.memref_slice %arg11[%add3A_535] : memref<32000000xf32, #tpu.memory_space<hbm>> -> memref<12800xf32, #tpu.memory_space<hbm>>
    %dma_start3A_537 = tpu.memref_slice %arg11[%add3A_535] : memref<32000000xf32, #tpu.memory_space<hbm>> -> memref<12800xf32, #tpu.memory_space<hbm>>
    tpu.enqueue_dma source(%arg16 : memref<12800xf32, #tpu.memory_space<vmem>>) target(%dma_start3A_537 : memref<12800xf32, #tpu.memory_space<hbm>>) target_semaphore(%arg24 : memref<!tpu.dma_semaphore, #tpu.memory_space<semaphore_mem>>)
    %dma_wait3A_538 = arith.constant 371200 : i32
    %dma_wait3A_539 = tpu.memref_slice %arg5[%add3A, %dma_wait3A_538] : memref<32x1000000xf32, #tpu.memory_space<hbm>> -> memref<1x12800xf32, #tpu.memory_space<hbm>>
    %dma_wait3A_540 = tpu.memref_squeeze %dma_wait3A_539 : memref<1x12800xf32, #tpu.memory_space<hbm>> -> memref<12800xf32, #tpu.memory_space<hbm>>
    %dma_wait3A_541 = arith.constant 371200 : i32
    %dma_wait3A_542 = tpu.memref_slice %arg5[%add3A, %dma_wait3A_541] : memref<32x1000000xf32, #tpu.memory_space<hbm>> -> memref<1x12800xf32, #tpu.memory_space<hbm>>
    %dma_wait3A_543 = tpu.memref_squeeze %dma_wait3A_542 : memref<1x12800xf32, #tpu.memory_space<hbm>> -> memref<12800xf32, #tpu.memory_space<hbm>>
    tpu.wait_dma2 semaphore(%arg23 : memref<!tpu.dma_semaphore, #tpu.memory_space<semaphore_mem>>) src(%dma_wait3A_543 : memref<12800xf32, #tpu.memory_space<hbm>>) dst(%arg17 : memref<12800xf32, #tpu.memory_space<vmem>>)
    %dma_wait3A_544 = tpu.memref_slice %arg11[%add3A_517] : memref<32000000xf32, #tpu.memory_space<hbm>> -> memref<12800xf32, #tpu.memory_space<hbm>>
    %dma_wait3A_545 = tpu.memref_slice %arg11[%add3A_517] : memref<32000000xf32, #tpu.memory_space<hbm>> -> memref<12800xf32, #tpu.memory_space<hbm>>
    tpu.wait_dma2 semaphore(%arg25 : memref<!tpu.dma_semaphore, #tpu.memory_space<semaphore_mem>>) src(%arg19 : memref<12800xf32, #tpu.memory_space<vmem>>) dst(%dma_wait3A_545 : memref<12800xf32, #tpu.memory_space<hbm>>)
    %dma_start3A_546 = arith.constant 396800 : i32
    %dma_start3A_547 = tpu.memref_slice %arg5[%add3A, %dma_start3A_546] : memref<32x1000000xf32, #tpu.memory_space<hbm>> -> memref<1x12800xf32, #tpu.memory_space<hbm>>
    %dma_start3A_548 = tpu.memref_squeeze %dma_start3A_547 : memref<1x12800xf32, #tpu.memory_space<hbm>> -> memref<12800xf32, #tpu.memory_space<hbm>>
    %dma_start3A_549 = arith.constant 396800 : i32
    %dma_start3A_550 = tpu.memref_slice %arg5[%add3A, %dma_start3A_549] : memref<32x1000000xf32, #tpu.memory_space<hbm>> -> memref<1x12800xf32, #tpu.memory_space<hbm>>
    %dma_start3A_551 = tpu.memref_squeeze %dma_start3A_550 : memref<1x12800xf32, #tpu.memory_space<hbm>> -> memref<12800xf32, #tpu.memory_space<hbm>>
    tpu.enqueue_dma source(%dma_start3A_551 : memref<12800xf32, #tpu.memory_space<hbm>>) target(%arg19 : memref<12800xf32, #tpu.memory_space<vmem>>) target_semaphore(%arg23 : memref<!tpu.dma_semaphore, #tpu.memory_space<semaphore_mem>>)
    %add3A_552 = arith.constant 371200 : i32
    %add3A_553 = arith.addi %mul3A_9, %add3A_552 : i32
    %dma_start3A_554 = tpu.memref_slice %arg11[%add3A_553] : memref<32000000xf32, #tpu.memory_space<hbm>> -> memref<12800xf32, #tpu.memory_space<hbm>>
    %dma_start3A_555 = tpu.memref_slice %arg11[%add3A_553] : memref<32000000xf32, #tpu.memory_space<hbm>> -> memref<12800xf32, #tpu.memory_space<hbm>>
    tpu.enqueue_dma source(%arg17 : memref<12800xf32, #tpu.memory_space<vmem>>) target(%dma_start3A_555 : memref<12800xf32, #tpu.memory_space<hbm>>) target_semaphore(%arg25 : memref<!tpu.dma_semaphore, #tpu.memory_space<semaphore_mem>>)
    %dma_wait3A_556 = arith.constant 384000 : i32
    %dma_wait3A_557 = tpu.memref_slice %arg5[%add3A, %dma_wait3A_556] : memref<32x1000000xf32, #tpu.memory_space<hbm>> -> memref<1x12800xf32, #tpu.memory_space<hbm>>
    %dma_wait3A_558 = tpu.memref_squeeze %dma_wait3A_557 : memref<1x12800xf32, #tpu.memory_space<hbm>> -> memref<12800xf32, #tpu.memory_space<hbm>>
    %dma_wait3A_559 = arith.constant 384000 : i32
    %dma_wait3A_560 = tpu.memref_slice %arg5[%add3A, %dma_wait3A_559] : memref<32x1000000xf32, #tpu.memory_space<hbm>> -> memref<1x12800xf32, #tpu.memory_space<hbm>>
    %dma_wait3A_561 = tpu.memref_squeeze %dma_wait3A_560 : memref<1x12800xf32, #tpu.memory_space<hbm>> -> memref<12800xf32, #tpu.memory_space<hbm>>
    tpu.wait_dma2 semaphore(%arg22 : memref<!tpu.dma_semaphore, #tpu.memory_space<semaphore_mem>>) src(%dma_wait3A_561 : memref<12800xf32, #tpu.memory_space<hbm>>) dst(%arg18 : memref<12800xf32, #tpu.memory_space<vmem>>)
    %dma_wait3A_562 = tpu.memref_slice %arg11[%add3A_535] : memref<32000000xf32, #tpu.memory_space<hbm>> -> memref<12800xf32, #tpu.memory_space<hbm>>
    %dma_wait3A_563 = tpu.memref_slice %arg11[%add3A_535] : memref<32000000xf32, #tpu.memory_space<hbm>> -> memref<12800xf32, #tpu.memory_space<hbm>>
    tpu.wait_dma2 semaphore(%arg24 : memref<!tpu.dma_semaphore, #tpu.memory_space<semaphore_mem>>) src(%arg16 : memref<12800xf32, #tpu.memory_space<vmem>>) dst(%dma_wait3A_563 : memref<12800xf32, #tpu.memory_space<hbm>>)
    %dma_start3A_564 = arith.constant 409600 : i32
    %dma_start3A_565 = tpu.memref_slice %arg5[%add3A, %dma_start3A_564] : memref<32x1000000xf32, #tpu.memory_space<hbm>> -> memref<1x12800xf32, #tpu.memory_space<hbm>>
    %dma_start3A_566 = tpu.memref_squeeze %dma_start3A_565 : memref<1x12800xf32, #tpu.memory_space<hbm>> -> memref<12800xf32, #tpu.memory_space<hbm>>
    %dma_start3A_567 = arith.constant 409600 : i32
    %dma_start3A_568 = tpu.memref_slice %arg5[%add3A, %dma_start3A_567] : memref<32x1000000xf32, #tpu.memory_space<hbm>> -> memref<1x12800xf32, #tpu.memory_space<hbm>>
    %dma_start3A_569 = tpu.memref_squeeze %dma_start3A_568 : memref<1x12800xf32, #tpu.memory_space<hbm>> -> memref<12800xf32, #tpu.memory_space<hbm>>
    tpu.enqueue_dma source(%dma_start3A_569 : memref<12800xf32, #tpu.memory_space<hbm>>) target(%arg16 : memref<12800xf32, #tpu.memory_space<vmem>>) target_semaphore(%arg22 : memref<!tpu.dma_semaphore, #tpu.memory_space<semaphore_mem>>)
    %add3A_570 = arith.constant 384000 : i32
    %add3A_571 = arith.addi %mul3A_9, %add3A_570 : i32
    %dma_start3A_572 = tpu.memref_slice %arg11[%add3A_571] : memref<32000000xf32, #tpu.memory_space<hbm>> -> memref<12800xf32, #tpu.memory_space<hbm>>
    %dma_start3A_573 = tpu.memref_slice %arg11[%add3A_571] : memref<32000000xf32, #tpu.memory_space<hbm>> -> memref<12800xf32, #tpu.memory_space<hbm>>
    tpu.enqueue_dma source(%arg18 : memref<12800xf32, #tpu.memory_space<vmem>>) target(%dma_start3A_573 : memref<12800xf32, #tpu.memory_space<hbm>>) target_semaphore(%arg24 : memref<!tpu.dma_semaphore, #tpu.memory_space<semaphore_mem>>)
    %dma_wait3A_574 = arith.constant 396800 : i32
    %dma_wait3A_575 = tpu.memref_slice %arg5[%add3A, %dma_wait3A_574] : memref<32x1000000xf32, #tpu.memory_space<hbm>> -> memref<1x12800xf32, #tpu.memory_space<hbm>>
    %dma_wait3A_576 = tpu.memref_squeeze %dma_wait3A_575 : memref<1x12800xf32, #tpu.memory_space<hbm>> -> memref<12800xf32, #tpu.memory_space<hbm>>
    %dma_wait3A_577 = arith.constant 396800 : i32
    %dma_wait3A_578 = tpu.memref_slice %arg5[%add3A, %dma_wait3A_577] : memref<32x1000000xf32, #tpu.memory_space<hbm>> -> memref<1x12800xf32, #tpu.memory_space<hbm>>
    %dma_wait3A_579 = tpu.memref_squeeze %dma_wait3A_578 : memref<1x12800xf32, #tpu.memory_space<hbm>> -> memref<12800xf32, #tpu.memory_space<hbm>>
    tpu.wait_dma2 semaphore(%arg23 : memref<!tpu.dma_semaphore, #tpu.memory_space<semaphore_mem>>) src(%dma_wait3A_579 : memref<12800xf32, #tpu.memory_space<hbm>>) dst(%arg19 : memref<12800xf32, #tpu.memory_space<vmem>>)
    %dma_wait3A_580 = tpu.memref_slice %arg11[%add3A_553] : memref<32000000xf32, #tpu.memory_space<hbm>> -> memref<12800xf32, #tpu.memory_space<hbm>>
    %dma_wait3A_581 = tpu.memref_slice %arg11[%add3A_553] : memref<32000000xf32, #tpu.memory_space<hbm>> -> memref<12800xf32, #tpu.memory_space<hbm>>
    tpu.wait_dma2 semaphore(%arg25 : memref<!tpu.dma_semaphore, #tpu.memory_space<semaphore_mem>>) src(%arg17 : memref<12800xf32, #tpu.memory_space<vmem>>) dst(%dma_wait3A_581 : memref<12800xf32, #tpu.memory_space<hbm>>)
    %dma_start3A_582 = arith.constant 422400 : i32
    %dma_start3A_583 = tpu.memref_slice %arg5[%add3A, %dma_start3A_582] : memref<32x1000000xf32, #tpu.memory_space<hbm>> -> memref<1x12800xf32, #tpu.memory_space<hbm>>
    %dma_start3A_584 = tpu.memref_squeeze %dma_start3A_583 : memref<1x12800xf32, #tpu.memory_space<hbm>> -> memref<12800xf32, #tpu.memory_space<hbm>>
    %dma_start3A_585 = arith.constant 422400 : i32
    %dma_start3A_586 = tpu.memref_slice %arg5[%add3A, %dma_start3A_585] : memref<32x1000000xf32, #tpu.memory_space<hbm>> -> memref<1x12800xf32, #tpu.memory_space<hbm>>
    %dma_start3A_587 = tpu.memref_squeeze %dma_start3A_586 : memref<1x12800xf32, #tpu.memory_space<hbm>> -> memref<12800xf32, #tpu.memory_space<hbm>>
    tpu.enqueue_dma source(%dma_start3A_587 : memref<12800xf32, #tpu.memory_space<hbm>>) target(%arg17 : memref<12800xf32, #tpu.memory_space<vmem>>) target_semaphore(%arg23 : memref<!tpu.dma_semaphore, #tpu.memory_space<semaphore_mem>>)
    %add3A_588 = arith.constant 396800 : i32
    %add3A_589 = arith.addi %mul3A_9, %add3A_588 : i32
    %dma_start3A_590 = tpu.memref_slice %arg11[%add3A_589] : memref<32000000xf32, #tpu.memory_space<hbm>> -> memref<12800xf32, #tpu.memory_space<hbm>>
    %dma_start3A_591 = tpu.memref_slice %arg11[%add3A_589] : memref<32000000xf32, #tpu.memory_space<hbm>> -> memref<12800xf32, #tpu.memory_space<hbm>>
    tpu.enqueue_dma source(%arg19 : memref<12800xf32, #tpu.memory_space<vmem>>) target(%dma_start3A_591 : memref<12800xf32, #tpu.memory_space<hbm>>) target_semaphore(%arg25 : memref<!tpu.dma_semaphore, #tpu.memory_space<semaphore_mem>>)
    %dma_wait3A_592 = arith.constant 409600 : i32
    %dma_wait3A_593 = tpu.memref_slice %arg5[%add3A, %dma_wait3A_592] : memref<32x1000000xf32, #tpu.memory_space<hbm>> -> memref<1x12800xf32, #tpu.memory_space<hbm>>
    %dma_wait3A_594 = tpu.memref_squeeze %dma_wait3A_593 : memref<1x12800xf32, #tpu.memory_space<hbm>> -> memref<12800xf32, #tpu.memory_space<hbm>>
    %dma_wait3A_595 = arith.constant 409600 : i32
    %dma_wait3A_596 = tpu.memref_slice %arg5[%add3A, %dma_wait3A_595] : memref<32x1000000xf32, #tpu.memory_space<hbm>> -> memref<1x12800xf32, #tpu.memory_space<hbm>>
    %dma_wait3A_597 = tpu.memref_squeeze %dma_wait3A_596 : memref<1x12800xf32, #tpu.memory_space<hbm>> -> memref<12800xf32, #tpu.memory_space<hbm>>
    tpu.wait_dma2 semaphore(%arg22 : memref<!tpu.dma_semaphore, #tpu.memory_space<semaphore_mem>>) src(%dma_wait3A_597 : memref<12800xf32, #tpu.memory_space<hbm>>) dst(%arg16 : memref<12800xf32, #tpu.memory_space<vmem>>)
    %dma_wait3A_598 = tpu.memref_slice %arg11[%add3A_571] : memref<32000000xf32, #tpu.memory_space<hbm>> -> memref<12800xf32, #tpu.memory_space<hbm>>
    %dma_wait3A_599 = tpu.memref_slice %arg11[%add3A_571] : memref<32000000xf32, #tpu.memory_space<hbm>> -> memref<12800xf32, #tpu.memory_space<hbm>>
    tpu.wait_dma2 semaphore(%arg24 : memref<!tpu.dma_semaphore, #tpu.memory_space<semaphore_mem>>) src(%arg18 : memref<12800xf32, #tpu.memory_space<vmem>>) dst(%dma_wait3A_599 : memref<12800xf32, #tpu.memory_space<hbm>>)
    %dma_start3A_600 = arith.constant 435200 : i32
    %dma_start3A_601 = tpu.memref_slice %arg5[%add3A, %dma_start3A_600] : memref<32x1000000xf32, #tpu.memory_space<hbm>> -> memref<1x12800xf32, #tpu.memory_space<hbm>>
    %dma_start3A_602 = tpu.memref_squeeze %dma_start3A_601 : memref<1x12800xf32, #tpu.memory_space<hbm>> -> memref<12800xf32, #tpu.memory_space<hbm>>
    %dma_start3A_603 = arith.constant 435200 : i32
    %dma_start3A_604 = tpu.memref_slice %arg5[%add3A, %dma_start3A_603] : memref<32x1000000xf32, #tpu.memory_space<hbm>> -> memref<1x12800xf32, #tpu.memory_space<hbm>>
    %dma_start3A_605 = tpu.memref_squeeze %dma_start3A_604 : memref<1x12800xf32, #tpu.memory_space<hbm>> -> memref<12800xf32, #tpu.memory_space<hbm>>
    tpu.enqueue_dma source(%dma_start3A_605 : memref<12800xf32, #tpu.memory_space<hbm>>) target(%arg18 : memref<12800xf32, #tpu.memory_space<vmem>>) target_semaphore(%arg22 : memref<!tpu.dma_semaphore, #tpu.memory_space<semaphore_mem>>)
    %add3A_606 = arith.constant 409600 : i32
    %add3A_607 = arith.addi %mul3A_9, %add3A_606 : i32
    %dma_start3A_608 = tpu.memref_slice %arg11[%add3A_607] : memref<32000000xf32, #tpu.memory_space<hbm>> -> memref<12800xf32, #tpu.memory_space<hbm>>
    %dma_start3A_609 = tpu.memref_slice %arg11[%add3A_607] : memref<32000000xf32, #tpu.memory_space<hbm>> -> memref<12800xf32, #tpu.memory_space<hbm>>
    tpu.enqueue_dma source(%arg16 : memref<12800xf32, #tpu.memory_space<vmem>>) target(%dma_start3A_609 : memref<12800xf32, #tpu.memory_space<hbm>>) target_semaphore(%arg24 : memref<!tpu.dma_semaphore, #tpu.memory_space<semaphore_mem>>)
    %dma_wait3A_610 = arith.constant 422400 : i32
    %dma_wait3A_611 = tpu.memref_slice %arg5[%add3A, %dma_wait3A_610] : memref<32x1000000xf32, #tpu.memory_space<hbm>> -> memref<1x12800xf32, #tpu.memory_space<hbm>>
    %dma_wait3A_612 = tpu.memref_squeeze %dma_wait3A_611 : memref<1x12800xf32, #tpu.memory_space<hbm>> -> memref<12800xf32, #tpu.memory_space<hbm>>
    %dma_wait3A_613 = arith.constant 422400 : i32
    %dma_wait3A_614 = tpu.memref_slice %arg5[%add3A, %dma_wait3A_613] : memref<32x1000000xf32, #tpu.memory_space<hbm>> -> memref<1x12800xf32, #tpu.memory_space<hbm>>
    %dma_wait3A_615 = tpu.memref_squeeze %dma_wait3A_614 : memref<1x12800xf32, #tpu.memory_space<hbm>> -> memref<12800xf32, #tpu.memory_space<hbm>>
    tpu.wait_dma2 semaphore(%arg23 : memref<!tpu.dma_semaphore, #tpu.memory_space<semaphore_mem>>) src(%dma_wait3A_615 : memref<12800xf32, #tpu.memory_space<hbm>>) dst(%arg17 : memref<12800xf32, #tpu.memory_space<vmem>>)
    %dma_wait3A_616 = tpu.memref_slice %arg11[%add3A_589] : memref<32000000xf32, #tpu.memory_space<hbm>> -> memref<12800xf32, #tpu.memory_space<hbm>>
    %dma_wait3A_617 = tpu.memref_slice %arg11[%add3A_589] : memref<32000000xf32, #tpu.memory_space<hbm>> -> memref<12800xf32, #tpu.memory_space<hbm>>
    tpu.wait_dma2 semaphore(%arg25 : memref<!tpu.dma_semaphore, #tpu.memory_space<semaphore_mem>>) src(%arg19 : memref<12800xf32, #tpu.memory_space<vmem>>) dst(%dma_wait3A_617 : memref<12800xf32, #tpu.memory_space<hbm>>)
    %dma_start3A_618 = arith.constant 448000 : i32
    %dma_start3A_619 = tpu.memref_slice %arg5[%add3A, %dma_start3A_618] : memref<32x1000000xf32, #tpu.memory_space<hbm>> -> memref<1x12800xf32, #tpu.memory_space<hbm>>
    %dma_start3A_620 = tpu.memref_squeeze %dma_start3A_619 : memref<1x12800xf32, #tpu.memory_space<hbm>> -> memref<12800xf32, #tpu.memory_space<hbm>>
    %dma_start3A_621 = arith.constant 448000 : i32
    %dma_start3A_622 = tpu.memref_slice %arg5[%add3A, %dma_start3A_621] : memref<32x1000000xf32, #tpu.memory_space<hbm>> -> memref<1x12800xf32, #tpu.memory_space<hbm>>
    %dma_start3A_623 = tpu.memref_squeeze %dma_start3A_622 : memref<1x12800xf32, #tpu.memory_space<hbm>> -> memref<12800xf32, #tpu.memory_space<hbm>>
    tpu.enqueue_dma source(%dma_start3A_623 : memref<12800xf32, #tpu.memory_space<hbm>>) target(%arg19 : memref<12800xf32, #tpu.memory_space<vmem>>) target_semaphore(%arg23 : memref<!tpu.dma_semaphore, #tpu.memory_space<semaphore_mem>>)
    %add3A_624 = arith.constant 422400 : i32
    %add3A_625 = arith.addi %mul3A_9, %add3A_624 : i32
    %dma_start3A_626 = tpu.memref_slice %arg11[%add3A_625] : memref<32000000xf32, #tpu.memory_space<hbm>> -> memref<12800xf32, #tpu.memory_space<hbm>>
    %dma_start3A_627 = tpu.memref_slice %arg11[%add3A_625] : memref<32000000xf32, #tpu.memory_space<hbm>> -> memref<12800xf32, #tpu.memory_space<hbm>>
    tpu.enqueue_dma source(%arg17 : memref<12800xf32, #tpu.memory_space<vmem>>) target(%dma_start3A_627 : memref<12800xf32, #tpu.memory_space<hbm>>) target_semaphore(%arg25 : memref<!tpu.dma_semaphore, #tpu.memory_space<semaphore_mem>>)
    %dma_wait3A_628 = arith.constant 435200 : i32
    %dma_wait3A_629 = tpu.memref_slice %arg5[%add3A, %dma_wait3A_628] : memref<32x1000000xf32, #tpu.memory_space<hbm>> -> memref<1x12800xf32, #tpu.memory_space<hbm>>
    %dma_wait3A_630 = tpu.memref_squeeze %dma_wait3A_629 : memref<1x12800xf32, #tpu.memory_space<hbm>> -> memref<12800xf32, #tpu.memory_space<hbm>>
    %dma_wait3A_631 = arith.constant 435200 : i32
    %dma_wait3A_632 = tpu.memref_slice %arg5[%add3A, %dma_wait3A_631] : memref<32x1000000xf32, #tpu.memory_space<hbm>> -> memref<1x12800xf32, #tpu.memory_space<hbm>>
    %dma_wait3A_633 = tpu.memref_squeeze %dma_wait3A_632 : memref<1x12800xf32, #tpu.memory_space<hbm>> -> memref<12800xf32, #tpu.memory_space<hbm>>
    tpu.wait_dma2 semaphore(%arg22 : memref<!tpu.dma_semaphore, #tpu.memory_space<semaphore_mem>>) src(%dma_wait3A_633 : memref<12800xf32, #tpu.memory_space<hbm>>) dst(%arg18 : memref<12800xf32, #tpu.memory_space<vmem>>)
    %dma_wait3A_634 = tpu.memref_slice %arg11[%add3A_607] : memref<32000000xf32, #tpu.memory_space<hbm>> -> memref<12800xf32, #tpu.memory_space<hbm>>
    %dma_wait3A_635 = tpu.memref_slice %arg11[%add3A_607] : memref<32000000xf32, #tpu.memory_space<hbm>> -> memref<12800xf32, #tpu.memory_space<hbm>>
    tpu.wait_dma2 semaphore(%arg24 : memref<!tpu.dma_semaphore, #tpu.memory_space<semaphore_mem>>) src(%arg16 : memref<12800xf32, #tpu.memory_space<vmem>>) dst(%dma_wait3A_635 : memref<12800xf32, #tpu.memory_space<hbm>>)
    %dma_start3A_636 = arith.constant 460800 : i32
    %dma_start3A_637 = tpu.memref_slice %arg5[%add3A, %dma_start3A_636] : memref<32x1000000xf32, #tpu.memory_space<hbm>> -> memref<1x12800xf32, #tpu.memory_space<hbm>>
    %dma_start3A_638 = tpu.memref_squeeze %dma_start3A_637 : memref<1x12800xf32, #tpu.memory_space<hbm>> -> memref<12800xf32, #tpu.memory_space<hbm>>
    %dma_start3A_639 = arith.constant 460800 : i32
    %dma_start3A_640 = tpu.memref_slice %arg5[%add3A, %dma_start3A_639] : memref<32x1000000xf32, #tpu.memory_space<hbm>> -> memref<1x12800xf32, #tpu.memory_space<hbm>>
    %dma_start3A_641 = tpu.memref_squeeze %dma_start3A_640 : memref<1x12800xf32, #tpu.memory_space<hbm>> -> memref<12800xf32, #tpu.memory_space<hbm>>
    tpu.enqueue_dma source(%dma_start3A_641 : memref<12800xf32, #tpu.memory_space<hbm>>) target(%arg16 : memref<12800xf32, #tpu.memory_space<vmem>>) target_semaphore(%arg22 : memref<!tpu.dma_semaphore, #tpu.memory_space<semaphore_mem>>)
    %add3A_642 = arith.constant 435200 : i32
    %add3A_643 = arith.addi %mul3A_9, %add3A_642 : i32
    %dma_start3A_644 = tpu.memref_slice %arg11[%add3A_643] : memref<32000000xf32, #tpu.memory_space<hbm>> -> memref<12800xf32, #tpu.memory_space<hbm>>
    %dma_start3A_645 = tpu.memref_slice %arg11[%add3A_643] : memref<32000000xf32, #tpu.memory_space<hbm>> -> memref<12800xf32, #tpu.memory_space<hbm>>
    tpu.enqueue_dma source(%arg18 : memref<12800xf32, #tpu.memory_space<vmem>>) target(%dma_start3A_645 : memref<12800xf32, #tpu.memory_space<hbm>>) target_semaphore(%arg24 : memref<!tpu.dma_semaphore, #tpu.memory_space<semaphore_mem>>)
    %dma_wait3A_646 = arith.constant 448000 : i32
    %dma_wait3A_647 = tpu.memref_slice %arg5[%add3A, %dma_wait3A_646] : memref<32x1000000xf32, #tpu.memory_space<hbm>> -> memref<1x12800xf32, #tpu.memory_space<hbm>>
    %dma_wait3A_648 = tpu.memref_squeeze %dma_wait3A_647 : memref<1x12800xf32, #tpu.memory_space<hbm>> -> memref<12800xf32, #tpu.memory_space<hbm>>
    %dma_wait3A_649 = arith.constant 448000 : i32
    %dma_wait3A_650 = tpu.memref_slice %arg5[%add3A, %dma_wait3A_649] : memref<32x1000000xf32, #tpu.memory_space<hbm>> -> memref<1x12800xf32, #tpu.memory_space<hbm>>
    %dma_wait3A_651 = tpu.memref_squeeze %dma_wait3A_650 : memref<1x12800xf32, #tpu.memory_space<hbm>> -> memref<12800xf32, #tpu.memory_space<hbm>>
    tpu.wait_dma2 semaphore(%arg23 : memref<!tpu.dma_semaphore, #tpu.memory_space<semaphore_mem>>) src(%dma_wait3A_651 : memref<12800xf32, #tpu.memory_space<hbm>>) dst(%arg19 : memref<12800xf32, #tpu.memory_space<vmem>>)
    %dma_wait3A_652 = tpu.memref_slice %arg11[%add3A_625] : memref<32000000xf32, #tpu.memory_space<hbm>> -> memref<12800xf32, #tpu.memory_space<hbm>>
    %dma_wait3A_653 = tpu.memref_slice %arg11[%add3A_625] : memref<32000000xf32, #tpu.memory_space<hbm>> -> memref<12800xf32, #tpu.memory_space<hbm>>
    tpu.wait_dma2 semaphore(%arg25 : memref<!tpu.dma_semaphore, #tpu.memory_space<semaphore_mem>>) src(%arg17 : memref<12800xf32, #tpu.memory_space<vmem>>) dst(%dma_wait3A_653 : memref<12800xf32, #tpu.memory_space<hbm>>)
    %dma_start3A_654 = arith.constant 473600 : i32
    %dma_start3A_655 = tpu.memref_slice %arg5[%add3A, %dma_start3A_654] : memref<32x1000000xf32, #tpu.memory_space<hbm>> -> memref<1x12800xf32, #tpu.memory_space<hbm>>
    %dma_start3A_656 = tpu.memref_squeeze %dma_start3A_655 : memref<1x12800xf32, #tpu.memory_space<hbm>> -> memref<12800xf32, #tpu.memory_space<hbm>>
    %dma_start3A_657 = arith.constant 473600 : i32
    %dma_start3A_658 = tpu.memref_slice %arg5[%add3A, %dma_start3A_657] : memref<32x1000000xf32, #tpu.memory_space<hbm>> -> memref<1x12800xf32, #tpu.memory_space<hbm>>
    %dma_start3A_659 = tpu.memref_squeeze %dma_start3A_658 : memref<1x12800xf32, #tpu.memory_space<hbm>> -> memref<12800xf32, #tpu.memory_space<hbm>>
    tpu.enqueue_dma source(%dma_start3A_659 : memref<12800xf32, #tpu.memory_space<hbm>>) target(%arg17 : memref<12800xf32, #tpu.memory_space<vmem>>) target_semaphore(%arg23 : memref<!tpu.dma_semaphore, #tpu.memory_space<semaphore_mem>>)
    %add3A_660 = arith.constant 448000 : i32
    %add3A_661 = arith.addi %mul3A_9, %add3A_660 : i32
    %dma_start3A_662 = tpu.memref_slice %arg11[%add3A_661] : memref<32000000xf32, #tpu.memory_space<hbm>> -> memref<12800xf32, #tpu.memory_space<hbm>>
    %dma_start3A_663 = tpu.memref_slice %arg11[%add3A_661] : memref<32000000xf32, #tpu.memory_space<hbm>> -> memref<12800xf32, #tpu.memory_space<hbm>>
    tpu.enqueue_dma source(%arg19 : memref<12800xf32, #tpu.memory_space<vmem>>) target(%dma_start3A_663 : memref<12800xf32, #tpu.memory_space<hbm>>) target_semaphore(%arg25 : memref<!tpu.dma_semaphore, #tpu.memory_space<semaphore_mem>>)
    %dma_wait3A_664 = arith.constant 460800 : i32
    %dma_wait3A_665 = tpu.memref_slice %arg5[%add3A, %dma_wait3A_664] : memref<32x1000000xf32, #tpu.memory_space<hbm>> -> memref<1x12800xf32, #tpu.memory_space<hbm>>
    %dma_wait3A_666 = tpu.memref_squeeze %dma_wait3A_665 : memref<1x12800xf32, #tpu.memory_space<hbm>> -> memref<12800xf32, #tpu.memory_space<hbm>>
    %dma_wait3A_667 = arith.constant 460800 : i32
    %dma_wait3A_668 = tpu.memref_slice %arg5[%add3A, %dma_wait3A_667] : memref<32x1000000xf32, #tpu.memory_space<hbm>> -> memref<1x12800xf32, #tpu.memory_space<hbm>>
    %dma_wait3A_669 = tpu.memref_squeeze %dma_wait3A_668 : memref<1x12800xf32, #tpu.memory_space<hbm>> -> memref<12800xf32, #tpu.memory_space<hbm>>
    tpu.wait_dma2 semaphore(%arg22 : memref<!tpu.dma_semaphore, #tpu.memory_space<semaphore_mem>>) src(%dma_wait3A_669 : memref<12800xf32, #tpu.memory_space<hbm>>) dst(%arg16 : memref<12800xf32, #tpu.memory_space<vmem>>)
    %dma_wait3A_670 = tpu.memref_slice %arg11[%add3A_643] : memref<32000000xf32, #tpu.memory_space<hbm>> -> memref<12800xf32, #tpu.memory_space<hbm>>
    %dma_wait3A_671 = tpu.memref_slice %arg11[%add3A_643] : memref<32000000xf32, #tpu.memory_space<hbm>> -> memref<12800xf32, #tpu.memory_space<hbm>>
    tpu.wait_dma2 semaphore(%arg24 : memref<!tpu.dma_semaphore, #tpu.memory_space<semaphore_mem>>) src(%arg18 : memref<12800xf32, #tpu.memory_space<vmem>>) dst(%dma_wait3A_671 : memref<12800xf32, #tpu.memory_space<hbm>>)
    %dma_start3A_672 = arith.constant 486400 : i32
    %dma_start3A_673 = tpu.memref_slice %arg5[%add3A, %dma_start3A_672] : memref<32x1000000xf32, #tpu.memory_space<hbm>> -> memref<1x12800xf32, #tpu.memory_space<hbm>>
    %dma_start3A_674 = tpu.memref_squeeze %dma_start3A_673 : memref<1x12800xf32, #tpu.memory_space<hbm>> -> memref<12800xf32, #tpu.memory_space<hbm>>
    %dma_start3A_675 = arith.constant 486400 : i32
    %dma_start3A_676 = tpu.memref_slice %arg5[%add3A, %dma_start3A_675] : memref<32x1000000xf32, #tpu.memory_space<hbm>> -> memref<1x12800xf32, #tpu.memory_space<hbm>>
    %dma_start3A_677 = tpu.memref_squeeze %dma_start3A_676 : memref<1x12800xf32, #tpu.memory_space<hbm>> -> memref<12800xf32, #tpu.memory_space<hbm>>
    tpu.enqueue_dma source(%dma_start3A_677 : memref<12800xf32, #tpu.memory_space<hbm>>) target(%arg18 : memref<12800xf32, #tpu.memory_space<vmem>>) target_semaphore(%arg22 : memref<!tpu.dma_semaphore, #tpu.memory_space<semaphore_mem>>)
    %add3A_678 = arith.constant 460800 : i32
    %add3A_679 = arith.addi %mul3A_9, %add3A_678 : i32
    %dma_start3A_680 = tpu.memref_slice %arg11[%add3A_679] : memref<32000000xf32, #tpu.memory_space<hbm>> -> memref<12800xf32, #tpu.memory_space<hbm>>
    %dma_start3A_681 = tpu.memref_slice %arg11[%add3A_679] : memref<32000000xf32, #tpu.memory_space<hbm>> -> memref<12800xf32, #tpu.memory_space<hbm>>
    tpu.enqueue_dma source(%arg16 : memref<12800xf32, #tpu.memory_space<vmem>>) target(%dma_start3A_681 : memref<12800xf32, #tpu.memory_space<hbm>>) target_semaphore(%arg24 : memref<!tpu.dma_semaphore, #tpu.memory_space<semaphore_mem>>)
    %dma_wait3A_682 = arith.constant 473600 : i32
    %dma_wait3A_683 = tpu.memref_slice %arg5[%add3A, %dma_wait3A_682] : memref<32x1000000xf32, #tpu.memory_space<hbm>> -> memref<1x12800xf32, #tpu.memory_space<hbm>>
    %dma_wait3A_684 = tpu.memref_squeeze %dma_wait3A_683 : memref<1x12800xf32, #tpu.memory_space<hbm>> -> memref<12800xf32, #tpu.memory_space<hbm>>
    %dma_wait3A_685 = arith.constant 473600 : i32
    %dma_wait3A_686 = tpu.memref_slice %arg5[%add3A, %dma_wait3A_685] : memref<32x1000000xf32, #tpu.memory_space<hbm>> -> memref<1x12800xf32, #tpu.memory_space<hbm>>
    %dma_wait3A_687 = tpu.memref_squeeze %dma_wait3A_686 : memref<1x12800xf32, #tpu.memory_space<hbm>> -> memref<12800xf32, #tpu.memory_space<hbm>>
    tpu.wait_dma2 semaphore(%arg23 : memref<!tpu.dma_semaphore, #tpu.memory_space<semaphore_mem>>) src(%dma_wait3A_687 : memref<12800xf32, #tpu.memory_space<hbm>>) dst(%arg17 : memref<12800xf32, #tpu.memory_space<vmem>>)
    %dma_wait3A_688 = tpu.memref_slice %arg11[%add3A_661] : memref<32000000xf32, #tpu.memory_space<hbm>> -> memref<12800xf32, #tpu.memory_space<hbm>>
    %dma_wait3A_689 = tpu.memref_slice %arg11[%add3A_661] : memref<32000000xf32, #tpu.memory_space<hbm>> -> memref<12800xf32, #tpu.memory_space<hbm>>
    tpu.wait_dma2 semaphore(%arg25 : memref<!tpu.dma_semaphore, #tpu.memory_space<semaphore_mem>>) src(%arg19 : memref<12800xf32, #tpu.memory_space<vmem>>) dst(%dma_wait3A_689 : memref<12800xf32, #tpu.memory_space<hbm>>)
    %dma_start3A_690 = arith.constant 499200 : i32
    %dma_start3A_691 = tpu.memref_slice %arg5[%add3A, %dma_start3A_690] : memref<32x1000000xf32, #tpu.memory_space<hbm>> -> memref<1x12800xf32, #tpu.memory_space<hbm>>
    %dma_start3A_692 = tpu.memref_squeeze %dma_start3A_691 : memref<1x12800xf32, #tpu.memory_space<hbm>> -> memref<12800xf32, #tpu.memory_space<hbm>>
    %dma_start3A_693 = arith.constant 499200 : i32
    %dma_start3A_694 = tpu.memref_slice %arg5[%add3A, %dma_start3A_693] : memref<32x1000000xf32, #tpu.memory_space<hbm>> -> memref<1x12800xf32, #tpu.memory_space<hbm>>
    %dma_start3A_695 = tpu.memref_squeeze %dma_start3A_694 : memref<1x12800xf32, #tpu.memory_space<hbm>> -> memref<12800xf32, #tpu.memory_space<hbm>>
    tpu.enqueue_dma source(%dma_start3A_695 : memref<12800xf32, #tpu.memory_space<hbm>>) target(%arg19 : memref<12800xf32, #tpu.memory_space<vmem>>) target_semaphore(%arg23 : memref<!tpu.dma_semaphore, #tpu.memory_space<semaphore_mem>>)
    %add3A_696 = arith.constant 473600 : i32
    %add3A_697 = arith.addi %mul3A_9, %add3A_696 : i32
    %dma_start3A_698 = tpu.memref_slice %arg11[%add3A_697] : memref<32000000xf32, #tpu.memory_space<hbm>> -> memref<12800xf32, #tpu.memory_space<hbm>>
    %dma_start3A_699 = tpu.memref_slice %arg11[%add3A_697] : memref<32000000xf32, #tpu.memory_space<hbm>> -> memref<12800xf32, #tpu.memory_space<hbm>>
    tpu.enqueue_dma source(%arg17 : memref<12800xf32, #tpu.memory_space<vmem>>) target(%dma_start3A_699 : memref<12800xf32, #tpu.memory_space<hbm>>) target_semaphore(%arg25 : memref<!tpu.dma_semaphore, #tpu.memory_space<semaphore_mem>>)
    %dma_wait3A_700 = arith.constant 486400 : i32
    %dma_wait3A_701 = tpu.memref_slice %arg5[%add3A, %dma_wait3A_700] : memref<32x1000000xf32, #tpu.memory_space<hbm>> -> memref<1x12800xf32, #tpu.memory_space<hbm>>
    %dma_wait3A_702 = tpu.memref_squeeze %dma_wait3A_701 : memref<1x12800xf32, #tpu.memory_space<hbm>> -> memref<12800xf32, #tpu.memory_space<hbm>>
    %dma_wait3A_703 = arith.constant 486400 : i32
    %dma_wait3A_704 = tpu.memref_slice %arg5[%add3A, %dma_wait3A_703] : memref<32x1000000xf32, #tpu.memory_space<hbm>> -> memref<1x12800xf32, #tpu.memory_space<hbm>>
    %dma_wait3A_705 = tpu.memref_squeeze %dma_wait3A_704 : memref<1x12800xf32, #tpu.memory_space<hbm>> -> memref<12800xf32, #tpu.memory_space<hbm>>
    tpu.wait_dma2 semaphore(%arg22 : memref<!tpu.dma_semaphore, #tpu.memory_space<semaphore_mem>>) src(%dma_wait3A_705 : memref<12800xf32, #tpu.memory_space<hbm>>) dst(%arg18 : memref<12800xf32, #tpu.memory_space<vmem>>)
    %dma_wait3A_706 = tpu.memref_slice %arg11[%add3A_679] : memref<32000000xf32, #tpu.memory_space<hbm>> -> memref<12800xf32, #tpu.memory_space<hbm>>
    %dma_wait3A_707 = tpu.memref_slice %arg11[%add3A_679] : memref<32000000xf32, #tpu.memory_space<hbm>> -> memref<12800xf32, #tpu.memory_space<hbm>>
    tpu.wait_dma2 semaphore(%arg24 : memref<!tpu.dma_semaphore, #tpu.memory_space<semaphore_mem>>) src(%arg16 : memref<12800xf32, #tpu.memory_space<vmem>>) dst(%dma_wait3A_707 : memref<12800xf32, #tpu.memory_space<hbm>>)
    %dma_start3A_708 = arith.constant 512000 : i32
    %dma_start3A_709 = tpu.memref_slice %arg5[%add3A, %dma_start3A_708] : memref<32x1000000xf32, #tpu.memory_space<hbm>> -> memref<1x12800xf32, #tpu.memory_space<hbm>>
    %dma_start3A_710 = tpu.memref_squeeze %dma_start3A_709 : memref<1x12800xf32, #tpu.memory_space<hbm>> -> memref<12800xf32, #tpu.memory_space<hbm>>
    %dma_start3A_711 = arith.constant 512000 : i32
    %dma_start3A_712 = tpu.memref_slice %arg5[%add3A, %dma_start3A_711] : memref<32x1000000xf32, #tpu.memory_space<hbm>> -> memref<1x12800xf32, #tpu.memory_space<hbm>>
    %dma_start3A_713 = tpu.memref_squeeze %dma_start3A_712 : memref<1x12800xf32, #tpu.memory_space<hbm>> -> memref<12800xf32, #tpu.memory_space<hbm>>
    tpu.enqueue_dma source(%dma_start3A_713 : memref<12800xf32, #tpu.memory_space<hbm>>) target(%arg16 : memref<12800xf32, #tpu.memory_space<vmem>>) target_semaphore(%arg22 : memref<!tpu.dma_semaphore, #tpu.memory_space<semaphore_mem>>)
    %add3A_714 = arith.constant 486400 : i32
    %add3A_715 = arith.addi %mul3A_9, %add3A_714 : i32
    %dma_start3A_716 = tpu.memref_slice %arg11[%add3A_715] : memref<32000000xf32, #tpu.memory_space<hbm>> -> memref<12800xf32, #tpu.memory_space<hbm>>
    %dma_start3A_717 = tpu.memref_slice %arg11[%add3A_715] : memref<32000000xf32, #tpu.memory_space<hbm>> -> memref<12800xf32, #tpu.memory_space<hbm>>
    tpu.enqueue_dma source(%arg18 : memref<12800xf32, #tpu.memory_space<vmem>>) target(%dma_start3A_717 : memref<12800xf32, #tpu.memory_space<hbm>>) target_semaphore(%arg24 : memref<!tpu.dma_semaphore, #tpu.memory_space<semaphore_mem>>)
    %dma_wait3A_718 = arith.constant 499200 : i32
    %dma_wait3A_719 = tpu.memref_slice %arg5[%add3A, %dma_wait3A_718] : memref<32x1000000xf32, #tpu.memory_space<hbm>> -> memref<1x12800xf32, #tpu.memory_space<hbm>>
    %dma_wait3A_720 = tpu.memref_squeeze %dma_wait3A_719 : memref<1x12800xf32, #tpu.memory_space<hbm>> -> memref<12800xf32, #tpu.memory_space<hbm>>
    %dma_wait3A_721 = arith.constant 499200 : i32
    %dma_wait3A_722 = tpu.memref_slice %arg5[%add3A, %dma_wait3A_721] : memref<32x1000000xf32, #tpu.memory_space<hbm>> -> memref<1x12800xf32, #tpu.memory_space<hbm>>
    %dma_wait3A_723 = tpu.memref_squeeze %dma_wait3A_722 : memref<1x12800xf32, #tpu.memory_space<hbm>> -> memref<12800xf32, #tpu.memory_space<hbm>>
    tpu.wait_dma2 semaphore(%arg23 : memref<!tpu.dma_semaphore, #tpu.memory_space<semaphore_mem>>) src(%dma_wait3A_723 : memref<12800xf32, #tpu.memory_space<hbm>>) dst(%arg19 : memref<12800xf32, #tpu.memory_space<vmem>>)
    %dma_wait3A_724 = tpu.memref_slice %arg11[%add3A_697] : memref<32000000xf32, #tpu.memory_space<hbm>> -> memref<12800xf32, #tpu.memory_space<hbm>>
    %dma_wait3A_725 = tpu.memref_slice %arg11[%add3A_697] : memref<32000000xf32, #tpu.memory_space<hbm>> -> memref<12800xf32, #tpu.memory_space<hbm>>
    tpu.wait_dma2 semaphore(%arg25 : memref<!tpu.dma_semaphore, #tpu.memory_space<semaphore_mem>>) src(%arg17 : memref<12800xf32, #tpu.memory_space<vmem>>) dst(%dma_wait3A_725 : memref<12800xf32, #tpu.memory_space<hbm>>)
    %dma_start3A_726 = arith.constant 524800 : i32
    %dma_start3A_727 = tpu.memref_slice %arg5[%add3A, %dma_start3A_726] : memref<32x1000000xf32, #tpu.memory_space<hbm>> -> memref<1x12800xf32, #tpu.memory_space<hbm>>
    %dma_start3A_728 = tpu.memref_squeeze %dma_start3A_727 : memref<1x12800xf32, #tpu.memory_space<hbm>> -> memref<12800xf32, #tpu.memory_space<hbm>>
    %dma_start3A_729 = arith.constant 524800 : i32
    %dma_start3A_730 = tpu.memref_slice %arg5[%add3A, %dma_start3A_729] : memref<32x1000000xf32, #tpu.memory_space<hbm>> -> memref<1x12800xf32, #tpu.memory_space<hbm>>
    %dma_start3A_731 = tpu.memref_squeeze %dma_start3A_730 : memref<1x12800xf32, #tpu.memory_space<hbm>> -> memref<12800xf32, #tpu.memory_space<hbm>>
    tpu.enqueue_dma source(%dma_start3A_731 : memref<12800xf32, #tpu.memory_space<hbm>>) target(%arg17 : memref<12800xf32, #tpu.memory_space<vmem>>) target_semaphore(%arg23 : memref<!tpu.dma_semaphore, #tpu.memory_space<semaphore_mem>>)
    %add3A_732 = arith.constant 499200 : i32
    %add3A_733 = arith.addi %mul3A_9, %add3A_732 : i32
    %dma_start3A_734 = tpu.memref_slice %arg11[%add3A_733] : memref<32000000xf32, #tpu.memory_space<hbm>> -> memref<12800xf32, #tpu.memory_space<hbm>>
    %dma_start3A_735 = tpu.memref_slice %arg11[%add3A_733] : memref<32000000xf32, #tpu.memory_space<hbm>> -> memref<12800xf32, #tpu.memory_space<hbm>>
    tpu.enqueue_dma source(%arg19 : memref<12800xf32, #tpu.memory_space<vmem>>) target(%dma_start3A_735 : memref<12800xf32, #tpu.memory_space<hbm>>) target_semaphore(%arg25 : memref<!tpu.dma_semaphore, #tpu.memory_space<semaphore_mem>>)
    %dma_wait3A_736 = arith.constant 512000 : i32
    %dma_wait3A_737 = tpu.memref_slice %arg5[%add3A, %dma_wait3A_736] : memref<32x1000000xf32, #tpu.memory_space<hbm>> -> memref<1x12800xf32, #tpu.memory_space<hbm>>
    %dma_wait3A_738 = tpu.memref_squeeze %dma_wait3A_737 : memref<1x12800xf32, #tpu.memory_space<hbm>> -> memref<12800xf32, #tpu.memory_space<hbm>>
    %dma_wait3A_739 = arith.constant 512000 : i32
    %dma_wait3A_740 = tpu.memref_slice %arg5[%add3A, %dma_wait3A_739] : memref<32x1000000xf32, #tpu.memory_space<hbm>> -> memref<1x12800xf32, #tpu.memory_space<hbm>>
    %dma_wait3A_741 = tpu.memref_squeeze %dma_wait3A_740 : memref<1x12800xf32, #tpu.memory_space<hbm>> -> memref<12800xf32, #tpu.memory_space<hbm>>
    tpu.wait_dma2 semaphore(%arg22 : memref<!tpu.dma_semaphore, #tpu.memory_space<semaphore_mem>>) src(%dma_wait3A_741 : memref<12800xf32, #tpu.memory_space<hbm>>) dst(%arg16 : memref<12800xf32, #tpu.memory_space<vmem>>)
    %dma_wait3A_742 = tpu.memref_slice %arg11[%add3A_715] : memref<32000000xf32, #tpu.memory_space<hbm>> -> memref<12800xf32, #tpu.memory_space<hbm>>
    %dma_wait3A_743 = tpu.memref_slice %arg11[%add3A_715] : memref<32000000xf32, #tpu.memory_space<hbm>> -> memref<12800xf32, #tpu.memory_space<hbm>>
    tpu.wait_dma2 semaphore(%arg24 : memref<!tpu.dma_semaphore, #tpu.memory_space<semaphore_mem>>) src(%arg18 : memref<12800xf32, #tpu.memory_space<vmem>>) dst(%dma_wait3A_743 : memref<12800xf32, #tpu.memory_space<hbm>>)
    %dma_start3A_744 = arith.constant 537600 : i32
    %dma_start3A_745 = tpu.memref_slice %arg5[%add3A, %dma_start3A_744] : memref<32x1000000xf32, #tpu.memory_space<hbm>> -> memref<1x12800xf32, #tpu.memory_space<hbm>>
    %dma_start3A_746 = tpu.memref_squeeze %dma_start3A_745 : memref<1x12800xf32, #tpu.memory_space<hbm>> -> memref<12800xf32, #tpu.memory_space<hbm>>
    %dma_start3A_747 = arith.constant 537600 : i32
    %dma_start3A_748 = tpu.memref_slice %arg5[%add3A, %dma_start3A_747] : memref<32x1000000xf32, #tpu.memory_space<hbm>> -> memref<1x12800xf32, #tpu.memory_space<hbm>>
    %dma_start3A_749 = tpu.memref_squeeze %dma_start3A_748 : memref<1x12800xf32, #tpu.memory_space<hbm>> -> memref<12800xf32, #tpu.memory_space<hbm>>
    tpu.enqueue_dma source(%dma_start3A_749 : memref<12800xf32, #tpu.memory_space<hbm>>) target(%arg18 : memref<12800xf32, #tpu.memory_space<vmem>>) target_semaphore(%arg22 : memref<!tpu.dma_semaphore, #tpu.memory_space<semaphore_mem>>)
    %add3A_750 = arith.constant 512000 : i32
    %add3A_751 = arith.addi %mul3A_9, %add3A_750 : i32
    %dma_start3A_752 = tpu.memref_slice %arg11[%add3A_751] : memref<32000000xf32, #tpu.memory_space<hbm>> -> memref<12800xf32, #tpu.memory_space<hbm>>
    %dma_start3A_753 = tpu.memref_slice %arg11[%add3A_751] : memref<32000000xf32, #tpu.memory_space<hbm>> -> memref<12800xf32, #tpu.memory_space<hbm>>
    tpu.enqueue_dma source(%arg16 : memref<12800xf32, #tpu.memory_space<vmem>>) target(%dma_start3A_753 : memref<12800xf32, #tpu.memory_space<hbm>>) target_semaphore(%arg24 : memref<!tpu.dma_semaphore, #tpu.memory_space<semaphore_mem>>)
    %dma_wait3A_754 = arith.constant 524800 : i32
    %dma_wait3A_755 = tpu.memref_slice %arg5[%add3A, %dma_wait3A_754] : memref<32x1000000xf32, #tpu.memory_space<hbm>> -> memref<1x12800xf32, #tpu.memory_space<hbm>>
    %dma_wait3A_756 = tpu.memref_squeeze %dma_wait3A_755 : memref<1x12800xf32, #tpu.memory_space<hbm>> -> memref<12800xf32, #tpu.memory_space<hbm>>
    %dma_wait3A_757 = arith.constant 524800 : i32
    %dma_wait3A_758 = tpu.memref_slice %arg5[%add3A, %dma_wait3A_757] : memref<32x1000000xf32, #tpu.memory_space<hbm>> -> memref<1x12800xf32, #tpu.memory_space<hbm>>
    %dma_wait3A_759 = tpu.memref_squeeze %dma_wait3A_758 : memref<1x12800xf32, #tpu.memory_space<hbm>> -> memref<12800xf32, #tpu.memory_space<hbm>>
    tpu.wait_dma2 semaphore(%arg23 : memref<!tpu.dma_semaphore, #tpu.memory_space<semaphore_mem>>) src(%dma_wait3A_759 : memref<12800xf32, #tpu.memory_space<hbm>>) dst(%arg17 : memref<12800xf32, #tpu.memory_space<vmem>>)
    %dma_wait3A_760 = tpu.memref_slice %arg11[%add3A_733] : memref<32000000xf32, #tpu.memory_space<hbm>> -> memref<12800xf32, #tpu.memory_space<hbm>>
    %dma_wait3A_761 = tpu.memref_slice %arg11[%add3A_733] : memref<32000000xf32, #tpu.memory_space<hbm>> -> memref<12800xf32, #tpu.memory_space<hbm>>
    tpu.wait_dma2 semaphore(%arg25 : memref<!tpu.dma_semaphore, #tpu.memory_space<semaphore_mem>>) src(%arg19 : memref<12800xf32, #tpu.memory_space<vmem>>) dst(%dma_wait3A_761 : memref<12800xf32, #tpu.memory_space<hbm>>)
    %dma_start3A_762 = arith.constant 550400 : i32
    %dma_start3A_763 = tpu.memref_slice %arg5[%add3A, %dma_start3A_762] : memref<32x1000000xf32, #tpu.memory_space<hbm>> -> memref<1x12800xf32, #tpu.memory_space<hbm>>
    %dma_start3A_764 = tpu.memref_squeeze %dma_start3A_763 : memref<1x12800xf32, #tpu.memory_space<hbm>> -> memref<12800xf32, #tpu.memory_space<hbm>>
    %dma_start3A_765 = arith.constant 550400 : i32
    %dma_start3A_766 = tpu.memref_slice %arg5[%add3A, %dma_start3A_765] : memref<32x1000000xf32, #tpu.memory_space<hbm>> -> memref<1x12800xf32, #tpu.memory_space<hbm>>
    %dma_start3A_767 = tpu.memref_squeeze %dma_start3A_766 : memref<1x12800xf32, #tpu.memory_space<hbm>> -> memref<12800xf32, #tpu.memory_space<hbm>>
    tpu.enqueue_dma source(%dma_start3A_767 : memref<12800xf32, #tpu.memory_space<hbm>>) target(%arg19 : memref<12800xf32, #tpu.memory_space<vmem>>) target_semaphore(%arg23 : memref<!tpu.dma_semaphore, #tpu.memory_space<semaphore_mem>>)
    %add3A_768 = arith.constant 524800 : i32
    %add3A_769 = arith.addi %mul3A_9, %add3A_768 : i32
    %dma_start3A_770 = tpu.memref_slice %arg11[%add3A_769] : memref<32000000xf32, #tpu.memory_space<hbm>> -> memref<12800xf32, #tpu.memory_space<hbm>>
    %dma_start3A_771 = tpu.memref_slice %arg11[%add3A_769] : memref<32000000xf32, #tpu.memory_space<hbm>> -> memref<12800xf32, #tpu.memory_space<hbm>>
    tpu.enqueue_dma source(%arg17 : memref<12800xf32, #tpu.memory_space<vmem>>) target(%dma_start3A_771 : memref<12800xf32, #tpu.memory_space<hbm>>) target_semaphore(%arg25 : memref<!tpu.dma_semaphore, #tpu.memory_space<semaphore_mem>>)
    %dma_wait3A_772 = arith.constant 537600 : i32
    %dma_wait3A_773 = tpu.memref_slice %arg5[%add3A, %dma_wait3A_772] : memref<32x1000000xf32, #tpu.memory_space<hbm>> -> memref<1x12800xf32, #tpu.memory_space<hbm>>
    %dma_wait3A_774 = tpu.memref_squeeze %dma_wait3A_773 : memref<1x12800xf32, #tpu.memory_space<hbm>> -> memref<12800xf32, #tpu.memory_space<hbm>>
    %dma_wait3A_775 = arith.constant 537600 : i32
    %dma_wait3A_776 = tpu.memref_slice %arg5[%add3A, %dma_wait3A_775] : memref<32x1000000xf32, #tpu.memory_space<hbm>> -> memref<1x12800xf32, #tpu.memory_space<hbm>>
    %dma_wait3A_777 = tpu.memref_squeeze %dma_wait3A_776 : memref<1x12800xf32, #tpu.memory_space<hbm>> -> memref<12800xf32, #tpu.memory_space<hbm>>
    tpu.wait_dma2 semaphore(%arg22 : memref<!tpu.dma_semaphore, #tpu.memory_space<semaphore_mem>>) src(%dma_wait3A_777 : memref<12800xf32, #tpu.memory_space<hbm>>) dst(%arg18 : memref<12800xf32, #tpu.memory_space<vmem>>)
    %dma_wait3A_778 = tpu.memref_slice %arg11[%add3A_751] : memref<32000000xf32, #tpu.memory_space<hbm>> -> memref<12800xf32, #tpu.memory_space<hbm>>
    %dma_wait3A_779 = tpu.memref_slice %arg11[%add3A_751] : memref<32000000xf32, #tpu.memory_space<hbm>> -> memref<12800xf32, #tpu.memory_space<hbm>>
    tpu.wait_dma2 semaphore(%arg24 : memref<!tpu.dma_semaphore, #tpu.memory_space<semaphore_mem>>) src(%arg16 : memref<12800xf32, #tpu.memory_space<vmem>>) dst(%dma_wait3A_779 : memref<12800xf32, #tpu.memory_space<hbm>>)
    %dma_start3A_780 = arith.constant 563200 : i32
    %dma_start3A_781 = tpu.memref_slice %arg5[%add3A, %dma_start3A_780] : memref<32x1000000xf32, #tpu.memory_space<hbm>> -> memref<1x12800xf32, #tpu.memory_space<hbm>>
    %dma_start3A_782 = tpu.memref_squeeze %dma_start3A_781 : memref<1x12800xf32, #tpu.memory_space<hbm>> -> memref<12800xf32, #tpu.memory_space<hbm>>
    %dma_start3A_783 = arith.constant 563200 : i32
    %dma_start3A_784 = tpu.memref_slice %arg5[%add3A, %dma_start3A_783] : memref<32x1000000xf32, #tpu.memory_space<hbm>> -> memref<1x12800xf32, #tpu.memory_space<hbm>>
    %dma_start3A_785 = tpu.memref_squeeze %dma_start3A_784 : memref<1x12800xf32, #tpu.memory_space<hbm>> -> memref<12800xf32, #tpu.memory_space<hbm>>
    tpu.enqueue_dma source(%dma_start3A_785 : memref<12800xf32, #tpu.memory_space<hbm>>) target(%arg16 : memref<12800xf32, #tpu.memory_space<vmem>>) target_semaphore(%arg22 : memref<!tpu.dma_semaphore, #tpu.memory_space<semaphore_mem>>)
    %add3A_786 = arith.constant 537600 : i32
    %add3A_787 = arith.addi %mul3A_9, %add3A_786 : i32
    %dma_start3A_788 = tpu.memref_slice %arg11[%add3A_787] : memref<32000000xf32, #tpu.memory_space<hbm>> -> memref<12800xf32, #tpu.memory_space<hbm>>
    %dma_start3A_789 = tpu.memref_slice %arg11[%add3A_787] : memref<32000000xf32, #tpu.memory_space<hbm>> -> memref<12800xf32, #tpu.memory_space<hbm>>
    tpu.enqueue_dma source(%arg18 : memref<12800xf32, #tpu.memory_space<vmem>>) target(%dma_start3A_789 : memref<12800xf32, #tpu.memory_space<hbm>>) target_semaphore(%arg24 : memref<!tpu.dma_semaphore, #tpu.memory_space<semaphore_mem>>)
    %dma_wait3A_790 = arith.constant 550400 : i32
    %dma_wait3A_791 = tpu.memref_slice %arg5[%add3A, %dma_wait3A_790] : memref<32x1000000xf32, #tpu.memory_space<hbm>> -> memref<1x12800xf32, #tpu.memory_space<hbm>>
    %dma_wait3A_792 = tpu.memref_squeeze %dma_wait3A_791 : memref<1x12800xf32, #tpu.memory_space<hbm>> -> memref<12800xf32, #tpu.memory_space<hbm>>
    %dma_wait3A_793 = arith.constant 550400 : i32
    %dma_wait3A_794 = tpu.memref_slice %arg5[%add3A, %dma_wait3A_793] : memref<32x1000000xf32, #tpu.memory_space<hbm>> -> memref<1x12800xf32, #tpu.memory_space<hbm>>
    %dma_wait3A_795 = tpu.memref_squeeze %dma_wait3A_794 : memref<1x12800xf32, #tpu.memory_space<hbm>> -> memref<12800xf32, #tpu.memory_space<hbm>>
    tpu.wait_dma2 semaphore(%arg23 : memref<!tpu.dma_semaphore, #tpu.memory_space<semaphore_mem>>) src(%dma_wait3A_795 : memref<12800xf32, #tpu.memory_space<hbm>>) dst(%arg19 : memref<12800xf32, #tpu.memory_space<vmem>>)
    %dma_wait3A_796 = tpu.memref_slice %arg11[%add3A_769] : memref<32000000xf32, #tpu.memory_space<hbm>> -> memref<12800xf32, #tpu.memory_space<hbm>>
    %dma_wait3A_797 = tpu.memref_slice %arg11[%add3A_769] : memref<32000000xf32, #tpu.memory_space<hbm>> -> memref<12800xf32, #tpu.memory_space<hbm>>
    tpu.wait_dma2 semaphore(%arg25 : memref<!tpu.dma_semaphore, #tpu.memory_space<semaphore_mem>>) src(%arg17 : memref<12800xf32, #tpu.memory_space<vmem>>) dst(%dma_wait3A_797 : memref<12800xf32, #tpu.memory_space<hbm>>)
    %dma_start3A_798 = arith.constant 576000 : i32
    %dma_start3A_799 = tpu.memref_slice %arg5[%add3A, %dma_start3A_798] : memref<32x1000000xf32, #tpu.memory_space<hbm>> -> memref<1x12800xf32, #tpu.memory_space<hbm>>
    %dma_start3A_800 = tpu.memref_squeeze %dma_start3A_799 : memref<1x12800xf32, #tpu.memory_space<hbm>> -> memref<12800xf32, #tpu.memory_space<hbm>>
    %dma_start3A_801 = arith.constant 576000 : i32
    %dma_start3A_802 = tpu.memref_slice %arg5[%add3A, %dma_start3A_801] : memref<32x1000000xf32, #tpu.memory_space<hbm>> -> memref<1x12800xf32, #tpu.memory_space<hbm>>
    %dma_start3A_803 = tpu.memref_squeeze %dma_start3A_802 : memref<1x12800xf32, #tpu.memory_space<hbm>> -> memref<12800xf32, #tpu.memory_space<hbm>>
    tpu.enqueue_dma source(%dma_start3A_803 : memref<12800xf32, #tpu.memory_space<hbm>>) target(%arg17 : memref<12800xf32, #tpu.memory_space<vmem>>) target_semaphore(%arg23 : memref<!tpu.dma_semaphore, #tpu.memory_space<semaphore_mem>>)
    %add3A_804 = arith.constant 550400 : i32
    %add3A_805 = arith.addi %mul3A_9, %add3A_804 : i32
    %dma_start3A_806 = tpu.memref_slice %arg11[%add3A_805] : memref<32000000xf32, #tpu.memory_space<hbm>> -> memref<12800xf32, #tpu.memory_space<hbm>>
    %dma_start3A_807 = tpu.memref_slice %arg11[%add3A_805] : memref<32000000xf32, #tpu.memory_space<hbm>> -> memref<12800xf32, #tpu.memory_space<hbm>>
    tpu.enqueue_dma source(%arg19 : memref<12800xf32, #tpu.memory_space<vmem>>) target(%dma_start3A_807 : memref<12800xf32, #tpu.memory_space<hbm>>) target_semaphore(%arg25 : memref<!tpu.dma_semaphore, #tpu.memory_space<semaphore_mem>>)
    %dma_wait3A_808 = arith.constant 563200 : i32
    %dma_wait3A_809 = tpu.memref_slice %arg5[%add3A, %dma_wait3A_808] : memref<32x1000000xf32, #tpu.memory_space<hbm>> -> memref<1x12800xf32, #tpu.memory_space<hbm>>
    %dma_wait3A_810 = tpu.memref_squeeze %dma_wait3A_809 : memref<1x12800xf32, #tpu.memory_space<hbm>> -> memref<12800xf32, #tpu.memory_space<hbm>>
    %dma_wait3A_811 = arith.constant 563200 : i32
    %dma_wait3A_812 = tpu.memref_slice %arg5[%add3A, %dma_wait3A_811] : memref<32x1000000xf32, #tpu.memory_space<hbm>> -> memref<1x12800xf32, #tpu.memory_space<hbm>>
    %dma_wait3A_813 = tpu.memref_squeeze %dma_wait3A_812 : memref<1x12800xf32, #tpu.memory_space<hbm>> -> memref<12800xf32, #tpu.memory_space<hbm>>
    tpu.wait_dma2 semaphore(%arg22 : memref<!tpu.dma_semaphore, #tpu.memory_space<semaphore_mem>>) src(%dma_wait3A_813 : memref<12800xf32, #tpu.memory_space<hbm>>) dst(%arg16 : memref<12800xf32, #tpu.memory_space<vmem>>)
    %dma_wait3A_814 = tpu.memref_slice %arg11[%add3A_787] : memref<32000000xf32, #tpu.memory_space<hbm>> -> memref<12800xf32, #tpu.memory_space<hbm>>
    %dma_wait3A_815 = tpu.memref_slice %arg11[%add3A_787] : memref<32000000xf32, #tpu.memory_space<hbm>> -> memref<12800xf32, #tpu.memory_space<hbm>>
    tpu.wait_dma2 semaphore(%arg24 : memref<!tpu.dma_semaphore, #tpu.memory_space<semaphore_mem>>) src(%arg18 : memref<12800xf32, #tpu.memory_space<vmem>>) dst(%dma_wait3A_815 : memref<12800xf32, #tpu.memory_space<hbm>>)
    %dma_start3A_816 = arith.constant 588800 : i32
    %dma_start3A_817 = tpu.memref_slice %arg5[%add3A, %dma_start3A_816] : memref<32x1000000xf32, #tpu.memory_space<hbm>> -> memref<1x12800xf32, #tpu.memory_space<hbm>>
    %dma_start3A_818 = tpu.memref_squeeze %dma_start3A_817 : memref<1x12800xf32, #tpu.memory_space<hbm>> -> memref<12800xf32, #tpu.memory_space<hbm>>
    %dma_start3A_819 = arith.constant 588800 : i32
    %dma_start3A_820 = tpu.memref_slice %arg5[%add3A, %dma_start3A_819] : memref<32x1000000xf32, #tpu.memory_space<hbm>> -> memref<1x12800xf32, #tpu.memory_space<hbm>>
    %dma_start3A_821 = tpu.memref_squeeze %dma_start3A_820 : memref<1x12800xf32, #tpu.memory_space<hbm>> -> memref<12800xf32, #tpu.memory_space<hbm>>
    tpu.enqueue_dma source(%dma_start3A_821 : memref<12800xf32, #tpu.memory_space<hbm>>) target(%arg18 : memref<12800xf32, #tpu.memory_space<vmem>>) target_semaphore(%arg22 : memref<!tpu.dma_semaphore, #tpu.memory_space<semaphore_mem>>)
    %add3A_822 = arith.constant 563200 : i32
    %add3A_823 = arith.addi %mul3A_9, %add3A_822 : i32
    %dma_start3A_824 = tpu.memref_slice %arg11[%add3A_823] : memref<32000000xf32, #tpu.memory_space<hbm>> -> memref<12800xf32, #tpu.memory_space<hbm>>
    %dma_start3A_825 = tpu.memref_slice %arg11[%add3A_823] : memref<32000000xf32, #tpu.memory_space<hbm>> -> memref<12800xf32, #tpu.memory_space<hbm>>
    tpu.enqueue_dma source(%arg16 : memref<12800xf32, #tpu.memory_space<vmem>>) target(%dma_start3A_825 : memref<12800xf32, #tpu.memory_space<hbm>>) target_semaphore(%arg24 : memref<!tpu.dma_semaphore, #tpu.memory_space<semaphore_mem>>)
    %dma_wait3A_826 = arith.constant 576000 : i32
    %dma_wait3A_827 = tpu.memref_slice %arg5[%add3A, %dma_wait3A_826] : memref<32x1000000xf32, #tpu.memory_space<hbm>> -> memref<1x12800xf32, #tpu.memory_space<hbm>>
    %dma_wait3A_828 = tpu.memref_squeeze %dma_wait3A_827 : memref<1x12800xf32, #tpu.memory_space<hbm>> -> memref<12800xf32, #tpu.memory_space<hbm>>
    %dma_wait3A_829 = arith.constant 576000 : i32
    %dma_wait3A_830 = tpu.memref_slice %arg5[%add3A, %dma_wait3A_829] : memref<32x1000000xf32, #tpu.memory_space<hbm>> -> memref<1x12800xf32, #tpu.memory_space<hbm>>
    %dma_wait3A_831 = tpu.memref_squeeze %dma_wait3A_830 : memref<1x12800xf32, #tpu.memory_space<hbm>> -> memref<12800xf32, #tpu.memory_space<hbm>>
    tpu.wait_dma2 semaphore(%arg23 : memref<!tpu.dma_semaphore, #tpu.memory_space<semaphore_mem>>) src(%dma_wait3A_831 : memref<12800xf32, #tpu.memory_space<hbm>>) dst(%arg17 : memref<12800xf32, #tpu.memory_space<vmem>>)
    %dma_wait3A_832 = tpu.memref_slice %arg11[%add3A_805] : memref<32000000xf32, #tpu.memory_space<hbm>> -> memref<12800xf32, #tpu.memory_space<hbm>>
    %dma_wait3A_833 = tpu.memref_slice %arg11[%add3A_805] : memref<32000000xf32, #tpu.memory_space<hbm>> -> memref<12800xf32, #tpu.memory_space<hbm>>
    tpu.wait_dma2 semaphore(%arg25 : memref<!tpu.dma_semaphore, #tpu.memory_space<semaphore_mem>>) src(%arg19 : memref<12800xf32, #tpu.memory_space<vmem>>) dst(%dma_wait3A_833 : memref<12800xf32, #tpu.memory_space<hbm>>)
    %dma_start3A_834 = arith.constant 601600 : i32
    %dma_start3A_835 = tpu.memref_slice %arg5[%add3A, %dma_start3A_834] : memref<32x1000000xf32, #tpu.memory_space<hbm>> -> memref<1x12800xf32, #tpu.memory_space<hbm>>
    %dma_start3A_836 = tpu.memref_squeeze %dma_start3A_835 : memref<1x12800xf32, #tpu.memory_space<hbm>> -> memref<12800xf32, #tpu.memory_space<hbm>>
    %dma_start3A_837 = arith.constant 601600 : i32
    %dma_start3A_838 = tpu.memref_slice %arg5[%add3A, %dma_start3A_837] : memref<32x1000000xf32, #tpu.memory_space<hbm>> -> memref<1x12800xf32, #tpu.memory_space<hbm>>
    %dma_start3A_839 = tpu.memref_squeeze %dma_start3A_838 : memref<1x12800xf32, #tpu.memory_space<hbm>> -> memref<12800xf32, #tpu.memory_space<hbm>>
    tpu.enqueue_dma source(%dma_start3A_839 : memref<12800xf32, #tpu.memory_space<hbm>>) target(%arg19 : memref<12800xf32, #tpu.memory_space<vmem>>) target_semaphore(%arg23 : memref<!tpu.dma_semaphore, #tpu.memory_space<semaphore_mem>>)
    %add3A_840 = arith.constant 576000 : i32
    %add3A_841 = arith.addi %mul3A_9, %add3A_840 : i32
    %dma_start3A_842 = tpu.memref_slice %arg11[%add3A_841] : memref<32000000xf32, #tpu.memory_space<hbm>> -> memref<12800xf32, #tpu.memory_space<hbm>>
    %dma_start3A_843 = tpu.memref_slice %arg11[%add3A_841] : memref<32000000xf32, #tpu.memory_space<hbm>> -> memref<12800xf32, #tpu.memory_space<hbm>>
    tpu.enqueue_dma source(%arg17 : memref<12800xf32, #tpu.memory_space<vmem>>) target(%dma_start3A_843 : memref<12800xf32, #tpu.memory_space<hbm>>) target_semaphore(%arg25 : memref<!tpu.dma_semaphore, #tpu.memory_space<semaphore_mem>>)
    %dma_wait3A_844 = arith.constant 588800 : i32
    %dma_wait3A_845 = tpu.memref_slice %arg5[%add3A, %dma_wait3A_844] : memref<32x1000000xf32, #tpu.memory_space<hbm>> -> memref<1x12800xf32, #tpu.memory_space<hbm>>
    %dma_wait3A_846 = tpu.memref_squeeze %dma_wait3A_845 : memref<1x12800xf32, #tpu.memory_space<hbm>> -> memref<12800xf32, #tpu.memory_space<hbm>>
    %dma_wait3A_847 = arith.constant 588800 : i32
    %dma_wait3A_848 = tpu.memref_slice %arg5[%add3A, %dma_wait3A_847] : memref<32x1000000xf32, #tpu.memory_space<hbm>> -> memref<1x12800xf32, #tpu.memory_space<hbm>>
    %dma_wait3A_849 = tpu.memref_squeeze %dma_wait3A_848 : memref<1x12800xf32, #tpu.memory_space<hbm>> -> memref<12800xf32, #tpu.memory_space<hbm>>
    tpu.wait_dma2 semaphore(%arg22 : memref<!tpu.dma_semaphore, #tpu.memory_space<semaphore_mem>>) src(%dma_wait3A_849 : memref<12800xf32, #tpu.memory_space<hbm>>) dst(%arg18 : memref<12800xf32, #tpu.memory_space<vmem>>)
    %dma_wait3A_850 = tpu.memref_slice %arg11[%add3A_823] : memref<32000000xf32, #tpu.memory_space<hbm>> -> memref<12800xf32, #tpu.memory_space<hbm>>
    %dma_wait3A_851 = tpu.memref_slice %arg11[%add3A_823] : memref<32000000xf32, #tpu.memory_space<hbm>> -> memref<12800xf32, #tpu.memory_space<hbm>>
    tpu.wait_dma2 semaphore(%arg24 : memref<!tpu.dma_semaphore, #tpu.memory_space<semaphore_mem>>) src(%arg16 : memref<12800xf32, #tpu.memory_space<vmem>>) dst(%dma_wait3A_851 : memref<12800xf32, #tpu.memory_space<hbm>>)
    %dma_start3A_852 = arith.constant 614400 : i32
    %dma_start3A_853 = tpu.memref_slice %arg5[%add3A, %dma_start3A_852] : memref<32x1000000xf32, #tpu.memory_space<hbm>> -> memref<1x12800xf32, #tpu.memory_space<hbm>>
    %dma_start3A_854 = tpu.memref_squeeze %dma_start3A_853 : memref<1x12800xf32, #tpu.memory_space<hbm>> -> memref<12800xf32, #tpu.memory_space<hbm>>
    %dma_start3A_855 = arith.constant 614400 : i32
    %dma_start3A_856 = tpu.memref_slice %arg5[%add3A, %dma_start3A_855] : memref<32x1000000xf32, #tpu.memory_space<hbm>> -> memref<1x12800xf32, #tpu.memory_space<hbm>>
    %dma_start3A_857 = tpu.memref_squeeze %dma_start3A_856 : memref<1x12800xf32, #tpu.memory_space<hbm>> -> memref<12800xf32, #tpu.memory_space<hbm>>
    tpu.enqueue_dma source(%dma_start3A_857 : memref<12800xf32, #tpu.memory_space<hbm>>) target(%arg16 : memref<12800xf32, #tpu.memory_space<vmem>>) target_semaphore(%arg22 : memref<!tpu.dma_semaphore, #tpu.memory_space<semaphore_mem>>)
    %add3A_858 = arith.constant 588800 : i32
    %add3A_859 = arith.addi %mul3A_9, %add3A_858 : i32
    %dma_start3A_860 = tpu.memref_slice %arg11[%add3A_859] : memref<32000000xf32, #tpu.memory_space<hbm>> -> memref<12800xf32, #tpu.memory_space<hbm>>
    %dma_start3A_861 = tpu.memref_slice %arg11[%add3A_859] : memref<32000000xf32, #tpu.memory_space<hbm>> -> memref<12800xf32, #tpu.memory_space<hbm>>
    tpu.enqueue_dma source(%arg18 : memref<12800xf32, #tpu.memory_space<vmem>>) target(%dma_start3A_861 : memref<12800xf32, #tpu.memory_space<hbm>>) target_semaphore(%arg24 : memref<!tpu.dma_semaphore, #tpu.memory_space<semaphore_mem>>)
    %dma_wait3A_862 = arith.constant 601600 : i32
    %dma_wait3A_863 = tpu.memref_slice %arg5[%add3A, %dma_wait3A_862] : memref<32x1000000xf32, #tpu.memory_space<hbm>> -> memref<1x12800xf32, #tpu.memory_space<hbm>>
    %dma_wait3A_864 = tpu.memref_squeeze %dma_wait3A_863 : memref<1x12800xf32, #tpu.memory_space<hbm>> -> memref<12800xf32, #tpu.memory_space<hbm>>
    %dma_wait3A_865 = arith.constant 601600 : i32
    %dma_wait3A_866 = tpu.memref_slice %arg5[%add3A, %dma_wait3A_865] : memref<32x1000000xf32, #tpu.memory_space<hbm>> -> memref<1x12800xf32, #tpu.memory_space<hbm>>
    %dma_wait3A_867 = tpu.memref_squeeze %dma_wait3A_866 : memref<1x12800xf32, #tpu.memory_space<hbm>> -> memref<12800xf32, #tpu.memory_space<hbm>>
    tpu.wait_dma2 semaphore(%arg23 : memref<!tpu.dma_semaphore, #tpu.memory_space<semaphore_mem>>) src(%dma_wait3A_867 : memref<12800xf32, #tpu.memory_space<hbm>>) dst(%arg19 : memref<12800xf32, #tpu.memory_space<vmem>>)
    %dma_wait3A_868 = tpu.memref_slice %arg11[%add3A_841] : memref<32000000xf32, #tpu.memory_space<hbm>> -> memref<12800xf32, #tpu.memory_space<hbm>>
    %dma_wait3A_869 = tpu.memref_slice %arg11[%add3A_841] : memref<32000000xf32, #tpu.memory_space<hbm>> -> memref<12800xf32, #tpu.memory_space<hbm>>
    tpu.wait_dma2 semaphore(%arg25 : memref<!tpu.dma_semaphore, #tpu.memory_space<semaphore_mem>>) src(%arg17 : memref<12800xf32, #tpu.memory_space<vmem>>) dst(%dma_wait3A_869 : memref<12800xf32, #tpu.memory_space<hbm>>)
    %dma_start3A_870 = arith.constant 627200 : i32
    %dma_start3A_871 = tpu.memref_slice %arg5[%add3A, %dma_start3A_870] : memref<32x1000000xf32, #tpu.memory_space<hbm>> -> memref<1x12800xf32, #tpu.memory_space<hbm>>
    %dma_start3A_872 = tpu.memref_squeeze %dma_start3A_871 : memref<1x12800xf32, #tpu.memory_space<hbm>> -> memref<12800xf32, #tpu.memory_space<hbm>>
    %dma_start3A_873 = arith.constant 627200 : i32
    %dma_start3A_874 = tpu.memref_slice %arg5[%add3A, %dma_start3A_873] : memref<32x1000000xf32, #tpu.memory_space<hbm>> -> memref<1x12800xf32, #tpu.memory_space<hbm>>
    %dma_start3A_875 = tpu.memref_squeeze %dma_start3A_874 : memref<1x12800xf32, #tpu.memory_space<hbm>> -> memref<12800xf32, #tpu.memory_space<hbm>>
    tpu.enqueue_dma source(%dma_start3A_875 : memref<12800xf32, #tpu.memory_space<hbm>>) target(%arg17 : memref<12800xf32, #tpu.memory_space<vmem>>) target_semaphore(%arg23 : memref<!tpu.dma_semaphore, #tpu.memory_space<semaphore_mem>>)
    %add3A_876 = arith.constant 601600 : i32
    %add3A_877 = arith.addi %mul3A_9, %add3A_876 : i32
    %dma_start3A_878 = tpu.memref_slice %arg11[%add3A_877] : memref<32000000xf32, #tpu.memory_space<hbm>> -> memref<12800xf32, #tpu.memory_space<hbm>>
    %dma_start3A_879 = tpu.memref_slice %arg11[%add3A_877] : memref<32000000xf32, #tpu.memory_space<hbm>> -> memref<12800xf32, #tpu.memory_space<hbm>>
    tpu.enqueue_dma source(%arg19 : memref<12800xf32, #tpu.memory_space<vmem>>) target(%dma_start3A_879 : memref<12800xf32, #tpu.memory_space<hbm>>) target_semaphore(%arg25 : memref<!tpu.dma_semaphore, #tpu.memory_space<semaphore_mem>>)
    %dma_wait3A_880 = arith.constant 614400 : i32
    %dma_wait3A_881 = tpu.memref_slice %arg5[%add3A, %dma_wait3A_880] : memref<32x1000000xf32, #tpu.memory_space<hbm>> -> memref<1x12800xf32, #tpu.memory_space<hbm>>
    %dma_wait3A_882 = tpu.memref_squeeze %dma_wait3A_881 : memref<1x12800xf32, #tpu.memory_space<hbm>> -> memref<12800xf32, #tpu.memory_space<hbm>>
    %dma_wait3A_883 = arith.constant 614400 : i32
    %dma_wait3A_884 = tpu.memref_slice %arg5[%add3A, %dma_wait3A_883] : memref<32x1000000xf32, #tpu.memory_space<hbm>> -> memref<1x12800xf32, #tpu.memory_space<hbm>>
    %dma_wait3A_885 = tpu.memref_squeeze %dma_wait3A_884 : memref<1x12800xf32, #tpu.memory_space<hbm>> -> memref<12800xf32, #tpu.memory_space<hbm>>
    tpu.wait_dma2 semaphore(%arg22 : memref<!tpu.dma_semaphore, #tpu.memory_space<semaphore_mem>>) src(%dma_wait3A_885 : memref<12800xf32, #tpu.memory_space<hbm>>) dst(%arg16 : memref<12800xf32, #tpu.memory_space<vmem>>)
    %dma_wait3A_886 = tpu.memref_slice %arg11[%add3A_859] : memref<32000000xf32, #tpu.memory_space<hbm>> -> memref<12800xf32, #tpu.memory_space<hbm>>
    %dma_wait3A_887 = tpu.memref_slice %arg11[%add3A_859] : memref<32000000xf32, #tpu.memory_space<hbm>> -> memref<12800xf32, #tpu.memory_space<hbm>>
    tpu.wait_dma2 semaphore(%arg24 : memref<!tpu.dma_semaphore, #tpu.memory_space<semaphore_mem>>) src(%arg18 : memref<12800xf32, #tpu.memory_space<vmem>>) dst(%dma_wait3A_887 : memref<12800xf32, #tpu.memory_space<hbm>>)
    %dma_start3A_888 = arith.constant 640000 : i32
    %dma_start3A_889 = tpu.memref_slice %arg5[%add3A, %dma_start3A_888] : memref<32x1000000xf32, #tpu.memory_space<hbm>> -> memref<1x12800xf32, #tpu.memory_space<hbm>>
    %dma_start3A_890 = tpu.memref_squeeze %dma_start3A_889 : memref<1x12800xf32, #tpu.memory_space<hbm>> -> memref<12800xf32, #tpu.memory_space<hbm>>
    %dma_start3A_891 = arith.constant 640000 : i32
    %dma_start3A_892 = tpu.memref_slice %arg5[%add3A, %dma_start3A_891] : memref<32x1000000xf32, #tpu.memory_space<hbm>> -> memref<1x12800xf32, #tpu.memory_space<hbm>>
    %dma_start3A_893 = tpu.memref_squeeze %dma_start3A_892 : memref<1x12800xf32, #tpu.memory_space<hbm>> -> memref<12800xf32, #tpu.memory_space<hbm>>
    tpu.enqueue_dma source(%dma_start3A_893 : memref<12800xf32, #tpu.memory_space<hbm>>) target(%arg18 : memref<12800xf32, #tpu.memory_space<vmem>>) target_semaphore(%arg22 : memref<!tpu.dma_semaphore, #tpu.memory_space<semaphore_mem>>)
    %add3A_894 = arith.constant 614400 : i32
    %add3A_895 = arith.addi %mul3A_9, %add3A_894 : i32
    %dma_start3A_896 = tpu.memref_slice %arg11[%add3A_895] : memref<32000000xf32, #tpu.memory_space<hbm>> -> memref<12800xf32, #tpu.memory_space<hbm>>
    %dma_start3A_897 = tpu.memref_slice %arg11[%add3A_895] : memref<32000000xf32, #tpu.memory_space<hbm>> -> memref<12800xf32, #tpu.memory_space<hbm>>
    tpu.enqueue_dma source(%arg16 : memref<12800xf32, #tpu.memory_space<vmem>>) target(%dma_start3A_897 : memref<12800xf32, #tpu.memory_space<hbm>>) target_semaphore(%arg24 : memref<!tpu.dma_semaphore, #tpu.memory_space<semaphore_mem>>)
    %dma_wait3A_898 = arith.constant 627200 : i32
    %dma_wait3A_899 = tpu.memref_slice %arg5[%add3A, %dma_wait3A_898] : memref<32x1000000xf32, #tpu.memory_space<hbm>> -> memref<1x12800xf32, #tpu.memory_space<hbm>>
    %dma_wait3A_900 = tpu.memref_squeeze %dma_wait3A_899 : memref<1x12800xf32, #tpu.memory_space<hbm>> -> memref<12800xf32, #tpu.memory_space<hbm>>
    %dma_wait3A_901 = arith.constant 627200 : i32
    %dma_wait3A_902 = tpu.memref_slice %arg5[%add3A, %dma_wait3A_901] : memref<32x1000000xf32, #tpu.memory_space<hbm>> -> memref<1x12800xf32, #tpu.memory_space<hbm>>
    %dma_wait3A_903 = tpu.memref_squeeze %dma_wait3A_902 : memref<1x12800xf32, #tpu.memory_space<hbm>> -> memref<12800xf32, #tpu.memory_space<hbm>>
    tpu.wait_dma2 semaphore(%arg23 : memref<!tpu.dma_semaphore, #tpu.memory_space<semaphore_mem>>) src(%dma_wait3A_903 : memref<12800xf32, #tpu.memory_space<hbm>>) dst(%arg17 : memref<12800xf32, #tpu.memory_space<vmem>>)
    %dma_wait3A_904 = tpu.memref_slice %arg11[%add3A_877] : memref<32000000xf32, #tpu.memory_space<hbm>> -> memref<12800xf32, #tpu.memory_space<hbm>>
    %dma_wait3A_905 = tpu.memref_slice %arg11[%add3A_877] : memref<32000000xf32, #tpu.memory_space<hbm>> -> memref<12800xf32, #tpu.memory_space<hbm>>
    tpu.wait_dma2 semaphore(%arg25 : memref<!tpu.dma_semaphore, #tpu.memory_space<semaphore_mem>>) src(%arg19 : memref<12800xf32, #tpu.memory_space<vmem>>) dst(%dma_wait3A_905 : memref<12800xf32, #tpu.memory_space<hbm>>)
    %dma_start3A_906 = arith.constant 652800 : i32
    %dma_start3A_907 = tpu.memref_slice %arg5[%add3A, %dma_start3A_906] : memref<32x1000000xf32, #tpu.memory_space<hbm>> -> memref<1x12800xf32, #tpu.memory_space<hbm>>
    %dma_start3A_908 = tpu.memref_squeeze %dma_start3A_907 : memref<1x12800xf32, #tpu.memory_space<hbm>> -> memref<12800xf32, #tpu.memory_space<hbm>>
    %dma_start3A_909 = arith.constant 652800 : i32
    %dma_start3A_910 = tpu.memref_slice %arg5[%add3A, %dma_start3A_909] : memref<32x1000000xf32, #tpu.memory_space<hbm>> -> memref<1x12800xf32, #tpu.memory_space<hbm>>
    %dma_start3A_911 = tpu.memref_squeeze %dma_start3A_910 : memref<1x12800xf32, #tpu.memory_space<hbm>> -> memref<12800xf32, #tpu.memory_space<hbm>>
    tpu.enqueue_dma source(%dma_start3A_911 : memref<12800xf32, #tpu.memory_space<hbm>>) target(%arg19 : memref<12800xf32, #tpu.memory_space<vmem>>) target_semaphore(%arg23 : memref<!tpu.dma_semaphore, #tpu.memory_space<semaphore_mem>>)
    %add3A_912 = arith.constant 627200 : i32
    %add3A_913 = arith.addi %mul3A_9, %add3A_912 : i32
    %dma_start3A_914 = tpu.memref_slice %arg11[%add3A_913] : memref<32000000xf32, #tpu.memory_space<hbm>> -> memref<12800xf32, #tpu.memory_space<hbm>>
    %dma_start3A_915 = tpu.memref_slice %arg11[%add3A_913] : memref<32000000xf32, #tpu.memory_space<hbm>> -> memref<12800xf32, #tpu.memory_space<hbm>>
    tpu.enqueue_dma source(%arg17 : memref<12800xf32, #tpu.memory_space<vmem>>) target(%dma_start3A_915 : memref<12800xf32, #tpu.memory_space<hbm>>) target_semaphore(%arg25 : memref<!tpu.dma_semaphore, #tpu.memory_space<semaphore_mem>>)
    %dma_wait3A_916 = arith.constant 640000 : i32
    %dma_wait3A_917 = tpu.memref_slice %arg5[%add3A, %dma_wait3A_916] : memref<32x1000000xf32, #tpu.memory_space<hbm>> -> memref<1x12800xf32, #tpu.memory_space<hbm>>
    %dma_wait3A_918 = tpu.memref_squeeze %dma_wait3A_917 : memref<1x12800xf32, #tpu.memory_space<hbm>> -> memref<12800xf32, #tpu.memory_space<hbm>>
    %dma_wait3A_919 = arith.constant 640000 : i32
    %dma_wait3A_920 = tpu.memref_slice %arg5[%add3A, %dma_wait3A_919] : memref<32x1000000xf32, #tpu.memory_space<hbm>> -> memref<1x12800xf32, #tpu.memory_space<hbm>>
    %dma_wait3A_921 = tpu.memref_squeeze %dma_wait3A_920 : memref<1x12800xf32, #tpu.memory_space<hbm>> -> memref<12800xf32, #tpu.memory_space<hbm>>
    tpu.wait_dma2 semaphore(%arg22 : memref<!tpu.dma_semaphore, #tpu.memory_space<semaphore_mem>>) src(%dma_wait3A_921 : memref<12800xf32, #tpu.memory_space<hbm>>) dst(%arg18 : memref<12800xf32, #tpu.memory_space<vmem>>)
    %dma_wait3A_922 = tpu.memref_slice %arg11[%add3A_895] : memref<32000000xf32, #tpu.memory_space<hbm>> -> memref<12800xf32, #tpu.memory_space<hbm>>
    %dma_wait3A_923 = tpu.memref_slice %arg11[%add3A_895] : memref<32000000xf32, #tpu.memory_space<hbm>> -> memref<12800xf32, #tpu.memory_space<hbm>>
    tpu.wait_dma2 semaphore(%arg24 : memref<!tpu.dma_semaphore, #tpu.memory_space<semaphore_mem>>) src(%arg16 : memref<12800xf32, #tpu.memory_space<vmem>>) dst(%dma_wait3A_923 : memref<12800xf32, #tpu.memory_space<hbm>>)
    %dma_start3A_924 = arith.constant 665600 : i32
    %dma_start3A_925 = tpu.memref_slice %arg5[%add3A, %dma_start3A_924] : memref<32x1000000xf32, #tpu.memory_space<hbm>> -> memref<1x12800xf32, #tpu.memory_space<hbm>>
    %dma_start3A_926 = tpu.memref_squeeze %dma_start3A_925 : memref<1x12800xf32, #tpu.memory_space<hbm>> -> memref<12800xf32, #tpu.memory_space<hbm>>
    %dma_start3A_927 = arith.constant 665600 : i32
    %dma_start3A_928 = tpu.memref_slice %arg5[%add3A, %dma_start3A_927] : memref<32x1000000xf32, #tpu.memory_space<hbm>> -> memref<1x12800xf32, #tpu.memory_space<hbm>>
    %dma_start3A_929 = tpu.memref_squeeze %dma_start3A_928 : memref<1x12800xf32, #tpu.memory_space<hbm>> -> memref<12800xf32, #tpu.memory_space<hbm>>
    tpu.enqueue_dma source(%dma_start3A_929 : memref<12800xf32, #tpu.memory_space<hbm>>) target(%arg16 : memref<12800xf32, #tpu.memory_space<vmem>>) target_semaphore(%arg22 : memref<!tpu.dma_semaphore, #tpu.memory_space<semaphore_mem>>)
    %add3A_930 = arith.constant 640000 : i32
    %add3A_931 = arith.addi %mul3A_9, %add3A_930 : i32
    %dma_start3A_932 = tpu.memref_slice %arg11[%add3A_931] : memref<32000000xf32, #tpu.memory_space<hbm>> -> memref<12800xf32, #tpu.memory_space<hbm>>
    %dma_start3A_933 = tpu.memref_slice %arg11[%add3A_931] : memref<32000000xf32, #tpu.memory_space<hbm>> -> memref<12800xf32, #tpu.memory_space<hbm>>
    tpu.enqueue_dma source(%arg18 : memref<12800xf32, #tpu.memory_space<vmem>>) target(%dma_start3A_933 : memref<12800xf32, #tpu.memory_space<hbm>>) target_semaphore(%arg24 : memref<!tpu.dma_semaphore, #tpu.memory_space<semaphore_mem>>)
    %dma_wait3A_934 = arith.constant 652800 : i32
    %dma_wait3A_935 = tpu.memref_slice %arg5[%add3A, %dma_wait3A_934] : memref<32x1000000xf32, #tpu.memory_space<hbm>> -> memref<1x12800xf32, #tpu.memory_space<hbm>>
    %dma_wait3A_936 = tpu.memref_squeeze %dma_wait3A_935 : memref<1x12800xf32, #tpu.memory_space<hbm>> -> memref<12800xf32, #tpu.memory_space<hbm>>
    %dma_wait3A_937 = arith.constant 652800 : i32
    %dma_wait3A_938 = tpu.memref_slice %arg5[%add3A, %dma_wait3A_937] : memref<32x1000000xf32, #tpu.memory_space<hbm>> -> memref<1x12800xf32, #tpu.memory_space<hbm>>
    %dma_wait3A_939 = tpu.memref_squeeze %dma_wait3A_938 : memref<1x12800xf32, #tpu.memory_space<hbm>> -> memref<12800xf32, #tpu.memory_space<hbm>>
    tpu.wait_dma2 semaphore(%arg23 : memref<!tpu.dma_semaphore, #tpu.memory_space<semaphore_mem>>) src(%dma_wait3A_939 : memref<12800xf32, #tpu.memory_space<hbm>>) dst(%arg19 : memref<12800xf32, #tpu.memory_space<vmem>>)
    %dma_wait3A_940 = tpu.memref_slice %arg11[%add3A_913] : memref<32000000xf32, #tpu.memory_space<hbm>> -> memref<12800xf32, #tpu.memory_space<hbm>>
    %dma_wait3A_941 = tpu.memref_slice %arg11[%add3A_913] : memref<32000000xf32, #tpu.memory_space<hbm>> -> memref<12800xf32, #tpu.memory_space<hbm>>
    tpu.wait_dma2 semaphore(%arg25 : memref<!tpu.dma_semaphore, #tpu.memory_space<semaphore_mem>>) src(%arg17 : memref<12800xf32, #tpu.memory_space<vmem>>) dst(%dma_wait3A_941 : memref<12800xf32, #tpu.memory_space<hbm>>)
    %dma_start3A_942 = arith.constant 678400 : i32
    %dma_start3A_943 = tpu.memref_slice %arg5[%add3A, %dma_start3A_942] : memref<32x1000000xf32, #tpu.memory_space<hbm>> -> memref<1x12800xf32, #tpu.memory_space<hbm>>
    %dma_start3A_944 = tpu.memref_squeeze %dma_start3A_943 : memref<1x12800xf32, #tpu.memory_space<hbm>> -> memref<12800xf32, #tpu.memory_space<hbm>>
    %dma_start3A_945 = arith.constant 678400 : i32
    %dma_start3A_946 = tpu.memref_slice %arg5[%add3A, %dma_start3A_945] : memref<32x1000000xf32, #tpu.memory_space<hbm>> -> memref<1x12800xf32, #tpu.memory_space<hbm>>
    %dma_start3A_947 = tpu.memref_squeeze %dma_start3A_946 : memref<1x12800xf32, #tpu.memory_space<hbm>> -> memref<12800xf32, #tpu.memory_space<hbm>>
    tpu.enqueue_dma source(%dma_start3A_947 : memref<12800xf32, #tpu.memory_space<hbm>>) target(%arg17 : memref<12800xf32, #tpu.memory_space<vmem>>) target_semaphore(%arg23 : memref<!tpu.dma_semaphore, #tpu.memory_space<semaphore_mem>>)
    %add3A_948 = arith.constant 652800 : i32
    %add3A_949 = arith.addi %mul3A_9, %add3A_948 : i32
    %dma_start3A_950 = tpu.memref_slice %arg11[%add3A_949] : memref<32000000xf32, #tpu.memory_space<hbm>> -> memref<12800xf32, #tpu.memory_space<hbm>>
    %dma_start3A_951 = tpu.memref_slice %arg11[%add3A_949] : memref<32000000xf32, #tpu.memory_space<hbm>> -> memref<12800xf32, #tpu.memory_space<hbm>>
    tpu.enqueue_dma source(%arg19 : memref<12800xf32, #tpu.memory_space<vmem>>) target(%dma_start3A_951 : memref<12800xf32, #tpu.memory_space<hbm>>) target_semaphore(%arg25 : memref<!tpu.dma_semaphore, #tpu.memory_space<semaphore_mem>>)
    %dma_wait3A_952 = arith.constant 665600 : i32
    %dma_wait3A_953 = tpu.memref_slice %arg5[%add3A, %dma_wait3A_952] : memref<32x1000000xf32, #tpu.memory_space<hbm>> -> memref<1x12800xf32, #tpu.memory_space<hbm>>
    %dma_wait3A_954 = tpu.memref_squeeze %dma_wait3A_953 : memref<1x12800xf32, #tpu.memory_space<hbm>> -> memref<12800xf32, #tpu.memory_space<hbm>>
    %dma_wait3A_955 = arith.constant 665600 : i32
    %dma_wait3A_956 = tpu.memref_slice %arg5[%add3A, %dma_wait3A_955] : memref<32x1000000xf32, #tpu.memory_space<hbm>> -> memref<1x12800xf32, #tpu.memory_space<hbm>>
    %dma_wait3A_957 = tpu.memref_squeeze %dma_wait3A_956 : memref<1x12800xf32, #tpu.memory_space<hbm>> -> memref<12800xf32, #tpu.memory_space<hbm>>
    tpu.wait_dma2 semaphore(%arg22 : memref<!tpu.dma_semaphore, #tpu.memory_space<semaphore_mem>>) src(%dma_wait3A_957 : memref<12800xf32, #tpu.memory_space<hbm>>) dst(%arg16 : memref<12800xf32, #tpu.memory_space<vmem>>)
    %dma_wait3A_958 = tpu.memref_slice %arg11[%add3A_931] : memref<32000000xf32, #tpu.memory_space<hbm>> -> memref<12800xf32, #tpu.memory_space<hbm>>
    %dma_wait3A_959 = tpu.memref_slice %arg11[%add3A_931] : memref<32000000xf32, #tpu.memory_space<hbm>> -> memref<12800xf32, #tpu.memory_space<hbm>>
    tpu.wait_dma2 semaphore(%arg24 : memref<!tpu.dma_semaphore, #tpu.memory_space<semaphore_mem>>) src(%arg18 : memref<12800xf32, #tpu.memory_space<vmem>>) dst(%dma_wait3A_959 : memref<12800xf32, #tpu.memory_space<hbm>>)
    %dma_start3A_960 = arith.constant 691200 : i32
    %dma_start3A_961 = tpu.memref_slice %arg5[%add3A, %dma_start3A_960] : memref<32x1000000xf32, #tpu.memory_space<hbm>> -> memref<1x12800xf32, #tpu.memory_space<hbm>>
    %dma_start3A_962 = tpu.memref_squeeze %dma_start3A_961 : memref<1x12800xf32, #tpu.memory_space<hbm>> -> memref<12800xf32, #tpu.memory_space<hbm>>
    %dma_start3A_963 = arith.constant 691200 : i32
    %dma_start3A_964 = tpu.memref_slice %arg5[%add3A, %dma_start3A_963] : memref<32x1000000xf32, #tpu.memory_space<hbm>> -> memref<1x12800xf32, #tpu.memory_space<hbm>>
    %dma_start3A_965 = tpu.memref_squeeze %dma_start3A_964 : memref<1x12800xf32, #tpu.memory_space<hbm>> -> memref<12800xf32, #tpu.memory_space<hbm>>
    tpu.enqueue_dma source(%dma_start3A_965 : memref<12800xf32, #tpu.memory_space<hbm>>) target(%arg18 : memref<12800xf32, #tpu.memory_space<vmem>>) target_semaphore(%arg22 : memref<!tpu.dma_semaphore, #tpu.memory_space<semaphore_mem>>)
    %add3A_966 = arith.constant 665600 : i32
    %add3A_967 = arith.addi %mul3A_9, %add3A_966 : i32
    %dma_start3A_968 = tpu.memref_slice %arg11[%add3A_967] : memref<32000000xf32, #tpu.memory_space<hbm>> -> memref<12800xf32, #tpu.memory_space<hbm>>
    %dma_start3A_969 = tpu.memref_slice %arg11[%add3A_967] : memref<32000000xf32, #tpu.memory_space<hbm>> -> memref<12800xf32, #tpu.memory_space<hbm>>
    tpu.enqueue_dma source(%arg16 : memref<12800xf32, #tpu.memory_space<vmem>>) target(%dma_start3A_969 : memref<12800xf32, #tpu.memory_space<hbm>>) target_semaphore(%arg24 : memref<!tpu.dma_semaphore, #tpu.memory_space<semaphore_mem>>)
    %dma_wait3A_970 = arith.constant 678400 : i32
    %dma_wait3A_971 = tpu.memref_slice %arg5[%add3A, %dma_wait3A_970] : memref<32x1000000xf32, #tpu.memory_space<hbm>> -> memref<1x12800xf32, #tpu.memory_space<hbm>>
    %dma_wait3A_972 = tpu.memref_squeeze %dma_wait3A_971 : memref<1x12800xf32, #tpu.memory_space<hbm>> -> memref<12800xf32, #tpu.memory_space<hbm>>
    %dma_wait3A_973 = arith.constant 678400 : i32
    %dma_wait3A_974 = tpu.memref_slice %arg5[%add3A, %dma_wait3A_973] : memref<32x1000000xf32, #tpu.memory_space<hbm>> -> memref<1x12800xf32, #tpu.memory_space<hbm>>
    %dma_wait3A_975 = tpu.memref_squeeze %dma_wait3A_974 : memref<1x12800xf32, #tpu.memory_space<hbm>> -> memref<12800xf32, #tpu.memory_space<hbm>>
    tpu.wait_dma2 semaphore(%arg23 : memref<!tpu.dma_semaphore, #tpu.memory_space<semaphore_mem>>) src(%dma_wait3A_975 : memref<12800xf32, #tpu.memory_space<hbm>>) dst(%arg17 : memref<12800xf32, #tpu.memory_space<vmem>>)
    %dma_wait3A_976 = tpu.memref_slice %arg11[%add3A_949] : memref<32000000xf32, #tpu.memory_space<hbm>> -> memref<12800xf32, #tpu.memory_space<hbm>>
    %dma_wait3A_977 = tpu.memref_slice %arg11[%add3A_949] : memref<32000000xf32, #tpu.memory_space<hbm>> -> memref<12800xf32, #tpu.memory_space<hbm>>
    tpu.wait_dma2 semaphore(%arg25 : memref<!tpu.dma_semaphore, #tpu.memory_space<semaphore_mem>>) src(%arg19 : memref<12800xf32, #tpu.memory_space<vmem>>) dst(%dma_wait3A_977 : memref<12800xf32, #tpu.memory_space<hbm>>)
    %dma_start3A_978 = arith.constant 704000 : i32
    %dma_start3A_979 = tpu.memref_slice %arg5[%add3A, %dma_start3A_978] : memref<32x1000000xf32, #tpu.memory_space<hbm>> -> memref<1x12800xf32, #tpu.memory_space<hbm>>
    %dma_start3A_980 = tpu.memref_squeeze %dma_start3A_979 : memref<1x12800xf32, #tpu.memory_space<hbm>> -> memref<12800xf32, #tpu.memory_space<hbm>>
    %dma_start3A_981 = arith.constant 704000 : i32
    %dma_start3A_982 = tpu.memref_slice %arg5[%add3A, %dma_start3A_981] : memref<32x1000000xf32, #tpu.memory_space<hbm>> -> memref<1x12800xf32, #tpu.memory_space<hbm>>
    %dma_start3A_983 = tpu.memref_squeeze %dma_start3A_982 : memref<1x12800xf32, #tpu.memory_space<hbm>> -> memref<12800xf32, #tpu.memory_space<hbm>>
    tpu.enqueue_dma source(%dma_start3A_983 : memref<12800xf32, #tpu.memory_space<hbm>>) target(%arg19 : memref<12800xf32, #tpu.memory_space<vmem>>) target_semaphore(%arg23 : memref<!tpu.dma_semaphore, #tpu.memory_space<semaphore_mem>>)
    %add3A_984 = arith.constant 678400 : i32
    %add3A_985 = arith.addi %mul3A_9, %add3A_984 : i32
    %dma_start3A_986 = tpu.memref_slice %arg11[%add3A_985] : memref<32000000xf32, #tpu.memory_space<hbm>> -> memref<12800xf32, #tpu.memory_space<hbm>>
    %dma_start3A_987 = tpu.memref_slice %arg11[%add3A_985] : memref<32000000xf32, #tpu.memory_space<hbm>> -> memref<12800xf32, #tpu.memory_space<hbm>>
    tpu.enqueue_dma source(%arg17 : memref<12800xf32, #tpu.memory_space<vmem>>) target(%dma_start3A_987 : memref<12800xf32, #tpu.memory_space<hbm>>) target_semaphore(%arg25 : memref<!tpu.dma_semaphore, #tpu.memory_space<semaphore_mem>>)
    %dma_wait3A_988 = arith.constant 691200 : i32
    %dma_wait3A_989 = tpu.memref_slice %arg5[%add3A, %dma_wait3A_988] : memref<32x1000000xf32, #tpu.memory_space<hbm>> -> memref<1x12800xf32, #tpu.memory_space<hbm>>
    %dma_wait3A_990 = tpu.memref_squeeze %dma_wait3A_989 : memref<1x12800xf32, #tpu.memory_space<hbm>> -> memref<12800xf32, #tpu.memory_space<hbm>>
    %dma_wait3A_991 = arith.constant 691200 : i32
    %dma_wait3A_992 = tpu.memref_slice %arg5[%add3A, %dma_wait3A_991] : memref<32x1000000xf32, #tpu.memory_space<hbm>> -> memref<1x12800xf32, #tpu.memory_space<hbm>>
    %dma_wait3A_993 = tpu.memref_squeeze %dma_wait3A_992 : memref<1x12800xf32, #tpu.memory_space<hbm>> -> memref<12800xf32, #tpu.memory_space<hbm>>
    tpu.wait_dma2 semaphore(%arg22 : memref<!tpu.dma_semaphore, #tpu.memory_space<semaphore_mem>>) src(%dma_wait3A_993 : memref<12800xf32, #tpu.memory_space<hbm>>) dst(%arg18 : memref<12800xf32, #tpu.memory_space<vmem>>)
    %dma_wait3A_994 = tpu.memref_slice %arg11[%add3A_967] : memref<32000000xf32, #tpu.memory_space<hbm>> -> memref<12800xf32, #tpu.memory_space<hbm>>
    %dma_wait3A_995 = tpu.memref_slice %arg11[%add3A_967] : memref<32000000xf32, #tpu.memory_space<hbm>> -> memref<12800xf32, #tpu.memory_space<hbm>>
    tpu.wait_dma2 semaphore(%arg24 : memref<!tpu.dma_semaphore, #tpu.memory_space<semaphore_mem>>) src(%arg16 : memref<12800xf32, #tpu.memory_space<vmem>>) dst(%dma_wait3A_995 : memref<12800xf32, #tpu.memory_space<hbm>>)
    %dma_start3A_996 = arith.constant 716800 : i32
    %dma_start3A_997 = tpu.memref_slice %arg5[%add3A, %dma_start3A_996] : memref<32x1000000xf32, #tpu.memory_space<hbm>> -> memref<1x12800xf32, #tpu.memory_space<hbm>>
    %dma_start3A_998 = tpu.memref_squeeze %dma_start3A_997 : memref<1x12800xf32, #tpu.memory_space<hbm>> -> memref<12800xf32, #tpu.memory_space<hbm>>
    %dma_start3A_999 = arith.constant 716800 : i32
    %dma_start3A_1000 = tpu.memref_slice %arg5[%add3A, %dma_start3A_999] : memref<32x1000000xf32, #tpu.memory_space<hbm>> -> memref<1x12800xf32, #tpu.memory_space<hbm>>
    %dma_start3A_1001 = tpu.memref_squeeze %dma_start3A_1000 : memref<1x12800xf32, #tpu.memory_space<hbm>> -> memref<12800xf32, #tpu.memory_space<hbm>>
    tpu.enqueue_dma source(%dma_start3A_1001 : memref<12800xf32, #tpu.memory_space<hbm>>) target(%arg16 : memref<12800xf32, #tpu.memory_space<vmem>>) target_semaphore(%arg22 : memref<!tpu.dma_semaphore, #tpu.memory_space<semaphore_mem>>)
    %add3A_1002 = arith.constant 691200 : i32
    %add3A_1003 = arith.addi %mul3A_9, %add3A_1002 : i32
    %dma_start3A_1004 = tpu.memref_slice %arg11[%add3A_1003] : memref<32000000xf32, #tpu.memory_space<hbm>> -> memref<12800xf32, #tpu.memory_space<hbm>>
    %dma_start3A_1005 = tpu.memref_slice %arg11[%add3A_1003] : memref<32000000xf32, #tpu.memory_space<hbm>> -> memref<12800xf32, #tpu.memory_space<hbm>>
    tpu.enqueue_dma source(%arg18 : memref<12800xf32, #tpu.memory_space<vmem>>) target(%dma_start3A_1005 : memref<12800xf32, #tpu.memory_space<hbm>>) target_semaphore(%arg24 : memref<!tpu.dma_semaphore, #tpu.memory_space<semaphore_mem>>)
    %dma_wait3A_1006 = arith.constant 704000 : i32
    %dma_wait3A_1007 = tpu.memref_slice %arg5[%add3A, %dma_wait3A_1006] : memref<32x1000000xf32, #tpu.memory_space<hbm>> -> memref<1x12800xf32, #tpu.memory_space<hbm>>
    %dma_wait3A_1008 = tpu.memref_squeeze %dma_wait3A_1007 : memref<1x12800xf32, #tpu.memory_space<hbm>> -> memref<12800xf32, #tpu.memory_space<hbm>>
    %dma_wait3A_1009 = arith.constant 704000 : i32
    %dma_wait3A_1010 = tpu.memref_slice %arg5[%add3A, %dma_wait3A_1009] : memref<32x1000000xf32, #tpu.memory_space<hbm>> -> memref<1x12800xf32, #tpu.memory_space<hbm>>
    %dma_wait3A_1011 = tpu.memref_squeeze %dma_wait3A_1010 : memref<1x12800xf32, #tpu.memory_space<hbm>> -> memref<12800xf32, #tpu.memory_space<hbm>>
    tpu.wait_dma2 semaphore(%arg23 : memref<!tpu.dma_semaphore, #tpu.memory_space<semaphore_mem>>) src(%dma_wait3A_1011 : memref<12800xf32, #tpu.memory_space<hbm>>) dst(%arg19 : memref<12800xf32, #tpu.memory_space<vmem>>)
    %dma_wait3A_1012 = tpu.memref_slice %arg11[%add3A_985] : memref<32000000xf32, #tpu.memory_space<hbm>> -> memref<12800xf32, #tpu.memory_space<hbm>>
    %dma_wait3A_1013 = tpu.memref_slice %arg11[%add3A_985] : memref<32000000xf32, #tpu.memory_space<hbm>> -> memref<12800xf32, #tpu.memory_space<hbm>>
    tpu.wait_dma2 semaphore(%arg25 : memref<!tpu.dma_semaphore, #tpu.memory_space<semaphore_mem>>) src(%arg17 : memref<12800xf32, #tpu.memory_space<vmem>>) dst(%dma_wait3A_1013 : memref<12800xf32, #tpu.memory_space<hbm>>)
    %dma_start3A_1014 = arith.constant 729600 : i32
    %dma_start3A_1015 = tpu.memref_slice %arg5[%add3A, %dma_start3A_1014] : memref<32x1000000xf32, #tpu.memory_space<hbm>> -> memref<1x12800xf32, #tpu.memory_space<hbm>>
    %dma_start3A_1016 = tpu.memref_squeeze %dma_start3A_1015 : memref<1x12800xf32, #tpu.memory_space<hbm>> -> memref<12800xf32, #tpu.memory_space<hbm>>
    %dma_start3A_1017 = arith.constant 729600 : i32
    %dma_start3A_1018 = tpu.memref_slice %arg5[%add3A, %dma_start3A_1017] : memref<32x1000000xf32, #tpu.memory_space<hbm>> -> memref<1x12800xf32, #tpu.memory_space<hbm>>
    %dma_start3A_1019 = tpu.memref_squeeze %dma_start3A_1018 : memref<1x12800xf32, #tpu.memory_space<hbm>> -> memref<12800xf32, #tpu.memory_space<hbm>>
    tpu.enqueue_dma source(%dma_start3A_1019 : memref<12800xf32, #tpu.memory_space<hbm>>) target(%arg17 : memref<12800xf32, #tpu.memory_space<vmem>>) target_semaphore(%arg23 : memref<!tpu.dma_semaphore, #tpu.memory_space<semaphore_mem>>)
    %add3A_1020 = arith.constant 704000 : i32
    %add3A_1021 = arith.addi %mul3A_9, %add3A_1020 : i32
    %dma_start3A_1022 = tpu.memref_slice %arg11[%add3A_1021] : memref<32000000xf32, #tpu.memory_space<hbm>> -> memref<12800xf32, #tpu.memory_space<hbm>>
    %dma_start3A_1023 = tpu.memref_slice %arg11[%add3A_1021] : memref<32000000xf32, #tpu.memory_space<hbm>> -> memref<12800xf32, #tpu.memory_space<hbm>>
    tpu.enqueue_dma source(%arg19 : memref<12800xf32, #tpu.memory_space<vmem>>) target(%dma_start3A_1023 : memref<12800xf32, #tpu.memory_space<hbm>>) target_semaphore(%arg25 : memref<!tpu.dma_semaphore, #tpu.memory_space<semaphore_mem>>)
    %dma_wait3A_1024 = arith.constant 716800 : i32
    %dma_wait3A_1025 = tpu.memref_slice %arg5[%add3A, %dma_wait3A_1024] : memref<32x1000000xf32, #tpu.memory_space<hbm>> -> memref<1x12800xf32, #tpu.memory_space<hbm>>
    %dma_wait3A_1026 = tpu.memref_squeeze %dma_wait3A_1025 : memref<1x12800xf32, #tpu.memory_space<hbm>> -> memref<12800xf32, #tpu.memory_space<hbm>>
    %dma_wait3A_1027 = arith.constant 716800 : i32
    %dma_wait3A_1028 = tpu.memref_slice %arg5[%add3A, %dma_wait3A_1027] : memref<32x1000000xf32, #tpu.memory_space<hbm>> -> memref<1x12800xf32, #tpu.memory_space<hbm>>
    %dma_wait3A_1029 = tpu.memref_squeeze %dma_wait3A_1028 : memref<1x12800xf32, #tpu.memory_space<hbm>> -> memref<12800xf32, #tpu.memory_space<hbm>>
    tpu.wait_dma2 semaphore(%arg22 : memref<!tpu.dma_semaphore, #tpu.memory_space<semaphore_mem>>) src(%dma_wait3A_1029 : memref<12800xf32, #tpu.memory_space<hbm>>) dst(%arg16 : memref<12800xf32, #tpu.memory_space<vmem>>)
    %dma_wait3A_1030 = tpu.memref_slice %arg11[%add3A_1003] : memref<32000000xf32, #tpu.memory_space<hbm>> -> memref<12800xf32, #tpu.memory_space<hbm>>
    %dma_wait3A_1031 = tpu.memref_slice %arg11[%add3A_1003] : memref<32000000xf32, #tpu.memory_space<hbm>> -> memref<12800xf32, #tpu.memory_space<hbm>>
    tpu.wait_dma2 semaphore(%arg24 : memref<!tpu.dma_semaphore, #tpu.memory_space<semaphore_mem>>) src(%arg18 : memref<12800xf32, #tpu.memory_space<vmem>>) dst(%dma_wait3A_1031 : memref<12800xf32, #tpu.memory_space<hbm>>)
    %dma_start3A_1032 = arith.constant 742400 : i32
    %dma_start3A_1033 = tpu.memref_slice %arg5[%add3A, %dma_start3A_1032] : memref<32x1000000xf32, #tpu.memory_space<hbm>> -> memref<1x12800xf32, #tpu.memory_space<hbm>>
    %dma_start3A_1034 = tpu.memref_squeeze %dma_start3A_1033 : memref<1x12800xf32, #tpu.memory_space<hbm>> -> memref<12800xf32, #tpu.memory_space<hbm>>
    %dma_start3A_1035 = arith.constant 742400 : i32
    %dma_start3A_1036 = tpu.memref_slice %arg5[%add3A, %dma_start3A_1035] : memref<32x1000000xf32, #tpu.memory_space<hbm>> -> memref<1x12800xf32, #tpu.memory_space<hbm>>
    %dma_start3A_1037 = tpu.memref_squeeze %dma_start3A_1036 : memref<1x12800xf32, #tpu.memory_space<hbm>> -> memref<12800xf32, #tpu.memory_space<hbm>>
    tpu.enqueue_dma source(%dma_start3A_1037 : memref<12800xf32, #tpu.memory_space<hbm>>) target(%arg18 : memref<12800xf32, #tpu.memory_space<vmem>>) target_semaphore(%arg22 : memref<!tpu.dma_semaphore, #tpu.memory_space<semaphore_mem>>)
    %add3A_1038 = arith.constant 716800 : i32
    %add3A_1039 = arith.addi %mul3A_9, %add3A_1038 : i32
    %dma_start3A_1040 = tpu.memref_slice %arg11[%add3A_1039] : memref<32000000xf32, #tpu.memory_space<hbm>> -> memref<12800xf32, #tpu.memory_space<hbm>>
    %dma_start3A_1041 = tpu.memref_slice %arg11[%add3A_1039] : memref<32000000xf32, #tpu.memory_space<hbm>> -> memref<12800xf32, #tpu.memory_space<hbm>>
    tpu.enqueue_dma source(%arg16 : memref<12800xf32, #tpu.memory_space<vmem>>) target(%dma_start3A_1041 : memref<12800xf32, #tpu.memory_space<hbm>>) target_semaphore(%arg24 : memref<!tpu.dma_semaphore, #tpu.memory_space<semaphore_mem>>)
    %dma_wait3A_1042 = arith.constant 729600 : i32
    %dma_wait3A_1043 = tpu.memref_slice %arg5[%add3A, %dma_wait3A_1042] : memref<32x1000000xf32, #tpu.memory_space<hbm>> -> memref<1x12800xf32, #tpu.memory_space<hbm>>
    %dma_wait3A_1044 = tpu.memref_squeeze %dma_wait3A_1043 : memref<1x12800xf32, #tpu.memory_space<hbm>> -> memref<12800xf32, #tpu.memory_space<hbm>>
    %dma_wait3A_1045 = arith.constant 729600 : i32
    %dma_wait3A_1046 = tpu.memref_slice %arg5[%add3A, %dma_wait3A_1045] : memref<32x1000000xf32, #tpu.memory_space<hbm>> -> memref<1x12800xf32, #tpu.memory_space<hbm>>
    %dma_wait3A_1047 = tpu.memref_squeeze %dma_wait3A_1046 : memref<1x12800xf32, #tpu.memory_space<hbm>> -> memref<12800xf32, #tpu.memory_space<hbm>>
    tpu.wait_dma2 semaphore(%arg23 : memref<!tpu.dma_semaphore, #tpu.memory_space<semaphore_mem>>) src(%dma_wait3A_1047 : memref<12800xf32, #tpu.memory_space<hbm>>) dst(%arg17 : memref<12800xf32, #tpu.memory_space<vmem>>)
    %dma_wait3A_1048 = tpu.memref_slice %arg11[%add3A_1021] : memref<32000000xf32, #tpu.memory_space<hbm>> -> memref<12800xf32, #tpu.memory_space<hbm>>
    %dma_wait3A_1049 = tpu.memref_slice %arg11[%add3A_1021] : memref<32000000xf32, #tpu.memory_space<hbm>> -> memref<12800xf32, #tpu.memory_space<hbm>>
    tpu.wait_dma2 semaphore(%arg25 : memref<!tpu.dma_semaphore, #tpu.memory_space<semaphore_mem>>) src(%arg19 : memref<12800xf32, #tpu.memory_space<vmem>>) dst(%dma_wait3A_1049 : memref<12800xf32, #tpu.memory_space<hbm>>)
    %dma_start3A_1050 = arith.constant 755200 : i32
    %dma_start3A_1051 = tpu.memref_slice %arg5[%add3A, %dma_start3A_1050] : memref<32x1000000xf32, #tpu.memory_space<hbm>> -> memref<1x12800xf32, #tpu.memory_space<hbm>>
    %dma_start3A_1052 = tpu.memref_squeeze %dma_start3A_1051 : memref<1x12800xf32, #tpu.memory_space<hbm>> -> memref<12800xf32, #tpu.memory_space<hbm>>
    %dma_start3A_1053 = arith.constant 755200 : i32
    %dma_start3A_1054 = tpu.memref_slice %arg5[%add3A, %dma_start3A_1053] : memref<32x1000000xf32, #tpu.memory_space<hbm>> -> memref<1x12800xf32, #tpu.memory_space<hbm>>
    %dma_start3A_1055 = tpu.memref_squeeze %dma_start3A_1054 : memref<1x12800xf32, #tpu.memory_space<hbm>> -> memref<12800xf32, #tpu.memory_space<hbm>>
    tpu.enqueue_dma source(%dma_start3A_1055 : memref<12800xf32, #tpu.memory_space<hbm>>) target(%arg19 : memref<12800xf32, #tpu.memory_space<vmem>>) target_semaphore(%arg23 : memref<!tpu.dma_semaphore, #tpu.memory_space<semaphore_mem>>)
    %add3A_1056 = arith.constant 729600 : i32
    %add3A_1057 = arith.addi %mul3A_9, %add3A_1056 : i32
    %dma_start3A_1058 = tpu.memref_slice %arg11[%add3A_1057] : memref<32000000xf32, #tpu.memory_space<hbm>> -> memref<12800xf32, #tpu.memory_space<hbm>>
    %dma_start3A_1059 = tpu.memref_slice %arg11[%add3A_1057] : memref<32000000xf32, #tpu.memory_space<hbm>> -> memref<12800xf32, #tpu.memory_space<hbm>>
    tpu.enqueue_dma source(%arg17 : memref<12800xf32, #tpu.memory_space<vmem>>) target(%dma_start3A_1059 : memref<12800xf32, #tpu.memory_space<hbm>>) target_semaphore(%arg25 : memref<!tpu.dma_semaphore, #tpu.memory_space<semaphore_mem>>)
    %dma_wait3A_1060 = arith.constant 742400 : i32
    %dma_wait3A_1061 = tpu.memref_slice %arg5[%add3A, %dma_wait3A_1060] : memref<32x1000000xf32, #tpu.memory_space<hbm>> -> memref<1x12800xf32, #tpu.memory_space<hbm>>
    %dma_wait3A_1062 = tpu.memref_squeeze %dma_wait3A_1061 : memref<1x12800xf32, #tpu.memory_space<hbm>> -> memref<12800xf32, #tpu.memory_space<hbm>>
    %dma_wait3A_1063 = arith.constant 742400 : i32
    %dma_wait3A_1064 = tpu.memref_slice %arg5[%add3A, %dma_wait3A_1063] : memref<32x1000000xf32, #tpu.memory_space<hbm>> -> memref<1x12800xf32, #tpu.memory_space<hbm>>
    %dma_wait3A_1065 = tpu.memref_squeeze %dma_wait3A_1064 : memref<1x12800xf32, #tpu.memory_space<hbm>> -> memref<12800xf32, #tpu.memory_space<hbm>>
    tpu.wait_dma2 semaphore(%arg22 : memref<!tpu.dma_semaphore, #tpu.memory_space<semaphore_mem>>) src(%dma_wait3A_1065 : memref<12800xf32, #tpu.memory_space<hbm>>) dst(%arg18 : memref<12800xf32, #tpu.memory_space<vmem>>)
    %dma_wait3A_1066 = tpu.memref_slice %arg11[%add3A_1039] : memref<32000000xf32, #tpu.memory_space<hbm>> -> memref<12800xf32, #tpu.memory_space<hbm>>
    %dma_wait3A_1067 = tpu.memref_slice %arg11[%add3A_1039] : memref<32000000xf32, #tpu.memory_space<hbm>> -> memref<12800xf32, #tpu.memory_space<hbm>>
    tpu.wait_dma2 semaphore(%arg24 : memref<!tpu.dma_semaphore, #tpu.memory_space<semaphore_mem>>) src(%arg16 : memref<12800xf32, #tpu.memory_space<vmem>>) dst(%dma_wait3A_1067 : memref<12800xf32, #tpu.memory_space<hbm>>)
    %dma_start3A_1068 = arith.constant 768000 : i32
    %dma_start3A_1069 = tpu.memref_slice %arg5[%add3A, %dma_start3A_1068] : memref<32x1000000xf32, #tpu.memory_space<hbm>> -> memref<1x12800xf32, #tpu.memory_space<hbm>>
    %dma_start3A_1070 = tpu.memref_squeeze %dma_start3A_1069 : memref<1x12800xf32, #tpu.memory_space<hbm>> -> memref<12800xf32, #tpu.memory_space<hbm>>
    %dma_start3A_1071 = arith.constant 768000 : i32
    %dma_start3A_1072 = tpu.memref_slice %arg5[%add3A, %dma_start3A_1071] : memref<32x1000000xf32, #tpu.memory_space<hbm>> -> memref<1x12800xf32, #tpu.memory_space<hbm>>
    %dma_start3A_1073 = tpu.memref_squeeze %dma_start3A_1072 : memref<1x12800xf32, #tpu.memory_space<hbm>> -> memref<12800xf32, #tpu.memory_space<hbm>>
    tpu.enqueue_dma source(%dma_start3A_1073 : memref<12800xf32, #tpu.memory_space<hbm>>) target(%arg16 : memref<12800xf32, #tpu.memory_space<vmem>>) target_semaphore(%arg22 : memref<!tpu.dma_semaphore, #tpu.memory_space<semaphore_mem>>)
    %add3A_1074 = arith.constant 742400 : i32
    %add3A_1075 = arith.addi %mul3A_9, %add3A_1074 : i32
    %dma_start3A_1076 = tpu.memref_slice %arg11[%add3A_1075] : memref<32000000xf32, #tpu.memory_space<hbm>> -> memref<12800xf32, #tpu.memory_space<hbm>>
    %dma_start3A_1077 = tpu.memref_slice %arg11[%add3A_1075] : memref<32000000xf32, #tpu.memory_space<hbm>> -> memref<12800xf32, #tpu.memory_space<hbm>>
    tpu.enqueue_dma source(%arg18 : memref<12800xf32, #tpu.memory_space<vmem>>) target(%dma_start3A_1077 : memref<12800xf32, #tpu.memory_space<hbm>>) target_semaphore(%arg24 : memref<!tpu.dma_semaphore, #tpu.memory_space<semaphore_mem>>)
    %dma_wait3A_1078 = arith.constant 755200 : i32
    %dma_wait3A_1079 = tpu.memref_slice %arg5[%add3A, %dma_wait3A_1078] : memref<32x1000000xf32, #tpu.memory_space<hbm>> -> memref<1x12800xf32, #tpu.memory_space<hbm>>
    %dma_wait3A_1080 = tpu.memref_squeeze %dma_wait3A_1079 : memref<1x12800xf32, #tpu.memory_space<hbm>> -> memref<12800xf32, #tpu.memory_space<hbm>>
    %dma_wait3A_1081 = arith.constant 755200 : i32
    %dma_wait3A_1082 = tpu.memref_slice %arg5[%add3A, %dma_wait3A_1081] : memref<32x1000000xf32, #tpu.memory_space<hbm>> -> memref<1x12800xf32, #tpu.memory_space<hbm>>
    %dma_wait3A_1083 = tpu.memref_squeeze %dma_wait3A_1082 : memref<1x12800xf32, #tpu.memory_space<hbm>> -> memref<12800xf32, #tpu.memory_space<hbm>>
    tpu.wait_dma2 semaphore(%arg23 : memref<!tpu.dma_semaphore, #tpu.memory_space<semaphore_mem>>) src(%dma_wait3A_1083 : memref<12800xf32, #tpu.memory_space<hbm>>) dst(%arg19 : memref<12800xf32, #tpu.memory_space<vmem>>)
    %dma_wait3A_1084 = tpu.memref_slice %arg11[%add3A_1057] : memref<32000000xf32, #tpu.memory_space<hbm>> -> memref<12800xf32, #tpu.memory_space<hbm>>
    %dma_wait3A_1085 = tpu.memref_slice %arg11[%add3A_1057] : memref<32000000xf32, #tpu.memory_space<hbm>> -> memref<12800xf32, #tpu.memory_space<hbm>>
    tpu.wait_dma2 semaphore(%arg25 : memref<!tpu.dma_semaphore, #tpu.memory_space<semaphore_mem>>) src(%arg17 : memref<12800xf32, #tpu.memory_space<vmem>>) dst(%dma_wait3A_1085 : memref<12800xf32, #tpu.memory_space<hbm>>)
    %dma_start3A_1086 = arith.constant 780800 : i32
    %dma_start3A_1087 = tpu.memref_slice %arg5[%add3A, %dma_start3A_1086] : memref<32x1000000xf32, #tpu.memory_space<hbm>> -> memref<1x12800xf32, #tpu.memory_space<hbm>>
    %dma_start3A_1088 = tpu.memref_squeeze %dma_start3A_1087 : memref<1x12800xf32, #tpu.memory_space<hbm>> -> memref<12800xf32, #tpu.memory_space<hbm>>
    %dma_start3A_1089 = arith.constant 780800 : i32
    %dma_start3A_1090 = tpu.memref_slice %arg5[%add3A, %dma_start3A_1089] : memref<32x1000000xf32, #tpu.memory_space<hbm>> -> memref<1x12800xf32, #tpu.memory_space<hbm>>
    %dma_start3A_1091 = tpu.memref_squeeze %dma_start3A_1090 : memref<1x12800xf32, #tpu.memory_space<hbm>> -> memref<12800xf32, #tpu.memory_space<hbm>>
    tpu.enqueue_dma source(%dma_start3A_1091 : memref<12800xf32, #tpu.memory_space<hbm>>) target(%arg17 : memref<12800xf32, #tpu.memory_space<vmem>>) target_semaphore(%arg23 : memref<!tpu.dma_semaphore, #tpu.memory_space<semaphore_mem>>)
    %add3A_1092 = arith.constant 755200 : i32
    %add3A_1093 = arith.addi %mul3A_9, %add3A_1092 : i32
    %dma_start3A_1094 = tpu.memref_slice %arg11[%add3A_1093] : memref<32000000xf32, #tpu.memory_space<hbm>> -> memref<12800xf32, #tpu.memory_space<hbm>>
    %dma_start3A_1095 = tpu.memref_slice %arg11[%add3A_1093] : memref<32000000xf32, #tpu.memory_space<hbm>> -> memref<12800xf32, #tpu.memory_space<hbm>>
    tpu.enqueue_dma source(%arg19 : memref<12800xf32, #tpu.memory_space<vmem>>) target(%dma_start3A_1095 : memref<12800xf32, #tpu.memory_space<hbm>>) target_semaphore(%arg25 : memref<!tpu.dma_semaphore, #tpu.memory_space<semaphore_mem>>)
    %dma_wait3A_1096 = arith.constant 768000 : i32
    %dma_wait3A_1097 = tpu.memref_slice %arg5[%add3A, %dma_wait3A_1096] : memref<32x1000000xf32, #tpu.memory_space<hbm>> -> memref<1x12800xf32, #tpu.memory_space<hbm>>
    %dma_wait3A_1098 = tpu.memref_squeeze %dma_wait3A_1097 : memref<1x12800xf32, #tpu.memory_space<hbm>> -> memref<12800xf32, #tpu.memory_space<hbm>>
    %dma_wait3A_1099 = arith.constant 768000 : i32
    %dma_wait3A_1100 = tpu.memref_slice %arg5[%add3A, %dma_wait3A_1099] : memref<32x1000000xf32, #tpu.memory_space<hbm>> -> memref<1x12800xf32, #tpu.memory_space<hbm>>
    %dma_wait3A_1101 = tpu.memref_squeeze %dma_wait3A_1100 : memref<1x12800xf32, #tpu.memory_space<hbm>> -> memref<12800xf32, #tpu.memory_space<hbm>>
    tpu.wait_dma2 semaphore(%arg22 : memref<!tpu.dma_semaphore, #tpu.memory_space<semaphore_mem>>) src(%dma_wait3A_1101 : memref<12800xf32, #tpu.memory_space<hbm>>) dst(%arg16 : memref<12800xf32, #tpu.memory_space<vmem>>)
    %dma_wait3A_1102 = tpu.memref_slice %arg11[%add3A_1075] : memref<32000000xf32, #tpu.memory_space<hbm>> -> memref<12800xf32, #tpu.memory_space<hbm>>
    %dma_wait3A_1103 = tpu.memref_slice %arg11[%add3A_1075] : memref<32000000xf32, #tpu.memory_space<hbm>> -> memref<12800xf32, #tpu.memory_space<hbm>>
    tpu.wait_dma2 semaphore(%arg24 : memref<!tpu.dma_semaphore, #tpu.memory_space<semaphore_mem>>) src(%arg18 : memref<12800xf32, #tpu.memory_space<vmem>>) dst(%dma_wait3A_1103 : memref<12800xf32, #tpu.memory_space<hbm>>)
    %dma_start3A_1104 = arith.constant 793600 : i32
    %dma_start3A_1105 = tpu.memref_slice %arg5[%add3A, %dma_start3A_1104] : memref<32x1000000xf32, #tpu.memory_space<hbm>> -> memref<1x12800xf32, #tpu.memory_space<hbm>>
    %dma_start3A_1106 = tpu.memref_squeeze %dma_start3A_1105 : memref<1x12800xf32, #tpu.memory_space<hbm>> -> memref<12800xf32, #tpu.memory_space<hbm>>
    %dma_start3A_1107 = arith.constant 793600 : i32
    %dma_start3A_1108 = tpu.memref_slice %arg5[%add3A, %dma_start3A_1107] : memref<32x1000000xf32, #tpu.memory_space<hbm>> -> memref<1x12800xf32, #tpu.memory_space<hbm>>
    %dma_start3A_1109 = tpu.memref_squeeze %dma_start3A_1108 : memref<1x12800xf32, #tpu.memory_space<hbm>> -> memref<12800xf32, #tpu.memory_space<hbm>>
    tpu.enqueue_dma source(%dma_start3A_1109 : memref<12800xf32, #tpu.memory_space<hbm>>) target(%arg18 : memref<12800xf32, #tpu.memory_space<vmem>>) target_semaphore(%arg22 : memref<!tpu.dma_semaphore, #tpu.memory_space<semaphore_mem>>)
    %add3A_1110 = arith.constant 768000 : i32
    %add3A_1111 = arith.addi %mul3A_9, %add3A_1110 : i32
    %dma_start3A_1112 = tpu.memref_slice %arg11[%add3A_1111] : memref<32000000xf32, #tpu.memory_space<hbm>> -> memref<12800xf32, #tpu.memory_space<hbm>>
    %dma_start3A_1113 = tpu.memref_slice %arg11[%add3A_1111] : memref<32000000xf32, #tpu.memory_space<hbm>> -> memref<12800xf32, #tpu.memory_space<hbm>>
    tpu.enqueue_dma source(%arg16 : memref<12800xf32, #tpu.memory_space<vmem>>) target(%dma_start3A_1113 : memref<12800xf32, #tpu.memory_space<hbm>>) target_semaphore(%arg24 : memref<!tpu.dma_semaphore, #tpu.memory_space<semaphore_mem>>)
    %dma_wait3A_1114 = arith.constant 780800 : i32
    %dma_wait3A_1115 = tpu.memref_slice %arg5[%add3A, %dma_wait3A_1114] : memref<32x1000000xf32, #tpu.memory_space<hbm>> -> memref<1x12800xf32, #tpu.memory_space<hbm>>
    %dma_wait3A_1116 = tpu.memref_squeeze %dma_wait3A_1115 : memref<1x12800xf32, #tpu.memory_space<hbm>> -> memref<12800xf32, #tpu.memory_space<hbm>>
    %dma_wait3A_1117 = arith.constant 780800 : i32
    %dma_wait3A_1118 = tpu.memref_slice %arg5[%add3A, %dma_wait3A_1117] : memref<32x1000000xf32, #tpu.memory_space<hbm>> -> memref<1x12800xf32, #tpu.memory_space<hbm>>
    %dma_wait3A_1119 = tpu.memref_squeeze %dma_wait3A_1118 : memref<1x12800xf32, #tpu.memory_space<hbm>> -> memref<12800xf32, #tpu.memory_space<hbm>>
    tpu.wait_dma2 semaphore(%arg23 : memref<!tpu.dma_semaphore, #tpu.memory_space<semaphore_mem>>) src(%dma_wait3A_1119 : memref<12800xf32, #tpu.memory_space<hbm>>) dst(%arg17 : memref<12800xf32, #tpu.memory_space<vmem>>)
    %dma_wait3A_1120 = tpu.memref_slice %arg11[%add3A_1093] : memref<32000000xf32, #tpu.memory_space<hbm>> -> memref<12800xf32, #tpu.memory_space<hbm>>
    %dma_wait3A_1121 = tpu.memref_slice %arg11[%add3A_1093] : memref<32000000xf32, #tpu.memory_space<hbm>> -> memref<12800xf32, #tpu.memory_space<hbm>>
    tpu.wait_dma2 semaphore(%arg25 : memref<!tpu.dma_semaphore, #tpu.memory_space<semaphore_mem>>) src(%arg19 : memref<12800xf32, #tpu.memory_space<vmem>>) dst(%dma_wait3A_1121 : memref<12800xf32, #tpu.memory_space<hbm>>)
    %dma_start3A_1122 = arith.constant 806400 : i32
    %dma_start3A_1123 = tpu.memref_slice %arg5[%add3A, %dma_start3A_1122] : memref<32x1000000xf32, #tpu.memory_space<hbm>> -> memref<1x12800xf32, #tpu.memory_space<hbm>>
    %dma_start3A_1124 = tpu.memref_squeeze %dma_start3A_1123 : memref<1x12800xf32, #tpu.memory_space<hbm>> -> memref<12800xf32, #tpu.memory_space<hbm>>
    %dma_start3A_1125 = arith.constant 806400 : i32
    %dma_start3A_1126 = tpu.memref_slice %arg5[%add3A, %dma_start3A_1125] : memref<32x1000000xf32, #tpu.memory_space<hbm>> -> memref<1x12800xf32, #tpu.memory_space<hbm>>
    %dma_start3A_1127 = tpu.memref_squeeze %dma_start3A_1126 : memref<1x12800xf32, #tpu.memory_space<hbm>> -> memref<12800xf32, #tpu.memory_space<hbm>>
    tpu.enqueue_dma source(%dma_start3A_1127 : memref<12800xf32, #tpu.memory_space<hbm>>) target(%arg19 : memref<12800xf32, #tpu.memory_space<vmem>>) target_semaphore(%arg23 : memref<!tpu.dma_semaphore, #tpu.memory_space<semaphore_mem>>)
    %add3A_1128 = arith.constant 780800 : i32
    %add3A_1129 = arith.addi %mul3A_9, %add3A_1128 : i32
    %dma_start3A_1130 = tpu.memref_slice %arg11[%add3A_1129] : memref<32000000xf32, #tpu.memory_space<hbm>> -> memref<12800xf32, #tpu.memory_space<hbm>>
    %dma_start3A_1131 = tpu.memref_slice %arg11[%add3A_1129] : memref<32000000xf32, #tpu.memory_space<hbm>> -> memref<12800xf32, #tpu.memory_space<hbm>>
    tpu.enqueue_dma source(%arg17 : memref<12800xf32, #tpu.memory_space<vmem>>) target(%dma_start3A_1131 : memref<12800xf32, #tpu.memory_space<hbm>>) target_semaphore(%arg25 : memref<!tpu.dma_semaphore, #tpu.memory_space<semaphore_mem>>)
    %dma_wait3A_1132 = arith.constant 793600 : i32
    %dma_wait3A_1133 = tpu.memref_slice %arg5[%add3A, %dma_wait3A_1132] : memref<32x1000000xf32, #tpu.memory_space<hbm>> -> memref<1x12800xf32, #tpu.memory_space<hbm>>
    %dma_wait3A_1134 = tpu.memref_squeeze %dma_wait3A_1133 : memref<1x12800xf32, #tpu.memory_space<hbm>> -> memref<12800xf32, #tpu.memory_space<hbm>>
    %dma_wait3A_1135 = arith.constant 793600 : i32
    %dma_wait3A_1136 = tpu.memref_slice %arg5[%add3A, %dma_wait3A_1135] : memref<32x1000000xf32, #tpu.memory_space<hbm>> -> memref<1x12800xf32, #tpu.memory_space<hbm>>
    %dma_wait3A_1137 = tpu.memref_squeeze %dma_wait3A_1136 : memref<1x12800xf32, #tpu.memory_space<hbm>> -> memref<12800xf32, #tpu.memory_space<hbm>>
    tpu.wait_dma2 semaphore(%arg22 : memref<!tpu.dma_semaphore, #tpu.memory_space<semaphore_mem>>) src(%dma_wait3A_1137 : memref<12800xf32, #tpu.memory_space<hbm>>) dst(%arg18 : memref<12800xf32, #tpu.memory_space<vmem>>)
    %dma_wait3A_1138 = tpu.memref_slice %arg11[%add3A_1111] : memref<32000000xf32, #tpu.memory_space<hbm>> -> memref<12800xf32, #tpu.memory_space<hbm>>
    %dma_wait3A_1139 = tpu.memref_slice %arg11[%add3A_1111] : memref<32000000xf32, #tpu.memory_space<hbm>> -> memref<12800xf32, #tpu.memory_space<hbm>>
    tpu.wait_dma2 semaphore(%arg24 : memref<!tpu.dma_semaphore, #tpu.memory_space<semaphore_mem>>) src(%arg16 : memref<12800xf32, #tpu.memory_space<vmem>>) dst(%dma_wait3A_1139 : memref<12800xf32, #tpu.memory_space<hbm>>)
    %dma_start3A_1140 = arith.constant 819200 : i32
    %dma_start3A_1141 = tpu.memref_slice %arg5[%add3A, %dma_start3A_1140] : memref<32x1000000xf32, #tpu.memory_space<hbm>> -> memref<1x12800xf32, #tpu.memory_space<hbm>>
    %dma_start3A_1142 = tpu.memref_squeeze %dma_start3A_1141 : memref<1x12800xf32, #tpu.memory_space<hbm>> -> memref<12800xf32, #tpu.memory_space<hbm>>
    %dma_start3A_1143 = arith.constant 819200 : i32
    %dma_start3A_1144 = tpu.memref_slice %arg5[%add3A, %dma_start3A_1143] : memref<32x1000000xf32, #tpu.memory_space<hbm>> -> memref<1x12800xf32, #tpu.memory_space<hbm>>
    %dma_start3A_1145 = tpu.memref_squeeze %dma_start3A_1144 : memref<1x12800xf32, #tpu.memory_space<hbm>> -> memref<12800xf32, #tpu.memory_space<hbm>>
    tpu.enqueue_dma source(%dma_start3A_1145 : memref<12800xf32, #tpu.memory_space<hbm>>) target(%arg16 : memref<12800xf32, #tpu.memory_space<vmem>>) target_semaphore(%arg22 : memref<!tpu.dma_semaphore, #tpu.memory_space<semaphore_mem>>)
    %add3A_1146 = arith.constant 793600 : i32
    %add3A_1147 = arith.addi %mul3A_9, %add3A_1146 : i32
    %dma_start3A_1148 = tpu.memref_slice %arg11[%add3A_1147] : memref<32000000xf32, #tpu.memory_space<hbm>> -> memref<12800xf32, #tpu.memory_space<hbm>>
    %dma_start3A_1149 = tpu.memref_slice %arg11[%add3A_1147] : memref<32000000xf32, #tpu.memory_space<hbm>> -> memref<12800xf32, #tpu.memory_space<hbm>>
    tpu.enqueue_dma source(%arg18 : memref<12800xf32, #tpu.memory_space<vmem>>) target(%dma_start3A_1149 : memref<12800xf32, #tpu.memory_space<hbm>>) target_semaphore(%arg24 : memref<!tpu.dma_semaphore, #tpu.memory_space<semaphore_mem>>)
    %dma_wait3A_1150 = arith.constant 806400 : i32
    %dma_wait3A_1151 = tpu.memref_slice %arg5[%add3A, %dma_wait3A_1150] : memref<32x1000000xf32, #tpu.memory_space<hbm>> -> memref<1x12800xf32, #tpu.memory_space<hbm>>
    %dma_wait3A_1152 = tpu.memref_squeeze %dma_wait3A_1151 : memref<1x12800xf32, #tpu.memory_space<hbm>> -> memref<12800xf32, #tpu.memory_space<hbm>>
    %dma_wait3A_1153 = arith.constant 806400 : i32
    %dma_wait3A_1154 = tpu.memref_slice %arg5[%add3A, %dma_wait3A_1153] : memref<32x1000000xf32, #tpu.memory_space<hbm>> -> memref<1x12800xf32, #tpu.memory_space<hbm>>
    %dma_wait3A_1155 = tpu.memref_squeeze %dma_wait3A_1154 : memref<1x12800xf32, #tpu.memory_space<hbm>> -> memref<12800xf32, #tpu.memory_space<hbm>>
    tpu.wait_dma2 semaphore(%arg23 : memref<!tpu.dma_semaphore, #tpu.memory_space<semaphore_mem>>) src(%dma_wait3A_1155 : memref<12800xf32, #tpu.memory_space<hbm>>) dst(%arg19 : memref<12800xf32, #tpu.memory_space<vmem>>)
    %dma_wait3A_1156 = tpu.memref_slice %arg11[%add3A_1129] : memref<32000000xf32, #tpu.memory_space<hbm>> -> memref<12800xf32, #tpu.memory_space<hbm>>
    %dma_wait3A_1157 = tpu.memref_slice %arg11[%add3A_1129] : memref<32000000xf32, #tpu.memory_space<hbm>> -> memref<12800xf32, #tpu.memory_space<hbm>>
    tpu.wait_dma2 semaphore(%arg25 : memref<!tpu.dma_semaphore, #tpu.memory_space<semaphore_mem>>) src(%arg17 : memref<12800xf32, #tpu.memory_space<vmem>>) dst(%dma_wait3A_1157 : memref<12800xf32, #tpu.memory_space<hbm>>)
    %dma_start3A_1158 = arith.constant 832000 : i32
    %dma_start3A_1159 = tpu.memref_slice %arg5[%add3A, %dma_start3A_1158] : memref<32x1000000xf32, #tpu.memory_space<hbm>> -> memref<1x12800xf32, #tpu.memory_space<hbm>>
    %dma_start3A_1160 = tpu.memref_squeeze %dma_start3A_1159 : memref<1x12800xf32, #tpu.memory_space<hbm>> -> memref<12800xf32, #tpu.memory_space<hbm>>
    %dma_start3A_1161 = arith.constant 832000 : i32
    %dma_start3A_1162 = tpu.memref_slice %arg5[%add3A, %dma_start3A_1161] : memref<32x1000000xf32, #tpu.memory_space<hbm>> -> memref<1x12800xf32, #tpu.memory_space<hbm>>
    %dma_start3A_1163 = tpu.memref_squeeze %dma_start3A_1162 : memref<1x12800xf32, #tpu.memory_space<hbm>> -> memref<12800xf32, #tpu.memory_space<hbm>>
    tpu.enqueue_dma source(%dma_start3A_1163 : memref<12800xf32, #tpu.memory_space<hbm>>) target(%arg17 : memref<12800xf32, #tpu.memory_space<vmem>>) target_semaphore(%arg23 : memref<!tpu.dma_semaphore, #tpu.memory_space<semaphore_mem>>)
    %add3A_1164 = arith.constant 806400 : i32
    %add3A_1165 = arith.addi %mul3A_9, %add3A_1164 : i32
    %dma_start3A_1166 = tpu.memref_slice %arg11[%add3A_1165] : memref<32000000xf32, #tpu.memory_space<hbm>> -> memref<12800xf32, #tpu.memory_space<hbm>>
    %dma_start3A_1167 = tpu.memref_slice %arg11[%add3A_1165] : memref<32000000xf32, #tpu.memory_space<hbm>> -> memref<12800xf32, #tpu.memory_space<hbm>>
    tpu.enqueue_dma source(%arg19 : memref<12800xf32, #tpu.memory_space<vmem>>) target(%dma_start3A_1167 : memref<12800xf32, #tpu.memory_space<hbm>>) target_semaphore(%arg25 : memref<!tpu.dma_semaphore, #tpu.memory_space<semaphore_mem>>)
    %dma_wait3A_1168 = arith.constant 819200 : i32
    %dma_wait3A_1169 = tpu.memref_slice %arg5[%add3A, %dma_wait3A_1168] : memref<32x1000000xf32, #tpu.memory_space<hbm>> -> memref<1x12800xf32, #tpu.memory_space<hbm>>
    %dma_wait3A_1170 = tpu.memref_squeeze %dma_wait3A_1169 : memref<1x12800xf32, #tpu.memory_space<hbm>> -> memref<12800xf32, #tpu.memory_space<hbm>>
    %dma_wait3A_1171 = arith.constant 819200 : i32
    %dma_wait3A_1172 = tpu.memref_slice %arg5[%add3A, %dma_wait3A_1171] : memref<32x1000000xf32, #tpu.memory_space<hbm>> -> memref<1x12800xf32, #tpu.memory_space<hbm>>
    %dma_wait3A_1173 = tpu.memref_squeeze %dma_wait3A_1172 : memref<1x12800xf32, #tpu.memory_space<hbm>> -> memref<12800xf32, #tpu.memory_space<hbm>>
    tpu.wait_dma2 semaphore(%arg22 : memref<!tpu.dma_semaphore, #tpu.memory_space<semaphore_mem>>) src(%dma_wait3A_1173 : memref<12800xf32, #tpu.memory_space<hbm>>) dst(%arg16 : memref<12800xf32, #tpu.memory_space<vmem>>)
    %dma_wait3A_1174 = tpu.memref_slice %arg11[%add3A_1147] : memref<32000000xf32, #tpu.memory_space<hbm>> -> memref<12800xf32, #tpu.memory_space<hbm>>
    %dma_wait3A_1175 = tpu.memref_slice %arg11[%add3A_1147] : memref<32000000xf32, #tpu.memory_space<hbm>> -> memref<12800xf32, #tpu.memory_space<hbm>>
    tpu.wait_dma2 semaphore(%arg24 : memref<!tpu.dma_semaphore, #tpu.memory_space<semaphore_mem>>) src(%arg18 : memref<12800xf32, #tpu.memory_space<vmem>>) dst(%dma_wait3A_1175 : memref<12800xf32, #tpu.memory_space<hbm>>)
    %dma_start3A_1176 = arith.constant 844800 : i32
    %dma_start3A_1177 = tpu.memref_slice %arg5[%add3A, %dma_start3A_1176] : memref<32x1000000xf32, #tpu.memory_space<hbm>> -> memref<1x12800xf32, #tpu.memory_space<hbm>>
    %dma_start3A_1178 = tpu.memref_squeeze %dma_start3A_1177 : memref<1x12800xf32, #tpu.memory_space<hbm>> -> memref<12800xf32, #tpu.memory_space<hbm>>
    %dma_start3A_1179 = arith.constant 844800 : i32
    %dma_start3A_1180 = tpu.memref_slice %arg5[%add3A, %dma_start3A_1179] : memref<32x1000000xf32, #tpu.memory_space<hbm>> -> memref<1x12800xf32, #tpu.memory_space<hbm>>
    %dma_start3A_1181 = tpu.memref_squeeze %dma_start3A_1180 : memref<1x12800xf32, #tpu.memory_space<hbm>> -> memref<12800xf32, #tpu.memory_space<hbm>>
    tpu.enqueue_dma source(%dma_start3A_1181 : memref<12800xf32, #tpu.memory_space<hbm>>) target(%arg18 : memref<12800xf32, #tpu.memory_space<vmem>>) target_semaphore(%arg22 : memref<!tpu.dma_semaphore, #tpu.memory_space<semaphore_mem>>)
    %add3A_1182 = arith.constant 819200 : i32
    %add3A_1183 = arith.addi %mul3A_9, %add3A_1182 : i32
    %dma_start3A_1184 = tpu.memref_slice %arg11[%add3A_1183] : memref<32000000xf32, #tpu.memory_space<hbm>> -> memref<12800xf32, #tpu.memory_space<hbm>>
    %dma_start3A_1185 = tpu.memref_slice %arg11[%add3A_1183] : memref<32000000xf32, #tpu.memory_space<hbm>> -> memref<12800xf32, #tpu.memory_space<hbm>>
    tpu.enqueue_dma source(%arg16 : memref<12800xf32, #tpu.memory_space<vmem>>) target(%dma_start3A_1185 : memref<12800xf32, #tpu.memory_space<hbm>>) target_semaphore(%arg24 : memref<!tpu.dma_semaphore, #tpu.memory_space<semaphore_mem>>)
    %dma_wait3A_1186 = arith.constant 832000 : i32
    %dma_wait3A_1187 = tpu.memref_slice %arg5[%add3A, %dma_wait3A_1186] : memref<32x1000000xf32, #tpu.memory_space<hbm>> -> memref<1x12800xf32, #tpu.memory_space<hbm>>
    %dma_wait3A_1188 = tpu.memref_squeeze %dma_wait3A_1187 : memref<1x12800xf32, #tpu.memory_space<hbm>> -> memref<12800xf32, #tpu.memory_space<hbm>>
    %dma_wait3A_1189 = arith.constant 832000 : i32
    %dma_wait3A_1190 = tpu.memref_slice %arg5[%add3A, %dma_wait3A_1189] : memref<32x1000000xf32, #tpu.memory_space<hbm>> -> memref<1x12800xf32, #tpu.memory_space<hbm>>
    %dma_wait3A_1191 = tpu.memref_squeeze %dma_wait3A_1190 : memref<1x12800xf32, #tpu.memory_space<hbm>> -> memref<12800xf32, #tpu.memory_space<hbm>>
    tpu.wait_dma2 semaphore(%arg23 : memref<!tpu.dma_semaphore, #tpu.memory_space<semaphore_mem>>) src(%dma_wait3A_1191 : memref<12800xf32, #tpu.memory_space<hbm>>) dst(%arg17 : memref<12800xf32, #tpu.memory_space<vmem>>)
    %dma_wait3A_1192 = tpu.memref_slice %arg11[%add3A_1165] : memref<32000000xf32, #tpu.memory_space<hbm>> -> memref<12800xf32, #tpu.memory_space<hbm>>
    %dma_wait3A_1193 = tpu.memref_slice %arg11[%add3A_1165] : memref<32000000xf32, #tpu.memory_space<hbm>> -> memref<12800xf32, #tpu.memory_space<hbm>>
    tpu.wait_dma2 semaphore(%arg25 : memref<!tpu.dma_semaphore, #tpu.memory_space<semaphore_mem>>) src(%arg19 : memref<12800xf32, #tpu.memory_space<vmem>>) dst(%dma_wait3A_1193 : memref<12800xf32, #tpu.memory_space<hbm>>)
    %dma_start3A_1194 = arith.constant 857600 : i32
    %dma_start3A_1195 = tpu.memref_slice %arg5[%add3A, %dma_start3A_1194] : memref<32x1000000xf32, #tpu.memory_space<hbm>> -> memref<1x12800xf32, #tpu.memory_space<hbm>>
    %dma_start3A_1196 = tpu.memref_squeeze %dma_start3A_1195 : memref<1x12800xf32, #tpu.memory_space<hbm>> -> memref<12800xf32, #tpu.memory_space<hbm>>
    %dma_start3A_1197 = arith.constant 857600 : i32
    %dma_start3A_1198 = tpu.memref_slice %arg5[%add3A, %dma_start3A_1197] : memref<32x1000000xf32, #tpu.memory_space<hbm>> -> memref<1x12800xf32, #tpu.memory_space<hbm>>
    %dma_start3A_1199 = tpu.memref_squeeze %dma_start3A_1198 : memref<1x12800xf32, #tpu.memory_space<hbm>> -> memref<12800xf32, #tpu.memory_space<hbm>>
    tpu.enqueue_dma source(%dma_start3A_1199 : memref<12800xf32, #tpu.memory_space<hbm>>) target(%arg19 : memref<12800xf32, #tpu.memory_space<vmem>>) target_semaphore(%arg23 : memref<!tpu.dma_semaphore, #tpu.memory_space<semaphore_mem>>)
    %add3A_1200 = arith.constant 832000 : i32
    %add3A_1201 = arith.addi %mul3A_9, %add3A_1200 : i32
    %dma_start3A_1202 = tpu.memref_slice %arg11[%add3A_1201] : memref<32000000xf32, #tpu.memory_space<hbm>> -> memref<12800xf32, #tpu.memory_space<hbm>>
    %dma_start3A_1203 = tpu.memref_slice %arg11[%add3A_1201] : memref<32000000xf32, #tpu.memory_space<hbm>> -> memref<12800xf32, #tpu.memory_space<hbm>>
    tpu.enqueue_dma source(%arg17 : memref<12800xf32, #tpu.memory_space<vmem>>) target(%dma_start3A_1203 : memref<12800xf32, #tpu.memory_space<hbm>>) target_semaphore(%arg25 : memref<!tpu.dma_semaphore, #tpu.memory_space<semaphore_mem>>)
    %dma_wait3A_1204 = arith.constant 844800 : i32
    %dma_wait3A_1205 = tpu.memref_slice %arg5[%add3A, %dma_wait3A_1204] : memref<32x1000000xf32, #tpu.memory_space<hbm>> -> memref<1x12800xf32, #tpu.memory_space<hbm>>
    %dma_wait3A_1206 = tpu.memref_squeeze %dma_wait3A_1205 : memref<1x12800xf32, #tpu.memory_space<hbm>> -> memref<12800xf32, #tpu.memory_space<hbm>>
    %dma_wait3A_1207 = arith.constant 844800 : i32
    %dma_wait3A_1208 = tpu.memref_slice %arg5[%add3A, %dma_wait3A_1207] : memref<32x1000000xf32, #tpu.memory_space<hbm>> -> memref<1x12800xf32, #tpu.memory_space<hbm>>
    %dma_wait3A_1209 = tpu.memref_squeeze %dma_wait3A_1208 : memref<1x12800xf32, #tpu.memory_space<hbm>> -> memref<12800xf32, #tpu.memory_space<hbm>>
    tpu.wait_dma2 semaphore(%arg22 : memref<!tpu.dma_semaphore, #tpu.memory_space<semaphore_mem>>) src(%dma_wait3A_1209 : memref<12800xf32, #tpu.memory_space<hbm>>) dst(%arg18 : memref<12800xf32, #tpu.memory_space<vmem>>)
    %dma_wait3A_1210 = tpu.memref_slice %arg11[%add3A_1183] : memref<32000000xf32, #tpu.memory_space<hbm>> -> memref<12800xf32, #tpu.memory_space<hbm>>
    %dma_wait3A_1211 = tpu.memref_slice %arg11[%add3A_1183] : memref<32000000xf32, #tpu.memory_space<hbm>> -> memref<12800xf32, #tpu.memory_space<hbm>>
    tpu.wait_dma2 semaphore(%arg24 : memref<!tpu.dma_semaphore, #tpu.memory_space<semaphore_mem>>) src(%arg16 : memref<12800xf32, #tpu.memory_space<vmem>>) dst(%dma_wait3A_1211 : memref<12800xf32, #tpu.memory_space<hbm>>)
    %dma_start3A_1212 = arith.constant 870400 : i32
    %dma_start3A_1213 = tpu.memref_slice %arg5[%add3A, %dma_start3A_1212] : memref<32x1000000xf32, #tpu.memory_space<hbm>> -> memref<1x12800xf32, #tpu.memory_space<hbm>>
    %dma_start3A_1214 = tpu.memref_squeeze %dma_start3A_1213 : memref<1x12800xf32, #tpu.memory_space<hbm>> -> memref<12800xf32, #tpu.memory_space<hbm>>
    %dma_start3A_1215 = arith.constant 870400 : i32
    %dma_start3A_1216 = tpu.memref_slice %arg5[%add3A, %dma_start3A_1215] : memref<32x1000000xf32, #tpu.memory_space<hbm>> -> memref<1x12800xf32, #tpu.memory_space<hbm>>
    %dma_start3A_1217 = tpu.memref_squeeze %dma_start3A_1216 : memref<1x12800xf32, #tpu.memory_space<hbm>> -> memref<12800xf32, #tpu.memory_space<hbm>>
    tpu.enqueue_dma source(%dma_start3A_1217 : memref<12800xf32, #tpu.memory_space<hbm>>) target(%arg16 : memref<12800xf32, #tpu.memory_space<vmem>>) target_semaphore(%arg22 : memref<!tpu.dma_semaphore, #tpu.memory_space<semaphore_mem>>)
    %add3A_1218 = arith.constant 844800 : i32
    %add3A_1219 = arith.addi %mul3A_9, %add3A_1218 : i32
    %dma_start3A_1220 = tpu.memref_slice %arg11[%add3A_1219] : memref<32000000xf32, #tpu.memory_space<hbm>> -> memref<12800xf32, #tpu.memory_space<hbm>>
    %dma_start3A_1221 = tpu.memref_slice %arg11[%add3A_1219] : memref<32000000xf32, #tpu.memory_space<hbm>> -> memref<12800xf32, #tpu.memory_space<hbm>>
    tpu.enqueue_dma source(%arg18 : memref<12800xf32, #tpu.memory_space<vmem>>) target(%dma_start3A_1221 : memref<12800xf32, #tpu.memory_space<hbm>>) target_semaphore(%arg24 : memref<!tpu.dma_semaphore, #tpu.memory_space<semaphore_mem>>)
    %dma_wait3A_1222 = arith.constant 857600 : i32
    %dma_wait3A_1223 = tpu.memref_slice %arg5[%add3A, %dma_wait3A_1222] : memref<32x1000000xf32, #tpu.memory_space<hbm>> -> memref<1x12800xf32, #tpu.memory_space<hbm>>
    %dma_wait3A_1224 = tpu.memref_squeeze %dma_wait3A_1223 : memref<1x12800xf32, #tpu.memory_space<hbm>> -> memref<12800xf32, #tpu.memory_space<hbm>>
    %dma_wait3A_1225 = arith.constant 857600 : i32
    %dma_wait3A_1226 = tpu.memref_slice %arg5[%add3A, %dma_wait3A_1225] : memref<32x1000000xf32, #tpu.memory_space<hbm>> -> memref<1x12800xf32, #tpu.memory_space<hbm>>
    %dma_wait3A_1227 = tpu.memref_squeeze %dma_wait3A_1226 : memref<1x12800xf32, #tpu.memory_space<hbm>> -> memref<12800xf32, #tpu.memory_space<hbm>>
    tpu.wait_dma2 semaphore(%arg23 : memref<!tpu.dma_semaphore, #tpu.memory_space<semaphore_mem>>) src(%dma_wait3A_1227 : memref<12800xf32, #tpu.memory_space<hbm>>) dst(%arg19 : memref<12800xf32, #tpu.memory_space<vmem>>)
    %dma_wait3A_1228 = tpu.memref_slice %arg11[%add3A_1201] : memref<32000000xf32, #tpu.memory_space<hbm>> -> memref<12800xf32, #tpu.memory_space<hbm>>
    %dma_wait3A_1229 = tpu.memref_slice %arg11[%add3A_1201] : memref<32000000xf32, #tpu.memory_space<hbm>> -> memref<12800xf32, #tpu.memory_space<hbm>>
    tpu.wait_dma2 semaphore(%arg25 : memref<!tpu.dma_semaphore, #tpu.memory_space<semaphore_mem>>) src(%arg17 : memref<12800xf32, #tpu.memory_space<vmem>>) dst(%dma_wait3A_1229 : memref<12800xf32, #tpu.memory_space<hbm>>)
    %dma_start3A_1230 = arith.constant 883200 : i32
    %dma_start3A_1231 = tpu.memref_slice %arg5[%add3A, %dma_start3A_1230] : memref<32x1000000xf32, #tpu.memory_space<hbm>> -> memref<1x12800xf32, #tpu.memory_space<hbm>>
    %dma_start3A_1232 = tpu.memref_squeeze %dma_start3A_1231 : memref<1x12800xf32, #tpu.memory_space<hbm>> -> memref<12800xf32, #tpu.memory_space<hbm>>
    %dma_start3A_1233 = arith.constant 883200 : i32
    %dma_start3A_1234 = tpu.memref_slice %arg5[%add3A, %dma_start3A_1233] : memref<32x1000000xf32, #tpu.memory_space<hbm>> -> memref<1x12800xf32, #tpu.memory_space<hbm>>
    %dma_start3A_1235 = tpu.memref_squeeze %dma_start3A_1234 : memref<1x12800xf32, #tpu.memory_space<hbm>> -> memref<12800xf32, #tpu.memory_space<hbm>>
    tpu.enqueue_dma source(%dma_start3A_1235 : memref<12800xf32, #tpu.memory_space<hbm>>) target(%arg17 : memref<12800xf32, #tpu.memory_space<vmem>>) target_semaphore(%arg23 : memref<!tpu.dma_semaphore, #tpu.memory_space<semaphore_mem>>)
    %add3A_1236 = arith.constant 857600 : i32
    %add3A_1237 = arith.addi %mul3A_9, %add3A_1236 : i32
    %dma_start3A_1238 = tpu.memref_slice %arg11[%add3A_1237] : memref<32000000xf32, #tpu.memory_space<hbm>> -> memref<12800xf32, #tpu.memory_space<hbm>>
    %dma_start3A_1239 = tpu.memref_slice %arg11[%add3A_1237] : memref<32000000xf32, #tpu.memory_space<hbm>> -> memref<12800xf32, #tpu.memory_space<hbm>>
    tpu.enqueue_dma source(%arg19 : memref<12800xf32, #tpu.memory_space<vmem>>) target(%dma_start3A_1239 : memref<12800xf32, #tpu.memory_space<hbm>>) target_semaphore(%arg25 : memref<!tpu.dma_semaphore, #tpu.memory_space<semaphore_mem>>)
    %dma_wait3A_1240 = arith.constant 870400 : i32
    %dma_wait3A_1241 = tpu.memref_slice %arg5[%add3A, %dma_wait3A_1240] : memref<32x1000000xf32, #tpu.memory_space<hbm>> -> memref<1x12800xf32, #tpu.memory_space<hbm>>
    %dma_wait3A_1242 = tpu.memref_squeeze %dma_wait3A_1241 : memref<1x12800xf32, #tpu.memory_space<hbm>> -> memref<12800xf32, #tpu.memory_space<hbm>>
    %dma_wait3A_1243 = arith.constant 870400 : i32
    %dma_wait3A_1244 = tpu.memref_slice %arg5[%add3A, %dma_wait3A_1243] : memref<32x1000000xf32, #tpu.memory_space<hbm>> -> memref<1x12800xf32, #tpu.memory_space<hbm>>
    %dma_wait3A_1245 = tpu.memref_squeeze %dma_wait3A_1244 : memref<1x12800xf32, #tpu.memory_space<hbm>> -> memref<12800xf32, #tpu.memory_space<hbm>>
    tpu.wait_dma2 semaphore(%arg22 : memref<!tpu.dma_semaphore, #tpu.memory_space<semaphore_mem>>) src(%dma_wait3A_1245 : memref<12800xf32, #tpu.memory_space<hbm>>) dst(%arg16 : memref<12800xf32, #tpu.memory_space<vmem>>)
    %dma_wait3A_1246 = tpu.memref_slice %arg11[%add3A_1219] : memref<32000000xf32, #tpu.memory_space<hbm>> -> memref<12800xf32, #tpu.memory_space<hbm>>
    %dma_wait3A_1247 = tpu.memref_slice %arg11[%add3A_1219] : memref<32000000xf32, #tpu.memory_space<hbm>> -> memref<12800xf32, #tpu.memory_space<hbm>>
    tpu.wait_dma2 semaphore(%arg24 : memref<!tpu.dma_semaphore, #tpu.memory_space<semaphore_mem>>) src(%arg18 : memref<12800xf32, #tpu.memory_space<vmem>>) dst(%dma_wait3A_1247 : memref<12800xf32, #tpu.memory_space<hbm>>)
    %dma_start3A_1248 = arith.constant 896000 : i32
    %dma_start3A_1249 = tpu.memref_slice %arg5[%add3A, %dma_start3A_1248] : memref<32x1000000xf32, #tpu.memory_space<hbm>> -> memref<1x12800xf32, #tpu.memory_space<hbm>>
    %dma_start3A_1250 = tpu.memref_squeeze %dma_start3A_1249 : memref<1x12800xf32, #tpu.memory_space<hbm>> -> memref<12800xf32, #tpu.memory_space<hbm>>
    %dma_start3A_1251 = arith.constant 896000 : i32
    %dma_start3A_1252 = tpu.memref_slice %arg5[%add3A, %dma_start3A_1251] : memref<32x1000000xf32, #tpu.memory_space<hbm>> -> memref<1x12800xf32, #tpu.memory_space<hbm>>
    %dma_start3A_1253 = tpu.memref_squeeze %dma_start3A_1252 : memref<1x12800xf32, #tpu.memory_space<hbm>> -> memref<12800xf32, #tpu.memory_space<hbm>>
    tpu.enqueue_dma source(%dma_start3A_1253 : memref<12800xf32, #tpu.memory_space<hbm>>) target(%arg18 : memref<12800xf32, #tpu.memory_space<vmem>>) target_semaphore(%arg22 : memref<!tpu.dma_semaphore, #tpu.memory_space<semaphore_mem>>)
    %add3A_1254 = arith.constant 870400 : i32
    %add3A_1255 = arith.addi %mul3A_9, %add3A_1254 : i32
    %dma_start3A_1256 = tpu.memref_slice %arg11[%add3A_1255] : memref<32000000xf32, #tpu.memory_space<hbm>> -> memref<12800xf32, #tpu.memory_space<hbm>>
    %dma_start3A_1257 = tpu.memref_slice %arg11[%add3A_1255] : memref<32000000xf32, #tpu.memory_space<hbm>> -> memref<12800xf32, #tpu.memory_space<hbm>>
    tpu.enqueue_dma source(%arg16 : memref<12800xf32, #tpu.memory_space<vmem>>) target(%dma_start3A_1257 : memref<12800xf32, #tpu.memory_space<hbm>>) target_semaphore(%arg24 : memref<!tpu.dma_semaphore, #tpu.memory_space<semaphore_mem>>)
    %dma_wait3A_1258 = arith.constant 883200 : i32
    %dma_wait3A_1259 = tpu.memref_slice %arg5[%add3A, %dma_wait3A_1258] : memref<32x1000000xf32, #tpu.memory_space<hbm>> -> memref<1x12800xf32, #tpu.memory_space<hbm>>
    %dma_wait3A_1260 = tpu.memref_squeeze %dma_wait3A_1259 : memref<1x12800xf32, #tpu.memory_space<hbm>> -> memref<12800xf32, #tpu.memory_space<hbm>>
    %dma_wait3A_1261 = arith.constant 883200 : i32
    %dma_wait3A_1262 = tpu.memref_slice %arg5[%add3A, %dma_wait3A_1261] : memref<32x1000000xf32, #tpu.memory_space<hbm>> -> memref<1x12800xf32, #tpu.memory_space<hbm>>
    %dma_wait3A_1263 = tpu.memref_squeeze %dma_wait3A_1262 : memref<1x12800xf32, #tpu.memory_space<hbm>> -> memref<12800xf32, #tpu.memory_space<hbm>>
    tpu.wait_dma2 semaphore(%arg23 : memref<!tpu.dma_semaphore, #tpu.memory_space<semaphore_mem>>) src(%dma_wait3A_1263 : memref<12800xf32, #tpu.memory_space<hbm>>) dst(%arg17 : memref<12800xf32, #tpu.memory_space<vmem>>)
    %dma_wait3A_1264 = tpu.memref_slice %arg11[%add3A_1237] : memref<32000000xf32, #tpu.memory_space<hbm>> -> memref<12800xf32, #tpu.memory_space<hbm>>
    %dma_wait3A_1265 = tpu.memref_slice %arg11[%add3A_1237] : memref<32000000xf32, #tpu.memory_space<hbm>> -> memref<12800xf32, #tpu.memory_space<hbm>>
    tpu.wait_dma2 semaphore(%arg25 : memref<!tpu.dma_semaphore, #tpu.memory_space<semaphore_mem>>) src(%arg19 : memref<12800xf32, #tpu.memory_space<vmem>>) dst(%dma_wait3A_1265 : memref<12800xf32, #tpu.memory_space<hbm>>)
    %dma_start3A_1266 = arith.constant 908800 : i32
    %dma_start3A_1267 = tpu.memref_slice %arg5[%add3A, %dma_start3A_1266] : memref<32x1000000xf32, #tpu.memory_space<hbm>> -> memref<1x12800xf32, #tpu.memory_space<hbm>>
    %dma_start3A_1268 = tpu.memref_squeeze %dma_start3A_1267 : memref<1x12800xf32, #tpu.memory_space<hbm>> -> memref<12800xf32, #tpu.memory_space<hbm>>
    %dma_start3A_1269 = arith.constant 908800 : i32
    %dma_start3A_1270 = tpu.memref_slice %arg5[%add3A, %dma_start3A_1269] : memref<32x1000000xf32, #tpu.memory_space<hbm>> -> memref<1x12800xf32, #tpu.memory_space<hbm>>
    %dma_start3A_1271 = tpu.memref_squeeze %dma_start3A_1270 : memref<1x12800xf32, #tpu.memory_space<hbm>> -> memref<12800xf32, #tpu.memory_space<hbm>>
    tpu.enqueue_dma source(%dma_start3A_1271 : memref<12800xf32, #tpu.memory_space<hbm>>) target(%arg19 : memref<12800xf32, #tpu.memory_space<vmem>>) target_semaphore(%arg23 : memref<!tpu.dma_semaphore, #tpu.memory_space<semaphore_mem>>)
    %add3A_1272 = arith.constant 883200 : i32
    %add3A_1273 = arith.addi %mul3A_9, %add3A_1272 : i32
    %dma_start3A_1274 = tpu.memref_slice %arg11[%add3A_1273] : memref<32000000xf32, #tpu.memory_space<hbm>> -> memref<12800xf32, #tpu.memory_space<hbm>>
    %dma_start3A_1275 = tpu.memref_slice %arg11[%add3A_1273] : memref<32000000xf32, #tpu.memory_space<hbm>> -> memref<12800xf32, #tpu.memory_space<hbm>>
    tpu.enqueue_dma source(%arg17 : memref<12800xf32, #tpu.memory_space<vmem>>) target(%dma_start3A_1275 : memref<12800xf32, #tpu.memory_space<hbm>>) target_semaphore(%arg25 : memref<!tpu.dma_semaphore, #tpu.memory_space<semaphore_mem>>)
    %dma_wait3A_1276 = arith.constant 896000 : i32
    %dma_wait3A_1277 = tpu.memref_slice %arg5[%add3A, %dma_wait3A_1276] : memref<32x1000000xf32, #tpu.memory_space<hbm>> -> memref<1x12800xf32, #tpu.memory_space<hbm>>
    %dma_wait3A_1278 = tpu.memref_squeeze %dma_wait3A_1277 : memref<1x12800xf32, #tpu.memory_space<hbm>> -> memref<12800xf32, #tpu.memory_space<hbm>>
    %dma_wait3A_1279 = arith.constant 896000 : i32
    %dma_wait3A_1280 = tpu.memref_slice %arg5[%add3A, %dma_wait3A_1279] : memref<32x1000000xf32, #tpu.memory_space<hbm>> -> memref<1x12800xf32, #tpu.memory_space<hbm>>
    %dma_wait3A_1281 = tpu.memref_squeeze %dma_wait3A_1280 : memref<1x12800xf32, #tpu.memory_space<hbm>> -> memref<12800xf32, #tpu.memory_space<hbm>>
    tpu.wait_dma2 semaphore(%arg22 : memref<!tpu.dma_semaphore, #tpu.memory_space<semaphore_mem>>) src(%dma_wait3A_1281 : memref<12800xf32, #tpu.memory_space<hbm>>) dst(%arg18 : memref<12800xf32, #tpu.memory_space<vmem>>)
    %dma_wait3A_1282 = tpu.memref_slice %arg11[%add3A_1255] : memref<32000000xf32, #tpu.memory_space<hbm>> -> memref<12800xf32, #tpu.memory_space<hbm>>
    %dma_wait3A_1283 = tpu.memref_slice %arg11[%add3A_1255] : memref<32000000xf32, #tpu.memory_space<hbm>> -> memref<12800xf32, #tpu.memory_space<hbm>>
    tpu.wait_dma2 semaphore(%arg24 : memref<!tpu.dma_semaphore, #tpu.memory_space<semaphore_mem>>) src(%arg16 : memref<12800xf32, #tpu.memory_space<vmem>>) dst(%dma_wait3A_1283 : memref<12800xf32, #tpu.memory_space<hbm>>)
    %dma_start3A_1284 = arith.constant 921600 : i32
    %dma_start3A_1285 = tpu.memref_slice %arg5[%add3A, %dma_start3A_1284] : memref<32x1000000xf32, #tpu.memory_space<hbm>> -> memref<1x12800xf32, #tpu.memory_space<hbm>>
    %dma_start3A_1286 = tpu.memref_squeeze %dma_start3A_1285 : memref<1x12800xf32, #tpu.memory_space<hbm>> -> memref<12800xf32, #tpu.memory_space<hbm>>
    %dma_start3A_1287 = arith.constant 921600 : i32
    %dma_start3A_1288 = tpu.memref_slice %arg5[%add3A, %dma_start3A_1287] : memref<32x1000000xf32, #tpu.memory_space<hbm>> -> memref<1x12800xf32, #tpu.memory_space<hbm>>
    %dma_start3A_1289 = tpu.memref_squeeze %dma_start3A_1288 : memref<1x12800xf32, #tpu.memory_space<hbm>> -> memref<12800xf32, #tpu.memory_space<hbm>>
    tpu.enqueue_dma source(%dma_start3A_1289 : memref<12800xf32, #tpu.memory_space<hbm>>) target(%arg16 : memref<12800xf32, #tpu.memory_space<vmem>>) target_semaphore(%arg22 : memref<!tpu.dma_semaphore, #tpu.memory_space<semaphore_mem>>)
    %add3A_1290 = arith.constant 896000 : i32
    %add3A_1291 = arith.addi %mul3A_9, %add3A_1290 : i32
    %dma_start3A_1292 = tpu.memref_slice %arg11[%add3A_1291] : memref<32000000xf32, #tpu.memory_space<hbm>> -> memref<12800xf32, #tpu.memory_space<hbm>>
    %dma_start3A_1293 = tpu.memref_slice %arg11[%add3A_1291] : memref<32000000xf32, #tpu.memory_space<hbm>> -> memref<12800xf32, #tpu.memory_space<hbm>>
    tpu.enqueue_dma source(%arg18 : memref<12800xf32, #tpu.memory_space<vmem>>) target(%dma_start3A_1293 : memref<12800xf32, #tpu.memory_space<hbm>>) target_semaphore(%arg24 : memref<!tpu.dma_semaphore, #tpu.memory_space<semaphore_mem>>)
    %dma_wait3A_1294 = arith.constant 908800 : i32
    %dma_wait3A_1295 = tpu.memref_slice %arg5[%add3A, %dma_wait3A_1294] : memref<32x1000000xf32, #tpu.memory_space<hbm>> -> memref<1x12800xf32, #tpu.memory_space<hbm>>
    %dma_wait3A_1296 = tpu.memref_squeeze %dma_wait3A_1295 : memref<1x12800xf32, #tpu.memory_space<hbm>> -> memref<12800xf32, #tpu.memory_space<hbm>>
    %dma_wait3A_1297 = arith.constant 908800 : i32
    %dma_wait3A_1298 = tpu.memref_slice %arg5[%add3A, %dma_wait3A_1297] : memref<32x1000000xf32, #tpu.memory_space<hbm>> -> memref<1x12800xf32, #tpu.memory_space<hbm>>
    %dma_wait3A_1299 = tpu.memref_squeeze %dma_wait3A_1298 : memref<1x12800xf32, #tpu.memory_space<hbm>> -> memref<12800xf32, #tpu.memory_space<hbm>>
    tpu.wait_dma2 semaphore(%arg23 : memref<!tpu.dma_semaphore, #tpu.memory_space<semaphore_mem>>) src(%dma_wait3A_1299 : memref<12800xf32, #tpu.memory_space<hbm>>) dst(%arg19 : memref<12800xf32, #tpu.memory_space<vmem>>)
    %dma_wait3A_1300 = tpu.memref_slice %arg11[%add3A_1273] : memref<32000000xf32, #tpu.memory_space<hbm>> -> memref<12800xf32, #tpu.memory_space<hbm>>
    %dma_wait3A_1301 = tpu.memref_slice %arg11[%add3A_1273] : memref<32000000xf32, #tpu.memory_space<hbm>> -> memref<12800xf32, #tpu.memory_space<hbm>>
    tpu.wait_dma2 semaphore(%arg25 : memref<!tpu.dma_semaphore, #tpu.memory_space<semaphore_mem>>) src(%arg17 : memref<12800xf32, #tpu.memory_space<vmem>>) dst(%dma_wait3A_1301 : memref<12800xf32, #tpu.memory_space<hbm>>)
    %dma_start3A_1302 = arith.constant 934400 : i32
    %dma_start3A_1303 = tpu.memref_slice %arg5[%add3A, %dma_start3A_1302] : memref<32x1000000xf32, #tpu.memory_space<hbm>> -> memref<1x12800xf32, #tpu.memory_space<hbm>>
    %dma_start3A_1304 = tpu.memref_squeeze %dma_start3A_1303 : memref<1x12800xf32, #tpu.memory_space<hbm>> -> memref<12800xf32, #tpu.memory_space<hbm>>
    %dma_start3A_1305 = arith.constant 934400 : i32
    %dma_start3A_1306 = tpu.memref_slice %arg5[%add3A, %dma_start3A_1305] : memref<32x1000000xf32, #tpu.memory_space<hbm>> -> memref<1x12800xf32, #tpu.memory_space<hbm>>
    %dma_start3A_1307 = tpu.memref_squeeze %dma_start3A_1306 : memref<1x12800xf32, #tpu.memory_space<hbm>> -> memref<12800xf32, #tpu.memory_space<hbm>>
    tpu.enqueue_dma source(%dma_start3A_1307 : memref<12800xf32, #tpu.memory_space<hbm>>) target(%arg17 : memref<12800xf32, #tpu.memory_space<vmem>>) target_semaphore(%arg23 : memref<!tpu.dma_semaphore, #tpu.memory_space<semaphore_mem>>)
    %add3A_1308 = arith.constant 908800 : i32
    %add3A_1309 = arith.addi %mul3A_9, %add3A_1308 : i32
    %dma_start3A_1310 = tpu.memref_slice %arg11[%add3A_1309] : memref<32000000xf32, #tpu.memory_space<hbm>> -> memref<12800xf32, #tpu.memory_space<hbm>>
    %dma_start3A_1311 = tpu.memref_slice %arg11[%add3A_1309] : memref<32000000xf32, #tpu.memory_space<hbm>> -> memref<12800xf32, #tpu.memory_space<hbm>>
    tpu.enqueue_dma source(%arg19 : memref<12800xf32, #tpu.memory_space<vmem>>) target(%dma_start3A_1311 : memref<12800xf32, #tpu.memory_space<hbm>>) target_semaphore(%arg25 : memref<!tpu.dma_semaphore, #tpu.memory_space<semaphore_mem>>)
    %dma_wait3A_1312 = arith.constant 921600 : i32
    %dma_wait3A_1313 = tpu.memref_slice %arg5[%add3A, %dma_wait3A_1312] : memref<32x1000000xf32, #tpu.memory_space<hbm>> -> memref<1x12800xf32, #tpu.memory_space<hbm>>
    %dma_wait3A_1314 = tpu.memref_squeeze %dma_wait3A_1313 : memref<1x12800xf32, #tpu.memory_space<hbm>> -> memref<12800xf32, #tpu.memory_space<hbm>>
    %dma_wait3A_1315 = arith.constant 921600 : i32
    %dma_wait3A_1316 = tpu.memref_slice %arg5[%add3A, %dma_wait3A_1315] : memref<32x1000000xf32, #tpu.memory_space<hbm>> -> memref<1x12800xf32, #tpu.memory_space<hbm>>
    %dma_wait3A_1317 = tpu.memref_squeeze %dma_wait3A_1316 : memref<1x12800xf32, #tpu.memory_space<hbm>> -> memref<12800xf32, #tpu.memory_space<hbm>>
    tpu.wait_dma2 semaphore(%arg22 : memref<!tpu.dma_semaphore, #tpu.memory_space<semaphore_mem>>) src(%dma_wait3A_1317 : memref<12800xf32, #tpu.memory_space<hbm>>) dst(%arg16 : memref<12800xf32, #tpu.memory_space<vmem>>)
    %dma_wait3A_1318 = tpu.memref_slice %arg11[%add3A_1291] : memref<32000000xf32, #tpu.memory_space<hbm>> -> memref<12800xf32, #tpu.memory_space<hbm>>
    %dma_wait3A_1319 = tpu.memref_slice %arg11[%add3A_1291] : memref<32000000xf32, #tpu.memory_space<hbm>> -> memref<12800xf32, #tpu.memory_space<hbm>>
    tpu.wait_dma2 semaphore(%arg24 : memref<!tpu.dma_semaphore, #tpu.memory_space<semaphore_mem>>) src(%arg18 : memref<12800xf32, #tpu.memory_space<vmem>>) dst(%dma_wait3A_1319 : memref<12800xf32, #tpu.memory_space<hbm>>)
    %dma_start3A_1320 = arith.constant 947200 : i32
    %dma_start3A_1321 = tpu.memref_slice %arg5[%add3A, %dma_start3A_1320] : memref<32x1000000xf32, #tpu.memory_space<hbm>> -> memref<1x12800xf32, #tpu.memory_space<hbm>>
    %dma_start3A_1322 = tpu.memref_squeeze %dma_start3A_1321 : memref<1x12800xf32, #tpu.memory_space<hbm>> -> memref<12800xf32, #tpu.memory_space<hbm>>
    %dma_start3A_1323 = arith.constant 947200 : i32
    %dma_start3A_1324 = tpu.memref_slice %arg5[%add3A, %dma_start3A_1323] : memref<32x1000000xf32, #tpu.memory_space<hbm>> -> memref<1x12800xf32, #tpu.memory_space<hbm>>
    %dma_start3A_1325 = tpu.memref_squeeze %dma_start3A_1324 : memref<1x12800xf32, #tpu.memory_space<hbm>> -> memref<12800xf32, #tpu.memory_space<hbm>>
    tpu.enqueue_dma source(%dma_start3A_1325 : memref<12800xf32, #tpu.memory_space<hbm>>) target(%arg18 : memref<12800xf32, #tpu.memory_space<vmem>>) target_semaphore(%arg22 : memref<!tpu.dma_semaphore, #tpu.memory_space<semaphore_mem>>)
    %add3A_1326 = arith.constant 921600 : i32
    %add3A_1327 = arith.addi %mul3A_9, %add3A_1326 : i32
    %dma_start3A_1328 = tpu.memref_slice %arg11[%add3A_1327] : memref<32000000xf32, #tpu.memory_space<hbm>> -> memref<12800xf32, #tpu.memory_space<hbm>>
    %dma_start3A_1329 = tpu.memref_slice %arg11[%add3A_1327] : memref<32000000xf32, #tpu.memory_space<hbm>> -> memref<12800xf32, #tpu.memory_space<hbm>>
    tpu.enqueue_dma source(%arg16 : memref<12800xf32, #tpu.memory_space<vmem>>) target(%dma_start3A_1329 : memref<12800xf32, #tpu.memory_space<hbm>>) target_semaphore(%arg24 : memref<!tpu.dma_semaphore, #tpu.memory_space<semaphore_mem>>)
    %dma_wait3A_1330 = arith.constant 934400 : i32
    %dma_wait3A_1331 = tpu.memref_slice %arg5[%add3A, %dma_wait3A_1330] : memref<32x1000000xf32, #tpu.memory_space<hbm>> -> memref<1x12800xf32, #tpu.memory_space<hbm>>
    %dma_wait3A_1332 = tpu.memref_squeeze %dma_wait3A_1331 : memref<1x12800xf32, #tpu.memory_space<hbm>> -> memref<12800xf32, #tpu.memory_space<hbm>>
    %dma_wait3A_1333 = arith.constant 934400 : i32
    %dma_wait3A_1334 = tpu.memref_slice %arg5[%add3A, %dma_wait3A_1333] : memref<32x1000000xf32, #tpu.memory_space<hbm>> -> memref<1x12800xf32, #tpu.memory_space<hbm>>
    %dma_wait3A_1335 = tpu.memref_squeeze %dma_wait3A_1334 : memref<1x12800xf32, #tpu.memory_space<hbm>> -> memref<12800xf32, #tpu.memory_space<hbm>>
    tpu.wait_dma2 semaphore(%arg23 : memref<!tpu.dma_semaphore, #tpu.memory_space<semaphore_mem>>) src(%dma_wait3A_1335 : memref<12800xf32, #tpu.memory_space<hbm>>) dst(%arg17 : memref<12800xf32, #tpu.memory_space<vmem>>)
    %dma_wait3A_1336 = tpu.memref_slice %arg11[%add3A_1309] : memref<32000000xf32, #tpu.memory_space<hbm>> -> memref<12800xf32, #tpu.memory_space<hbm>>
    %dma_wait3A_1337 = tpu.memref_slice %arg11[%add3A_1309] : memref<32000000xf32, #tpu.memory_space<hbm>> -> memref<12800xf32, #tpu.memory_space<hbm>>
    tpu.wait_dma2 semaphore(%arg25 : memref<!tpu.dma_semaphore, #tpu.memory_space<semaphore_mem>>) src(%arg19 : memref<12800xf32, #tpu.memory_space<vmem>>) dst(%dma_wait3A_1337 : memref<12800xf32, #tpu.memory_space<hbm>>)
    %dma_start3A_1338 = arith.constant 960000 : i32
    %dma_start3A_1339 = tpu.memref_slice %arg5[%add3A, %dma_start3A_1338] : memref<32x1000000xf32, #tpu.memory_space<hbm>> -> memref<1x12800xf32, #tpu.memory_space<hbm>>
    %dma_start3A_1340 = tpu.memref_squeeze %dma_start3A_1339 : memref<1x12800xf32, #tpu.memory_space<hbm>> -> memref<12800xf32, #tpu.memory_space<hbm>>
    %dma_start3A_1341 = arith.constant 960000 : i32
    %dma_start3A_1342 = tpu.memref_slice %arg5[%add3A, %dma_start3A_1341] : memref<32x1000000xf32, #tpu.memory_space<hbm>> -> memref<1x12800xf32, #tpu.memory_space<hbm>>
    %dma_start3A_1343 = tpu.memref_squeeze %dma_start3A_1342 : memref<1x12800xf32, #tpu.memory_space<hbm>> -> memref<12800xf32, #tpu.memory_space<hbm>>
    tpu.enqueue_dma source(%dma_start3A_1343 : memref<12800xf32, #tpu.memory_space<hbm>>) target(%arg19 : memref<12800xf32, #tpu.memory_space<vmem>>) target_semaphore(%arg23 : memref<!tpu.dma_semaphore, #tpu.memory_space<semaphore_mem>>)
    %add3A_1344 = arith.constant 934400 : i32
    %add3A_1345 = arith.addi %mul3A_9, %add3A_1344 : i32
    %dma_start3A_1346 = tpu.memref_slice %arg11[%add3A_1345] : memref<32000000xf32, #tpu.memory_space<hbm>> -> memref<12800xf32, #tpu.memory_space<hbm>>
    %dma_start3A_1347 = tpu.memref_slice %arg11[%add3A_1345] : memref<32000000xf32, #tpu.memory_space<hbm>> -> memref<12800xf32, #tpu.memory_space<hbm>>
    tpu.enqueue_dma source(%arg17 : memref<12800xf32, #tpu.memory_space<vmem>>) target(%dma_start3A_1347 : memref<12800xf32, #tpu.memory_space<hbm>>) target_semaphore(%arg25 : memref<!tpu.dma_semaphore, #tpu.memory_space<semaphore_mem>>)
    %dma_wait3A_1348 = arith.constant 947200 : i32
    %dma_wait3A_1349 = tpu.memref_slice %arg5[%add3A, %dma_wait3A_1348] : memref<32x1000000xf32, #tpu.memory_space<hbm>> -> memref<1x12800xf32, #tpu.memory_space<hbm>>
    %dma_wait3A_1350 = tpu.memref_squeeze %dma_wait3A_1349 : memref<1x12800xf32, #tpu.memory_space<hbm>> -> memref<12800xf32, #tpu.memory_space<hbm>>
    %dma_wait3A_1351 = arith.constant 947200 : i32
    %dma_wait3A_1352 = tpu.memref_slice %arg5[%add3A, %dma_wait3A_1351] : memref<32x1000000xf32, #tpu.memory_space<hbm>> -> memref<1x12800xf32, #tpu.memory_space<hbm>>
    %dma_wait3A_1353 = tpu.memref_squeeze %dma_wait3A_1352 : memref<1x12800xf32, #tpu.memory_space<hbm>> -> memref<12800xf32, #tpu.memory_space<hbm>>
    tpu.wait_dma2 semaphore(%arg22 : memref<!tpu.dma_semaphore, #tpu.memory_space<semaphore_mem>>) src(%dma_wait3A_1353 : memref<12800xf32, #tpu.memory_space<hbm>>) dst(%arg18 : memref<12800xf32, #tpu.memory_space<vmem>>)
    %dma_wait3A_1354 = tpu.memref_slice %arg11[%add3A_1327] : memref<32000000xf32, #tpu.memory_space<hbm>> -> memref<12800xf32, #tpu.memory_space<hbm>>
    %dma_wait3A_1355 = tpu.memref_slice %arg11[%add3A_1327] : memref<32000000xf32, #tpu.memory_space<hbm>> -> memref<12800xf32, #tpu.memory_space<hbm>>
    tpu.wait_dma2 semaphore(%arg24 : memref<!tpu.dma_semaphore, #tpu.memory_space<semaphore_mem>>) src(%arg16 : memref<12800xf32, #tpu.memory_space<vmem>>) dst(%dma_wait3A_1355 : memref<12800xf32, #tpu.memory_space<hbm>>)
    %dma_start3A_1356 = arith.constant 972800 : i32
    %dma_start3A_1357 = tpu.memref_slice %arg5[%add3A, %dma_start3A_1356] : memref<32x1000000xf32, #tpu.memory_space<hbm>> -> memref<1x12800xf32, #tpu.memory_space<hbm>>
    %dma_start3A_1358 = tpu.memref_squeeze %dma_start3A_1357 : memref<1x12800xf32, #tpu.memory_space<hbm>> -> memref<12800xf32, #tpu.memory_space<hbm>>
    %dma_start3A_1359 = arith.constant 972800 : i32
    %dma_start3A_1360 = tpu.memref_slice %arg5[%add3A, %dma_start3A_1359] : memref<32x1000000xf32, #tpu.memory_space<hbm>> -> memref<1x12800xf32, #tpu.memory_space<hbm>>
    %dma_start3A_1361 = tpu.memref_squeeze %dma_start3A_1360 : memref<1x12800xf32, #tpu.memory_space<hbm>> -> memref<12800xf32, #tpu.memory_space<hbm>>
    tpu.enqueue_dma source(%dma_start3A_1361 : memref<12800xf32, #tpu.memory_space<hbm>>) target(%arg16 : memref<12800xf32, #tpu.memory_space<vmem>>) target_semaphore(%arg22 : memref<!tpu.dma_semaphore, #tpu.memory_space<semaphore_mem>>)
    %add3A_1362 = arith.constant 947200 : i32
    %add3A_1363 = arith.addi %mul3A_9, %add3A_1362 : i32
    %dma_start3A_1364 = tpu.memref_slice %arg11[%add3A_1363] : memref<32000000xf32, #tpu.memory_space<hbm>> -> memref<12800xf32, #tpu.memory_space<hbm>>
    %dma_start3A_1365 = tpu.memref_slice %arg11[%add3A_1363] : memref<32000000xf32, #tpu.memory_space<hbm>> -> memref<12800xf32, #tpu.memory_space<hbm>>
    tpu.enqueue_dma source(%arg18 : memref<12800xf32, #tpu.memory_space<vmem>>) target(%dma_start3A_1365 : memref<12800xf32, #tpu.memory_space<hbm>>) target_semaphore(%arg24 : memref<!tpu.dma_semaphore, #tpu.memory_space<semaphore_mem>>)
    %dma_wait3A_1366 = arith.constant 960000 : i32
    %dma_wait3A_1367 = tpu.memref_slice %arg5[%add3A, %dma_wait3A_1366] : memref<32x1000000xf32, #tpu.memory_space<hbm>> -> memref<1x12800xf32, #tpu.memory_space<hbm>>
    %dma_wait3A_1368 = tpu.memref_squeeze %dma_wait3A_1367 : memref<1x12800xf32, #tpu.memory_space<hbm>> -> memref<12800xf32, #tpu.memory_space<hbm>>
    %dma_wait3A_1369 = arith.constant 960000 : i32
    %dma_wait3A_1370 = tpu.memref_slice %arg5[%add3A, %dma_wait3A_1369] : memref<32x1000000xf32, #tpu.memory_space<hbm>> -> memref<1x12800xf32, #tpu.memory_space<hbm>>
    %dma_wait3A_1371 = tpu.memref_squeeze %dma_wait3A_1370 : memref<1x12800xf32, #tpu.memory_space<hbm>> -> memref<12800xf32, #tpu.memory_space<hbm>>
    tpu.wait_dma2 semaphore(%arg23 : memref<!tpu.dma_semaphore, #tpu.memory_space<semaphore_mem>>) src(%dma_wait3A_1371 : memref<12800xf32, #tpu.memory_space<hbm>>) dst(%arg19 : memref<12800xf32, #tpu.memory_space<vmem>>)
    %dma_wait3A_1372 = tpu.memref_slice %arg11[%add3A_1345] : memref<32000000xf32, #tpu.memory_space<hbm>> -> memref<12800xf32, #tpu.memory_space<hbm>>
    %dma_wait3A_1373 = tpu.memref_slice %arg11[%add3A_1345] : memref<32000000xf32, #tpu.memory_space<hbm>> -> memref<12800xf32, #tpu.memory_space<hbm>>
    tpu.wait_dma2 semaphore(%arg25 : memref<!tpu.dma_semaphore, #tpu.memory_space<semaphore_mem>>) src(%arg17 : memref<12800xf32, #tpu.memory_space<vmem>>) dst(%dma_wait3A_1373 : memref<12800xf32, #tpu.memory_space<hbm>>)
    %dma_start3A_1374 = arith.constant 985600 : i32
    %dma_start3A_1375 = tpu.memref_slice %arg5[%add3A, %dma_start3A_1374] : memref<32x1000000xf32, #tpu.memory_space<hbm>> -> memref<1x14400xf32, #tpu.memory_space<hbm>>
    %dma_start3A_1376 = tpu.memref_squeeze %dma_start3A_1375 : memref<1x14400xf32, #tpu.memory_space<hbm>> -> memref<14400xf32, #tpu.memory_space<hbm>>
    %dma_start3A_1377 = arith.constant 985600 : i32
    %dma_start3A_1378 = tpu.memref_slice %arg5[%add3A, %dma_start3A_1377] : memref<32x1000000xf32, #tpu.memory_space<hbm>> -> memref<1x14400xf32, #tpu.memory_space<hbm>>
    %dma_start3A_1379 = tpu.memref_squeeze %dma_start3A_1378 : memref<1x14400xf32, #tpu.memory_space<hbm>> -> memref<14400xf32, #tpu.memory_space<hbm>>
    tpu.enqueue_dma source(%dma_start3A_1379 : memref<14400xf32, #tpu.memory_space<hbm>>) target(%arg20 : memref<14400xf32, #tpu.memory_space<vmem>>) target_semaphore(%arg23 : memref<!tpu.dma_semaphore, #tpu.memory_space<semaphore_mem>>)
    %add3A_1380 = arith.constant 960000 : i32
    %add3A_1381 = arith.addi %mul3A_9, %add3A_1380 : i32
    %dma_start3A_1382 = tpu.memref_slice %arg11[%add3A_1381] : memref<32000000xf32, #tpu.memory_space<hbm>> -> memref<12800xf32, #tpu.memory_space<hbm>>
    %dma_start3A_1383 = tpu.memref_slice %arg11[%add3A_1381] : memref<32000000xf32, #tpu.memory_space<hbm>> -> memref<12800xf32, #tpu.memory_space<hbm>>
    tpu.enqueue_dma source(%arg19 : memref<12800xf32, #tpu.memory_space<vmem>>) target(%dma_start3A_1383 : memref<12800xf32, #tpu.memory_space<hbm>>) target_semaphore(%arg25 : memref<!tpu.dma_semaphore, #tpu.memory_space<semaphore_mem>>)
    %dma_wait3A_1384 = arith.constant 972800 : i32
    %dma_wait3A_1385 = tpu.memref_slice %arg5[%add3A, %dma_wait3A_1384] : memref<32x1000000xf32, #tpu.memory_space<hbm>> -> memref<1x12800xf32, #tpu.memory_space<hbm>>
    %dma_wait3A_1386 = tpu.memref_squeeze %dma_wait3A_1385 : memref<1x12800xf32, #tpu.memory_space<hbm>> -> memref<12800xf32, #tpu.memory_space<hbm>>
    %dma_wait3A_1387 = arith.constant 972800 : i32
    %dma_wait3A_1388 = tpu.memref_slice %arg5[%add3A, %dma_wait3A_1387] : memref<32x1000000xf32, #tpu.memory_space<hbm>> -> memref<1x12800xf32, #tpu.memory_space<hbm>>
    %dma_wait3A_1389 = tpu.memref_squeeze %dma_wait3A_1388 : memref<1x12800xf32, #tpu.memory_space<hbm>> -> memref<12800xf32, #tpu.memory_space<hbm>>
    tpu.wait_dma2 semaphore(%arg22 : memref<!tpu.dma_semaphore, #tpu.memory_space<semaphore_mem>>) src(%dma_wait3A_1389 : memref<12800xf32, #tpu.memory_space<hbm>>) dst(%arg16 : memref<12800xf32, #tpu.memory_space<vmem>>)
    %add3A_1390 = arith.constant 972800 : i32
    %add3A_1391 = arith.addi %mul3A_9, %add3A_1390 : i32
    %dma_start3A_1392 = tpu.memref_slice %arg11[%add3A_1391] : memref<32000000xf32, #tpu.memory_space<hbm>> -> memref<12800xf32, #tpu.memory_space<hbm>>
    %dma_start3A_1393 = tpu.memref_slice %arg11[%add3A_1391] : memref<32000000xf32, #tpu.memory_space<hbm>> -> memref<12800xf32, #tpu.memory_space<hbm>>
    tpu.enqueue_dma source(%arg16 : memref<12800xf32, #tpu.memory_space<vmem>>) target(%dma_start3A_1393 : memref<12800xf32, #tpu.memory_space<hbm>>) target_semaphore(%arg24 : memref<!tpu.dma_semaphore, #tpu.memory_space<semaphore_mem>>)
    %dma_wait3A_1394 = arith.constant 985600 : i32
    %dma_wait3A_1395 = tpu.memref_slice %arg5[%add3A, %dma_wait3A_1394] : memref<32x1000000xf32, #tpu.memory_space<hbm>> -> memref<1x14400xf32, #tpu.memory_space<hbm>>
    %dma_wait3A_1396 = tpu.memref_squeeze %dma_wait3A_1395 : memref<1x14400xf32, #tpu.memory_space<hbm>> -> memref<14400xf32, #tpu.memory_space<hbm>>
    %dma_wait3A_1397 = arith.constant 985600 : i32
    %dma_wait3A_1398 = tpu.memref_slice %arg5[%add3A, %dma_wait3A_1397] : memref<32x1000000xf32, #tpu.memory_space<hbm>> -> memref<1x14400xf32, #tpu.memory_space<hbm>>
    %dma_wait3A_1399 = tpu.memref_squeeze %dma_wait3A_1398 : memref<1x14400xf32, #tpu.memory_space<hbm>> -> memref<14400xf32, #tpu.memory_space<hbm>>
    tpu.wait_dma2 semaphore(%arg23 : memref<!tpu.dma_semaphore, #tpu.memory_space<semaphore_mem>>) src(%dma_wait3A_1399 : memref<14400xf32, #tpu.memory_space<hbm>>) dst(%arg20 : memref<14400xf32, #tpu.memory_space<vmem>>)
    %add3A_1400 = arith.constant 985600 : i32
    %add3A_1401 = arith.addi %mul3A_9, %add3A_1400 : i32
    %dma_start3A_1402 = tpu.memref_slice %arg11[%add3A_1401] : memref<32000000xf32, #tpu.memory_space<hbm>> -> memref<14400xf32, #tpu.memory_space<hbm>>
    %dma_start3A_1403 = tpu.memref_slice %arg11[%add3A_1401] : memref<32000000xf32, #tpu.memory_space<hbm>> -> memref<14400xf32, #tpu.memory_space<hbm>>
    tpu.enqueue_dma source(%arg20 : memref<14400xf32, #tpu.memory_space<vmem>>) target(%dma_start3A_1403 : memref<14400xf32, #tpu.memory_space<hbm>>) target_semaphore(%arg25 : memref<!tpu.dma_semaphore, #tpu.memory_space<semaphore_mem>>)
    %dma_wait3A_1404 = tpu.memref_slice %arg11[%add3A_1363] : memref<32000000xf32, #tpu.memory_space<hbm>> -> memref<12800xf32, #tpu.memory_space<hbm>>
    %dma_wait3A_1405 = tpu.memref_slice %arg11[%add3A_1363] : memref<32000000xf32, #tpu.memory_space<hbm>> -> memref<12800xf32, #tpu.memory_space<hbm>>
    tpu.wait_dma2 semaphore(%arg24 : memref<!tpu.dma_semaphore, #tpu.memory_space<semaphore_mem>>) src(%arg18 : memref<12800xf32, #tpu.memory_space<vmem>>) dst(%dma_wait3A_1405 : memref<12800xf32, #tpu.memory_space<hbm>>)
    %dma_wait3A_1406 = tpu.memref_slice %arg11[%add3A_1381] : memref<32000000xf32, #tpu.memory_space<hbm>> -> memref<12800xf32, #tpu.memory_space<hbm>>
    %dma_wait3A_1407 = tpu.memref_slice %arg11[%add3A_1381] : memref<32000000xf32, #tpu.memory_space<hbm>> -> memref<12800xf32, #tpu.memory_space<hbm>>
    tpu.wait_dma2 semaphore(%arg25 : memref<!tpu.dma_semaphore, #tpu.memory_space<semaphore_mem>>) src(%arg19 : memref<12800xf32, #tpu.memory_space<vmem>>) dst(%dma_wait3A_1407 : memref<12800xf32, #tpu.memory_space<hbm>>)
    %dma_wait3A_1408 = tpu.memref_slice %arg11[%add3A_1391] : memref<32000000xf32, #tpu.memory_space<hbm>> -> memref<12800xf32, #tpu.memory_space<hbm>>
    %dma_wait3A_1409 = tpu.memref_slice %arg11[%add3A_1391] : memref<32000000xf32, #tpu.memory_space<hbm>> -> memref<12800xf32, #tpu.memory_space<hbm>>
    tpu.wait_dma2 semaphore(%arg24 : memref<!tpu.dma_semaphore, #tpu.memory_space<semaphore_mem>>) src(%arg16 : memref<12800xf32, #tpu.memory_space<vmem>>) dst(%dma_wait3A_1409 : memref<12800xf32, #tpu.memory_space<hbm>>)
    %dma_wait3A_1410 = tpu.memref_slice %arg11[%add3A_1401] : memref<32000000xf32, #tpu.memory_space<hbm>> -> memref<14400xf32, #tpu.memory_space<hbm>>
    %dma_wait3A_1411 = tpu.memref_slice %arg11[%add3A_1401] : memref<32000000xf32, #tpu.memory_space<hbm>> -> memref<14400xf32, #tpu.memory_space<hbm>>
    tpu.wait_dma2 semaphore(%arg25 : memref<!tpu.dma_semaphore, #tpu.memory_space<semaphore_mem>>) src(%arg20 : memref<14400xf32, #tpu.memory_space<vmem>>) dst(%dma_wait3A_1411 : memref<14400xf32, #tpu.memory_space<hbm>>)
    "tpu.region"() ({
      %run_scoped3A = tpu.sem_alloc : memref<!tpu.dma_semaphore, #tpu.memory_space<semaphore_mem>>
      tpu.enqueue_dma source(%arg2 : memref<16384xi32, #tpu.memory_space<hbm>>) target(%arg13 : memref<16384xi32, #tpu.memory_space<vmem>>) target_semaphore(%run_scoped3A : memref<!tpu.dma_semaphore, #tpu.memory_space<semaphore_mem>>)
      tpu.wait_dma2 semaphore(%run_scoped3A : memref<!tpu.dma_semaphore, #tpu.memory_space<semaphore_mem>>) src(%arg2 : memref<16384xi32, #tpu.memory_space<hbm>>) dst(%arg13 : memref<16384xi32, #tpu.memory_space<vmem>>)
      tpu.yield
    }) : () -> ()
    %mul3A_1412 = arith.constant 1000000 : i32
    %mul3A_1413 = arith.muli %add3A, %mul3A_1412 : i32
    %dma_start3A_1414 = tpu.memref_slice %arg11[%mul3A_1413] : memref<32000000xf32, #tpu.memory_space<hbm>> -> memref<1000000xf32, #tpu.memory_space<hbm>>
    %dma_start3A_1415 = arith.constant 0 : i32
    %dma_start3A_1416 = tpu.memref_slice %dma_start3A_1414[%dma_start3A_1415] : memref<1000000xf32, #tpu.memory_space<hbm>> -> memref<1000000xf32, #tpu.memory_space<hbm>>
    tpu.enqueue_indirect_dma source(%dma_start3A_1416 : memref<1000000xf32, #tpu.memory_space<hbm>>) target(%arg14 : memref<16384xf32, #tpu.memory_space<vmem>>) offsets(%arg13 : memref<16384xi32, #tpu.memory_space<vmem>>) semaphore(%arg26 : memref<!tpu.dma_semaphore, #tpu.memory_space<semaphore_mem>>)
    %dma_wait3A_1417 = tpu.memref_slice %arg11[%mul3A_1413] : memref<32000000xf32, #tpu.memory_space<hbm>> -> memref<1000000xf32, #tpu.memory_space<hbm>>
    %dma_wait3A_1418 = arith.constant 0 : i32
    %dma_wait3A_1419 = tpu.memref_slice %dma_wait3A_1417[%dma_wait3A_1418] : memref<1000000xf32, #tpu.memory_space<hbm>> -> memref<1000000xf32, #tpu.memory_space<hbm>>
    tpu.wait_indirect_dma semaphore(%arg26 : memref<!tpu.dma_semaphore, #tpu.memory_space<semaphore_mem>>) src(%dma_wait3A_1419 : memref<1000000xf32, #tpu.memory_space<hbm>>) dst(%arg14 : memref<16384xf32, #tpu.memory_space<vmem>>)
    "tpu.region"() ({
      %run_scoped3A = tpu.sem_alloc : memref<!tpu.dma_semaphore, #tpu.memory_space<semaphore_mem>>
      %dma_start3A_1556 = arith.constant 0 : i32
      %dma_start3A_1557 = tpu.memref_slice %arg8[%add3A, %dma_start3A_1556] : memref<32x16384xf32, #tpu.memory_space<hbm>> -> memref<1x16384xf32, #tpu.memory_space<hbm>>
      %dma_start3A_1558 = tpu.memref_squeeze %dma_start3A_1557 : memref<1x16384xf32, #tpu.memory_space<hbm>> -> memref<16384xf32, #tpu.memory_space<hbm>>
      %dma_start3A_1559 = arith.constant 0 : i32
      %dma_start3A_1560 = tpu.memref_slice %arg8[%add3A, %dma_start3A_1559] : memref<32x16384xf32, #tpu.memory_space<hbm>> -> memref<1x16384xf32, #tpu.memory_space<hbm>>
      %dma_start3A_1561 = tpu.memref_squeeze %dma_start3A_1560 : memref<1x16384xf32, #tpu.memory_space<hbm>> -> memref<16384xf32, #tpu.memory_space<hbm>>
      tpu.enqueue_dma source(%arg14 : memref<16384xf32, #tpu.memory_space<vmem>>) target(%dma_start3A_1561 : memref<16384xf32, #tpu.memory_space<hbm>>) target_semaphore(%run_scoped3A : memref<!tpu.dma_semaphore, #tpu.memory_space<semaphore_mem>>)
      %dma_wait3A_1562 = arith.constant 0 : i32
      %dma_wait3A_1563 = tpu.memref_slice %arg8[%add3A, %dma_wait3A_1562] : memref<32x16384xf32, #tpu.memory_space<hbm>> -> memref<1x16384xf32, #tpu.memory_space<hbm>>
      %dma_wait3A_1564 = tpu.memref_squeeze %dma_wait3A_1563 : memref<1x16384xf32, #tpu.memory_space<hbm>> -> memref<16384xf32, #tpu.memory_space<hbm>>
      %dma_wait3A_1565 = arith.constant 0 : i32
      %dma_wait3A_1566 = tpu.memref_slice %arg8[%add3A, %dma_wait3A_1565] : memref<32x16384xf32, #tpu.memory_space<hbm>> -> memref<1x16384xf32, #tpu.memory_space<hbm>>
      %dma_wait3A_1567 = tpu.memref_squeeze %dma_wait3A_1566 : memref<1x16384xf32, #tpu.memory_space<hbm>> -> memref<16384xf32, #tpu.memory_space<hbm>>
      tpu.wait_dma2 semaphore(%run_scoped3A : memref<!tpu.dma_semaphore, #tpu.memory_space<semaphore_mem>>) src(%arg14 : memref<16384xf32, #tpu.memory_space<vmem>>) dst(%dma_wait3A_1567 : memref<16384xf32, #tpu.memory_space<hbm>>)
      tpu.yield
    }) : () -> ()
    %mul3A_1420 = arith.constant 100000 : i32
    %mul3A_1421 = arith.muli %add3A, %mul3A_1420 : i32
    %dma_start3A_1422 = arith.constant 0 : i32
    %dma_start3A_1423 = tpu.memref_slice %arg6[%add3A, %dma_start3A_1422] : memref<32x100000xf32, #tpu.memory_space<hbm>> -> memref<1x12800xf32, #tpu.memory_space<hbm>>
    %dma_start3A_1424 = tpu.memref_squeeze %dma_start3A_1423 : memref<1x12800xf32, #tpu.memory_space<hbm>> -> memref<12800xf32, #tpu.memory_space<hbm>>
    %dma_start3A_1425 = arith.constant 0 : i32
    %dma_start3A_1426 = tpu.memref_slice %arg6[%add3A, %dma_start3A_1425] : memref<32x100000xf32, #tpu.memory_space<hbm>> -> memref<1x12800xf32, #tpu.memory_space<hbm>>
    %dma_start3A_1427 = tpu.memref_squeeze %dma_start3A_1426 : memref<1x12800xf32, #tpu.memory_space<hbm>> -> memref<12800xf32, #tpu.memory_space<hbm>>
    tpu.enqueue_dma source(%dma_start3A_1427 : memref<12800xf32, #tpu.memory_space<hbm>>) target(%arg16 : memref<12800xf32, #tpu.memory_space<vmem>>) target_semaphore(%arg22 : memref<!tpu.dma_semaphore, #tpu.memory_space<semaphore_mem>>)
    %dma_start3A_1428 = arith.constant 12800 : i32
    %dma_start3A_1429 = tpu.memref_slice %arg6[%add3A, %dma_start3A_1428] : memref<32x100000xf32, #tpu.memory_space<hbm>> -> memref<1x12800xf32, #tpu.memory_space<hbm>>
    %dma_start3A_1430 = tpu.memref_squeeze %dma_start3A_1429 : memref<1x12800xf32, #tpu.memory_space<hbm>> -> memref<12800xf32, #tpu.memory_space<hbm>>
    %dma_start3A_1431 = arith.constant 12800 : i32
    %dma_start3A_1432 = tpu.memref_slice %arg6[%add3A, %dma_start3A_1431] : memref<32x100000xf32, #tpu.memory_space<hbm>> -> memref<1x12800xf32, #tpu.memory_space<hbm>>
    %dma_start3A_1433 = tpu.memref_squeeze %dma_start3A_1432 : memref<1x12800xf32, #tpu.memory_space<hbm>> -> memref<12800xf32, #tpu.memory_space<hbm>>
    tpu.enqueue_dma source(%dma_start3A_1433 : memref<12800xf32, #tpu.memory_space<hbm>>) target(%arg17 : memref<12800xf32, #tpu.memory_space<vmem>>) target_semaphore(%arg23 : memref<!tpu.dma_semaphore, #tpu.memory_space<semaphore_mem>>)
    %dma_wait3A_1434 = arith.constant 0 : i32
    %dma_wait3A_1435 = tpu.memref_slice %arg6[%add3A, %dma_wait3A_1434] : memref<32x100000xf32, #tpu.memory_space<hbm>> -> memref<1x12800xf32, #tpu.memory_space<hbm>>
    %dma_wait3A_1436 = tpu.memref_squeeze %dma_wait3A_1435 : memref<1x12800xf32, #tpu.memory_space<hbm>> -> memref<12800xf32, #tpu.memory_space<hbm>>
    %dma_wait3A_1437 = arith.constant 0 : i32
    %dma_wait3A_1438 = tpu.memref_slice %arg6[%add3A, %dma_wait3A_1437] : memref<32x100000xf32, #tpu.memory_space<hbm>> -> memref<1x12800xf32, #tpu.memory_space<hbm>>
    %dma_wait3A_1439 = tpu.memref_squeeze %dma_wait3A_1438 : memref<1x12800xf32, #tpu.memory_space<hbm>> -> memref<12800xf32, #tpu.memory_space<hbm>>
    tpu.wait_dma2 semaphore(%arg22 : memref<!tpu.dma_semaphore, #tpu.memory_space<semaphore_mem>>) src(%dma_wait3A_1439 : memref<12800xf32, #tpu.memory_space<hbm>>) dst(%arg16 : memref<12800xf32, #tpu.memory_space<vmem>>)
    %dma_start3A_1440 = arith.constant 25600 : i32
    %dma_start3A_1441 = tpu.memref_slice %arg6[%add3A, %dma_start3A_1440] : memref<32x100000xf32, #tpu.memory_space<hbm>> -> memref<1x12800xf32, #tpu.memory_space<hbm>>
    %dma_start3A_1442 = tpu.memref_squeeze %dma_start3A_1441 : memref<1x12800xf32, #tpu.memory_space<hbm>> -> memref<12800xf32, #tpu.memory_space<hbm>>
    %dma_start3A_1443 = arith.constant 25600 : i32
    %dma_start3A_1444 = tpu.memref_slice %arg6[%add3A, %dma_start3A_1443] : memref<32x100000xf32, #tpu.memory_space<hbm>> -> memref<1x12800xf32, #tpu.memory_space<hbm>>
    %dma_start3A_1445 = tpu.memref_squeeze %dma_start3A_1444 : memref<1x12800xf32, #tpu.memory_space<hbm>> -> memref<12800xf32, #tpu.memory_space<hbm>>
    tpu.enqueue_dma source(%dma_start3A_1445 : memref<12800xf32, #tpu.memory_space<hbm>>) target(%arg18 : memref<12800xf32, #tpu.memory_space<vmem>>) target_semaphore(%arg22 : memref<!tpu.dma_semaphore, #tpu.memory_space<semaphore_mem>>)
    %add3A_1446 = arith.constant 0 : i32
    %add3A_1447 = arith.addi %mul3A_1421, %add3A_1446 : i32
    %dma_start3A_1448 = tpu.memref_slice %arg12[%add3A_1447] : memref<3200000xf32, #tpu.memory_space<hbm>> -> memref<12800xf32, #tpu.memory_space<hbm>>
    %dma_start3A_1449 = tpu.memref_slice %arg12[%add3A_1447] : memref<3200000xf32, #tpu.memory_space<hbm>> -> memref<12800xf32, #tpu.memory_space<hbm>>
    tpu.enqueue_dma source(%arg16 : memref<12800xf32, #tpu.memory_space<vmem>>) target(%dma_start3A_1449 : memref<12800xf32, #tpu.memory_space<hbm>>) target_semaphore(%arg24 : memref<!tpu.dma_semaphore, #tpu.memory_space<semaphore_mem>>)
    %dma_wait3A_1450 = arith.constant 12800 : i32
    %dma_wait3A_1451 = tpu.memref_slice %arg6[%add3A, %dma_wait3A_1450] : memref<32x100000xf32, #tpu.memory_space<hbm>> -> memref<1x12800xf32, #tpu.memory_space<hbm>>
    %dma_wait3A_1452 = tpu.memref_squeeze %dma_wait3A_1451 : memref<1x12800xf32, #tpu.memory_space<hbm>> -> memref<12800xf32, #tpu.memory_space<hbm>>
    %dma_wait3A_1453 = arith.constant 12800 : i32
    %dma_wait3A_1454 = tpu.memref_slice %arg6[%add3A, %dma_wait3A_1453] : memref<32x100000xf32, #tpu.memory_space<hbm>> -> memref<1x12800xf32, #tpu.memory_space<hbm>>
    %dma_wait3A_1455 = tpu.memref_squeeze %dma_wait3A_1454 : memref<1x12800xf32, #tpu.memory_space<hbm>> -> memref<12800xf32, #tpu.memory_space<hbm>>
    tpu.wait_dma2 semaphore(%arg23 : memref<!tpu.dma_semaphore, #tpu.memory_space<semaphore_mem>>) src(%dma_wait3A_1455 : memref<12800xf32, #tpu.memory_space<hbm>>) dst(%arg17 : memref<12800xf32, #tpu.memory_space<vmem>>)
    %dma_start3A_1456 = arith.constant 38400 : i32
    %dma_start3A_1457 = tpu.memref_slice %arg6[%add3A, %dma_start3A_1456] : memref<32x100000xf32, #tpu.memory_space<hbm>> -> memref<1x12800xf32, #tpu.memory_space<hbm>>
    %dma_start3A_1458 = tpu.memref_squeeze %dma_start3A_1457 : memref<1x12800xf32, #tpu.memory_space<hbm>> -> memref<12800xf32, #tpu.memory_space<hbm>>
    %dma_start3A_1459 = arith.constant 38400 : i32
    %dma_start3A_1460 = tpu.memref_slice %arg6[%add3A, %dma_start3A_1459] : memref<32x100000xf32, #tpu.memory_space<hbm>> -> memref<1x12800xf32, #tpu.memory_space<hbm>>
    %dma_start3A_1461 = tpu.memref_squeeze %dma_start3A_1460 : memref<1x12800xf32, #tpu.memory_space<hbm>> -> memref<12800xf32, #tpu.memory_space<hbm>>
    tpu.enqueue_dma source(%dma_start3A_1461 : memref<12800xf32, #tpu.memory_space<hbm>>) target(%arg19 : memref<12800xf32, #tpu.memory_space<vmem>>) target_semaphore(%arg23 : memref<!tpu.dma_semaphore, #tpu.memory_space<semaphore_mem>>)
    %add3A_1462 = arith.constant 12800 : i32
    %add3A_1463 = arith.addi %mul3A_1421, %add3A_1462 : i32
    %dma_start3A_1464 = tpu.memref_slice %arg12[%add3A_1463] : memref<3200000xf32, #tpu.memory_space<hbm>> -> memref<12800xf32, #tpu.memory_space<hbm>>
    %dma_start3A_1465 = tpu.memref_slice %arg12[%add3A_1463] : memref<3200000xf32, #tpu.memory_space<hbm>> -> memref<12800xf32, #tpu.memory_space<hbm>>
    tpu.enqueue_dma source(%arg17 : memref<12800xf32, #tpu.memory_space<vmem>>) target(%dma_start3A_1465 : memref<12800xf32, #tpu.memory_space<hbm>>) target_semaphore(%arg25 : memref<!tpu.dma_semaphore, #tpu.memory_space<semaphore_mem>>)
    %dma_wait3A_1466 = arith.constant 25600 : i32
    %dma_wait3A_1467 = tpu.memref_slice %arg6[%add3A, %dma_wait3A_1466] : memref<32x100000xf32, #tpu.memory_space<hbm>> -> memref<1x12800xf32, #tpu.memory_space<hbm>>
    %dma_wait3A_1468 = tpu.memref_squeeze %dma_wait3A_1467 : memref<1x12800xf32, #tpu.memory_space<hbm>> -> memref<12800xf32, #tpu.memory_space<hbm>>
    %dma_wait3A_1469 = arith.constant 25600 : i32
    %dma_wait3A_1470 = tpu.memref_slice %arg6[%add3A, %dma_wait3A_1469] : memref<32x100000xf32, #tpu.memory_space<hbm>> -> memref<1x12800xf32, #tpu.memory_space<hbm>>
    %dma_wait3A_1471 = tpu.memref_squeeze %dma_wait3A_1470 : memref<1x12800xf32, #tpu.memory_space<hbm>> -> memref<12800xf32, #tpu.memory_space<hbm>>
    tpu.wait_dma2 semaphore(%arg22 : memref<!tpu.dma_semaphore, #tpu.memory_space<semaphore_mem>>) src(%dma_wait3A_1471 : memref<12800xf32, #tpu.memory_space<hbm>>) dst(%arg18 : memref<12800xf32, #tpu.memory_space<vmem>>)
    %dma_wait3A_1472 = tpu.memref_slice %arg12[%add3A_1447] : memref<3200000xf32, #tpu.memory_space<hbm>> -> memref<12800xf32, #tpu.memory_space<hbm>>
    %dma_wait3A_1473 = tpu.memref_slice %arg12[%add3A_1447] : memref<3200000xf32, #tpu.memory_space<hbm>> -> memref<12800xf32, #tpu.memory_space<hbm>>
    tpu.wait_dma2 semaphore(%arg24 : memref<!tpu.dma_semaphore, #tpu.memory_space<semaphore_mem>>) src(%arg16 : memref<12800xf32, #tpu.memory_space<vmem>>) dst(%dma_wait3A_1473 : memref<12800xf32, #tpu.memory_space<hbm>>)
    %dma_start3A_1474 = arith.constant 51200 : i32
    %dma_start3A_1475 = tpu.memref_slice %arg6[%add3A, %dma_start3A_1474] : memref<32x100000xf32, #tpu.memory_space<hbm>> -> memref<1x12800xf32, #tpu.memory_space<hbm>>
    %dma_start3A_1476 = tpu.memref_squeeze %dma_start3A_1475 : memref<1x12800xf32, #tpu.memory_space<hbm>> -> memref<12800xf32, #tpu.memory_space<hbm>>
    %dma_start3A_1477 = arith.constant 51200 : i32
    %dma_start3A_1478 = tpu.memref_slice %arg6[%add3A, %dma_start3A_1477] : memref<32x100000xf32, #tpu.memory_space<hbm>> -> memref<1x12800xf32, #tpu.memory_space<hbm>>
    %dma_start3A_1479 = tpu.memref_squeeze %dma_start3A_1478 : memref<1x12800xf32, #tpu.memory_space<hbm>> -> memref<12800xf32, #tpu.memory_space<hbm>>
    tpu.enqueue_dma source(%dma_start3A_1479 : memref<12800xf32, #tpu.memory_space<hbm>>) target(%arg16 : memref<12800xf32, #tpu.memory_space<vmem>>) target_semaphore(%arg22 : memref<!tpu.dma_semaphore, #tpu.memory_space<semaphore_mem>>)
    %add3A_1480 = arith.constant 25600 : i32
    %add3A_1481 = arith.addi %mul3A_1421, %add3A_1480 : i32
    %dma_start3A_1482 = tpu.memref_slice %arg12[%add3A_1481] : memref<3200000xf32, #tpu.memory_space<hbm>> -> memref<12800xf32, #tpu.memory_space<hbm>>
    %dma_start3A_1483 = tpu.memref_slice %arg12[%add3A_1481] : memref<3200000xf32, #tpu.memory_space<hbm>> -> memref<12800xf32, #tpu.memory_space<hbm>>
    tpu.enqueue_dma source(%arg18 : memref<12800xf32, #tpu.memory_space<vmem>>) target(%dma_start3A_1483 : memref<12800xf32, #tpu.memory_space<hbm>>) target_semaphore(%arg24 : memref<!tpu.dma_semaphore, #tpu.memory_space<semaphore_mem>>)
    %dma_wait3A_1484 = arith.constant 38400 : i32
    %dma_wait3A_1485 = tpu.memref_slice %arg6[%add3A, %dma_wait3A_1484] : memref<32x100000xf32, #tpu.memory_space<hbm>> -> memref<1x12800xf32, #tpu.memory_space<hbm>>
    %dma_wait3A_1486 = tpu.memref_squeeze %dma_wait3A_1485 : memref<1x12800xf32, #tpu.memory_space<hbm>> -> memref<12800xf32, #tpu.memory_space<hbm>>
    %dma_wait3A_1487 = arith.constant 38400 : i32
    %dma_wait3A_1488 = tpu.memref_slice %arg6[%add3A, %dma_wait3A_1487] : memref<32x100000xf32, #tpu.memory_space<hbm>> -> memref<1x12800xf32, #tpu.memory_space<hbm>>
    %dma_wait3A_1489 = tpu.memref_squeeze %dma_wait3A_1488 : memref<1x12800xf32, #tpu.memory_space<hbm>> -> memref<12800xf32, #tpu.memory_space<hbm>>
    tpu.wait_dma2 semaphore(%arg23 : memref<!tpu.dma_semaphore, #tpu.memory_space<semaphore_mem>>) src(%dma_wait3A_1489 : memref<12800xf32, #tpu.memory_space<hbm>>) dst(%arg19 : memref<12800xf32, #tpu.memory_space<vmem>>)
    %dma_wait3A_1490 = tpu.memref_slice %arg12[%add3A_1463] : memref<3200000xf32, #tpu.memory_space<hbm>> -> memref<12800xf32, #tpu.memory_space<hbm>>
    %dma_wait3A_1491 = tpu.memref_slice %arg12[%add3A_1463] : memref<3200000xf32, #tpu.memory_space<hbm>> -> memref<12800xf32, #tpu.memory_space<hbm>>
    tpu.wait_dma2 semaphore(%arg25 : memref<!tpu.dma_semaphore, #tpu.memory_space<semaphore_mem>>) src(%arg17 : memref<12800xf32, #tpu.memory_space<vmem>>) dst(%dma_wait3A_1491 : memref<12800xf32, #tpu.memory_space<hbm>>)
    %dma_start3A_1492 = arith.constant 64000 : i32
    %dma_start3A_1493 = tpu.memref_slice %arg6[%add3A, %dma_start3A_1492] : memref<32x100000xf32, #tpu.memory_space<hbm>> -> memref<1x12800xf32, #tpu.memory_space<hbm>>
    %dma_start3A_1494 = tpu.memref_squeeze %dma_start3A_1493 : memref<1x12800xf32, #tpu.memory_space<hbm>> -> memref<12800xf32, #tpu.memory_space<hbm>>
    %dma_start3A_1495 = arith.constant 64000 : i32
    %dma_start3A_1496 = tpu.memref_slice %arg6[%add3A, %dma_start3A_1495] : memref<32x100000xf32, #tpu.memory_space<hbm>> -> memref<1x12800xf32, #tpu.memory_space<hbm>>
    %dma_start3A_1497 = tpu.memref_squeeze %dma_start3A_1496 : memref<1x12800xf32, #tpu.memory_space<hbm>> -> memref<12800xf32, #tpu.memory_space<hbm>>
    tpu.enqueue_dma source(%dma_start3A_1497 : memref<12800xf32, #tpu.memory_space<hbm>>) target(%arg17 : memref<12800xf32, #tpu.memory_space<vmem>>) target_semaphore(%arg23 : memref<!tpu.dma_semaphore, #tpu.memory_space<semaphore_mem>>)
    %add3A_1498 = arith.constant 38400 : i32
    %add3A_1499 = arith.addi %mul3A_1421, %add3A_1498 : i32
    %dma_start3A_1500 = tpu.memref_slice %arg12[%add3A_1499] : memref<3200000xf32, #tpu.memory_space<hbm>> -> memref<12800xf32, #tpu.memory_space<hbm>>
    %dma_start3A_1501 = tpu.memref_slice %arg12[%add3A_1499] : memref<3200000xf32, #tpu.memory_space<hbm>> -> memref<12800xf32, #tpu.memory_space<hbm>>
    tpu.enqueue_dma source(%arg19 : memref<12800xf32, #tpu.memory_space<vmem>>) target(%dma_start3A_1501 : memref<12800xf32, #tpu.memory_space<hbm>>) target_semaphore(%arg25 : memref<!tpu.dma_semaphore, #tpu.memory_space<semaphore_mem>>)
    %dma_wait3A_1502 = arith.constant 51200 : i32
    %dma_wait3A_1503 = tpu.memref_slice %arg6[%add3A, %dma_wait3A_1502] : memref<32x100000xf32, #tpu.memory_space<hbm>> -> memref<1x12800xf32, #tpu.memory_space<hbm>>
    %dma_wait3A_1504 = tpu.memref_squeeze %dma_wait3A_1503 : memref<1x12800xf32, #tpu.memory_space<hbm>> -> memref<12800xf32, #tpu.memory_space<hbm>>
    %dma_wait3A_1505 = arith.constant 51200 : i32
    %dma_wait3A_1506 = tpu.memref_slice %arg6[%add3A, %dma_wait3A_1505] : memref<32x100000xf32, #tpu.memory_space<hbm>> -> memref<1x12800xf32, #tpu.memory_space<hbm>>
    %dma_wait3A_1507 = tpu.memref_squeeze %dma_wait3A_1506 : memref<1x12800xf32, #tpu.memory_space<hbm>> -> memref<12800xf32, #tpu.memory_space<hbm>>
    tpu.wait_dma2 semaphore(%arg22 : memref<!tpu.dma_semaphore, #tpu.memory_space<semaphore_mem>>) src(%dma_wait3A_1507 : memref<12800xf32, #tpu.memory_space<hbm>>) dst(%arg16 : memref<12800xf32, #tpu.memory_space<vmem>>)
    %dma_wait3A_1508 = tpu.memref_slice %arg12[%add3A_1481] : memref<3200000xf32, #tpu.memory_space<hbm>> -> memref<12800xf32, #tpu.memory_space<hbm>>
    %dma_wait3A_1509 = tpu.memref_slice %arg12[%add3A_1481] : memref<3200000xf32, #tpu.memory_space<hbm>> -> memref<12800xf32, #tpu.memory_space<hbm>>
    tpu.wait_dma2 semaphore(%arg24 : memref<!tpu.dma_semaphore, #tpu.memory_space<semaphore_mem>>) src(%arg18 : memref<12800xf32, #tpu.memory_space<vmem>>) dst(%dma_wait3A_1509 : memref<12800xf32, #tpu.memory_space<hbm>>)
    %dma_start3A_1510 = arith.constant 76800 : i32
    %dma_start3A_1511 = tpu.memref_slice %arg6[%add3A, %dma_start3A_1510] : memref<32x100000xf32, #tpu.memory_space<hbm>> -> memref<1x23200xf32, #tpu.memory_space<hbm>>
    %dma_start3A_1512 = tpu.memref_squeeze %dma_start3A_1511 : memref<1x23200xf32, #tpu.memory_space<hbm>> -> memref<23200xf32, #tpu.memory_space<hbm>>
    %dma_start3A_1513 = arith.constant 76800 : i32
    %dma_start3A_1514 = tpu.memref_slice %arg6[%add3A, %dma_start3A_1513] : memref<32x100000xf32, #tpu.memory_space<hbm>> -> memref<1x23200xf32, #tpu.memory_space<hbm>>
    %dma_start3A_1515 = tpu.memref_squeeze %dma_start3A_1514 : memref<1x23200xf32, #tpu.memory_space<hbm>> -> memref<23200xf32, #tpu.memory_space<hbm>>
    tpu.enqueue_dma source(%dma_start3A_1515 : memref<23200xf32, #tpu.memory_space<hbm>>) target(%arg21 : memref<23200xf32, #tpu.memory_space<vmem>>) target_semaphore(%arg22 : memref<!tpu.dma_semaphore, #tpu.memory_space<semaphore_mem>>)
    %add3A_1516 = arith.constant 51200 : i32
    %add3A_1517 = arith.addi %mul3A_1421, %add3A_1516 : i32
    %dma_start3A_1518 = tpu.memref_slice %arg12[%add3A_1517] : memref<3200000xf32, #tpu.memory_space<hbm>> -> memref<12800xf32, #tpu.memory_space<hbm>>
    %dma_start3A_1519 = tpu.memref_slice %arg12[%add3A_1517] : memref<3200000xf32, #tpu.memory_space<hbm>> -> memref<12800xf32, #tpu.memory_space<hbm>>
    tpu.enqueue_dma source(%arg16 : memref<12800xf32, #tpu.memory_space<vmem>>) target(%dma_start3A_1519 : memref<12800xf32, #tpu.memory_space<hbm>>) target_semaphore(%arg24 : memref<!tpu.dma_semaphore, #tpu.memory_space<semaphore_mem>>)
    %dma_wait3A_1520 = arith.constant 64000 : i32
    %dma_wait3A_1521 = tpu.memref_slice %arg6[%add3A, %dma_wait3A_1520] : memref<32x100000xf32, #tpu.memory_space<hbm>> -> memref<1x12800xf32, #tpu.memory_space<hbm>>
    %dma_wait3A_1522 = tpu.memref_squeeze %dma_wait3A_1521 : memref<1x12800xf32, #tpu.memory_space<hbm>> -> memref<12800xf32, #tpu.memory_space<hbm>>
    %dma_wait3A_1523 = arith.constant 64000 : i32
    %dma_wait3A_1524 = tpu.memref_slice %arg6[%add3A, %dma_wait3A_1523] : memref<32x100000xf32, #tpu.memory_space<hbm>> -> memref<1x12800xf32, #tpu.memory_space<hbm>>
    %dma_wait3A_1525 = tpu.memref_squeeze %dma_wait3A_1524 : memref<1x12800xf32, #tpu.memory_space<hbm>> -> memref<12800xf32, #tpu.memory_space<hbm>>
    tpu.wait_dma2 semaphore(%arg23 : memref<!tpu.dma_semaphore, #tpu.memory_space<semaphore_mem>>) src(%dma_wait3A_1525 : memref<12800xf32, #tpu.memory_space<hbm>>) dst(%arg17 : memref<12800xf32, #tpu.memory_space<vmem>>)
    %add3A_1526 = arith.constant 64000 : i32
    %add3A_1527 = arith.addi %mul3A_1421, %add3A_1526 : i32
    %dma_start3A_1528 = tpu.memref_slice %arg12[%add3A_1527] : memref<3200000xf32, #tpu.memory_space<hbm>> -> memref<12800xf32, #tpu.memory_space<hbm>>
    %dma_start3A_1529 = tpu.memref_slice %arg12[%add3A_1527] : memref<3200000xf32, #tpu.memory_space<hbm>> -> memref<12800xf32, #tpu.memory_space<hbm>>
    tpu.enqueue_dma source(%arg17 : memref<12800xf32, #tpu.memory_space<vmem>>) target(%dma_start3A_1529 : memref<12800xf32, #tpu.memory_space<hbm>>) target_semaphore(%arg25 : memref<!tpu.dma_semaphore, #tpu.memory_space<semaphore_mem>>)
    %dma_wait3A_1530 = arith.constant 76800 : i32
    %dma_wait3A_1531 = tpu.memref_slice %arg6[%add3A, %dma_wait3A_1530] : memref<32x100000xf32, #tpu.memory_space<hbm>> -> memref<1x23200xf32, #tpu.memory_space<hbm>>
    %dma_wait3A_1532 = tpu.memref_squeeze %dma_wait3A_1531 : memref<1x23200xf32, #tpu.memory_space<hbm>> -> memref<23200xf32, #tpu.memory_space<hbm>>
    %dma_wait3A_1533 = arith.constant 76800 : i32
    %dma_wait3A_1534 = tpu.memref_slice %arg6[%add3A, %dma_wait3A_1533] : memref<32x100000xf32, #tpu.memory_space<hbm>> -> memref<1x23200xf32, #tpu.memory_space<hbm>>
    %dma_wait3A_1535 = tpu.memref_squeeze %dma_wait3A_1534 : memref<1x23200xf32, #tpu.memory_space<hbm>> -> memref<23200xf32, #tpu.memory_space<hbm>>
    tpu.wait_dma2 semaphore(%arg22 : memref<!tpu.dma_semaphore, #tpu.memory_space<semaphore_mem>>) src(%dma_wait3A_1535 : memref<23200xf32, #tpu.memory_space<hbm>>) dst(%arg21 : memref<23200xf32, #tpu.memory_space<vmem>>)
    %add3A_1536 = arith.constant 76800 : i32
    %add3A_1537 = arith.addi %mul3A_1421, %add3A_1536 : i32
    %dma_start3A_1538 = tpu.memref_slice %arg12[%add3A_1537] : memref<3200000xf32, #tpu.memory_space<hbm>> -> memref<23200xf32, #tpu.memory_space<hbm>>
    %dma_start3A_1539 = tpu.memref_slice %arg12[%add3A_1537] : memref<3200000xf32, #tpu.memory_space<hbm>> -> memref<23200xf32, #tpu.memory_space<hbm>>
    tpu.enqueue_dma source(%arg21 : memref<23200xf32, #tpu.memory_space<vmem>>) target(%dma_start3A_1539 : memref<23200xf32, #tpu.memory_space<hbm>>) target_semaphore(%arg24 : memref<!tpu.dma_semaphore, #tpu.memory_space<semaphore_mem>>)
    %dma_wait3A_1540 = tpu.memref_slice %arg12[%add3A_1499] : memref<3200000xf32, #tpu.memory_space<hbm>> -> memref<12800xf32, #tpu.memory_space<hbm>>
    %dma_wait3A_1541 = tpu.memref_slice %arg12[%add3A_1499] : memref<3200000xf32, #tpu.memory_space<hbm>> -> memref<12800xf32, #tpu.memory_space<hbm>>
    tpu.wait_dma2 semaphore(%arg25 : memref<!tpu.dma_semaphore, #tpu.memory_space<semaphore_mem>>) src(%arg19 : memref<12800xf32, #tpu.memory_space<vmem>>) dst(%dma_wait3A_1541 : memref<12800xf32, #tpu.memory_space<hbm>>)
    %dma_wait3A_1542 = tpu.memref_slice %arg12[%add3A_1517] : memref<3200000xf32, #tpu.memory_space<hbm>> -> memref<12800xf32, #tpu.memory_space<hbm>>
    %dma_wait3A_1543 = tpu.memref_slice %arg12[%add3A_1517] : memref<3200000xf32, #tpu.memory_space<hbm>> -> memref<12800xf32, #tpu.memory_space<hbm>>
    tpu.wait_dma2 semaphore(%arg24 : memref<!tpu.dma_semaphore, #tpu.memory_space<semaphore_mem>>) src(%arg16 : memref<12800xf32, #tpu.memory_space<vmem>>) dst(%dma_wait3A_1543 : memref<12800xf32, #tpu.memory_space<hbm>>)
    %dma_wait3A_1544 = tpu.memref_slice %arg12[%add3A_1527] : memref<3200000xf32, #tpu.memory_space<hbm>> -> memref<12800xf32, #tpu.memory_space<hbm>>
    %dma_wait3A_1545 = tpu.memref_slice %arg12[%add3A_1527] : memref<3200000xf32, #tpu.memory_space<hbm>> -> memref<12800xf32, #tpu.memory_space<hbm>>
    tpu.wait_dma2 semaphore(%arg25 : memref<!tpu.dma_semaphore, #tpu.memory_space<semaphore_mem>>) src(%arg17 : memref<12800xf32, #tpu.memory_space<vmem>>) dst(%dma_wait3A_1545 : memref<12800xf32, #tpu.memory_space<hbm>>)
    %dma_wait3A_1546 = tpu.memref_slice %arg12[%add3A_1537] : memref<3200000xf32, #tpu.memory_space<hbm>> -> memref<23200xf32, #tpu.memory_space<hbm>>
    %dma_wait3A_1547 = tpu.memref_slice %arg12[%add3A_1537] : memref<3200000xf32, #tpu.memory_space<hbm>> -> memref<23200xf32, #tpu.memory_space<hbm>>
    tpu.wait_dma2 semaphore(%arg24 : memref<!tpu.dma_semaphore, #tpu.memory_space<semaphore_mem>>) src(%arg21 : memref<23200xf32, #tpu.memory_space<vmem>>) dst(%dma_wait3A_1547 : memref<23200xf32, #tpu.memory_space<hbm>>)
    "tpu.region"() ({
      %run_scoped3A = tpu.sem_alloc : memref<!tpu.dma_semaphore, #tpu.memory_space<semaphore_mem>>
      tpu.enqueue_dma source(%arg3 : memref<16384xi32, #tpu.memory_space<hbm>>) target(%arg13 : memref<16384xi32, #tpu.memory_space<vmem>>) target_semaphore(%run_scoped3A : memref<!tpu.dma_semaphore, #tpu.memory_space<semaphore_mem>>)
      tpu.wait_dma2 semaphore(%run_scoped3A : memref<!tpu.dma_semaphore, #tpu.memory_space<semaphore_mem>>) src(%arg3 : memref<16384xi32, #tpu.memory_space<hbm>>) dst(%arg13 : memref<16384xi32, #tpu.memory_space<vmem>>)
      tpu.yield
    }) : () -> ()
    %mul3A_1548 = arith.constant 100000 : i32
    %mul3A_1549 = arith.muli %add3A, %mul3A_1548 : i32
    %dma_start3A_1550 = tpu.memref_slice %arg12[%mul3A_1549] : memref<3200000xf32, #tpu.memory_space<hbm>> -> memref<100000xf32, #tpu.memory_space<hbm>>
    %dma_start3A_1551 = arith.constant 0 : i32
    %dma_start3A_1552 = tpu.memref_slice %dma_start3A_1550[%dma_start3A_1551] : memref<100000xf32, #tpu.memory_space<hbm>> -> memref<100000xf32, #tpu.memory_space<hbm>>
    tpu.enqueue_indirect_dma source(%dma_start3A_1552 : memref<100000xf32, #tpu.memory_space<hbm>>) target(%arg14 : memref<16384xf32, #tpu.memory_space<vmem>>) offsets(%arg13 : memref<16384xi32, #tpu.memory_space<vmem>>) semaphore(%arg26 : memref<!tpu.dma_semaphore, #tpu.memory_space<semaphore_mem>>)
    %dma_wait3A_1553 = tpu.memref_slice %arg12[%mul3A_1549] : memref<3200000xf32, #tpu.memory_space<hbm>> -> memref<100000xf32, #tpu.memory_space<hbm>>
    %dma_wait3A_1554 = arith.constant 0 : i32
    %dma_wait3A_1555 = tpu.memref_slice %dma_wait3A_1553[%dma_wait3A_1554] : memref<100000xf32, #tpu.memory_space<hbm>> -> memref<100000xf32, #tpu.memory_space<hbm>>
    tpu.wait_indirect_dma semaphore(%arg26 : memref<!tpu.dma_semaphore, #tpu.memory_space<semaphore_mem>>) src(%dma_wait3A_1555 : memref<100000xf32, #tpu.memory_space<hbm>>) dst(%arg14 : memref<16384xf32, #tpu.memory_space<vmem>>)
    "tpu.region"() ({
      %run_scoped3A = tpu.sem_alloc : memref<!tpu.dma_semaphore, #tpu.memory_space<semaphore_mem>>
      %dma_start3A_1556 = arith.constant 0 : i32
      %dma_start3A_1557 = tpu.memref_slice %arg9[%add3A, %dma_start3A_1556] : memref<32x16384xf32, #tpu.memory_space<hbm>> -> memref<1x16384xf32, #tpu.memory_space<hbm>>
      %dma_start3A_1558 = tpu.memref_squeeze %dma_start3A_1557 : memref<1x16384xf32, #tpu.memory_space<hbm>> -> memref<16384xf32, #tpu.memory_space<hbm>>
      %dma_start3A_1559 = arith.constant 0 : i32
      %dma_start3A_1560 = tpu.memref_slice %arg9[%add3A, %dma_start3A_1559] : memref<32x16384xf32, #tpu.memory_space<hbm>> -> memref<1x16384xf32, #tpu.memory_space<hbm>>
      %dma_start3A_1561 = tpu.memref_squeeze %dma_start3A_1560 : memref<1x16384xf32, #tpu.memory_space<hbm>> -> memref<16384xf32, #tpu.memory_space<hbm>>
      tpu.enqueue_dma source(%arg14 : memref<16384xf32, #tpu.memory_space<vmem>>) target(%dma_start3A_1561 : memref<16384xf32, #tpu.memory_space<hbm>>) target_semaphore(%run_scoped3A : memref<!tpu.dma_semaphore, #tpu.memory_space<semaphore_mem>>)
      %dma_wait3A_1562 = arith.constant 0 : i32
      %dma_wait3A_1563 = tpu.memref_slice %arg9[%add3A, %dma_wait3A_1562] : memref<32x16384xf32, #tpu.memory_space<hbm>> -> memref<1x16384xf32, #tpu.memory_space<hbm>>
      %dma_wait3A_1564 = tpu.memref_squeeze %dma_wait3A_1563 : memref<1x16384xf32, #tpu.memory_space<hbm>> -> memref<16384xf32, #tpu.memory_space<hbm>>
      %dma_wait3A_1565 = arith.constant 0 : i32
      %dma_wait3A_1566 = tpu.memref_slice %arg9[%add3A, %dma_wait3A_1565] : memref<32x16384xf32, #tpu.memory_space<hbm>> -> memref<1x16384xf32, #tpu.memory_space<hbm>>
      %dma_wait3A_1567 = tpu.memref_squeeze %dma_wait3A_1566 : memref<1x16384xf32, #tpu.memory_space<hbm>> -> memref<16384xf32, #tpu.memory_space<hbm>>
      tpu.wait_dma2 semaphore(%run_scoped3A : memref<!tpu.dma_semaphore, #tpu.memory_space<semaphore_mem>>) src(%arg14 : memref<16384xf32, #tpu.memory_space<vmem>>) dst(%dma_wait3A_1567 : memref<16384xf32, #tpu.memory_space<hbm>>)
      tpu.yield
    }) : () -> ()
    return
  }
}

module attributes {stable_mosaic.version = 14 : i64} {
  func.func @_mlp_body(%arg0: i32, %arg1: memref<32x2048xf32, #tpu.memory_space<vmem>>, %arg2: memref<32x2048xf32, #tpu.memory_space<vmem>>, %arg3: memref<32x2048xf32, #tpu.memory_space<vmem>>, %arg4: memref<64x32xf32, #tpu.memory_space<vmem>>, %arg5: memref<64x32xf32, #tpu.memory_space<vmem>>, %arg6: memref<64x32xf32, #tpu.memory_space<vmem>>, %arg7: memref<64x1xf32, #tpu.memory_space<vmem>>, %arg8: memref<1x64xf32, #tpu.memory_space<vmem>>, %arg9: memref<1x1xf32, #tpu.memory_space<vmem>>, %arg10: memref<1x2048xf32, #tpu.memory_space<vmem>>) attributes {dimension_semantics = [#tpu.dimension_semantics<arbitrary>], iteration_bounds = array<i64: 8>, scalar_prefetch = 0 : i64, scratch_operands = 0 : i64, tpu.core_type = #tpu.core_type<tc>, window_params = [{transform_indices = @transform_0, window_bounds = array<i64: 32, 2048>}, {transform_indices = @transform_1, window_bounds = array<i64: 32, 2048>}, {transform_indices = @transform_2, window_bounds = array<i64: 32, 2048>}, {pipeline_mode = #tpu.pipeline_mode<synchronous>, transform_indices = @transform_3, window_bounds = array<i64: 64, 32>}, {pipeline_mode = #tpu.pipeline_mode<synchronous>, transform_indices = @transform_4, window_bounds = array<i64: 64, 32>}, {pipeline_mode = #tpu.pipeline_mode<synchronous>, transform_indices = @transform_5, window_bounds = array<i64: 64, 32>}, {pipeline_mode = #tpu.pipeline_mode<synchronous>, transform_indices = @transform_6, window_bounds = array<i64: 64, 1>}, {pipeline_mode = #tpu.pipeline_mode<synchronous>, transform_indices = @transform_7, window_bounds = array<i64: 1, 64>}, {pipeline_mode = #tpu.pipeline_mode<synchronous>, transform_indices = @transform_8, window_bounds = array<i64: 1, 1>}, {transform_indices = @transform_9, window_bounds = array<i64: 1, 2048>}]} {
    %get3A = arith.constant 0 : index
    %get3A_0 = arith.constant 0 : index
    %get3A_1 = vector.load %arg4[%get3A, %get3A_0] : memref<64x32xf32, #tpu.memory_space<vmem>>, vector<64x32xf32>
    %get3A_2 = arith.constant 0 : index
    %get3A_3 = arith.constant 0 : index
    %get3A_4 = vector.load %arg1[%get3A_2, %get3A_3] : memref<32x2048xf32, #tpu.memory_space<vmem>>, vector<32x2048xf32>
    %dot_general3A = arith.constant dense<0.000000e+00> : vector<64x2048xf32>
    %dot_general3A_5 = tpu.matmul %get3A_1, %get3A_4, %dot_general3A {dimension_numbers = #tpu.dot_dimension_numbers<[1], [0], [0], [1], [0, 0, 1, 1], [], []>, transpose_lhs_hint = false} : vector<64x32xf32>, vector<32x2048xf32>, vector<64x2048xf32> -> vector<64x2048xf32>
    %get3A_6 = arith.constant 0 : index
    %get3A_7 = arith.constant 0 : index
    %get3A_8 = vector.load %arg5[%get3A_6, %get3A_7] : memref<64x32xf32, #tpu.memory_space<vmem>>, vector<64x32xf32>
    %get3A_9 = arith.constant 0 : index
    %get3A_10 = arith.constant 0 : index
    %get3A_11 = vector.load %arg2[%get3A_9, %get3A_10] : memref<32x2048xf32, #tpu.memory_space<vmem>>, vector<32x2048xf32>
    %dot_general3A_12 = arith.constant dense<0.000000e+00> : vector<64x2048xf32>
    %dot_general3A_13 = tpu.matmul %get3A_8, %get3A_11, %dot_general3A_12 {dimension_numbers = #tpu.dot_dimension_numbers<[1], [0], [0], [1], [0, 0, 1, 1], [], []>, transpose_lhs_hint = false} : vector<64x32xf32>, vector<32x2048xf32>, vector<64x2048xf32> -> vector<64x2048xf32>
    %add3A = arith.addf %dot_general3A_5, %dot_general3A_13 : vector<64x2048xf32>
    %get3A_14 = arith.constant 0 : index
    %get3A_15 = arith.constant 0 : index
    %get3A_16 = vector.load %arg6[%get3A_14, %get3A_15] : memref<64x32xf32, #tpu.memory_space<vmem>>, vector<64x32xf32>
    %get3A_17 = arith.constant 0 : index
    %get3A_18 = arith.constant 0 : index
    %get3A_19 = vector.load %arg3[%get3A_17, %get3A_18] : memref<32x2048xf32, #tpu.memory_space<vmem>>, vector<32x2048xf32>
    %dot_general3A_20 = arith.constant dense<0.000000e+00> : vector<64x2048xf32>
    %dot_general3A_21 = tpu.matmul %get3A_16, %get3A_19, %dot_general3A_20 {dimension_numbers = #tpu.dot_dimension_numbers<[1], [0], [0], [1], [0, 0, 1, 1], [], []>, transpose_lhs_hint = false} : vector<64x32xf32>, vector<32x2048xf32>, vector<64x2048xf32> -> vector<64x2048xf32>
    %add3A_22 = arith.addf %add3A, %dot_general3A_21 : vector<64x2048xf32>
    %get3A_23 = arith.constant 0 : index
    %get3A_24 = arith.constant 0 : index
    %get3A_25 = vector.load %arg7[%get3A_23, %get3A_24] : memref<64x1xf32, #tpu.memory_space<vmem>>, vector<64x1xf32>
    %add3A_26 = vector.broadcast %get3A_25 : vector<64x1xf32> to vector<64x2048xf32>
    %add3A_27 = arith.addf %add3A_22, %add3A_26 : vector<64x2048xf32>
    %max3A = arith.constant 0.000000e+00 : f32
    %max3A_28 = vector.broadcast %max3A : f32 to vector<64x2048xf32>
    %max3A_29 = arith.maximumf %add3A_27, %max3A_28 : vector<64x2048xf32>
    %get3A_30 = arith.constant 0 : index
    %get3A_31 = arith.constant 0 : index
    %get3A_32 = vector.load %arg8[%get3A_30, %get3A_31] : memref<1x64xf32, #tpu.memory_space<vmem>>, vector<1x64xf32>
    %dot_general3A_33 = arith.constant dense<0.000000e+00> : vector<1x2048xf32>
    %dot_general3A_34 = tpu.matmul %get3A_32, %max3A_29, %dot_general3A_33 {dimension_numbers = #tpu.dot_dimension_numbers<[1], [0], [0], [1], [0, 0, 1, 1], [], []>, transpose_lhs_hint = false} : vector<1x64xf32>, vector<64x2048xf32>, vector<1x2048xf32> -> vector<1x2048xf32>
    %get3A_35 = arith.constant 0 : index
    %get3A_36 = arith.constant 0 : index
    %get3A_37 = vector.load %arg9[%get3A_35, %get3A_36] : memref<1x1xf32, #tpu.memory_space<vmem>>, vector<1x1xf32>
    %add3A_38 = vector.broadcast %get3A_37 : vector<1x1xf32> to vector<1x2048xf32>
    %add3A_39 = arith.addf %dot_general3A_34, %add3A_38 : vector<1x2048xf32>
    %swap3A = arith.constant 0 : index
    %swap3A_40 = arith.constant 0 : index
    %swap3A_41 = vector.load %arg10[%swap3A, %swap3A_40] : memref<1x2048xf32, #tpu.memory_space<vmem>>, vector<1x2048xf32>
    tpu.vector_store %arg10[%swap3A, %swap3A_40], %add3A_39 {strides = array<i32>} : memref<1x2048xf32, #tpu.memory_space<vmem>>, vector<1x2048xf32>,
    return
  }
  func.func @transform_0(%arg0: i32) -> (i32, i32) {
    %c0_i32 = arith.constant 0 : i32
    %c0_i32_0 = arith.constant 0 : i32
    return %c0_i32, %arg0 : i32, i32
  }
  func.func @transform_1(%arg0: i32) -> (i32, i32) {
    %c0_i32 = arith.constant 0 : i32
    %c0_i32_0 = arith.constant 0 : i32
    return %c0_i32, %arg0 : i32, i32
  }
  func.func @transform_2(%arg0: i32) -> (i32, i32) {
    %c0_i32 = arith.constant 0 : i32
    %c0_i32_0 = arith.constant 0 : i32
    return %c0_i32, %arg0 : i32, i32
  }
  func.func @transform_3(%arg0: i32) -> (i32, i32) {
    %c0_i32 = arith.constant 0 : i32
    %c0_i32_0 = arith.constant 0 : i32
    %c0_i32_1 = arith.constant 0 : i32
    return %c0_i32, %c0_i32_0 : i32, i32
  }
  func.func @transform_4(%arg0: i32) -> (i32, i32) {
    %c0_i32 = arith.constant 0 : i32
    %c0_i32_0 = arith.constant 0 : i32
    %c0_i32_1 = arith.constant 0 : i32
    return %c0_i32, %c0_i32_0 : i32, i32
  }
  func.func @transform_5(%arg0: i32) -> (i32, i32) {
    %c0_i32 = arith.constant 0 : i32
    %c0_i32_0 = arith.constant 0 : i32
    %c0_i32_1 = arith.constant 0 : i32
    return %c0_i32, %c0_i32_0 : i32, i32
  }
  func.func @transform_6(%arg0: i32) -> (i32, i32) {
    %c0_i32 = arith.constant 0 : i32
    %c0_i32_0 = arith.constant 0 : i32
    %c0_i32_1 = arith.constant 0 : i32
    return %c0_i32, %c0_i32_0 : i32, i32
  }
  func.func @transform_7(%arg0: i32) -> (i32, i32) {
    %c0_i32 = arith.constant 0 : i32
    %c0_i32_0 = arith.constant 0 : i32
    %c0_i32_1 = arith.constant 0 : i32
    return %c0_i32, %c0_i32_0 : i32, i32
  }
  func.func @transform_8(%arg0: i32) -> (i32, i32) {
    %c0_i32 = arith.constant 0 : i32
    %c0_i32_0 = arith.constant 0 : i32
    %c0_i32_1 = arith.constant 0 : i32
    return %c0_i32, %c0_i32_0 : i32, i32
  }
  func.func @transform_9(%arg0: i32) -> (i32, i32) {
    %c0_i32 = arith.constant 0 : i32
    %c0_i32_0 = arith.constant 0 : i32
    return %c0_i32, %arg0 : i32, i32
  }
}

</mosaic_0001>

<sc_bundles>
// kernel: kernel.4.cloned.1.call-start
scs
__scs_entry_jumppad:
0x0: {  	(pc) =	sbr.rel $0x88, $3  }
0x1: {  	(tag) =	ssettag $0x0;
	lr =	simm.s32 $0x1  }
0x2: {  	[smem:$0x3F97] =	sst lr;
	_ =	strace $0xD0000000  }
0x3: {  	_ = 	snop  }
0x4: {  	_ = 	snop  }
0x5: {  	_ = 	snop  }
0x6: {  	_ = 	snop  }
0x7: {  	_ = 	snop  }
__scs_overlays_trampoline_lowered:
0x8: {  	[smem:$0x3FA6] =	sst s0  }
0x9: {  	[smem:$0x3FA7] =	sst s1  }
0xa: {  	[smem:$0x3FA8] =	sst s2  }
0xb: {  	[smem:$0x3FA9] =	sst s3  }
0xc: {  	[smem:$0x3FAA] =	sst s4  }
0xd: {  	[smem:$0x3FAB] =	sst s5  }
0xe: {  	[smem:$0x3FAC] =	sst s6  }
0xf: {  	[smem:$0x3FAD] =	sst s7  }
0x10: {  	[smem:$0x3FAE] =	sst s8  }
0x11: {  	[smem:$0x3FAF] =	sst s9;
	s0 =	simm.s32 @!p0 $0x0  }
0x12: {  	s1 =	sld [smem:$0x3F95];
	s0 =	simm.s32 @p0 $0x1  }
0x13: {  	[smem:$0x3FB0] =	sst s0;
	s0 =	simm.s32 @!p1 $0x0  }
0x14: {  	s2 =	sld [smem:$0x3F94];
	s0 =	simm.s32 @p1 $0x1  }
0x15: {  	[smem:$0x3FB1] =	sst s0;
	s0 =	simm.s32 @!p2 $0x0  }
0x16: {  	s3 =	sld [smem:$0x3FDB];
	s0 =	simm.s32 @p2 $0x1  }
0x17: {  	s4 =	simm.s32 $0x1BF5;
	[smem:$0x3FB3] =	sst s0  }
0x18: {  	s0 =	sld [smem:$0x3F96];
	_ =	swait.ge [sflag:s4], $0x0  }
0x19: {  	s7 =	sld [smem:$0x3F97]  }
0x1a: {  	s8 =	sadd.s32 $0xFFFFE003, lr  }
0x1b: {  	s9 =	sadd.s32 $0xFFFFFEF7, lr;
	s5 =	simm.s32 $0xFFFFFFFF;
	p2 =	slt.u32 s8, $0xFFFFF086  }
0x1c: {  	p1 =	slt.u32 s9, $0xF7A;
	s5 =	simm.s32 @!p2 $0x0  }
0x1d: {  	s5 =	simm.s32 @p1 $0x1;
	p0 =	seq.s32 s7, s2  }
0x1e: {  	s7 =	smul.u32 @!p0 $0xF7A, s2;
	p2 =	seq.s32 @!p0 s5, $0x0  }
0x1f: {  	s9 =	smul.u32 $0xF7A, s1;
	s8 =	simm.s32 @!p0 $0x1BF5;
	p2 =	por !p2, p0  }
0x20: {  	[sflag:s8] =	ssyncset.s32 @!p0 $0xFFFFF086;
	s6 =	sadd.s32 @!p0 s3, s7;
	s7 =	simm.s32 @!p0 $0x108  }
0x21: {  	s3 =	sadd.s32 s3, s9;
	s6 =	sadd.s32 @!p0 $0x88, s6;
	s7 =	simm.s32 @p2 $0x1082  }
0x22: {  	[simem:s7], [sflag:s8] =	dma.local @!p0 [hbm:s6], $0xF7A  }
0x23: {  	s9 =	sor.u32 $0xD0000000, s2;
	s6 =	simm.s32 $0x108;
	_ =	swait.ge @!p0 [sflag:s8], $0x0  }
0x24: {  	s3 =	sadd.s32 $0x88, s3;
	s6 =	simm.s32 @!p1 $0x1082;
	[sflag:s4] =	ssyncset.s32 $0xFFFFF086  }
0x25: {  	[simem:s6], [sflag:s4] =	dma.local [hbm:s3], $0xF7A  }
0x26: {  	[smem:$0x3F97] =	sst s1;
	(tag) =	ssettag s2;
	_ =	strace s9  }
0x27: {  	s1 =	sld [smem:$0x3FA7]  }
0x28: {  	s2 =	sld [smem:$0x3FA8]  }
0x29: {  	s4 =	sld [smem:$0x3FAA]  }
0x2a: {  	p0 =	seq.s32 s5, $0x0;
	s5 =	sld [smem:$0x3FAB]  }
0x2b: {  	s6 =	sld [smem:$0x3FAC]  }
0x2c: {  	s7 =	sld [smem:$0x3FAD]  }
0x2d: {  	s3 =	simm.s32 $0x108;
	s8 =	sld [smem:$0x3FAE]  }
0x2e: {  	s3 =	simm.s32 @!p0 $0x1082;
	s9 =	sld [smem:$0x3FAF]  }
0x2f: {  	lr =	sadd.s32 s0, s3;
	s0 =	sld [smem:$0x3FA6]  }
0x30: {  	s3 =	sld [smem:$0x3FA9]  }
0x31: {  	[smem:$0x3FB2] =	sst s10  }
0x32: {  	s10 =	sld [smem:$0x3FB0];
	_ =	sdelay $0x3  }
0x33: {  	p0 =	seq.s32 s10, $0x1;
	s10 =	sld [smem:$0x3FB2];
	_ =	sdelay $0x3  }
0x34: {  	[smem:$0x3FB2] =	sst s10  }
0x35: {  	s10 =	sld [smem:$0x3FB1];
	_ =	sdelay $0x3  }
0x36: {  	p1 =	seq.s32 s10, $0x1;
	s10 =	sld [smem:$0x3FB2];
	_ =	sdelay $0x3  }
0x37: {  	[smem:$0x3FB2] =	sst s10  }
0x38: {  	s10 =	sld [smem:$0x3FB3]  }
0x39: {  	_ = 	snop;
	(pc) =	sbr.ind lr, $3  }
0x3a: {  	_ = 	snop  }
0x3b: {  	_ = 	snop  }
0x3c: {  	p2 =	seq.s32 s10, $0x1;
	s10 =	sld [smem:$0x3FB2]  }
0x3d: {  	_ =	shalt  }
0x3e: {  	_ =	shalt  }
0x3f: {  	_ =	shalt  }
0x40: {  	_ =	shalt  }
0x41: {  	_ =	shalt  }
0x42: {  	_ =	shalt  }
0x43: {  	_ =	shalt  }
0x44: {  	_ =	shalt  }
0x45: {  	_ =	shalt  }
0x46: {  	_ =	shalt  }
0x47: {  	_ =	shalt  }
0x48: {  	_ =	shalt  }
0x49: {  	_ =	shalt  }
0x4a: {  	_ =	shalt  }
0x4b: {  	_ =	shalt  }
0x4c: {  	_ =	shalt  }
0x4d: {  	_ =	shalt  }
0x4e: {  	_ =	shalt  }
0x4f: {  	_ =	shalt  }
0x50: {  	_ =	shalt  }
0x51: {  	_ =	shalt  }
0x52: {  	_ =	shalt  }
0x53: {  	_ =	shalt  }
0x54: {  	_ =	shalt  }
0x55: {  	_ =	shalt  }
0x56: {  	_ =	shalt  }
0x57: {  	_ =	shalt  }
0x58: {  	_ =	shalt  }
0x59: {  	_ =	shalt  }
0x5a: {  	_ =	shalt  }
0x5b: {  	_ =	shalt  }
0x5c: {  	_ =	shalt  }
0x5d: {  	_ =	shalt  }
0x5e: {  	_ =	shalt  }
0x5f: {  	_ =	shalt  }
0x60: {  	_ =	shalt  }
0x61: {  	_ =	shalt  }
0x62: {  	_ =	shalt  }
0x63: {  	_ =	shalt  }
0x64: {  	_ =	shalt  }
0x65: {  	_ =	shalt  }
0x66: {  	_ =	shalt  }
0x67: {  	_ =	shalt  }
0x68: {  	_ =	shalt  }
0x69: {  	_ =	shalt  }
0x6a: {  	_ =	shalt  }
0x6b: {  	_ =	shalt  }
0x6c: {  	_ =	shalt  }
0x6d: {  	_ =	shalt  }
0x6e: {  	_ =	shalt  }
0x6f: {  	_ =	shalt  }
0x70: {  	_ =	shalt  }
0x71: {  	_ =	shalt  }
0x72: {  	_ =	shalt  }
0x73: {  	_ =	shalt  }
0x74: {  	_ =	shalt  }
0x75: {  	_ =	shalt  }
0x76: {  	_ =	shalt  }
0x77: {  	_ =	shalt  }
0x78: {  	_ =	shalt  }
0x79: {  	_ =	shalt  }
0x7a: {  	_ =	shalt  }
0x7b: {  	_ =	shalt  }
0x7c: {  	_ =	shalt  }
0x7d: {  	_ =	shalt  }
0x7e: {  	_ =	shalt  }
0x7f: {  	_ =	shalt  }
0x80: {  	_ =	shalt  }
0x81: {  	_ =	shalt  }
0x82: {  	_ =	shalt  }
0x83: {  	_ =	shalt  }
0x84: {  	_ =	shalt  }
0x85: {  	_ =	shalt  }
0x86: {  	_ =	shalt  }
0x87: {  	_ =	shalt  }
.Lfunc_end0:
.L_simem_size_0:
called_computation_lowered:
.L_overlay_start_0:
0x88: {  	s2 =	sld [smem:$0x3FD9]  }
0x89: {  	s3 =	sld [smem:$0x3FFE];
	_ =	sdelay $0x1  }
0x8a: {  	s1 =	srdreg.scid  }
0x8b: {  	s0 =	sand.u32 $0x1, s1  }
0x8c: {  	s17 =	sshll.u32 s0, $0xA;
	s2 =	sadd.s32 s3, s2  }
0x8d: {  	s2 =	sadd.s32 s2, s17  }
0x8e: {  	[smem:$0x3FBE] =	sst s2  }
0x8f: {  	_ = 	snop  }
0x90: {  	s2 =	sld [smem:$0x3FC9]  }
0x91: {  	s18 =	sld [smem:$0x3FC8]  }
0x92: {  	s4 =	sld [smem:$0x3FC7]  }
0x93: {  	s5 =	sld [smem:$0x3FC6]  }
0x94: {  	s6 =	sld [smem:$0x3FC5];
	(tm) =	ssettm $0x1  }
0x95: {  	s7 =	sld [smem:$0x3FFB];
	_ =	sdelay $0x3  }
0x96: {  	_ =	strace s7  }
0x97: {  	s7 =	sld [smem:$0x3FFC];
	_ =	sdelay $0x3  }
0x98: {  	_ =	strace s7  }
0x99: {  	s7 =	sld [smem:$0x3FFD];
	_ =	sdelay $0x3  }
0x9a: {  	_ =	strace s7  }
0x9b: {  	_ =	strace $0x8FFFFFFF  }
0x9c: {  	s19 =	sld [smem:$0x3FDB];
	_ =	sdelay $0x1  }
0x9d: {  	s8 =	simm.s32 $_scs_section_size  }
0x9e: {  	s9 =	simm.s32 $_size__tile_overlayer_lowered;
	s10 =	simm.s32 $_tile_overlayer_lowered  }
0x9f: {  	s22 =	simm.s32 $0x1BFF;
	s21 =	sshll.u32 s10, $0x1;
	s7 =	sadd.s32 s8, s19  }
0xa0: {  	s11 =	simm.s32 $0x0;
	s20 =	sshll.u32 s9, $0x1;
	s9 =	sadd.s32 s21, s7  }
0xa1: {  	[timem:s11], [sflag:s22] =	dma.local [hbm:s9], s20  }
0xa2: {  	_ =	swait.ge [sflag:s22], s20  }
0xa3: {  	s8 =	ssub.s32 $0x0, s20;
	[sflag:s22] =	ssyncset.done $0x0  }
0xa4: {  	[sflag:s22] =	ssyncadd.s32 s8;
	_ =	sdelay $0x1  }
0xa5: {  	s23 =	simm.s32 $0x1B8B  }
0xa6: {  	_ =	swait.ge [sflag:s23], $0x1  }
0xa7: {  	[sflag:s23] =	ssyncset.done $0x0  }
0xa8: {  	s25 =	simm.s32 $0x1B8E;
	s24 =	sld [smem:$0x3FFE];
	[sflag:s23] =	ssyncadd.s32 $0xFFFFFFFF  }
0xa9: {  	s26 =	simm.s32 $execute0_lowered;
	[smem:$0x3FD2] =	sst s25  }
0xaa: {  	s9 =	sshll.u32 s26, $0x1;
	_ =	strace $0x80000046;
	[dreg:$0x1] =	wrdreg $0xFFFFFFFF  }
0xab: {  	s28 =	simm.s32 $_size_execute0_lowered;
	s7 =	sadd.s32 s7, s9;
	[dreg:$0x0] =	wrdreg $0x0  }
0xac: {  	s9 =	sshll.u32 s28, $0x1;
	[dreg:$0x2] =	wrdreg s7  }
0xad: {  	[dreg:$0x3] =	wrdreg s9  }
0xae: {  	[dreg:$0x4] =	wrdreg $0xC0  }
0xaf: {  	_ =	task [dreg:s11], $0x5FFFF  }
0xb0: {  	[dreg:$0x1] =	wrdreg $0xFFFFFFFF  }
0xb1: {  	[dreg:$0x0] =	wrdreg $0x60  }
0xb2: {  	[dreg:$0x2] =	wrdreg s2  }
0xb3: {  	[dreg:$0x3] =	wrdreg s18  }
0xb4: {  	[dreg:$0x4] =	wrdreg s4  }
0xb5: {  	[dreg:$0x5] =	wrdreg s5  }
0xb6: {  	[dreg:$0x6] =	wrdreg s6  }
0xb7: {  	[dreg:$0x7] =	wrdreg s24  }
0xb8: {  	[dreg:$0x8] =	wrdreg $0x9  }
0xb9: {  	_ =	task.clear_ibuf [dreg:s11], $0x9FFFF;
	_ =	strace $0x90000046  }
0xba: {  	s29 =	simm.s32 $0x9;
	_ =	strace $0x80000048  }
0xbb: {  	_ =	swait.ge [sflag:s29], $0x1  }
0xbc: {  	[sflag:s29] =	ssyncadd.s32 $0xFFFFFFFF  }
0xbd: {  	_ =	strace $0x90000048  }
0xbe: {  	_ =	sfence  }
0xbf: {  	s30 =	sld [smem:$0x0];
	_ =	sdelay $0x2  }
0xc0: {  	s31 =	sshll.u32 s1, $0xD;
	s1 =	sshrl.u32 s1, $0x2  }
0xc1: {  	s3 =	sand.u32 $0x4000, s31;
	s1 =	sadd.s32 s1, s30  }
0xc2: {  	s0 =	sor.u32 s3, s0;
	s1 =	sshll.u32 s1, $0x11  }
0xc3: {  	s0 =	sor.u32 s1, s0  }
0xc4: {  	s0 =	sadd.s32 $0x8F2B, s0  }
0xc5: {  	[sflag:s0] =	ssyncadd.remote.s32 $0x1  }
0xc6: {  	_ =	sfence.sel $0xFFFF  }
0xc7: {  	[dreg:$0x0] =	wrdreg $0xFFFFFFFF;
	(pc) =	sbr.abs _section_cstart, $3  }
0xc8: {  	[dreg:$0x1] =	wrdreg $0xFFFFFFFF  }
0xc9: {  	_ =	task.clear_ibuf [dreg:s11], $0x2FFFF;
	_ =	strace $0x9FFFFFFF  }
0xca: {  	(tm) =	ssettm $0x7FFFFFFF  }
0xcb: {  	_ =	shalt  }
tec
execute0_lowered:
.L_overlay_start_1:
0x0: {  	(tag) =	ssettag $0x1  }
0x1: {  	s0 =	srdreg.scid  }
0x2: {  	s4 =	stileid.u32;
	s5 =	rddreg [dreg:$0x3]  }
0x3: {  	s3 =	rddreg [dreg:$0x5];
	s1 =	simm.s32 $0x0;
	s2 =	sand.u32 $0x1, s0  }
0x4: {  	s12 =	sshll.u32 s4, $0x1;
	s7 =	sshrl.u32 s4, $0x2;
	[smem:$0x7FF] =	sst s1  }
0x5: {  	s0 =	sor.u32 s2, s12;
	s14 =	sshll.u32 s7, $0x11;
	s16 =	smul.u32 $0x7A1400, s7  }
0x6: {  	s2 =	ssub.s32 $0x2, s2;
	s13 =	sshll.u32 s0, $0x7;
	s8 =	smul.u32 $0x7D, s0  }
0x7: {  	s9 =	smul.u32 $0xF4240, s0;
	s17 =	sshrl.u32 s2, $0x1;
	s6 =	sand.u32 $0x380, s13  }
0x8: {  	s10 =	smul.u32 $0x186A0, s0;
	s2 =	ssub.s32 s2, s17;
	s4 =	sor.u32 s14, s6  }
0x9: {  	s8 =	sadd.s32 s8, s3;
	s15 =	sshrl.u32 s9, $0x3;
	s9 =	sor.u32 s16, s6  }
0xa: {  	s10 =	sshrl.u32 s10, $0x3;
	s4 =	sshrl.u32 s4, $0x3;
	s18 =	sshrl.u32 s9, $0x3  }
0xb: {  	s11 =	sadd.s32 $0x19000, s9;
	s20 =	sadd.s32 $0x32000, s9;
	s22 =	sadd.s32 $0x4B000, s9  }
0xc: {  	s24 =	sadd.s32 $0x64000, s9;
	s26 =	sadd.s32 $0x7D000, s9;
	s12 =	sadd.s32 $0x96000, s9  }
0xd: {  	s14 =	sadd.s32 $0xAF000, s9;
	s16 =	sadd.s32 $0xC8000, s9;
	s0 =	sadd.s32 s4, s3  }
0xe: {  	s4 =	sadd.s32 s15, s3;
	s3 =	sadd.s32 s10, s3;
	s10 =	sadd.s32 s5, s18  }
0xf: {  	s19 =	sshrl.u32 s11, $0x3;
	s21 =	sshrl.u32 s20, $0x3;
	s23 =	sshrl.u32 s22, $0x3  }
0x10: {  	s25 =	sshrl.u32 s24, $0x3;
	s11 =	sshrl.u32 s26, $0x3;
	s13 =	sshrl.u32 s12, $0x3  }
0x11: {  	s15 =	sshrl.u32 s14, $0x3;
	s17 =	sshrl.u32 s16, $0x3;
	s18 =	sadd.s32 $0xE1000, s9  }
0x12: {  	s20 =	sadd.s32 $0xFA000, s9;
	s22 =	sadd.s32 $0x113000, s9;
	s24 =	sadd.s32 $0x12C000, s9  }
0x13: {  	s26 =	sadd.s32 $0x145000, s9;
	s12 =	sadd.s32 $0x15E000, s9;
	s14 =	sadd.s32 $0x177000, s9  }
0x14: {  	s16 =	sadd.s32 $0x190000, s9;
	[dreg:$0x7] =	wrdreg s10;
	s10 =	sadd.s32 s5, s19  }
0x15: {  	s19 =	sshrl.u32 s18, $0x3;
	s18 =	sadd.s32 $0x1A9000, s9;
	[dreg:$0x8] =	wrdreg s10  }
0x16: {  	s10 =	sadd.s32 s5, s21;
	s21 =	sshrl.u32 s20, $0x3;
	s20 =	sadd.s32 $0x1C2000, s9  }
0x17: {  	[dreg:$0x9] =	wrdreg s10;
	s10 =	sadd.s32 s5, s23;
	s23 =	sshrl.u32 s22, $0x3  }
0x18: {  	s22 =	sadd.s32 $0x1DB000, s9;
	[dreg:$0xa] =	wrdreg s10;
	s10 =	sadd.s32 s5, s25  }
0x19: {  	s25 =	sshrl.u32 s24, $0x3;
	s24 =	sadd.s32 $0x1F4000, s9;
	[dreg:$0xb] =	wrdreg s10  }
0x1a: {  	s10 =	sadd.s32 s5, s11;
	s11 =	sshrl.u32 s26, $0x3;
	s26 =	sadd.s32 $0x20D000, s9  }
0x1b: {  	[dreg:$0xc] =	wrdreg s10;
	s10 =	sadd.s32 s5, s13;
	s13 =	sshrl.u32 s12, $0x3  }
0x1c: {  	s12 =	sadd.s32 $0x226000, s9;
	[dreg:$0xd] =	wrdreg s10;
	s10 =	sadd.s32 s5, s15  }
0x1d: {  	s15 =	sshrl.u32 s14, $0x3;
	s14 =	sadd.s32 $0x23F000, s9;
	[dreg:$0xe] =	wrdreg s10  }
0x1e: {  	s10 =	sadd.s32 s5, s17;
	s17 =	sshrl.u32 s16, $0x3;
	s16 =	sadd.s32 $0x258000, s9  }
0x1f: {  	[dreg:$0xf] =	wrdreg s10;
	s10 =	sadd.s32 s5, s19;
	s19 =	sshrl.u32 s18, $0x3  }
0x20: {  	s18 =	sadd.s32 $0x271000, s9;
	[dreg:$0x10] =	wrdreg s10;
	s10 =	sadd.s32 s5, s21  }
0x21: {  	s21 =	sshrl.u32 s20, $0x3;
	s20 =	sadd.s32 $0x28A000, s9;
	[dreg:$0x11] =	wrdreg s10  }
0x22: {  	s10 =	sadd.s32 s5, s23;
	s23 =	sshrl.u32 s22, $0x3;
	s22 =	sadd.s32 $0x2A3000, s9  }
0x23: {  	[dreg:$0x12] =	wrdreg s10;
	s10 =	sadd.s32 s5, s25;
	s25 =	sshrl.u32 s24, $0x3  }
0x24: {  	s24 =	sadd.s32 $0x2BC000, s9;
	[dreg:$0x13] =	wrdreg s10;
	s10 =	sadd.s32 s5, s11  }
0x25: {  	s11 =	sshrl.u32 s26, $0x3;
	s26 =	sadd.s32 $0x2D5000, s9;
	[dreg:$0x14] =	wrdreg s10  }
0x26: {  	s10 =	sadd.s32 s5, s13;
	s13 =	sshrl.u32 s12, $0x3;
	s12 =	sadd.s32 $0x2EE000, s9  }
0x27: {  	[dreg:$0x15] =	wrdreg s10;
	s10 =	sadd.s32 s5, s15;
	s15 =	sshrl.u32 s14, $0x3  }
0x28: {  	s14 =	sadd.s32 $0x307000, s9;
	[dreg:$0x16] =	wrdreg s10;
	s10 =	sadd.s32 s5, s17  }
0x29: {  	s17 =	sshrl.u32 s16, $0x3;
	s16 =	sadd.s32 $0x320000, s9;
	[dreg:$0x17] =	wrdreg s10  }
0x2a: {  	s10 =	sadd.s32 s5, s19;
	s19 =	sshrl.u32 s18, $0x3;
	s18 =	sadd.s32 $0x339000, s9  }
0x2b: {  	[dreg:$0x18] =	wrdreg s10;
	s10 =	sadd.s32 s5, s21;
	s21 =	sshrl.u32 s20, $0x3  }
0x2c: {  	s20 =	sadd.s32 $0x352000, s9;
	[dreg:$0x19] =	wrdreg s10;
	s10 =	sadd.s32 s5, s23  }
0x2d: {  	s23 =	sshrl.u32 s22, $0x3;
	s22 =	sadd.s32 $0x36B000, s9;
	[dreg:$0x1a] =	wrdreg s10  }
0x2e: {  	s10 =	sadd.s32 s5, s25;
	s25 =	sshrl.u32 s24, $0x3;
	s24 =	sadd.s32 $0x384000, s9  }
0x2f: {  	[dreg:$0x1b] =	wrdreg s10;
	s10 =	sadd.s32 s5, s11;
	s11 =	sshrl.u32 s26, $0x3  }
0x30: {  	s26 =	sadd.s32 $0x39D000, s9;
	[dreg:$0x1c] =	wrdreg s10;
	s10 =	sadd.s32 s5, s13  }
0x31: {  	s13 =	sshrl.u32 s12, $0x3;
	s12 =	sadd.s32 $0x3B6000, s9;
	[dreg:$0x1d] =	wrdreg s10  }
0x32: {  	s10 =	sadd.s32 s5, s15;
	s15 =	sshrl.u32 s14, $0x3;
	s14 =	sadd.s32 $0x3CF000, s9  }
0x33: {  	[dreg:$0x1e] =	wrdreg s10;
	s10 =	sadd.s32 s5, s17;
	s17 =	sshrl.u32 s16, $0x3  }
0x34: {  	s16 =	sadd.s32 $0x3E8000, s9;
	[dreg:$0x1f] =	wrdreg s10;
	s10 =	sadd.s32 s5, s19  }
0x35: {  	s19 =	sshrl.u32 s18, $0x3;
	s18 =	sadd.s32 $0x401000, s9;
	[smem:$0x772] =	sst s10  }
0x36: {  	s10 =	sadd.s32 s5, s21;
	s21 =	sshrl.u32 s20, $0x3;
	s20 =	sadd.s32 $0x41A000, s9  }
0x37: {  	[smem:$0x773] =	sst s10;
	s10 =	sadd.s32 s5, s23;
	s23 =	sshrl.u32 s22, $0x3  }
0x38: {  	s22 =	sadd.s32 $0x433000, s9;
	[smem:$0x774] =	sst s10;
	s10 =	sadd.s32 s5, s25  }
0x39: {  	s25 =	sshrl.u32 s24, $0x3;
	s24 =	sadd.s32 $0x44C000, s9;
	[smem:$0x775] =	sst s10  }
0x3a: {  	s10 =	sadd.s32 s5, s11;
	s11 =	sshrl.u32 s26, $0x3;
	s26 =	sadd.s32 $0x465000, s9  }
0x3b: {  	[smem:$0x776] =	sst s10;
	s10 =	sadd.s32 s5, s13;
	s13 =	sshrl.u32 s12, $0x3  }
0x3c: {  	s12 =	sadd.s32 $0x47E000, s9;
	[smem:$0x777] =	sst s10;
	s10 =	sadd.s32 s5, s15  }
0x3d: {  	s15 =	sshrl.u32 s14, $0x3;
	s14 =	sadd.s32 $0x497000, s9;
	[smem:$0x778] =	sst s10  }
0x3e: {  	s10 =	sadd.s32 s5, s17;
	s17 =	sshrl.u32 s16, $0x3;
	s16 =	sadd.s32 $0x4B0000, s9  }
0x3f: {  	[smem:$0x779] =	sst s10;
	s10 =	sadd.s32 s5, s19;
	s19 =	sshrl.u32 s18, $0x3  }
0x40: {  	s18 =	sadd.s32 $0x4C9000, s9;
	[smem:$0x77A] =	sst s10;
	s10 =	sadd.s32 s5, s21  }
0x41: {  	s21 =	sshrl.u32 s20, $0x3;
	s20 =	sadd.s32 $0x4E2000, s9;
	[smem:$0x77B] =	sst s10  }
0x42: {  	s10 =	sadd.s32 s5, s23;
	s23 =	sshrl.u32 s22, $0x3;
	s22 =	sadd.s32 $0x4FB000, s9  }
0x43: {  	[smem:$0x77C] =	sst s10;
	s10 =	sadd.s32 s5, s25;
	s25 =	sshrl.u32 s24, $0x3  }
0x44: {  	s24 =	sadd.s32 $0x514000, s9;
	[smem:$0x77D] =	sst s10;
	s10 =	sadd.s32 s5, s11  }
0x45: {  	s11 =	sshrl.u32 s26, $0x3;
	s26 =	sadd.s32 $0x52D000, s9;
	[smem:$0x77E] =	sst s10  }
0x46: {  	s10 =	sadd.s32 s5, s13;
	s13 =	sshrl.u32 s12, $0x3;
	s12 =	sadd.s32 $0x546000, s9  }
0x47: {  	[smem:$0x77F] =	sst s10;
	s10 =	sadd.s32 s5, s15;
	s15 =	sshrl.u32 s14, $0x3  }
0x48: {  	s14 =	sadd.s32 $0x55F000, s9;
	[smem:$0x780] =	sst s10;
	s10 =	sadd.s32 s5, s17  }
0x49: {  	s17 =	sshrl.u32 s16, $0x3;
	s16 =	sadd.s32 $0x578000, s9;
	[smem:$0x781] =	sst s10  }
0x4a: {  	s10 =	sadd.s32 s5, s19;
	s19 =	sshrl.u32 s18, $0x3;
	s18 =	sadd.s32 $0x591000, s9  }
0x4b: {  	[smem:$0x782] =	sst s10;
	s10 =	sadd.s32 s5, s21;
	s21 =	sshrl.u32 s20, $0x3  }
0x4c: {  	s20 =	sadd.s32 $0x5AA000, s9;
	[smem:$0x783] =	sst s10;
	s10 =	sadd.s32 s5, s23  }
0x4d: {  	s23 =	sshrl.u32 s22, $0x3;
	s22 =	sadd.s32 $0x5C3000, s9;
	[smem:$0x784] =	sst s10  }
0x4e: {  	s10 =	sadd.s32 s5, s25;
	s25 =	sshrl.u32 s24, $0x3;
	s24 =	sadd.s32 $0x5DC000, s9  }
0x4f: {  	[smem:$0x785] =	sst s10;
	s10 =	sadd.s32 s5, s11;
	s11 =	sshrl.u32 s26, $0x3  }
0x50: {  	s26 =	sadd.s32 $0x5F5000, s9;
	[smem:$0x786] =	sst s10;
	s10 =	sadd.s32 s5, s13  }
0x51: {  	s13 =	sshrl.u32 s12, $0x3;
	s12 =	sadd.s32 $0x60E000, s9;
	[smem:$0x787] =	sst s10  }
0x52: {  	s10 =	sadd.s32 s5, s15;
	s15 =	sshrl.u32 s14, $0x3;
	s14 =	sadd.s32 $0x627000, s9  }
0x53: {  	[smem:$0x788] =	sst s10;
	s10 =	sadd.s32 s5, s17;
	s17 =	sshrl.u32 s16, $0x3  }
0x54: {  	s16 =	sadd.s32 $0x640000, s9;
	[smem:$0x789] =	sst s10;
	s10 =	sadd.s32 s5, s19  }
0x55: {  	s19 =	sshrl.u32 s18, $0x3;
	s18 =	sadd.s32 $0x659000, s9;
	[smem:$0x78A] =	sst s10  }
0x56: {  	s10 =	sadd.s32 s5, s21;
	s21 =	sshrl.u32 s20, $0x3;
	s20 =	sadd.s32 $0x672000, s9  }
0x57: {  	[smem:$0x78B] =	sst s10;
	s10 =	sadd.s32 s5, s23;
	s23 =	sshrl.u32 s22, $0x3  }
0x58: {  	s22 =	sadd.s32 $0x68B000, s9;
	[smem:$0x78C] =	sst s10;
	s10 =	sadd.s32 s5, s25  }
0x59: {  	s25 =	sshrl.u32 s24, $0x3;
	s24 =	sadd.s32 $0x6A4000, s9;
	[smem:$0x78D] =	sst s10  }
0x5a: {  	s10 =	sadd.s32 s5, s11;
	s11 =	sshrl.u32 s26, $0x3;
	s26 =	sadd.s32 $0x6BD000, s9  }
0x5b: {  	[smem:$0x78E] =	sst s10;
	s10 =	sadd.s32 s5, s13;
	s13 =	sshrl.u32 s12, $0x3  }
0x5c: {  	s12 =	sadd.s32 $0x6D6000, s9;
	[smem:$0x78F] =	sst s10;
	s10 =	sadd.s32 s5, s15  }
0x5d: {  	s15 =	sshrl.u32 s14, $0x3;
	[smem:$0x790] =	sst s10;
	s10 =	sadd.s32 s5, s17  }
0x5e: {  	s14 =	sadd.s32 $0x6EF000, s9;
	[smem:$0x791] =	sst s10;
	s10 =	sadd.s32 s5, s19  }
0x5f: {  	s17 =	sshrl.u32 s16, $0x3;
	[smem:$0x792] =	sst s10;
	s10 =	sadd.s32 s5, s21  }
0x60: {  	s16 =	sadd.s32 $0x708000, s9;
	[smem:$0x793] =	sst s10;
	s10 =	sadd.s32 s5, s23  }
0x61: {  	s19 =	sshrl.u32 s18, $0x3;
	[smem:$0x794] =	sst s10;
	s10 =	sadd.s32 s5, s25  }
0x62: {  	s18 =	sadd.s32 $0x721000, s9;
	[smem:$0x795] =	sst s10;
	s10 =	sadd.s32 s5, s11  }
0x63: {  	s21 =	sshrl.u32 s20, $0x3;
	[smem:$0x796] =	sst s10;
	s10 =	sadd.s32 s5, s13  }
0x64: {  	s20 =	sadd.s32 $0x73A000, s9;
	[smem:$0x797] =	sst s10;
	s10 =	sadd.s32 s5, s15  }
0x65: {  	s23 =	sshrl.u32 s22, $0x3;
	[smem:$0x798] =	sst s10;
	s10 =	sadd.s32 s5, s17  }
0x66: {  	s22 =	sadd.s32 $0x753000, s9;
	[smem:$0x799] =	sst s10;
	s10 =	sadd.s32 s5, s19  }
0x67: {  	s25 =	sshrl.u32 s24, $0x3;
	[smem:$0x79A] =	sst s10;
	s10 =	sadd.s32 s5, s21  }
0x68: {  	s24 =	sadd.s32 $0x76C000, s9;
	[smem:$0x79B] =	sst s10;
	s10 =	sadd.s32 s5, s23  }
0x69: {  	s11 =	sshrl.u32 s26, $0x3;
	[smem:$0x79C] =	sst s10;
	s10 =	sadd.s32 s5, s25  }
0x6a: {  	s13 =	sshrl.u32 s12, $0x3;
	[smem:$0x79D] =	sst s10;
	s10 =	sadd.s32 s5, s11  }
0x6b: {  	s15 =	sshrl.u32 s14, $0x3;
	[smem:$0x79E] =	sst s10;
	s10 =	sadd.s32 s5, s13  }
0x6c: {  	s17 =	sshrl.u32 s16, $0x3;
	[smem:$0x79F] =	sst s10;
	s10 =	sadd.s32 s5, s15  }
0x6d: {  	s19 =	sshrl.u32 s18, $0x3;
	[smem:$0x7A0] =	sst s10;
	s10 =	sadd.s32 s5, s17  }
0x6e: {  	s21 =	sshrl.u32 s20, $0x3;
	[smem:$0x7A1] =	sst s10;
	s10 =	sadd.s32 s5, s19  }
0x6f: {  	s23 =	sshrl.u32 s22, $0x3;
	[smem:$0x7A2] =	sst s10;
	s10 =	sadd.s32 s5, s21  }
0x70: {  	s9 =	sadd.s32 $0x785000, s9;
	[smem:$0x7A3] =	sst s10;
	s10 =	sadd.s32 s5, s23  }
0x71: {  	s9 =	sshrl.u32 s9, $0x3;
	[smem:$0x7A4] =	sst s10;
	s10 =	sshrl.u32 s24, $0x3  }
0x72: {  	s25 =	smul.u32 $0xC3800, s7;
	s7 =	rddreg [dreg:$0x4];
	s10 =	sadd.s32 s5, s10  }
0x73: {  	s5 =	sadd.s32 s5, s9;
	[smem:$0x7A5] =	sst s10  }
0x74: {  	s26 =	sadd.s32 $0x1600, s8;
	[smem:$0x7A6] =	sst s5  }
0x75: {  	s8 =	sadd.s32 $0x2C40, s4;
	_ =	strace $0x80000047;
	[smem:$0x7A7] =	sst s26  }
0x76: {  	s9 =	sadd.s32 $0x3280, s4;
	[smem:$0x7A8] =	sst s8  }
0x77: {  	s10 =	sadd.s32 $0x38C0, s4;
	[smem:$0x7A9] =	sst s9  }
0x78: {  	s11 =	sadd.s32 $0x3F00, s4;
	[smem:$0x7AA] =	sst s10  }
0x79: {  	s12 =	sadd.s32 $0x4540, s4;
	[smem:$0x7AB] =	sst s11  }
0x7a: {  	s13 =	sadd.s32 $0x4B80, s4;
	[smem:$0x7AC] =	sst s12  }
0x7b: {  	s14 =	sadd.s32 $0x51C0, s4;
	[smem:$0x7AD] =	sst s13  }
0x7c: {  	s15 =	sadd.s32 $0x5800, s4;
	[smem:$0x7AE] =	sst s14  }
0x7d: {  	s16 =	sadd.s32 $0x5E40, s4;
	[smem:$0x7AF] =	sst s15  }
0x7e: {  	s17 =	sadd.s32 $0x6480, s4;
	[smem:$0x7B0] =	sst s16  }
0x7f: {  	s18 =	sadd.s32 $0x6AC0, s4;
	[smem:$0x7B1] =	sst s17  }
0x80: {  	s19 =	sadd.s32 $0x7100, s4;
	[smem:$0x7B2] =	sst s18  }
0x81: {  	s20 =	sadd.s32 $0x7740, s4;
	[smem:$0x7B3] =	sst s19  }
0x82: {  	s22 =	sadd.s32 $0x7D80, s4;
	[smem:$0x7B4] =	sst s20  }
0x83: {  	s23 =	sadd.s32 $0x83C0, s4;
	[smem:$0x7B5] =	sst s22  }
0x84: {  	s24 =	sadd.s32 $0x8A00, s4;
	[smem:$0x7B6] =	sst s23  }
0x85: {  	s5 =	sor.u32 s25, s6;
	s25 =	sadd.s32 $0x9040, s4;
	[smem:$0x7B7] =	sst s24  }
0x86: {  	[smem:$0x7B8] =	sst s25;
	s26 =	sadd.s32 $0x9680, s4  }
0x87: {  	s8 =	sadd.s32 $0x9CC0, s4;
	[smem:$0x7B9] =	sst s26  }
0x88: {  	s9 =	sadd.s32 $0xA300, s4;
	[smem:$0x7BA] =	sst s8  }
0x89: {  	s10 =	sadd.s32 $0xA940, s4;
	[smem:$0x7BB] =	sst s9  }
0x8a: {  	s11 =	sadd.s32 $0xAF80, s4;
	[smem:$0x7BC] =	sst s10  }
0x8b: {  	s12 =	sadd.s32 $0xB5C0, s4;
	[smem:$0x7BD] =	sst s11  }
0x8c: {  	s13 =	sadd.s32 $0xBC00, s4;
	[smem:$0x7BE] =	sst s12  }
0x8d: {  	s14 =	sadd.s32 $0xC240, s4;
	[smem:$0x7BF] =	sst s13  }
0x8e: {  	s15 =	sadd.s32 $0xC880, s4;
	[smem:$0x7C0] =	sst s14  }
0x8f: {  	s16 =	sadd.s32 $0xCEC0, s4;
	[smem:$0x7C1] =	sst s15  }
0x90: {  	s17 =	sadd.s32 $0xD500, s4;
	[smem:$0x7C2] =	sst s16  }
0x91: {  	s18 =	sadd.s32 $0xDB40, s4;
	[smem:$0x7C3] =	sst s17  }
0x92: {  	s19 =	sadd.s32 $0xE180, s4;
	[smem:$0x7C4] =	sst s18  }
0x93: {  	s20 =	sadd.s32 $0xE7C0, s4;
	[smem:$0x7C5] =	sst s19  }
0x94: {  	s22 =	sadd.s32 $0xEE00, s4;
	[smem:$0x7C6] =	sst s20  }
0x95: {  	s23 =	sadd.s32 $0xF440, s4;
	[smem:$0x7C7] =	sst s22  }
0x96: {  	s24 =	sadd.s32 $0xFA80, s4;
	[smem:$0x7C8] =	sst s23  }
0x97: {  	s25 =	sadd.s32 $0x100C0, s4;
	[smem:$0x7C9] =	sst s24  }
0x98: {  	[smem:$0x7CA] =	sst s25;
	s26 =	sadd.s32 $0x10700, s4  }
0x99: {  	s8 =	sadd.s32 $0x10D40, s4;
	[smem:$0x7CB] =	sst s26  }
0x9a: {  	s9 =	sadd.s32 $0x11380, s4;
	[smem:$0x7CC] =	sst s8  }
0x9b: {  	s10 =	sadd.s32 $0x119C0, s4;
	[smem:$0x7CD] =	sst s9  }
0x9c: {  	s11 =	sadd.s32 $0x12000, s4;
	[smem:$0x7CE] =	sst s10  }
0x9d: {  	s12 =	sadd.s32 $0x12640, s4;
	[smem:$0x7CF] =	sst s11  }
0x9e: {  	s13 =	sadd.s32 $0x12C80, s4;
	[smem:$0x7D0] =	sst s12  }
0x9f: {  	s14 =	sadd.s32 $0x132C0, s4;
	[smem:$0x7D1] =	sst s13  }
0xa0: {  	s15 =	sadd.s32 $0x13900, s4;
	[smem:$0x7D2] =	sst s14  }
0xa1: {  	s16 =	sadd.s32 $0x13F40, s4;
	[smem:$0x7D3] =	sst s15  }
0xa2: {  	s17 =	sadd.s32 $0x14580, s4;
	[smem:$0x7D4] =	sst s16  }
0xa3: {  	s18 =	sadd.s32 $0x14BC0, s4;
	[smem:$0x7D5] =	sst s17  }
0xa4: {  	s19 =	sadd.s32 $0x15200, s4;
	[smem:$0x7D6] =	sst s18  }
0xa5: {  	s20 =	sadd.s32 $0x15840, s4;
	[smem:$0x7D7] =	sst s19  }
0xa6: {  	s22 =	sadd.s32 $0x15E80, s4;
	[smem:$0x7D8] =	sst s20  }
0xa7: {  	s23 =	sadd.s32 $0x164C0, s4;
	[smem:$0x7D9] =	sst s22  }
0xa8: {  	s24 =	sadd.s32 $0x16B00, s4;
	[smem:$0x7DA] =	sst s23  }
0xa9: {  	s25 =	sadd.s32 $0x17140, s4;
	[smem:$0x7DB] =	sst s24  }
0xaa: {  	[smem:$0x7DC] =	sst s25;
	s26 =	sadd.s32 $0x17780, s4  }
0xab: {  	s8 =	sadd.s32 $0x17DC0, s4;
	[smem:$0x7DD] =	sst s26  }
0xac: {  	s9 =	sadd.s32 $0x18400, s4;
	[smem:$0x7DE] =	sst s8  }
0xad: {  	s10 =	sadd.s32 $0x18A40, s4;
	[smem:$0x7DF] =	sst s9  }
0xae: {  	s11 =	sadd.s32 $0x19080, s4;
	[smem:$0x7E0] =	sst s10  }
0xaf: {  	s12 =	sadd.s32 $0x196C0, s4;
	[smem:$0x7E1] =	sst s11  }
0xb0: {  	s13 =	sadd.s32 $0x19D00, s4;
	[smem:$0x7E2] =	sst s12  }
0xb1: {  	s14 =	sadd.s32 $0x1A340, s4;
	[smem:$0x7E3] =	sst s13  }
0xb2: {  	s15 =	sadd.s32 $0x1A980, s4;
	[smem:$0x7E4] =	sst s14  }
0xb3: {  	s16 =	sadd.s32 $0x1AFC0, s4;
	[smem:$0x7E5] =	sst s15  }
0xb4: {  	s17 =	sadd.s32 $0x1B600, s4;
	[smem:$0x7E6] =	sst s16  }
0xb5: {  	s18 =	sadd.s32 $0x1BC40, s4;
	[smem:$0x7E7] =	sst s17  }
0xb6: {  	s19 =	sadd.s32 $0x1C280, s4;
	[smem:$0x7E8] =	sst s18  }
0xb7: {  	s31 =	simm.s32 $0x8000;
	s20 =	sadd.s32 $0x1C8C0, s4;
	[smem:$0x7E9] =	sst s19  }
0xb8: {  	s30 =	smax.u32 s2, $0x1;
	s22 =	sadd.s32 $0x1CF00, s4;
	[smem:$0x7EA] =	sst s20  }
0xb9: {  	s2 =	simm.s32 $0x80;
	s23 =	sadd.s32 $0x1D540, s4;
	[smem:$0x7EB] =	sst s22  }
0xba: {  	s28 =	sadd.s32 $0x434C00, s0;
	s24 =	sadd.s32 $0x1DB80, s4;
	[smem:$0x7EC] =	sst s23  }
0xbb: {  	s29 =	sadd.s32 $0x444C00, s0;
	s25 =	sadd.s32 $0x1E1C0, s4;
	[smem:$0x7ED] =	sst s24  }
0xbc: {  	s21 =	sadd.s32 $0x2600, s4;
	[smem:$0x7EE] =	sst s25;
	s26 =	sadd.s32 $0x1E800, s4  }
0xbd: {  	s8 =	sadd.s32 $0x1EE40, s4;
	s9 =	sadd.s32 $0x1F480, s4;
	s10 =	sadd.s32 $0x1FAC0, s4  }
0xbe: {  	s11 =	sadd.s32 $0x20100, s4;
	s12 =	sadd.s32 $0x19000, s5;
	[smem:$0x7EF] =	sst s26  }
0xbf: {  	s4 =	sadd.s32 $0x20740, s4;
	s14 =	sshrl.u32 s5, $0x3;
	[smem:$0x7F0] =	sst s8  }
0xc0: {  	s15 =	sadd.s32 $0x32000, s5;
	s16 =	sadd.s32 $0x4B000, s5;
	[smem:$0x7F1] =	sst s9  }
0xc1: {  	s17 =	sadd.s32 $0x64000, s5;
	s23 =	sadd.s32 $0x3D3640, s3;
	[smem:$0x7F2] =	sst s10  }
0xc2: {  	s22 =	sadd.s32 $0x7D000, s5;
	s24 =	sadd.s32 $0x3D3C80, s3;
	[smem:$0x7F3] =	sst s11  }
0xc3: {  	s5 =	sadd.s32 $0x96000, s5;
	s25 =	sadd.s32 $0x3D42C0, s3;
	[smem:$0x7F4] =	sst s4  }
0xc4: {  	s13 =	sshrl.u32 s12, $0x3;
	s6 =	sadd.s32 s7, s14;
	[smem:$0x7FA] =	sst s23  }
0xc5: {  	s18 =	sshrl.u32 s16, $0x3;
	s19 =	sshrl.u32 s17, $0x3;
	[smem:$0x7FB] =	sst s24  }
0xc6: {  	s16 =	sadd.s32 $0x3D3000, s3;
	[smem:$0x7FC] =	sst s25;
	s23 =	sadd.s32 $0x3D4F40, s3  }
0xc7: {  	s26 =	sshrl.u32 s5, $0x3;
	s24 =	sadd.s32 $0x3D5580, s3;
	s25 =	sadd.s32 $0x454C00, s0  }
0xc8: {  	s0 =	simm.s32 $0x6;
	s5 =	simm.s32 $0x8400;
	s8 =	simm.s32 $0xE800  }
0xc9: {  	s9 =	simm.s32 $0x2;
	s10 =	simm.s32 $0x11A00;
	s11 =	simm.s32 $0x3  }
0xca: {  	s12 =	simm.s32 $0x4;
	s14 =	simm.s32 $0x5;
	s17 =	simm.s32 $0x0  }
0xcb: {  	[smem:$0x7F5] =	sst s6;
	s4 =	sadd.s32 s7, s13;
	s20 =	sadd.s32 s7, s19  }
0xcc: {  	s26 =	sadd.s32 s7, s26;
	[smem:$0x7F6] =	sst s4;
	s4 =	sshrl.u32 s15, $0x3  }
0xcd: {  	s6 =	simm.s32 $0xB600;
	[smem:$0x7F9] =	sst s20;
	s4 =	sadd.s32 s7, s4  }
0xce: {  	s13 =	simm.s32 $0x14C00;
	[smem:$0x7F7] =	sst s4;
	s4 =	sadd.s32 s7, s18  }
0xcf: {  	s15 =	simm.s32 $0x18480;
	[smem:$0x7F8] =	sst s4;
	s4 =	sshrl.u32 s22, $0x3  }
0xd0: {  	s22 =	sadd.s32 $0x3D4900, s3;
	s3 =	simm.s32 $0x400;
	s4 =	sadd.s32 s7, s4  }
0xd1: {  	s7 =	simm.s32 $0x1;
	[smem:$0x7FD] =	sst s4;
	s4 =	simm.s32 $0x4000  }
.LBB2_1:
0xd2: {  	s18 =	sld [smem:$0x7A7];
	_ =	sdelay $0x2  }
0xd3: {  	[tilespmem:s31], [sflag:$0x6] =	stream.linear.gather [hbm4b:s18+s1], $0x3E8, $0x38;
	[tilespmem:$0x1DF80] =	vst v63  }
0xd4: {  	_ =	swait.ge [sflag:s0], $0x3E8  }
0xd5: {  	[sflag:s0] =	ssyncset.done $0x0  }
0xd6: {  	[sflag:s0] =	ssyncadd.s32 $0xFFFFFC18  }
0xd7: {  	s20 =	rddreg [dreg:$0x2]  }
0xd8: {  	[tilespmem:s1], [sflag:$0x6] =	stream.linear.gather [hbm4b:s20+s1], $0x4000, $0x38;
	[tilespmem:$0x1DF80] =	vst v63  }
0xd9: {  	_ =	swait.ge [sflag:s0], $0x4000  }
0xda: {  	s19 =	simm.s32 $0x40;
	[sflag:s0] =	ssyncset.done $0x0  }
0xdb: {  	s18 =	simm.s32 $0xFFFFFFF8;
	s20 =	simm.s32 $0x4040;
	[sflag:s0] =	ssyncadd.s32 $0xFFFFC000  }
.LBB2_2:
0xdc: {  	v0 =	vld [tilespmem:s19+$0xFFFFFFC0];
	_ =	sdelay $0x7  }
0xdd: {  	v0 =	vld.idx.msk [tilespmem:v0+s31+$0x0], $0xffff;
	_ =	sdelay $0x4  }
0xde: {  	[tilespmem:s20+$0xFFFFFFC0] =	vst v0  }
0xdf: {  	v0 =	vld [tilespmem:s19+$0xFFFFFFD0];
	_ =	sdelay $0x7  }
0xe0: {  	v0 =	vld.idx.msk [tilespmem:v0+s31+$0x0], $0xffff;
	_ =	sdelay $0x4  }
0xe1: {  	[tilespmem:s20+$0xFFFFFFD0] =	vst v0  }
0xe2: {  	v0 =	vld [tilespmem:s19+$0xFFFFFFE0];
	_ =	sdelay $0x7  }
0xe3: {  	v0 =	vld.idx.msk [tilespmem:v0+s31+$0x0], $0xffff;
	_ =	sdelay $0x4  }
0xe4: {  	[tilespmem:s20+$0xFFFFFFE0] =	vst v0  }
0xe5: {  	v0 =	vld [tilespmem:s19+$0xFFFFFFF0];
	_ =	sdelay $0x7  }
0xe6: {  	v0 =	vld.idx.msk [tilespmem:v0+s31+$0x0], $0xffff;
	_ =	sdelay $0x4  }
0xe7: {  	[tilespmem:s20+$0xFFFFFFF0] =	vst v0  }
0xe8: {  	v0 =	vld [tilespmem:s19+$0x0];
	_ =	sdelay $0x7  }
0xe9: {  	v0 =	vld.idx.msk [tilespmem:v0+s31+$0x0], $0xffff;
	_ =	sdelay $0x4  }
0xea: {  	[tilespmem:s20+$0x0] =	vst v0  }
0xeb: {  	v0 =	vld [tilespmem:s19+$0x10];
	_ =	sdelay $0x7  }
0xec: {  	v0 =	vld.idx.msk [tilespmem:v0+s31+$0x0], $0xffff;
	_ =	sdelay $0x4  }
0xed: {  	[tilespmem:s20+$0x10] =	vst v0  }
0xee: {  	v0 =	vld [tilespmem:s19+$0x20];
	_ =	sdelay $0x7  }
0xef: {  	v0 =	vld.idx.msk [tilespmem:v0+s31+$0x0], $0xffff;
	_ =	sdelay $0x4  }
0xf0: {  	[tilespmem:s20+$0x20] =	vst v0  }
0xf1: {  	v0 =	vld [tilespmem:s19+$0x30];
	_ =	sdelay $0x6  }
0xf2: {  	s18 =	sadd.s32 $0x8, s18  }
0xf3: {  	p0 =	slt.u32 s18, $0x3F8;
	v0 =	vld.idx.msk [tilespmem:v0+s31+$0x0], $0xffff  }
.Ltmp0:
0xf4: {  	_ = 	snop;
	(pc) =	sbr.rel @p0 .LBB2_2-.Ltmp0, $2  }
0xf5: {  	_ =	sdelay $0x2  }
0xf6: {  	s19 =	sadd.s32 $0x80, s19;
	[tilespmem:s20+$0x30] =	vst v0;
	s20 =	sadd.s32 $0x80, s20  }
0xf7: {  	[hbm4b:s25+s2] =	stream.strided.scatter [tilespmem:s4], [sflag:$0x6], $0x4000, s3, s2, $0x38;
	[tilespmem:$0x1DF80] =	vst v63  }
0xf8: {  	_ =	swait.ge [sflag:s0], $0x4000  }
0xf9: {  	[sflag:s0] =	ssyncset.done $0x0  }
0xfa: {  	s18 =	rddreg [dreg:$0x7];
	[sflag:s0] =	ssyncadd.s32 $0xFFFFC000  }
0xfb: {  	[tilespmem:s5], [sflag:$0x1] =	stream.strided.gather [hbm4b:s18+s2], $0x3200, s3, s2, $0x38;
	[tilespmem:$0x1DF80] =	vst v63  }
0xfc: {  	s20 =	rddreg [dreg:$0x8]  }
0xfd: {  	[tilespmem:s6], [sflag:$0x2] =	stream.strided.gather [hbm4b:s20+s2], $0x3200, s3, s2, $0x38;
	[tilespmem:$0x1DF80] =	vst v63  }
0xfe: {  	_ =	swait.ge [sflag:s7], $0x3200  }
0xff: {  	[sflag:s7] =	ssyncset.done $0x0  }
0x100: {  	s19 =	rddreg [dreg:$0x9];
	[sflag:s7] =	ssyncadd.s32 $0xFFFFCE00  }
0x101: {  	[tilespmem:s8], [sflag:$0x1] =	stream.strided.gather [hbm4b:s19+s2], $0x3200, s3, s2, $0x38;
	[tilespmem:$0x1DF80] =	vst v63  }
0x102: {  	_ = 	snop  }
0x103: {  	[hbm4b:s21+s1] =	stream.linear.scatter [tilespmem:s5], [sflag:$0x3], $0x3200, $0x38;
	[tilespmem:$0x1DF80] =	vst v63  }
0x104: {  	_ =	swait.ge [sflag:s9], $0x3200  }
0x105: {  	[sflag:s9] =	ssyncset.done $0x0;
	s20 =	rddreg [dreg:$0xa]  }
0x106: {  	s19 =	sld [smem:$0x7A8];
	[sflag:s9] =	ssyncadd.s32 $0xFFFFCE00  }
0x107: {  	[tilespmem:s10], [sflag:$0x2] =	stream.strided.gather [hbm4b:s20+s2], $0x3200, s3, s2, $0x38;
	[tilespmem:$0x1DF80] =	vst v63  }
0x108: {  	_ = 	snop  }
0x109: {  	[hbm4b:s19+s1] =	stream.linear.scatter [tilespmem:s6], [sflag:$0x4], $0x3200, $0x38;
	[tilespmem:$0x1DF80] =	vst v63  }
0x10a: {  	_ =	swait.ge [sflag:s7], $0x3200  }
0x10b: {  	[sflag:s7] =	ssyncset.done $0x0  }
0x10c: {  	[sflag:s7] =	ssyncadd.s32 $0xFFFFCE00  }
0x10d: {  	_ =	swait.ge [sflag:s11], $0x3200  }
0x10e: {  	[sflag:s11] =	ssyncset.done $0x0;
	s20 =	rddreg [dreg:$0xb]  }
0x10f: {  	s19 =	sld [smem:$0x7A9];
	[sflag:s11] =	ssyncadd.s32 $0xFFFFCE00  }
0x110: {  	[tilespmem:s5], [sflag:$0x1] =	stream.strided.gather [hbm4b:s20+s2], $0x3200, s3, s2, $0x38;
	[tilespmem:$0x1DF80] =	vst v63  }
0x111: {  	_ = 	snop  }
0x112: {  	[hbm4b:s19+s1] =	stream.linear.scatter [tilespmem:s8], [sflag:$0x3], $0x3200, $0x38;
	[tilespmem:$0x1DF80] =	vst v63  }
0x113: {  	_ =	swait.ge [sflag:s9], $0x3200  }
0x114: {  	[sflag:s9] =	ssyncset.done $0x0  }
0x115: {  	[sflag:s9] =	ssyncadd.s32 $0xFFFFCE00  }
0x116: {  	_ =	swait.ge [sflag:s12], $0x3200  }
0x117: {  	[sflag:s12] =	ssyncset.done $0x0;
	s20 =	rddreg [dreg:$0xc]  }
0x118: {  	s19 =	sld [smem:$0x7AA];
	[sflag:s12] =	ssyncadd.s32 $0xFFFFCE00  }
0x119: {  	[tilespmem:s6], [sflag:$0x2] =	stream.strided.gather [hbm4b:s20+s2], $0x3200, s3, s2, $0x38;
	[tilespmem:$0x1DF80] =	vst v63  }
0x11a: {  	_ = 	snop  }
0x11b: {  	[hbm4b:s19+s1] =	stream.linear.scatter [tilespmem:s10], [sflag:$0x4], $0x3200, $0x38;
	[tilespmem:$0x1DF80] =	vst v63  }
0x11c: {  	_ =	swait.ge [sflag:s7], $0x3200  }
0x11d: {  	[sflag:s7] =	ssyncset.done $0x0  }
0x11e: {  	[sflag:s7] =	ssyncadd.s32 $0xFFFFCE00  }
0x11f: {  	_ =	swait.ge [sflag:s11], $0x3200  }
0x120: {  	[sflag:s11] =	ssyncset.done $0x0;
	s20 =	rddreg [dreg:$0xd]  }
0x121: {  	s19 =	sld [smem:$0x7AB];
	[sflag:s11] =	ssyncadd.s32 $0xFFFFCE00  }
0x122: {  	[tilespmem:s8], [sflag:$0x1] =	stream.strided.gather [hbm4b:s20+s2], $0x3200, s3, s2, $0x38;
	[tilespmem:$0x1DF80] =	vst v63  }
0x123: {  	_ = 	snop  }
0x124: {  	[hbm4b:s19+s1] =	stream.linear.scatter [tilespmem:s5], [sflag:$0x3], $0x3200, $0x38;
	[tilespmem:$0x1DF80] =	vst v63  }
0x125: {  	_ =	swait.ge [sflag:s9], $0x3200  }
0x126: {  	[sflag:s9] =	ssyncset.done $0x0  }
0x127: {  	[sflag:s9] =	ssyncadd.s32 $0xFFFFCE00  }
0x128: {  	_ =	swait.ge [sflag:s12], $0x3200  }
0x129: {  	[sflag:s12] =	ssyncset.done $0x0;
	s20 =	rddreg [dreg:$0xe]  }
0x12a: {  	s19 =	sld [smem:$0x7AC];
	[sflag:s12] =	ssyncadd.s32 $0xFFFFCE00  }
0x12b: {  	[tilespmem:s10], [sflag:$0x2] =	stream.strided.gather [hbm4b:s20+s2], $0x3200, s3, s2, $0x38;
	[tilespmem:$0x1DF80] =	vst v63  }
0x12c: {  	_ = 	snop  }
0x12d: {  	[hbm4b:s19+s1] =	stream.linear.scatter [tilespmem:s6], [sflag:$0x4], $0x3200, $0x38;
	[tilespmem:$0x1DF80] =	vst v63  }
0x12e: {  	_ =	swait.ge [sflag:s7], $0x3200  }
0x12f: {  	[sflag:s7] =	ssyncset.done $0x0  }
0x130: {  	[sflag:s7] =	ssyncadd.s32 $0xFFFFCE00  }
0x131: {  	_ =	swait.ge [sflag:s11], $0x3200  }
0x132: {  	[sflag:s11] =	ssyncset.done $0x0;
	s20 =	rddreg [dreg:$0xf]  }
0x133: {  	s19 =	sld [smem:$0x7AD];
	[sflag:s11] =	ssyncadd.s32 $0xFFFFCE00  }
0x134: {  	[tilespmem:s5], [sflag:$0x1] =	stream.strided.gather [hbm4b:s20+s2], $0x3200, s3, s2, $0x38;
	[tilespmem:$0x1DF80] =	vst v63  }
0x135: {  	_ = 	snop  }
0x136: {  	[hbm4b:s19+s1] =	stream.linear.scatter [tilespmem:s8], [sflag:$0x3], $0x3200, $0x38;
	[tilespmem:$0x1DF80] =	vst v63  }
0x137: {  	_ =	swait.ge [sflag:s9], $0x3200  }
0x138: {  	[sflag:s9] =	ssyncset.done $0x0  }
0x139: {  	[sflag:s9] =	ssyncadd.s32 $0xFFFFCE00  }
0x13a: {  	_ =	swait.ge [sflag:s12], $0x3200  }
0x13b: {  	[sflag:s12] =	ssyncset.done $0x0;
	s20 =	rddreg [dreg:$0x10]  }
0x13c: {  	s19 =	sld [smem:$0x7AE];
	[sflag:s12] =	ssyncadd.s32 $0xFFFFCE00  }
0x13d: {  	[tilespmem:s6], [sflag:$0x2] =	stream.strided.gather [hbm4b:s20+s2], $0x3200, s3, s2, $0x38;
	[tilespmem:$0x1DF80] =	vst v63  }
0x13e: {  	_ = 	snop  }
0x13f: {  	[hbm4b:s19+s1] =	stream.linear.scatter [tilespmem:s10], [sflag:$0x4], $0x3200, $0x38;
	[tilespmem:$0x1DF80] =	vst v63  }
0x140: {  	_ =	swait.ge [sflag:s7], $0x3200  }
0x141: {  	[sflag:s7] =	ssyncset.done $0x0  }
0x142: {  	[sflag:s7] =	ssyncadd.s32 $0xFFFFCE00  }
0x143: {  	_ =	swait.ge [sflag:s11], $0x3200  }
0x144: {  	[sflag:s11] =	ssyncset.done $0x0;
	s20 =	rddreg [dreg:$0x11]  }
0x145: {  	s19 =	sld [smem:$0x7AF];
	[sflag:s11] =	ssyncadd.s32 $0xFFFFCE00  }
0x146: {  	[tilespmem:s8], [sflag:$0x1] =	stream.strided.gather [hbm4b:s20+s2], $0x3200, s3, s2, $0x38;
	[tilespmem:$0x1DF80] =	vst v63  }
0x147: {  	_ = 	snop  }
0x148: {  	[hbm4b:s19+s1] =	stream.linear.scatter [tilespmem:s5], [sflag:$0x3], $0x3200, $0x38;
	[tilespmem:$0x1DF80] =	vst v63  }
0x149: {  	_ =	swait.ge [sflag:s9], $0x3200  }
0x14a: {  	[sflag:s9] =	ssyncset.done $0x0  }
0x14b: {  	[sflag:s9] =	ssyncadd.s32 $0xFFFFCE00  }
0x14c: {  	_ =	swait.ge [sflag:s12], $0x3200  }
0x14d: {  	[sflag:s12] =	ssyncset.done $0x0;
	s20 =	rddreg [dreg:$0x12]  }
0x14e: {  	s19 =	sld [smem:$0x7B0];
	[sflag:s12] =	ssyncadd.s32 $0xFFFFCE00  }
0x14f: {  	[tilespmem:s10], [sflag:$0x2] =	stream.strided.gather [hbm4b:s20+s2], $0x3200, s3, s2, $0x38;
	[tilespmem:$0x1DF80] =	vst v63  }
0x150: {  	_ = 	snop  }
0x151: {  	[hbm4b:s19+s1] =	stream.linear.scatter [tilespmem:s6], [sflag:$0x4], $0x3200, $0x38;
	[tilespmem:$0x1DF80] =	vst v63  }
0x152: {  	_ =	swait.ge [sflag:s7], $0x3200  }
0x153: {  	[sflag:s7] =	ssyncset.done $0x0  }
0x154: {  	[sflag:s7] =	ssyncadd.s32 $0xFFFFCE00  }
0x155: {  	_ =	swait.ge [sflag:s11], $0x3200  }
0x156: {  	[sflag:s11] =	ssyncset.done $0x0;
	s20 =	rddreg [dreg:$0x13]  }
0x157: {  	s19 =	sld [smem:$0x7B1];
	[sflag:s11] =	ssyncadd.s32 $0xFFFFCE00  }
0x158: {  	[tilespmem:s5], [sflag:$0x1] =	stream.strided.gather [hbm4b:s20+s2], $0x3200, s3, s2, $0x38;
	[tilespmem:$0x1DF80] =	vst v63  }
0x159: {  	_ = 	snop  }
0x15a: {  	[hbm4b:s19+s1] =	stream.linear.scatter [tilespmem:s8], [sflag:$0x3], $0x3200, $0x38;
	[tilespmem:$0x1DF80] =	vst v63  }
0x15b: {  	_ =	swait.ge [sflag:s9], $0x3200  }
0x15c: {  	[sflag:s9] =	ssyncset.done $0x0  }
0x15d: {  	[sflag:s9] =	ssyncadd.s32 $0xFFFFCE00  }
0x15e: {  	_ =	swait.ge [sflag:s12], $0x3200  }
0x15f: {  	[sflag:s12] =	ssyncset.done $0x0;
	s20 =	rddreg [dreg:$0x14]  }
0x160: {  	s19 =	sld [smem:$0x7B2];
	[sflag:s12] =	ssyncadd.s32 $0xFFFFCE00  }
0x161: {  	[tilespmem:s6], [sflag:$0x2] =	stream.strided.gather [hbm4b:s20+s2], $0x3200, s3, s2, $0x38;
	[tilespmem:$0x1DF80] =	vst v63  }
0x162: {  	_ = 	snop  }
0x163: {  	[hbm4b:s19+s1] =	stream.linear.scatter [tilespmem:s10], [sflag:$0x4], $0x3200, $0x38;
	[tilespmem:$0x1DF80] =	vst v63  }
0x164: {  	_ =	swait.ge [sflag:s7], $0x3200  }
0x165: {  	[sflag:s7] =	ssyncset.done $0x0  }
0x166: {  	[sflag:s7] =	ssyncadd.s32 $0xFFFFCE00  }
0x167: {  	_ =	swait.ge [sflag:s11], $0x3200  }
0x168: {  	[sflag:s11] =	ssyncset.done $0x0;
	s20 =	rddreg [dreg:$0x15]  }
0x169: {  	s19 =	sld [smem:$0x7B3];
	[sflag:s11] =	ssyncadd.s32 $0xFFFFCE00  }
0x16a: {  	[tilespmem:s8], [sflag:$0x1] =	stream.strided.gather [hbm4b:s20+s2], $0x3200, s3, s2, $0x38;
	[tilespmem:$0x1DF80] =	vst v63  }
0x16b: {  	_ = 	snop  }
0x16c: {  	[hbm4b:s19+s1] =	stream.linear.scatter [tilespmem:s5], [sflag:$0x3], $0x3200, $0x38;
	[tilespmem:$0x1DF80] =	vst v63  }
0x16d: {  	_ =	swait.ge [sflag:s9], $0x3200  }
0x16e: {  	[sflag:s9] =	ssyncset.done $0x0  }
0x16f: {  	[sflag:s9] =	ssyncadd.s32 $0xFFFFCE00  }
0x170: {  	_ =	swait.ge [sflag:s12], $0x3200  }
0x171: {  	[sflag:s12] =	ssyncset.done $0x0;
	s20 =	rddreg [dreg:$0x16]  }
0x172: {  	s19 =	sld [smem:$0x7B4];
	[sflag:s12] =	ssyncadd.s32 $0xFFFFCE00  }
0x173: {  	[tilespmem:s10], [sflag:$0x2] =	stream.strided.gather [hbm4b:s20+s2], $0x3200, s3, s2, $0x38;
	[tilespmem:$0x1DF80] =	vst v63  }
0x174: {  	_ = 	snop  }
0x175: {  	[hbm4b:s19+s1] =	stream.linear.scatter [tilespmem:s6], [sflag:$0x4], $0x3200, $0x38;
	[tilespmem:$0x1DF80] =	vst v63  }
0x176: {  	_ =	swait.ge [sflag:s7], $0x3200  }
0x177: {  	[sflag:s7] =	ssyncset.done $0x0  }
0x178: {  	[sflag:s7] =	ssyncadd.s32 $0xFFFFCE00  }
0x179: {  	_ =	swait.ge [sflag:s11], $0x3200  }
0x17a: {  	[sflag:s11] =	ssyncset.done $0x0;
	s20 =	rddreg [dreg:$0x17]  }
0x17b: {  	s19 =	sld [smem:$0x7B5];
	[sflag:s11] =	ssyncadd.s32 $0xFFFFCE00  }
0x17c: {  	[tilespmem:s5], [sflag:$0x1] =	stream.strided.gather [hbm4b:s20+s2], $0x3200, s3, s2, $0x38;
	[tilespmem:$0x1DF80] =	vst v63  }
0x17d: {  	_ = 	snop  }
0x17e: {  	[hbm4b:s19+s1] =	stream.linear.scatter [tilespmem:s8], [sflag:$0x3], $0x3200, $0x38;
	[tilespmem:$0x1DF80] =	vst v63  }
0x17f: {  	_ =	swait.ge [sflag:s9], $0x3200  }
0x180: {  	[sflag:s9] =	ssyncset.done $0x0  }
0x181: {  	[sflag:s9] =	ssyncadd.s32 $0xFFFFCE00  }
0x182: {  	_ =	swait.ge [sflag:s12], $0x3200  }
0x183: {  	[sflag:s12] =	ssyncset.done $0x0;
	s20 =	rddreg [dreg:$0x18]  }
0x184: {  	s19 =	sld [smem:$0x7B6];
	[sflag:s12] =	ssyncadd.s32 $0xFFFFCE00  }
0x185: {  	[tilespmem:s6], [sflag:$0x2] =	stream.strided.gather [hbm4b:s20+s2], $0x3200, s3, s2, $0x38;
	[tilespmem:$0x1DF80] =	vst v63  }
0x186: {  	_ = 	snop  }
0x187: {  	[hbm4b:s19+s1] =	stream.linear.scatter [tilespmem:s10], [sflag:$0x4], $0x3200, $0x38;
	[tilespmem:$0x1DF80] =	vst v63  }
0x188: {  	_ =	swait.ge [sflag:s7], $0x3200  }
0x189: {  	[sflag:s7] =	ssyncset.done $0x0  }
0x18a: {  	[sflag:s7] =	ssyncadd.s32 $0xFFFFCE00  }
0x18b: {  	_ =	swait.ge [sflag:s11], $0x3200  }
0x18c: {  	[sflag:s11] =	ssyncset.done $0x0;
	s20 =	rddreg [dreg:$0x19]  }
0x18d: {  	s19 =	sld [smem:$0x7B7];
	[sflag:s11] =	ssyncadd.s32 $0xFFFFCE00  }
0x18e: {  	[tilespmem:s8], [sflag:$0x1] =	stream.strided.gather [hbm4b:s20+s2], $0x3200, s3, s2, $0x38;
	[tilespmem:$0x1DF80] =	vst v63  }
0x18f: {  	_ = 	snop  }
0x190: {  	[hbm4b:s19+s1] =	stream.linear.scatter [tilespmem:s5], [sflag:$0x3], $0x3200, $0x38;
	[tilespmem:$0x1DF80] =	vst v63  }
0x191: {  	_ =	swait.ge [sflag:s9], $0x3200  }
0x192: {  	[sflag:s9] =	ssyncset.done $0x0  }
0x193: {  	[sflag:s9] =	ssyncadd.s32 $0xFFFFCE00  }
0x194: {  	_ =	swait.ge [sflag:s12], $0x3200  }
0x195: {  	[sflag:s12] =	ssyncset.done $0x0;
	s20 =	rddreg [dreg:$0x1a]  }
0x196: {  	s19 =	sld [smem:$0x7B8];
	[sflag:s12] =	ssyncadd.s32 $0xFFFFCE00  }
0x197: {  	[tilespmem:s10], [sflag:$0x2] =	stream.strided.gather [hbm4b:s20+s2], $0x3200, s3, s2, $0x38;
	[tilespmem:$0x1DF80] =	vst v63  }
0x198: {  	_ = 	snop  }
0x199: {  	[hbm4b:s19+s1] =	stream.linear.scatter [tilespmem:s6], [sflag:$0x4], $0x3200, $0x38;
	[tilespmem:$0x1DF80] =	vst v63  }
0x19a: {  	_ =	swait.ge [sflag:s7], $0x3200  }
0x19b: {  	[sflag:s7] =	ssyncset.done $0x0  }
0x19c: {  	[sflag:s7] =	ssyncadd.s32 $0xFFFFCE00  }
0x19d: {  	_ =	swait.ge [sflag:s11], $0x3200  }
0x19e: {  	[sflag:s11] =	ssyncset.done $0x0;
	s20 =	rddreg [dreg:$0x1b]  }
0x19f: {  	s19 =	sld [smem:$0x7B9];
	[sflag:s11] =	ssyncadd.s32 $0xFFFFCE00  }
0x1a0: {  	[tilespmem:s5], [sflag:$0x1] =	stream.strided.gather [hbm4b:s20+s2], $0x3200, s3, s2, $0x38;
	[tilespmem:$0x1DF80] =	vst v63  }
0x1a1: {  	_ = 	snop  }
0x1a2: {  	[hbm4b:s19+s1] =	stream.linear.scatter [tilespmem:s8], [sflag:$0x3], $0x3200, $0x38;
	[tilespmem:$0x1DF80] =	vst v63  }
0x1a3: {  	_ =	swait.ge [sflag:s9], $0x3200  }
0x1a4: {  	[sflag:s9] =	ssyncset.done $0x0  }
0x1a5: {  	[sflag:s9] =	ssyncadd.s32 $0xFFFFCE00  }
0x1a6: {  	_ =	swait.ge [sflag:s12], $0x3200  }
0x1a7: {  	[sflag:s12] =	ssyncset.done $0x0;
	s20 =	rddreg [dreg:$0x1c]  }
0x1a8: {  	s19 =	sld [smem:$0x7BA];
	[sflag:s12] =	ssyncadd.s32 $0xFFFFCE00  }
0x1a9: {  	[tilespmem:s6], [sflag:$0x2] =	stream.strided.gather [hbm4b:s20+s2], $0x3200, s3, s2, $0x38;
	[tilespmem:$0x1DF80] =	vst v63  }
0x1aa: {  	_ = 	snop  }
0x1ab: {  	[hbm4b:s19+s1] =	stream.linear.scatter [tilespmem:s10], [sflag:$0x4], $0x3200, $0x38;
	[tilespmem:$0x1DF80] =	vst v63  }
0x1ac: {  	_ =	swait.ge [sflag:s7], $0x3200  }
0x1ad: {  	[sflag:s7] =	ssyncset.done $0x0  }
0x1ae: {  	[sflag:s7] =	ssyncadd.s32 $0xFFFFCE00  }
0x1af: {  	_ =	swait.ge [sflag:s11], $0x3200  }
0x1b0: {  	[sflag:s11] =	ssyncset.done $0x0;
	s20 =	rddreg [dreg:$0x1d]  }
0x1b1: {  	s19 =	sld [smem:$0x7BB];
	[sflag:s11] =	ssyncadd.s32 $0xFFFFCE00  }
0x1b2: {  	[tilespmem:s8], [sflag:$0x1] =	stream.strided.gather [hbm4b:s20+s2], $0x3200, s3, s2, $0x38;
	[tilespmem:$0x1DF80] =	vst v63  }
0x1b3: {  	_ = 	snop  }
0x1b4: {  	[hbm4b:s19+s1] =	stream.linear.scatter [tilespmem:s5], [sflag:$0x3], $0x3200, $0x38;
	[tilespmem:$0x1DF80] =	vst v63  }
0x1b5: {  	_ =	swait.ge [sflag:s9], $0x3200  }
0x1b6: {  	[sflag:s9] =	ssyncset.done $0x0  }
0x1b7: {  	[sflag:s9] =	ssyncadd.s32 $0xFFFFCE00  }
0x1b8: {  	_ =	swait.ge [sflag:s12], $0x3200  }
0x1b9: {  	[sflag:s12] =	ssyncset.done $0x0;
	s20 =	rddreg [dreg:$0x1e]  }
0x1ba: {  	s19 =	sld [smem:$0x7BC];
	[sflag:s12] =	ssyncadd.s32 $0xFFFFCE00  }
0x1bb: {  	[tilespmem:s10], [sflag:$0x2] =	stream.strided.gather [hbm4b:s20+s2], $0x3200, s3, s2, $0x38;
	[tilespmem:$0x1DF80] =	vst v63  }
0x1bc: {  	_ = 	snop  }
0x1bd: {  	[hbm4b:s19+s1] =	stream.linear.scatter [tilespmem:s6], [sflag:$0x4], $0x3200, $0x38;
	[tilespmem:$0x1DF80] =	vst v63  }
0x1be: {  	_ =	swait.ge [sflag:s7], $0x3200  }
0x1bf: {  	[sflag:s7] =	ssyncset.done $0x0  }
0x1c0: {  	[sflag:s7] =	ssyncadd.s32 $0xFFFFCE00  }
0x1c1: {  	_ =	swait.ge [sflag:s11], $0x3200  }
0x1c2: {  	[sflag:s11] =	ssyncset.done $0x0;
	s20 =	rddreg [dreg:$0x1f]  }
0x1c3: {  	s19 =	sld [smem:$0x7BD];
	[sflag:s11] =	ssyncadd.s32 $0xFFFFCE00  }
0x1c4: {  	[tilespmem:s5], [sflag:$0x1] =	stream.strided.gather [hbm4b:s20+s2], $0x3200, s3, s2, $0x38;
	[tilespmem:$0x1DF80] =	vst v63  }
0x1c5: {  	_ = 	snop  }
0x1c6: {  	[hbm4b:s19+s1] =	stream.linear.scatter [tilespmem:s8], [sflag:$0x3], $0x3200, $0x38;
	[tilespmem:$0x1DF80] =	vst v63  }
0x1c7: {  	_ =	swait.ge [sflag:s9], $0x3200  }
0x1c8: {  	[sflag:s9] =	ssyncset.done $0x0  }
0x1c9: {  	[sflag:s9] =	ssyncadd.s32 $0xFFFFCE00  }
0x1ca: {  	_ =	swait.ge [sflag:s12], $0x3200  }
0x1cb: {  	s20 =	sld [smem:$0x772]  }
0x1cc: {  	[sflag:s12] =	ssyncset.done $0x0  }
0x1cd: {  	s19 =	sld [smem:$0x7BE];
	[sflag:s12] =	ssyncadd.s32 $0xFFFFCE00  }
0x1ce: {  	[tilespmem:s6], [sflag:$0x2] =	stream.strided.gather [hbm4b:s20+s2], $0x3200, s3, s2, $0x38;
	[tilespmem:$0x1DF80] =	vst v63  }
0x1cf: {  	_ = 	snop  }
0x1d0: {  	[hbm4b:s19+s1] =	stream.linear.scatter [tilespmem:s10], [sflag:$0x4], $0x3200, $0x38;
	[tilespmem:$0x1DF80] =	vst v63  }
0x1d1: {  	_ =	swait.ge [sflag:s7], $0x3200  }
0x1d2: {  	[sflag:s7] =	ssyncset.done $0x0  }
0x1d3: {  	[sflag:s7] =	ssyncadd.s32 $0xFFFFCE00  }
0x1d4: {  	_ =	swait.ge [sflag:s11], $0x3200  }
0x1d5: {  	[sflag:s11] =	ssyncset.done $0x0  }
0x1d6: {  	[sflag:s11] =	ssyncadd.s32 $0xFFFFCE00  }
0x1d7: {  	s20 =	sld [smem:$0x773];
	_ =	sdelay $0x1  }
0x1d8: {  	s19 =	sld [smem:$0x7BF]  }
0x1d9: {  	[tilespmem:s8], [sflag:$0x1] =	stream.strided.gather [hbm4b:s20+s2], $0x3200, s3, s2, $0x38;
	[tilespmem:$0x1DF80] =	vst v63  }
0x1da: {  	_ = 	snop  }
0x1db: {  	[hbm4b:s19+s1] =	stream.linear.scatter [tilespmem:s5], [sflag:$0x3], $0x3200, $0x38;
	[tilespmem:$0x1DF80] =	vst v63  }
0x1dc: {  	_ =	swait.ge [sflag:s9], $0x3200  }
0x1dd: {  	[sflag:s9] =	ssyncset.done $0x0  }
0x1de: {  	[sflag:s9] =	ssyncadd.s32 $0xFFFFCE00  }
0x1df: {  	_ =	swait.ge [sflag:s12], $0x3200  }
0x1e0: {  	s20 =	sld [smem:$0x774]  }
0x1e1: {  	[sflag:s12] =	ssyncset.done $0x0  }
0x1e2: {  	s19 =	sld [smem:$0x7C0];
	[sflag:s12] =	ssyncadd.s32 $0xFFFFCE00  }
0x1e3: {  	[tilespmem:s10], [sflag:$0x2] =	stream.strided.gather [hbm4b:s20+s2], $0x3200, s3, s2, $0x38;
	[tilespmem:$0x1DF80] =	vst v63  }
0x1e4: {  	_ = 	snop  }
0x1e5: {  	[hbm4b:s19+s1] =	stream.linear.scatter [tilespmem:s6], [sflag:$0x4], $0x3200, $0x38;
	[tilespmem:$0x1DF80] =	vst v63  }
0x1e6: {  	_ =	swait.ge [sflag:s7], $0x3200  }
0x1e7: {  	[sflag:s7] =	ssyncset.done $0x0  }
0x1e8: {  	[sflag:s7] =	ssyncadd.s32 $0xFFFFCE00  }
0x1e9: {  	_ =	swait.ge [sflag:s11], $0x3200  }
0x1ea: {  	s20 =	sld [smem:$0x775]  }
0x1eb: {  	[sflag:s11] =	ssyncset.done $0x0  }
0x1ec: {  	s19 =	sld [smem:$0x7C1];
	[sflag:s11] =	ssyncadd.s32 $0xFFFFCE00  }
0x1ed: {  	[tilespmem:s5], [sflag:$0x1] =	stream.strided.gather [hbm4b:s20+s2], $0x3200, s3, s2, $0x38;
	[tilespmem:$0x1DF80] =	vst v63  }
0x1ee: {  	_ = 	snop  }
0x1ef: {  	[hbm4b:s19+s1] =	stream.linear.scatter [tilespmem:s8], [sflag:$0x3], $0x3200, $0x38;
	[tilespmem:$0x1DF80] =	vst v63  }
0x1f0: {  	_ =	swait.ge [sflag:s9], $0x3200  }
0x1f1: {  	[sflag:s9] =	ssyncset.done $0x0  }
0x1f2: {  	[sflag:s9] =	ssyncadd.s32 $0xFFFFCE00  }
0x1f3: {  	_ =	swait.ge [sflag:s12], $0x3200  }
0x1f4: {  	s20 =	sld [smem:$0x776]  }
0x1f5: {  	[sflag:s12] =	ssyncset.done $0x0  }
0x1f6: {  	s19 =	sld [smem:$0x7C2];
	[sflag:s12] =	ssyncadd.s32 $0xFFFFCE00  }
0x1f7: {  	[tilespmem:s6], [sflag:$0x2] =	stream.strided.gather [hbm4b:s20+s2], $0x3200, s3, s2, $0x38;
	[tilespmem:$0x1DF80] =	vst v63  }
0x1f8: {  	_ = 	snop  }
0x1f9: {  	[hbm4b:s19+s1] =	stream.linear.scatter [tilespmem:s10], [sflag:$0x4], $0x3200, $0x38;
	[tilespmem:$0x1DF80] =	vst v63  }
0x1fa: {  	_ =	swait.ge [sflag:s7], $0x3200  }
0x1fb: {  	[sflag:s7] =	ssyncset.done $0x0  }
0x1fc: {  	[sflag:s7] =	ssyncadd.s32 $0xFFFFCE00  }
0x1fd: {  	_ =	swait.ge [sflag:s11], $0x3200  }
0x1fe: {  	s20 =	sld [smem:$0x777]  }
0x1ff: {  	[sflag:s11] =	ssyncset.done $0x0  }
0x200: {  	s19 =	sld [smem:$0x7C3];
	[sflag:s11] =	ssyncadd.s32 $0xFFFFCE00  }
0x201: {  	[tilespmem:s8], [sflag:$0x1] =	stream.strided.gather [hbm4b:s20+s2], $0x3200, s3, s2, $0x38;
	[tilespmem:$0x1DF80] =	vst v63  }
0x202: {  	_ = 	snop  }
0x203: {  	[hbm4b:s19+s1] =	stream.linear.scatter [tilespmem:s5], [sflag:$0x3], $0x3200, $0x38;
	[tilespmem:$0x1DF80] =	vst v63  }
0x204: {  	_ =	swait.ge [sflag:s9], $0x3200  }
0x205: {  	[sflag:s9] =	ssyncset.done $0x0  }
0x206: {  	[sflag:s9] =	ssyncadd.s32 $0xFFFFCE00  }
0x207: {  	_ =	swait.ge [sflag:s12], $0x3200  }
0x208: {  	s20 =	sld [smem:$0x778]  }
0x209: {  	[sflag:s12] =	ssyncset.done $0x0  }
0x20a: {  	s19 =	sld [smem:$0x7C4];
	[sflag:s12] =	ssyncadd.s32 $0xFFFFCE00  }
0x20b: {  	[tilespmem:s10], [sflag:$0x2] =	stream.strided.gather [hbm4b:s20+s2], $0x3200, s3, s2, $0x38;
	[tilespmem:$0x1DF80] =	vst v63  }
0x20c: {  	_ = 	snop  }
0x20d: {  	[hbm4b:s19+s1] =	stream.linear.scatter [tilespmem:s6], [sflag:$0x4], $0x3200, $0x38;
	[tilespmem:$0x1DF80] =	vst v63  }
0x20e: {  	_ =	swait.ge [sflag:s7], $0x3200  }
0x20f: {  	[sflag:s7] =	ssyncset.done $0x0  }
0x210: {  	[sflag:s7] =	ssyncadd.s32 $0xFFFFCE00  }
0x211: {  	_ =	swait.ge [sflag:s11], $0x3200  }
0x212: {  	s20 =	sld [smem:$0x779]  }
0x213: {  	[sflag:s11] =	ssyncset.done $0x0  }
0x214: {  	s19 =	sld [smem:$0x7C5];
	[sflag:s11] =	ssyncadd.s32 $0xFFFFCE00  }
0x215: {  	[tilespmem:s5], [sflag:$0x1] =	stream.strided.gather [hbm4b:s20+s2], $0x3200, s3, s2, $0x38;
	[tilespmem:$0x1DF80] =	vst v63  }
0x216: {  	_ = 	snop  }
0x217: {  	[hbm4b:s19+s1] =	stream.linear.scatter [tilespmem:s8], [sflag:$0x3], $0x3200, $0x38;
	[tilespmem:$0x1DF80] =	vst v63  }
0x218: {  	_ =	swait.ge [sflag:s9], $0x3200  }
0x219: {  	[sflag:s9] =	ssyncset.done $0x0  }
0x21a: {  	[sflag:s9] =	ssyncadd.s32 $0xFFFFCE00  }
0x21b: {  	_ =	swait.ge [sflag:s12], $0x3200  }
0x21c: {  	s20 =	sld [smem:$0x77A]  }
0x21d: {  	[sflag:s12] =	ssyncset.done $0x0  }
0x21e: {  	s19 =	sld [smem:$0x7C6];
	[sflag:s12] =	ssyncadd.s32 $0xFFFFCE00  }
0x21f: {  	[tilespmem:s6], [sflag:$0x2] =	stream.strided.gather [hbm4b:s20+s2], $0x3200, s3, s2, $0x38;
	[tilespmem:$0x1DF80] =	vst v63  }
0x220: {  	_ = 	snop  }
0x221: {  	[hbm4b:s19+s1] =	stream.linear.scatter [tilespmem:s10], [sflag:$0x4], $0x3200, $0x38;
	[tilespmem:$0x1DF80] =	vst v63  }
0x222: {  	_ =	swait.ge [sflag:s7], $0x3200  }
0x223: {  	[sflag:s7] =	ssyncset.done $0x0  }
0x224: {  	[sflag:s7] =	ssyncadd.s32 $0xFFFFCE00  }
0x225: {  	_ =	swait.ge [sflag:s11], $0x3200  }
0x226: {  	s20 =	sld [smem:$0x77B]  }
0x227: {  	[sflag:s11] =	ssyncset.done $0x0  }
0x228: {  	s19 =	sld [smem:$0x7C7];
	[sflag:s11] =	ssyncadd.s32 $0xFFFFCE00  }
0x229: {  	[tilespmem:s8], [sflag:$0x1] =	stream.strided.gather [hbm4b:s20+s2], $0x3200, s3, s2, $0x38;
	[tilespmem:$0x1DF80] =	vst v63  }
0x22a: {  	_ = 	snop  }
0x22b: {  	[hbm4b:s19+s1] =	stream.linear.scatter [tilespmem:s5], [sflag:$0x3], $0x3200, $0x38;
	[tilespmem:$0x1DF80] =	vst v63  }
0x22c: {  	_ =	swait.ge [sflag:s9], $0x3200  }
0x22d: {  	[sflag:s9] =	ssyncset.done $0x0  }
0x22e: {  	[sflag:s9] =	ssyncadd.s32 $0xFFFFCE00  }
0x22f: {  	_ =	swait.ge [sflag:s12], $0x3200  }
0x230: {  	s20 =	sld [smem:$0x77C]  }
0x231: {  	[sflag:s12] =	ssyncset.done $0x0  }
0x232: {  	s19 =	sld [smem:$0x7C8];
	[sflag:s12] =	ssyncadd.s32 $0xFFFFCE00  }
0x233: {  	[tilespmem:s10], [sflag:$0x2] =	stream.strided.gather [hbm4b:s20+s2], $0x3200, s3, s2, $0x38;
	[tilespmem:$0x1DF80] =	vst v63  }
0x234: {  	_ = 	snop  }
0x235: {  	[hbm4b:s19+s1] =	stream.linear.scatter [tilespmem:s6], [sflag:$0x4], $0x3200, $0x38;
	[tilespmem:$0x1DF80] =	vst v63  }
0x236: {  	_ =	swait.ge [sflag:s7], $0x3200  }
0x237: {  	[sflag:s7] =	ssyncset.done $0x0  }
0x238: {  	[sflag:s7] =	ssyncadd.s32 $0xFFFFCE00  }
0x239: {  	_ =	swait.ge [sflag:s11], $0x3200  }
0x23a: {  	s20 =	sld [smem:$0x77D]  }
0x23b: {  	[sflag:s11] =	ssyncset.done $0x0  }
0x23c: {  	s19 =	sld [smem:$0x7C9];
	[sflag:s11] =	ssyncadd.s32 $0xFFFFCE00  }
0x23d: {  	[tilespmem:s5], [sflag:$0x1] =	stream.strided.gather [hbm4b:s20+s2], $0x3200, s3, s2, $0x38;
	[tilespmem:$0x1DF80] =	vst v63  }
0x23e: {  	_ = 	snop  }
0x23f: {  	[hbm4b:s19+s1] =	stream.linear.scatter [tilespmem:s8], [sflag:$0x3], $0x3200, $0x38;
	[tilespmem:$0x1DF80] =	vst v63  }
0x240: {  	_ =	swait.ge [sflag:s9], $0x3200  }
0x241: {  	[sflag:s9] =	ssyncset.done $0x0  }
0x242: {  	[sflag:s9] =	ssyncadd.s32 $0xFFFFCE00  }
0x243: {  	_ =	swait.ge [sflag:s12], $0x3200  }
0x244: {  	s20 =	sld [smem:$0x77E]  }
0x245: {  	[sflag:s12] =	ssyncset.done $0x0  }
0x246: {  	s19 =	sld [smem:$0x7CA];
	[sflag:s12] =	ssyncadd.s32 $0xFFFFCE00  }
0x247: {  	[tilespmem:s6], [sflag:$0x2] =	stream.strided.gather [hbm4b:s20+s2], $0x3200, s3, s2, $0x38;
	[tilespmem:$0x1DF80] =	vst v63  }
0x248: {  	_ = 	snop  }
0x249: {  	[hbm4b:s19+s1] =	stream.linear.scatter [tilespmem:s10], [sflag:$0x4], $0x3200, $0x38;
	[tilespmem:$0x1DF80] =	vst v63  }
0x24a: {  	_ =	swait.ge [sflag:s7], $0x3200  }
0x24b: {  	[sflag:s7] =	ssyncset.done $0x0  }
0x24c: {  	[sflag:s7] =	ssyncadd.s32 $0xFFFFCE00  }
0x24d: {  	_ =	swait.ge [sflag:s11], $0x3200  }
0x24e: {  	s20 =	sld [smem:$0x77F]  }
0x24f: {  	[sflag:s11] =	ssyncset.done $0x0  }
0x250: {  	s19 =	sld [smem:$0x7CB];
	[sflag:s11] =	ssyncadd.s32 $0xFFFFCE00  }
0x251: {  	[tilespmem:s8], [sflag:$0x1] =	stream.strided.gather [hbm4b:s20+s2], $0x3200, s3, s2, $0x38;
	[tilespmem:$0x1DF80] =	vst v63  }
0x252: {  	_ = 	snop  }
0x253: {  	[hbm4b:s19+s1] =	stream.linear.scatter [tilespmem:s5], [sflag:$0x3], $0x3200, $0x38;
	[tilespmem:$0x1DF80] =	vst v63  }
0x254: {  	_ =	swait.ge [sflag:s9], $0x3200  }
0x255: {  	[sflag:s9] =	ssyncset.done $0x0  }
0x256: {  	[sflag:s9] =	ssyncadd.s32 $0xFFFFCE00  }
0x257: {  	_ =	swait.ge [sflag:s12], $0x3200  }
0x258: {  	s20 =	sld [smem:$0x780]  }
0x259: {  	[sflag:s12] =	ssyncset.done $0x0  }
0x25a: {  	s19 =	sld [smem:$0x7CC];
	[sflag:s12] =	ssyncadd.s32 $0xFFFFCE00  }
0x25b: {  	[tilespmem:s10], [sflag:$0x2] =	stream.strided.gather [hbm4b:s20+s2], $0x3200, s3, s2, $0x38;
	[tilespmem:$0x1DF80] =	vst v63  }
0x25c: {  	_ = 	snop  }
0x25d: {  	[hbm4b:s19+s1] =	stream.linear.scatter [tilespmem:s6], [sflag:$0x4], $0x3200, $0x38;
	[tilespmem:$0x1DF80] =	vst v63  }
0x25e: {  	_ =	swait.ge [sflag:s7], $0x3200  }
0x25f: {  	[sflag:s7] =	ssyncset.done $0x0  }
0x260: {  	[sflag:s7] =	ssyncadd.s32 $0xFFFFCE00  }
0x261: {  	_ =	swait.ge [sflag:s11], $0x3200  }
0x262: {  	s20 =	sld [smem:$0x781]  }
0x263: {  	[sflag:s11] =	ssyncset.done $0x0  }
0x264: {  	s19 =	sld [smem:$0x7CD];
	[sflag:s11] =	ssyncadd.s32 $0xFFFFCE00  }
0x265: {  	[tilespmem:s5], [sflag:$0x1] =	stream.strided.gather [hbm4b:s20+s2], $0x3200, s3, s2, $0x38;
	[tilespmem:$0x1DF80] =	vst v63  }
0x266: {  	_ = 	snop  }
0x267: {  	[hbm4b:s19+s1] =	stream.linear.scatter [tilespmem:s8], [sflag:$0x3], $0x3200, $0x38;
	[tilespmem:$0x1DF80] =	vst v63  }
0x268: {  	_ =	swait.ge [sflag:s9], $0x3200  }
0x269: {  	[sflag:s9] =	ssyncset.done $0x0  }
0x26a: {  	[sflag:s9] =	ssyncadd.s32 $0xFFFFCE00  }
0x26b: {  	_ =	swait.ge [sflag:s12], $0x3200  }
0x26c: {  	s20 =	sld [smem:$0x782]  }
0x26d: {  	[sflag:s12] =	ssyncset.done $0x0  }
0x26e: {  	s19 =	sld [smem:$0x7CE];
	[sflag:s12] =	ssyncadd.s32 $0xFFFFCE00  }
0x26f: {  	[tilespmem:s6], [sflag:$0x2] =	stream.strided.gather [hbm4b:s20+s2], $0x3200, s3, s2, $0x38;
	[tilespmem:$0x1DF80] =	vst v63  }
0x270: {  	_ = 	snop  }
0x271: {  	[hbm4b:s19+s1] =	stream.linear.scatter [tilespmem:s10], [sflag:$0x4], $0x3200, $0x38;
	[tilespmem:$0x1DF80] =	vst v63  }
0x272: {  	_ =	swait.ge [sflag:s7], $0x3200  }
0x273: {  	[sflag:s7] =	ssyncset.done $0x0  }
0x274: {  	[sflag:s7] =	ssyncadd.s32 $0xFFFFCE00  }
0x275: {  	_ =	swait.ge [sflag:s11], $0x3200  }
0x276: {  	s20 =	sld [smem:$0x783]  }
0x277: {  	[sflag:s11] =	ssyncset.done $0x0  }
0x278: {  	s19 =	sld [smem:$0x7CF];
	[sflag:s11] =	ssyncadd.s32 $0xFFFFCE00  }
0x279: {  	[tilespmem:s8], [sflag:$0x1] =	stream.strided.gather [hbm4b:s20+s2], $0x3200, s3, s2, $0x38;
	[tilespmem:$0x1DF80] =	vst v63  }
0x27a: {  	_ = 	snop  }
0x27b: {  	[hbm4b:s19+s1] =	stream.linear.scatter [tilespmem:s5], [sflag:$0x3], $0x3200, $0x38;
	[tilespmem:$0x1DF80] =	vst v63  }
0x27c: {  	_ =	swait.ge [sflag:s9], $0x3200  }
0x27d: {  	[sflag:s9] =	ssyncset.done $0x0  }
0x27e: {  	[sflag:s9] =	ssyncadd.s32 $0xFFFFCE00  }
0x27f: {  	_ =	swait.ge [sflag:s12], $0x3200  }
0x280: {  	s20 =	sld [smem:$0x784]  }
0x281: {  	[sflag:s12] =	ssyncset.done $0x0  }
0x282: {  	s19 =	sld [smem:$0x7D0];
	[sflag:s12] =	ssyncadd.s32 $0xFFFFCE00  }
0x283: {  	[tilespmem:s10], [sflag:$0x2] =	stream.strided.gather [hbm4b:s20+s2], $0x3200, s3, s2, $0x38;
	[tilespmem:$0x1DF80] =	vst v63  }
0x284: {  	_ = 	snop  }
0x285: {  	[hbm4b:s19+s1] =	stream.linear.scatter [tilespmem:s6], [sflag:$0x4], $0x3200, $0x38;
	[tilespmem:$0x1DF80] =	vst v63  }
0x286: {  	_ =	swait.ge [sflag:s7], $0x3200  }
0x287: {  	[sflag:s7] =	ssyncset.done $0x0  }
0x288: {  	[sflag:s7] =	ssyncadd.s32 $0xFFFFCE00  }
0x289: {  	_ =	swait.ge [sflag:s11], $0x3200  }
0x28a: {  	s20 =	sld [smem:$0x785]  }
0x28b: {  	[sflag:s11] =	ssyncset.done $0x0  }
0x28c: {  	s19 =	sld [smem:$0x7D1];
	[sflag:s11] =	ssyncadd.s32 $0xFFFFCE00  }
0x28d: {  	[tilespmem:s5], [sflag:$0x1] =	stream.strided.gather [hbm4b:s20+s2], $0x3200, s3, s2, $0x38;
	[tilespmem:$0x1DF80] =	vst v63  }
0x28e: {  	_ = 	snop  }
0x28f: {  	[hbm4b:s19+s1] =	stream.linear.scatter [tilespmem:s8], [sflag:$0x3], $0x3200, $0x38;
	[tilespmem:$0x1DF80] =	vst v63  }
0x290: {  	_ =	swait.ge [sflag:s9], $0x3200  }
0x291: {  	[sflag:s9] =	ssyncset.done $0x0  }
0x292: {  	[sflag:s9] =	ssyncadd.s32 $0xFFFFCE00  }
0x293: {  	_ =	swait.ge [sflag:s12], $0x3200  }
0x294: {  	s20 =	sld [smem:$0x786]  }
0x295: {  	[sflag:s12] =	ssyncset.done $0x0  }
0x296: {  	s19 =	sld [smem:$0x7D2];
	[sflag:s12] =	ssyncadd.s32 $0xFFFFCE00  }
0x297: {  	[tilespmem:s6], [sflag:$0x2] =	stream.strided.gather [hbm4b:s20+s2], $0x3200, s3, s2, $0x38;
	[tilespmem:$0x1DF80] =	vst v63  }
0x298: {  	_ = 	snop  }
0x299: {  	[hbm4b:s19+s1] =	stream.linear.scatter [tilespmem:s10], [sflag:$0x4], $0x3200, $0x38;
	[tilespmem:$0x1DF80] =	vst v63  }
0x29a: {  	_ =	swait.ge [sflag:s7], $0x3200  }
0x29b: {  	[sflag:s7] =	ssyncset.done $0x0  }
0x29c: {  	[sflag:s7] =	ssyncadd.s32 $0xFFFFCE00  }
0x29d: {  	_ =	swait.ge [sflag:s11], $0x3200  }
0x29e: {  	s20 =	sld [smem:$0x787]  }
0x29f: {  	[sflag:s11] =	ssyncset.done $0x0  }
0x2a0: {  	s19 =	sld [smem:$0x7D3];
	[sflag:s11] =	ssyncadd.s32 $0xFFFFCE00  }
0x2a1: {  	[tilespmem:s8], [sflag:$0x1] =	stream.strided.gather [hbm4b:s20+s2], $0x3200, s3, s2, $0x38;
	[tilespmem:$0x1DF80] =	vst v63  }
0x2a2: {  	_ = 	snop  }
0x2a3: {  	[hbm4b:s19+s1] =	stream.linear.scatter [tilespmem:s5], [sflag:$0x3], $0x3200, $0x38;
	[tilespmem:$0x1DF80] =	vst v63  }
0x2a4: {  	_ =	swait.ge [sflag:s9], $0x3200  }
0x2a5: {  	[sflag:s9] =	ssyncset.done $0x0  }
0x2a6: {  	[sflag:s9] =	ssyncadd.s32 $0xFFFFCE00  }
0x2a7: {  	_ =	swait.ge [sflag:s12], $0x3200  }
0x2a8: {  	s20 =	sld [smem:$0x788]  }
0x2a9: {  	[sflag:s12] =	ssyncset.done $0x0  }
0x2aa: {  	s19 =	sld [smem:$0x7D4];
	[sflag:s12] =	ssyncadd.s32 $0xFFFFCE00  }
0x2ab: {  	[tilespmem:s10], [sflag:$0x2] =	stream.strided.gather [hbm4b:s20+s2], $0x3200, s3, s2, $0x38;
	[tilespmem:$0x1DF80] =	vst v63  }
0x2ac: {  	_ = 	snop  }
0x2ad: {  	[hbm4b:s19+s1] =	stream.linear.scatter [tilespmem:s6], [sflag:$0x4], $0x3200, $0x38;
	[tilespmem:$0x1DF80] =	vst v63  }
0x2ae: {  	_ =	swait.ge [sflag:s7], $0x3200  }
0x2af: {  	[sflag:s7] =	ssyncset.done $0x0  }
0x2b0: {  	[sflag:s7] =	ssyncadd.s32 $0xFFFFCE00  }
0x2b1: {  	_ =	swait.ge [sflag:s11], $0x3200  }
0x2b2: {  	s20 =	sld [smem:$0x789]  }
0x2b3: {  	[sflag:s11] =	ssyncset.done $0x0  }
0x2b4: {  	s19 =	sld [smem:$0x7D5];
	[sflag:s11] =	ssyncadd.s32 $0xFFFFCE00  }
0x2b5: {  	[tilespmem:s5], [sflag:$0x1] =	stream.strided.gather [hbm4b:s20+s2], $0x3200, s3, s2, $0x38;
	[tilespmem:$0x1DF80] =	vst v63  }
0x2b6: {  	_ = 	snop  }
0x2b7: {  	[hbm4b:s19+s1] =	stream.linear.scatter [tilespmem:s8], [sflag:$0x3], $0x3200, $0x38;
	[tilespmem:$0x1DF80] =	vst v63  }
0x2b8: {  	_ =	swait.ge [sflag:s9], $0x3200  }
0x2b9: {  	[sflag:s9] =	ssyncset.done $0x0  }
0x2ba: {  	[sflag:s9] =	ssyncadd.s32 $0xFFFFCE00  }
0x2bb: {  	_ =	swait.ge [sflag:s12], $0x3200  }
0x2bc: {  	s20 =	sld [smem:$0x78A]  }
0x2bd: {  	[sflag:s12] =	ssyncset.done $0x0  }
0x2be: {  	s19 =	sld [smem:$0x7D6];
	[sflag:s12] =	ssyncadd.s32 $0xFFFFCE00  }
0x2bf: {  	[tilespmem:s6], [sflag:$0x2] =	stream.strided.gather [hbm4b:s20+s2], $0x3200, s3, s2, $0x38;
	[tilespmem:$0x1DF80] =	vst v63  }
0x2c0: {  	_ = 	snop  }
0x2c1: {  	[hbm4b:s19+s1] =	stream.linear.scatter [tilespmem:s10], [sflag:$0x4], $0x3200, $0x38;
	[tilespmem:$0x1DF80] =	vst v63  }
0x2c2: {  	_ =	swait.ge [sflag:s7], $0x3200  }
0x2c3: {  	[sflag:s7] =	ssyncset.done $0x0  }
0x2c4: {  	[sflag:s7] =	ssyncadd.s32 $0xFFFFCE00  }
0x2c5: {  	_ =	swait.ge [sflag:s11], $0x3200  }
0x2c6: {  	s20 =	sld [smem:$0x78B]  }
0x2c7: {  	[sflag:s11] =	ssyncset.done $0x0  }
0x2c8: {  	s19 =	sld [smem:$0x7D7];
	[sflag:s11] =	ssyncadd.s32 $0xFFFFCE00  }
0x2c9: {  	[tilespmem:s8], [sflag:$0x1] =	stream.strided.gather [hbm4b:s20+s2], $0x3200, s3, s2, $0x38;
	[tilespmem:$0x1DF80] =	vst v63  }
0x2ca: {  	_ = 	snop  }
0x2cb: {  	[hbm4b:s19+s1] =	stream.linear.scatter [tilespmem:s5], [sflag:$0x3], $0x3200, $0x38;
	[tilespmem:$0x1DF80] =	vst v63  }
0x2cc: {  	_ =	swait.ge [sflag:s9], $0x3200  }
0x2cd: {  	[sflag:s9] =	ssyncset.done $0x0  }
0x2ce: {  	[sflag:s9] =	ssyncadd.s32 $0xFFFFCE00  }
0x2cf: {  	_ =	swait.ge [sflag:s12], $0x3200  }
0x2d0: {  	s20 =	sld [smem:$0x78C]  }
0x2d1: {  	[sflag:s12] =	ssyncset.done $0x0  }
0x2d2: {  	s19 =	sld [smem:$0x7D8];
	[sflag:s12] =	ssyncadd.s32 $0xFFFFCE00  }
0x2d3: {  	[tilespmem:s10], [sflag:$0x2] =	stream.strided.gather [hbm4b:s20+s2], $0x3200, s3, s2, $0x38;
	[tilespmem:$0x1DF80] =	vst v63  }
0x2d4: {  	_ = 	snop  }
0x2d5: {  	[hbm4b:s19+s1] =	stream.linear.scatter [tilespmem:s6], [sflag:$0x4], $0x3200, $0x38;
	[tilespmem:$0x1DF80] =	vst v63  }
0x2d6: {  	_ =	swait.ge [sflag:s7], $0x3200  }
0x2d7: {  	[sflag:s7] =	ssyncset.done $0x0  }
0x2d8: {  	[sflag:s7] =	ssyncadd.s32 $0xFFFFCE00  }
0x2d9: {  	_ =	swait.ge [sflag:s11], $0x3200  }
0x2da: {  	s20 =	sld [smem:$0x78D]  }
0x2db: {  	[sflag:s11] =	ssyncset.done $0x0  }
0x2dc: {  	s19 =	sld [smem:$0x7D9];
	[sflag:s11] =	ssyncadd.s32 $0xFFFFCE00  }
0x2dd: {  	[tilespmem:s5], [sflag:$0x1] =	stream.strided.gather [hbm4b:s20+s2], $0x3200, s3, s2, $0x38;
	[tilespmem:$0x1DF80] =	vst v63  }
0x2de: {  	_ = 	snop  }
0x2df: {  	[hbm4b:s19+s1] =	stream.linear.scatter [tilespmem:s8], [sflag:$0x3], $0x3200, $0x38;
	[tilespmem:$0x1DF80] =	vst v63  }
0x2e0: {  	_ =	swait.ge [sflag:s9], $0x3200  }
0x2e1: {  	[sflag:s9] =	ssyncset.done $0x0  }
0x2e2: {  	[sflag:s9] =	ssyncadd.s32 $0xFFFFCE00  }
0x2e3: {  	_ =	swait.ge [sflag:s12], $0x3200  }
0x2e4: {  	s20 =	sld [smem:$0x78E]  }
0x2e5: {  	[sflag:s12] =	ssyncset.done $0x0  }
0x2e6: {  	s19 =	sld [smem:$0x7DA];
	[sflag:s12] =	ssyncadd.s32 $0xFFFFCE00  }
0x2e7: {  	[tilespmem:s6], [sflag:$0x2] =	stream.strided.gather [hbm4b:s20+s2], $0x3200, s3, s2, $0x38;
	[tilespmem:$0x1DF80] =	vst v63  }
0x2e8: {  	_ = 	snop  }
0x2e9: {  	[hbm4b:s19+s1] =	stream.linear.scatter [tilespmem:s10], [sflag:$0x4], $0x3200, $0x38;
	[tilespmem:$0x1DF80] =	vst v63  }
0x2ea: {  	_ =	swait.ge [sflag:s7], $0x3200  }
0x2eb: {  	[sflag:s7] =	ssyncset.done $0x0  }
0x2ec: {  	[sflag:s7] =	ssyncadd.s32 $0xFFFFCE00  }
0x2ed: {  	_ =	swait.ge [sflag:s11], $0x3200  }
0x2ee: {  	s20 =	sld [smem:$0x78F]  }
0x2ef: {  	[sflag:s11] =	ssyncset.done $0x0  }
0x2f0: {  	s19 =	sld [smem:$0x7DB];
	[sflag:s11] =	ssyncadd.s32 $0xFFFFCE00  }
0x2f1: {  	[tilespmem:s8], [sflag:$0x1] =	stream.strided.gather [hbm4b:s20+s2], $0x3200, s3, s2, $0x38;
	[tilespmem:$0x1DF80] =	vst v63  }
0x2f2: {  	_ = 	snop  }
0x2f3: {  	[hbm4b:s19+s1] =	stream.linear.scatter [tilespmem:s5], [sflag:$0x3], $0x3200, $0x38;
	[tilespmem:$0x1DF80] =	vst v63  }
0x2f4: {  	_ =	swait.ge [sflag:s9], $0x3200  }
0x2f5: {  	[sflag:s9] =	ssyncset.done $0x0  }
0x2f6: {  	[sflag:s9] =	ssyncadd.s32 $0xFFFFCE00  }
0x2f7: {  	_ =	swait.ge [sflag:s12], $0x3200  }
0x2f8: {  	s20 =	sld [smem:$0x790]  }
0x2f9: {  	[sflag:s12] =	ssyncset.done $0x0  }
0x2fa: {  	s19 =	sld [smem:$0x7DC];
	[sflag:s12] =	ssyncadd.s32 $0xFFFFCE00  }
0x2fb: {  	[tilespmem:s10], [sflag:$0x2] =	stream.strided.gather [hbm4b:s20+s2], $0x3200, s3, s2, $0x38;
	[tilespmem:$0x1DF80] =	vst v63  }
0x2fc: {  	_ = 	snop  }
0x2fd: {  	[hbm4b:s19+s1] =	stream.linear.scatter [tilespmem:s6], [sflag:$0x4], $0x3200, $0x38;
	[tilespmem:$0x1DF80] =	vst v63  }
0x2fe: {  	_ =	swait.ge [sflag:s7], $0x3200  }
0x2ff: {  	[sflag:s7] =	ssyncset.done $0x0  }
0x300: {  	[sflag:s7] =	ssyncadd.s32 $0xFFFFCE00  }
0x301: {  	_ =	swait.ge [sflag:s11], $0x3200  }
0x302: {  	s20 =	sld [smem:$0x791]  }
0x303: {  	[sflag:s11] =	ssyncset.done $0x0  }
0x304: {  	s19 =	sld [smem:$0x7DD];
	[sflag:s11] =	ssyncadd.s32 $0xFFFFCE00  }
0x305: {  	[tilespmem:s5], [sflag:$0x1] =	stream.strided.gather [hbm4b:s20+s2], $0x3200, s3, s2, $0x38;
	[tilespmem:$0x1DF80] =	vst v63  }
0x306: {  	_ = 	snop  }
0x307: {  	[hbm4b:s19+s1] =	stream.linear.scatter [tilespmem:s8], [sflag:$0x3], $0x3200, $0x38;
	[tilespmem:$0x1DF80] =	vst v63  }
0x308: {  	_ =	swait.ge [sflag:s9], $0x3200  }
0x309: {  	[sflag:s9] =	ssyncset.done $0x0  }
0x30a: {  	[sflag:s9] =	ssyncadd.s32 $0xFFFFCE00  }
0x30b: {  	_ =	swait.ge [sflag:s12], $0x3200  }
0x30c: {  	s20 =	sld [smem:$0x792]  }
0x30d: {  	[sflag:s12] =	ssyncset.done $0x0  }
0x30e: {  	s19 =	sld [smem:$0x7DE];
	[sflag:s12] =	ssyncadd.s32 $0xFFFFCE00  }
0x30f: {  	[tilespmem:s6], [sflag:$0x2] =	stream.strided.gather [hbm4b:s20+s2], $0x3200, s3, s2, $0x38;
	[tilespmem:$0x1DF80] =	vst v63  }
0x310: {  	_ = 	snop  }
0x311: {  	[hbm4b:s19+s1] =	stream.linear.scatter [tilespmem:s10], [sflag:$0x4], $0x3200, $0x38;
	[tilespmem:$0x1DF80] =	vst v63  }
0x312: {  	_ =	swait.ge [sflag:s7], $0x3200  }
0x313: {  	[sflag:s7] =	ssyncset.done $0x0  }
0x314: {  	[sflag:s7] =	ssyncadd.s32 $0xFFFFCE00  }
0x315: {  	_ =	swait.ge [sflag:s11], $0x3200  }
0x316: {  	s20 =	sld [smem:$0x793]  }
0x317: {  	[sflag:s11] =	ssyncset.done $0x0  }
0x318: {  	s19 =	sld [smem:$0x7DF];
	[sflag:s11] =	ssyncadd.s32 $0xFFFFCE00  }
0x319: {  	[tilespmem:s8], [sflag:$0x1] =	stream.strided.gather [hbm4b:s20+s2], $0x3200, s3, s2, $0x38;
	[tilespmem:$0x1DF80] =	vst v63  }
0x31a: {  	_ = 	snop  }
0x31b: {  	[hbm4b:s19+s1] =	stream.linear.scatter [tilespmem:s5], [sflag:$0x3], $0x3200, $0x38;
	[tilespmem:$0x1DF80] =	vst v63  }
0x31c: {  	_ =	swait.ge [sflag:s9], $0x3200  }
0x31d: {  	[sflag:s9] =	ssyncset.done $0x0  }
0x31e: {  	[sflag:s9] =	ssyncadd.s32 $0xFFFFCE00  }
0x31f: {  	_ =	swait.ge [sflag:s12], $0x3200  }
0x320: {  	s20 =	sld [smem:$0x794]  }
0x321: {  	[sflag:s12] =	ssyncset.done $0x0  }
0x322: {  	s19 =	sld [smem:$0x7E0];
	[sflag:s12] =	ssyncadd.s32 $0xFFFFCE00  }
0x323: {  	[tilespmem:s10], [sflag:$0x2] =	stream.strided.gather [hbm4b:s20+s2], $0x3200, s3, s2, $0x38;
	[tilespmem:$0x1DF80] =	vst v63  }
0x324: {  	_ = 	snop  }
0x325: {  	[hbm4b:s19+s1] =	stream.linear.scatter [tilespmem:s6], [sflag:$0x4], $0x3200, $0x38;
	[tilespmem:$0x1DF80] =	vst v63  }
0x326: {  	_ =	swait.ge [sflag:s7], $0x3200  }
0x327: {  	[sflag:s7] =	ssyncset.done $0x0  }
0x328: {  	[sflag:s7] =	ssyncadd.s32 $0xFFFFCE00  }
0x329: {  	_ =	swait.ge [sflag:s11], $0x3200  }
0x32a: {  	s20 =	sld [smem:$0x795]  }
0x32b: {  	[sflag:s11] =	ssyncset.done $0x0  }
0x32c: {  	s19 =	sld [smem:$0x7E1];
	[sflag:s11] =	ssyncadd.s32 $0xFFFFCE00  }
0x32d: {  	[tilespmem:s5], [sflag:$0x1] =	stream.strided.gather [hbm4b:s20+s2], $0x3200, s3, s2, $0x38;
	[tilespmem:$0x1DF80] =	vst v63  }
0x32e: {  	_ = 	snop  }
0x32f: {  	[hbm4b:s19+s1] =	stream.linear.scatter [tilespmem:s8], [sflag:$0x3], $0x3200, $0x38;
	[tilespmem:$0x1DF80] =	vst v63  }
0x330: {  	_ =	swait.ge [sflag:s9], $0x3200  }
0x331: {  	[sflag:s9] =	ssyncset.done $0x0  }
0x332: {  	[sflag:s9] =	ssyncadd.s32 $0xFFFFCE00  }
0x333: {  	_ =	swait.ge [sflag:s12], $0x3200  }
0x334: {  	s20 =	sld [smem:$0x796]  }
0x335: {  	[sflag:s12] =	ssyncset.done $0x0  }
0x336: {  	s19 =	sld [smem:$0x7E2];
	[sflag:s12] =	ssyncadd.s32 $0xFFFFCE00  }
0x337: {  	[tilespmem:s6], [sflag:$0x2] =	stream.strided.gather [hbm4b:s20+s2], $0x3200, s3, s2, $0x38;
	[tilespmem:$0x1DF80] =	vst v63  }
0x338: {  	_ = 	snop  }
0x339: {  	[hbm4b:s19+s1] =	stream.linear.scatter [tilespmem:s10], [sflag:$0x4], $0x3200, $0x38;
	[tilespmem:$0x1DF80] =	vst v63  }
0x33a: {  	_ =	swait.ge [sflag:s7], $0x3200  }
0x33b: {  	[sflag:s7] =	ssyncset.done $0x0  }
0x33c: {  	[sflag:s7] =	ssyncadd.s32 $0xFFFFCE00  }
0x33d: {  	_ =	swait.ge [sflag:s11], $0x3200  }
0x33e: {  	s20 =	sld [smem:$0x797]  }
0x33f: {  	[sflag:s11] =	ssyncset.done $0x0  }
0x340: {  	s19 =	sld [smem:$0x7E3];
	[sflag:s11] =	ssyncadd.s32 $0xFFFFCE00  }
0x341: {  	[tilespmem:s8], [sflag:$0x1] =	stream.strided.gather [hbm4b:s20+s2], $0x3200, s3, s2, $0x38;
	[tilespmem:$0x1DF80] =	vst v63  }
0x342: {  	_ = 	snop  }
0x343: {  	[hbm4b:s19+s1] =	stream.linear.scatter [tilespmem:s5], [sflag:$0x3], $0x3200, $0x38;
	[tilespmem:$0x1DF80] =	vst v63  }
0x344: {  	_ =	swait.ge [sflag:s9], $0x3200  }
0x345: {  	[sflag:s9] =	ssyncset.done $0x0  }
0x346: {  	[sflag:s9] =	ssyncadd.s32 $0xFFFFCE00  }
0x347: {  	_ =	swait.ge [sflag:s12], $0x3200  }
0x348: {  	s20 =	sld [smem:$0x798]  }
0x349: {  	[sflag:s12] =	ssyncset.done $0x0  }
0x34a: {  	s19 =	sld [smem:$0x7E4];
	[sflag:s12] =	ssyncadd.s32 $0xFFFFCE00  }
0x34b: {  	[tilespmem:s10], [sflag:$0x2] =	stream.strided.gather [hbm4b:s20+s2], $0x3200, s3, s2, $0x38;
	[tilespmem:$0x1DF80] =	vst v63  }
0x34c: {  	_ = 	snop  }
0x34d: {  	[hbm4b:s19+s1] =	stream.linear.scatter [tilespmem:s6], [sflag:$0x4], $0x3200, $0x38;
	[tilespmem:$0x1DF80] =	vst v63  }
0x34e: {  	_ =	swait.ge [sflag:s7], $0x3200  }
0x34f: {  	[sflag:s7] =	ssyncset.done $0x0  }
0x350: {  	[sflag:s7] =	ssyncadd.s32 $0xFFFFCE00  }
0x351: {  	_ =	swait.ge [sflag:s11], $0x3200  }
0x352: {  	s20 =	sld [smem:$0x799]  }
0x353: {  	[sflag:s11] =	ssyncset.done $0x0  }
0x354: {  	s19 =	sld [smem:$0x7E5];
	[sflag:s11] =	ssyncadd.s32 $0xFFFFCE00  }
0x355: {  	[tilespmem:s5], [sflag:$0x1] =	stream.strided.gather [hbm4b:s20+s2], $0x3200, s3, s2, $0x38;
	[tilespmem:$0x1DF80] =	vst v63  }
0x356: {  	_ = 	snop  }
0x357: {  	[hbm4b:s19+s1] =	stream.linear.scatter [tilespmem:s8], [sflag:$0x3], $0x3200, $0x38;
	[tilespmem:$0x1DF80] =	vst v63  }
0x358: {  	_ =	swait.ge [sflag:s9], $0x3200  }
0x359: {  	[sflag:s9] =	ssyncset.done $0x0  }
0x35a: {  	[sflag:s9] =	ssyncadd.s32 $0xFFFFCE00  }
0x35b: {  	_ =	swait.ge [sflag:s12], $0x3200  }
0x35c: {  	s20 =	sld [smem:$0x79A]  }
0x35d: {  	[sflag:s12] =	ssyncset.done $0x0  }
0x35e: {  	s19 =	sld [smem:$0x7E6];
	[sflag:s12] =	ssyncadd.s32 $0xFFFFCE00  }
0x35f: {  	[tilespmem:s6], [sflag:$0x2] =	stream.strided.gather [hbm4b:s20+s2], $0x3200, s3, s2, $0x38;
	[tilespmem:$0x1DF80] =	vst v63  }
0x360: {  	_ = 	snop  }
0x361: {  	[hbm4b:s19+s1] =	stream.linear.scatter [tilespmem:s10], [sflag:$0x4], $0x3200, $0x38;
	[tilespmem:$0x1DF80] =	vst v63  }
0x362: {  	_ =	swait.ge [sflag:s7], $0x3200  }
0x363: {  	[sflag:s7] =	ssyncset.done $0x0  }
0x364: {  	[sflag:s7] =	ssyncadd.s32 $0xFFFFCE00  }
0x365: {  	_ =	swait.ge [sflag:s11], $0x3200  }
0x366: {  	s20 =	sld [smem:$0x79B]  }
0x367: {  	[sflag:s11] =	ssyncset.done $0x0  }
0x368: {  	s19 =	sld [smem:$0x7E7];
	[sflag:s11] =	ssyncadd.s32 $0xFFFFCE00  }
0x369: {  	[tilespmem:s8], [sflag:$0x1] =	stream.strided.gather [hbm4b:s20+s2], $0x3200, s3, s2, $0x38;
	[tilespmem:$0x1DF80] =	vst v63  }
0x36a: {  	_ = 	snop  }
0x36b: {  	[hbm4b:s19+s1] =	stream.linear.scatter [tilespmem:s5], [sflag:$0x3], $0x3200, $0x38;
	[tilespmem:$0x1DF80] =	vst v63  }
0x36c: {  	_ =	swait.ge [sflag:s9], $0x3200  }
0x36d: {  	[sflag:s9] =	ssyncset.done $0x0  }
0x36e: {  	[sflag:s9] =	ssyncadd.s32 $0xFFFFCE00  }
0x36f: {  	_ =	swait.ge [sflag:s12], $0x3200  }
0x370: {  	s20 =	sld [smem:$0x79C]  }
0x371: {  	[sflag:s12] =	ssyncset.done $0x0  }
0x372: {  	s19 =	sld [smem:$0x7E8];
	[sflag:s12] =	ssyncadd.s32 $0xFFFFCE00  }
0x373: {  	[tilespmem:s10], [sflag:$0x2] =	stream.strided.gather [hbm4b:s20+s2], $0x3200, s3, s2, $0x38;
	[tilespmem:$0x1DF80] =	vst v63  }
0x374: {  	_ = 	snop  }
0x375: {  	[hbm4b:s19+s1] =	stream.linear.scatter [tilespmem:s6], [sflag:$0x4], $0x3200, $0x38;
	[tilespmem:$0x1DF80] =	vst v63  }
0x376: {  	_ =	swait.ge [sflag:s7], $0x3200  }
0x377: {  	[sflag:s7] =	ssyncset.done $0x0  }
0x378: {  	[sflag:s7] =	ssyncadd.s32 $0xFFFFCE00  }
0x379: {  	_ =	swait.ge [sflag:s11], $0x3200  }
0x37a: {  	s20 =	sld [smem:$0x79D]  }
0x37b: {  	[sflag:s11] =	ssyncset.done $0x0  }
0x37c: {  	s19 =	sld [smem:$0x7E9];
	[sflag:s11] =	ssyncadd.s32 $0xFFFFCE00  }
0x37d: {  	[tilespmem:s5], [sflag:$0x1] =	stream.strided.gather [hbm4b:s20+s2], $0x3200, s3, s2, $0x38;
	[tilespmem:$0x1DF80] =	vst v63  }
0x37e: {  	_ = 	snop  }
0x37f: {  	[hbm4b:s19+s1] =	stream.linear.scatter [tilespmem:s8], [sflag:$0x3], $0x3200, $0x38;
	[tilespmem:$0x1DF80] =	vst v63  }
0x380: {  	_ =	swait.ge [sflag:s9], $0x3200  }
0x381: {  	[sflag:s9] =	ssyncset.done $0x0  }
0x382: {  	[sflag:s9] =	ssyncadd.s32 $0xFFFFCE00  }
0x383: {  	_ =	swait.ge [sflag:s12], $0x3200  }
0x384: {  	s20 =	sld [smem:$0x79E]  }
0x385: {  	[sflag:s12] =	ssyncset.done $0x0  }
0x386: {  	s19 =	sld [smem:$0x7EA];
	[sflag:s12] =	ssyncadd.s32 $0xFFFFCE00  }
0x387: {  	[tilespmem:s6], [sflag:$0x2] =	stream.strided.gather [hbm4b:s20+s2], $0x3200, s3, s2, $0x38;
	[tilespmem:$0x1DF80] =	vst v63  }
0x388: {  	_ = 	snop  }
0x389: {  	[hbm4b:s19+s1] =	stream.linear.scatter [tilespmem:s10], [sflag:$0x4], $0x3200, $0x38;
	[tilespmem:$0x1DF80] =	vst v63  }
0x38a: {  	_ =	swait.ge [sflag:s7], $0x3200  }
0x38b: {  	[sflag:s7] =	ssyncset.done $0x0  }
0x38c: {  	[sflag:s7] =	ssyncadd.s32 $0xFFFFCE00  }
0x38d: {  	_ =	swait.ge [sflag:s11], $0x3200  }
0x38e: {  	s20 =	sld [smem:$0x79F]  }
0x38f: {  	[sflag:s11] =	ssyncset.done $0x0  }
0x390: {  	s19 =	sld [smem:$0x7EB];
	[sflag:s11] =	ssyncadd.s32 $0xFFFFCE00  }
0x391: {  	[tilespmem:s8], [sflag:$0x1] =	stream.strided.gather [hbm4b:s20+s2], $0x3200, s3, s2, $0x38;
	[tilespmem:$0x1DF80] =	vst v63  }
0x392: {  	_ = 	snop  }
0x393: {  	[hbm4b:s19+s1] =	stream.linear.scatter [tilespmem:s5], [sflag:$0x3], $0x3200, $0x38;
	[tilespmem:$0x1DF80] =	vst v63  }
0x394: {  	_ =	swait.ge [sflag:s9], $0x3200  }
0x395: {  	[sflag:s9] =	ssyncset.done $0x0  }
0x396: {  	[sflag:s9] =	ssyncadd.s32 $0xFFFFCE00  }
0x397: {  	_ =	swait.ge [sflag:s12], $0x3200  }
0x398: {  	s20 =	sld [smem:$0x7A0]  }
0x399: {  	[sflag:s12] =	ssyncset.done $0x0  }
0x39a: {  	s19 =	sld [smem:$0x7EC];
	[sflag:s12] =	ssyncadd.s32 $0xFFFFCE00  }
0x39b: {  	[tilespmem:s10], [sflag:$0x2] =	stream.strided.gather [hbm4b:s20+s2], $0x3200, s3, s2, $0x38;
	[tilespmem:$0x1DF80] =	vst v63  }
0x39c: {  	_ = 	snop  }
0x39d: {  	[hbm4b:s19+s1] =	stream.linear.scatter [tilespmem:s6], [sflag:$0x4], $0x3200, $0x38;
	[tilespmem:$0x1DF80] =	vst v63  }
0x39e: {  	_ =	swait.ge [sflag:s7], $0x3200  }
0x39f: {  	[sflag:s7] =	ssyncset.done $0x0  }
0x3a0: {  	[sflag:s7] =	ssyncadd.s32 $0xFFFFCE00  }
0x3a1: {  	_ =	swait.ge [sflag:s11], $0x3200  }
0x3a2: {  	s20 =	sld [smem:$0x7A1]  }
0x3a3: {  	[sflag:s11] =	ssyncset.done $0x0  }
0x3a4: {  	s19 =	sld [smem:$0x7ED];
	[sflag:s11] =	ssyncadd.s32 $0xFFFFCE00  }
0x3a5: {  	[tilespmem:s5], [sflag:$0x1] =	stream.strided.gather [hbm4b:s20+s2], $0x3200, s3, s2, $0x38;
	[tilespmem:$0x1DF80] =	vst v63  }
0x3a6: {  	_ = 	snop  }
0x3a7: {  	[hbm4b:s19+s1] =	stream.linear.scatter [tilespmem:s8], [sflag:$0x3], $0x3200, $0x38;
	[tilespmem:$0x1DF80] =	vst v63  }
0x3a8: {  	_ =	swait.ge [sflag:s9], $0x3200  }
0x3a9: {  	[sflag:s9] =	ssyncset.done $0x0  }
0x3aa: {  	[sflag:s9] =	ssyncadd.s32 $0xFFFFCE00  }
0x3ab: {  	_ =	swait.ge [sflag:s12], $0x3200  }
0x3ac: {  	s20 =	sld [smem:$0x7A2]  }
0x3ad: {  	[sflag:s12] =	ssyncset.done $0x0  }
0x3ae: {  	s19 =	sld [smem:$0x7EE];
	[sflag:s12] =	ssyncadd.s32 $0xFFFFCE00  }
0x3af: {  	[tilespmem:s6], [sflag:$0x2] =	stream.strided.gather [hbm4b:s20+s2], $0x3200, s3, s2, $0x38;
	[tilespmem:$0x1DF80] =	vst v63  }
0x3b0: {  	_ = 	snop  }
0x3b1: {  	[hbm4b:s19+s1] =	stream.linear.scatter [tilespmem:s10], [sflag:$0x4], $0x3200, $0x38;
	[tilespmem:$0x1DF80] =	vst v63  }
0x3b2: {  	_ =	swait.ge [sflag:s7], $0x3200  }
0x3b3: {  	[sflag:s7] =	ssyncset.done $0x0  }
0x3b4: {  	[sflag:s7] =	ssyncadd.s32 $0xFFFFCE00  }
0x3b5: {  	_ =	swait.ge [sflag:s11], $0x3200  }
0x3b6: {  	s20 =	sld [smem:$0x7A3]  }
0x3b7: {  	[sflag:s11] =	ssyncset.done $0x0  }
0x3b8: {  	s19 =	sld [smem:$0x7EF];
	[sflag:s11] =	ssyncadd.s32 $0xFFFFCE00  }
0x3b9: {  	[tilespmem:s8], [sflag:$0x1] =	stream.strided.gather [hbm4b:s20+s2], $0x3200, s3, s2, $0x38;
	[tilespmem:$0x1DF80] =	vst v63  }
0x3ba: {  	_ = 	snop  }
0x3bb: {  	[hbm4b:s19+s1] =	stream.linear.scatter [tilespmem:s5], [sflag:$0x3], $0x3200, $0x38;
	[tilespmem:$0x1DF80] =	vst v63  }
0x3bc: {  	_ =	swait.ge [sflag:s9], $0x3200  }
0x3bd: {  	[sflag:s9] =	ssyncset.done $0x0  }
0x3be: {  	[sflag:s9] =	ssyncadd.s32 $0xFFFFCE00  }
0x3bf: {  	_ =	swait.ge [sflag:s12], $0x3200  }
0x3c0: {  	s20 =	sld [smem:$0x7A4]  }
0x3c1: {  	[sflag:s12] =	ssyncset.done $0x0  }
0x3c2: {  	s19 =	sld [smem:$0x7F0];
	[sflag:s12] =	ssyncadd.s32 $0xFFFFCE00  }
0x3c3: {  	[tilespmem:s10], [sflag:$0x2] =	stream.strided.gather [hbm4b:s20+s2], $0x3200, s3, s2, $0x38;
	[tilespmem:$0x1DF80] =	vst v63  }
0x3c4: {  	_ = 	snop  }
0x3c5: {  	[hbm4b:s19+s1] =	stream.linear.scatter [tilespmem:s6], [sflag:$0x4], $0x3200, $0x38;
	[tilespmem:$0x1DF80] =	vst v63  }
0x3c6: {  	_ =	swait.ge [sflag:s7], $0x3200  }
0x3c7: {  	[sflag:s7] =	ssyncset.done $0x0  }
0x3c8: {  	[sflag:s7] =	ssyncadd.s32 $0xFFFFCE00  }
0x3c9: {  	_ =	swait.ge [sflag:s11], $0x3200  }
0x3ca: {  	s20 =	sld [smem:$0x7A5]  }
0x3cb: {  	[sflag:s11] =	ssyncset.done $0x0  }
0x3cc: {  	s19 =	sld [smem:$0x7F1];
	[sflag:s11] =	ssyncadd.s32 $0xFFFFCE00  }
0x3cd: {  	[tilespmem:s5], [sflag:$0x1] =	stream.strided.gather [hbm4b:s20+s2], $0x3200, s3, s2, $0x38;
	[tilespmem:$0x1DF80] =	vst v63  }
0x3ce: {  	_ = 	snop  }
0x3cf: {  	[hbm4b:s19+s1] =	stream.linear.scatter [tilespmem:s8], [sflag:$0x3], $0x3200, $0x38;
	[tilespmem:$0x1DF80] =	vst v63  }
0x3d0: {  	_ =	swait.ge [sflag:s9], $0x3200  }
0x3d1: {  	[sflag:s9] =	ssyncset.done $0x0  }
0x3d2: {  	[sflag:s9] =	ssyncadd.s32 $0xFFFFCE00  }
0x3d3: {  	_ =	swait.ge [sflag:s12], $0x3200  }
0x3d4: {  	s20 =	sld [smem:$0x7A6]  }
0x3d5: {  	[sflag:s12] =	ssyncset.done $0x0  }
0x3d6: {  	s19 =	sld [smem:$0x7F2];
	[sflag:s12] =	ssyncadd.s32 $0xFFFFCE00  }
0x3d7: {  	[tilespmem:s13], [sflag:$0x2] =	stream.strided.gather [hbm4b:s20+s2], $0x3880, s3, s2, $0x38;
	[tilespmem:$0x1DF80] =	vst v63  }
0x3d8: {  	_ = 	snop  }
0x3d9: {  	[hbm4b:s19+s1] =	stream.linear.scatter [tilespmem:s10], [sflag:$0x4], $0x3200, $0x38;
	[tilespmem:$0x1DF80] =	vst v63  }
0x3da: {  	_ =	swait.ge [sflag:s7], $0x3200  }
0x3db: {  	s20 =	sld [smem:$0x7F3]  }
0x3dc: {  	[sflag:s7] =	ssyncset.done $0x0  }
0x3dd: {  	[sflag:s7] =	ssyncadd.s32 $0xFFFFCE00  }
0x3de: {  	[hbm4b:s20+s1] =	stream.linear.scatter [tilespmem:s5], [sflag:$0x3], $0x3200, $0x38;
	[tilespmem:$0x1DF80] =	vst v63  }
0x3df: {  	_ =	swait.ge [sflag:s9], $0x3880  }
0x3e0: {  	s19 =	sld [smem:$0x7F4]  }
0x3e1: {  	[sflag:s9] =	ssyncset.done $0x0  }
0x3e2: {  	[sflag:s9] =	ssyncadd.s32 $0xFFFFC780  }
0x3e3: {  	[hbm4b:s19+s1] =	stream.linear.scatter [tilespmem:s13], [sflag:$0x4], $0x3840, $0x38;
	[tilespmem:$0x1DF80] =	vst v63  }
0x3e4: {  	_ =	swait.ge [sflag:s11], $0x3200  }
0x3e5: {  	[sflag:s11] =	ssyncset.done $0x0  }
0x3e6: {  	[sflag:s11] =	ssyncadd.s32 $0xFFFFCE00  }
0x3e7: {  	_ =	swait.ge [sflag:s12], $0x3200  }
0x3e8: {  	[sflag:s12] =	ssyncset.done $0x0  }
0x3e9: {  	[sflag:s12] =	ssyncadd.s32 $0xFFFFCE00  }
0x3ea: {  	_ =	swait.ge [sflag:s11], $0x3200  }
0x3eb: {  	[sflag:s11] =	ssyncset.done $0x0  }
0x3ec: {  	[sflag:s11] =	ssyncadd.s32 $0xFFFFCE00  }
0x3ed: {  	_ =	swait.ge [sflag:s12], $0x3840  }
0x3ee: {  	[sflag:s12] =	ssyncset.done $0x0  }
0x3ef: {  	[sflag:s12] =	ssyncadd.s32 $0xFFFFC7C0  }
0x3f0: {  	s20 =	rddreg [dreg:$0x0]  }
0x3f1: {  	[tilespmem:s1], [sflag:$0x6] =	stream.linear.gather [hbm4b:s20+s1], $0x4000, $0x38;
	[tilespmem:$0x1DF80] =	vst v63  }
0x3f2: {  	_ =	swait.ge [sflag:s0], $0x4000  }
0x3f3: {  	[sflag:s0] =	ssyncset.done $0x0  }
0x3f4: {  	[sflag:s0] =	ssyncadd.s32 $0xFFFFC000  }
0x3f5: {  	[tilespmem:s4], [sflag:$0x5] =	stream.indirect.gather [hbm4b:s21+s4], $0x1, s1, s4, $0xb8;
	[tilespmem:$0x1DF80] =	vst v63  }
0x3f6: {  	_ =	swait.ge [sflag:s14], $0x4000  }
0x3f7: {  	[sflag:s14] =	ssyncset.done $0x0  }
0x3f8: {  	[sflag:s14] =	ssyncadd.s32 $0xFFFFC000  }
0x3f9: {  	[hbm4b:s28+s2] =	stream.strided.scatter [tilespmem:s4], [sflag:$0x6], $0x4000, s3, s2, $0x38;
	[tilespmem:$0x1DF80] =	vst v63  }
0x3fa: {  	_ =	swait.ge [sflag:s0], $0x4000  }
0x3fb: {  	s19 =	sld [smem:$0x7F5]  }
0x3fc: {  	[sflag:s0] =	ssyncset.done $0x0  }
0x3fd: {  	s20 =	sld [smem:$0x7F6];
	[sflag:s0] =	ssyncadd.s32 $0xFFFFC000  }
0x3fe: {  	[tilespmem:s5], [sflag:$0x1] =	stream.strided.gather [hbm4b:s19+s2], $0x3200, s3, s2, $0x38;
	[tilespmem:$0x1DF80] =	vst v63  }
0x3ff: {  	_ = 	snop  }
0x400: {  	[tilespmem:s6], [sflag:$0x2] =	stream.strided.gather [hbm4b:s20+s2], $0x3200, s3, s2, $0x38;
	[tilespmem:$0x1DF80] =	vst v63  }
0x401: {  	_ =	swait.ge [sflag:s7], $0x3200  }
0x402: {  	s19 =	sld [smem:$0x7F7]  }
0x403: {  	[sflag:s7] =	ssyncset.done $0x0  }
0x404: {  	[sflag:s7] =	ssyncadd.s32 $0xFFFFCE00  }
0x405: {  	[tilespmem:s8], [sflag:$0x1] =	stream.strided.gather [hbm4b:s19+s2], $0x3200, s3, s2, $0x38;
	[tilespmem:$0x1DF80] =	vst v63  }
0x406: {  	_ = 	snop  }
0x407: {  	[hbm4b:s16+s1] =	stream.linear.scatter [tilespmem:s5], [sflag:$0x3], $0x3200, $0x38;
	[tilespmem:$0x1DF80] =	vst v63  }
0x408: {  	_ =	swait.ge [sflag:s9], $0x3200  }
0x409: {  	s20 =	sld [smem:$0x7F8]  }
0x40a: {  	[sflag:s9] =	ssyncset.done $0x0  }
0x40b: {  	s19 =	sld [smem:$0x7FA];
	[sflag:s9] =	ssyncadd.s32 $0xFFFFCE00  }
0x40c: {  	[tilespmem:s10], [sflag:$0x2] =	stream.strided.gather [hbm4b:s20+s2], $0x3200, s3, s2, $0x38;
	[tilespmem:$0x1DF80] =	vst v63  }
0x40d: {  	_ = 	snop  }
0x40e: {  	[hbm4b:s19+s1] =	stream.linear.scatter [tilespmem:s6], [sflag:$0x4], $0x3200, $0x38;
	[tilespmem:$0x1DF80] =	vst v63  }
0x40f: {  	_ =	swait.ge [sflag:s7], $0x3200  }
0x410: {  	[sflag:s7] =	ssyncset.done $0x0  }
0x411: {  	[sflag:s7] =	ssyncadd.s32 $0xFFFFCE00  }
0x412: {  	_ =	swait.ge [sflag:s11], $0x3200  }
0x413: {  	s20 =	sld [smem:$0x7F9]  }
0x414: {  	[sflag:s11] =	ssyncset.done $0x0  }
0x415: {  	s19 =	sld [smem:$0x7FB];
	[sflag:s11] =	ssyncadd.s32 $0xFFFFCE00  }
0x416: {  	[tilespmem:s5], [sflag:$0x1] =	stream.strided.gather [hbm4b:s20+s2], $0x3200, s3, s2, $0x38;
	[tilespmem:$0x1DF80] =	vst v63  }
0x417: {  	_ = 	snop  }
0x418: {  	[hbm4b:s19+s1] =	stream.linear.scatter [tilespmem:s8], [sflag:$0x3], $0x3200, $0x38;
	[tilespmem:$0x1DF80] =	vst v63  }
0x419: {  	_ =	swait.ge [sflag:s9], $0x3200  }
0x41a: {  	[sflag:s9] =	ssyncset.done $0x0  }
0x41b: {  	[sflag:s9] =	ssyncadd.s32 $0xFFFFCE00  }
0x41c: {  	_ =	swait.ge [sflag:s12], $0x3200  }
0x41d: {  	s20 =	sld [smem:$0x7FD]  }
0x41e: {  	[sflag:s12] =	ssyncset.done $0x0  }
0x41f: {  	s19 =	sld [smem:$0x7FC];
	[sflag:s12] =	ssyncadd.s32 $0xFFFFCE00  }
0x420: {  	[tilespmem:s6], [sflag:$0x2] =	stream.strided.gather [hbm4b:s20+s2], $0x3200, s3, s2, $0x38;
	[tilespmem:$0x1DF80] =	vst v63  }
0x421: {  	_ = 	snop  }
0x422: {  	[hbm4b:s19+s1] =	stream.linear.scatter [tilespmem:s10], [sflag:$0x4], $0x3200, $0x38;
	[tilespmem:$0x1DF80] =	vst v63  }
0x423: {  	_ =	swait.ge [sflag:s7], $0x3200  }
0x424: {  	[sflag:s7] =	ssyncset.done $0x0  }
0x425: {  	[sflag:s7] =	ssyncadd.s32 $0xFFFFCE00  }
0x426: {  	_ =	swait.ge [sflag:s11], $0x3200  }
0x427: {  	[sflag:s11] =	ssyncset.done $0x0  }
0x428: {  	[sflag:s11] =	ssyncadd.s32 $0xFFFFCE00  }
0x429: {  	[tilespmem:s15], [sflag:$0x1] =	stream.strided.gather [hbm4b:s26+s2], $0x5B00, s3, s2, $0x38;
	[tilespmem:$0x1DF80] =	vst v63  }
0x42a: {  	_ = 	snop  }
0x42b: {  	[hbm4b:s22+s1] =	stream.linear.scatter [tilespmem:s5], [sflag:$0x3], $0x3200, $0x38;
	[tilespmem:$0x1DF80] =	vst v63  }
0x42c: {  	_ =	swait.ge [sflag:s9], $0x3200  }
0x42d: {  	[sflag:s9] =	ssyncset.done $0x0  }
0x42e: {  	[sflag:s9] =	ssyncadd.s32 $0xFFFFCE00  }
0x42f: {  	[hbm4b:s23+s1] =	stream.linear.scatter [tilespmem:s6], [sflag:$0x4], $0x3200, $0x38;
	[tilespmem:$0x1DF80] =	vst v63  }
0x430: {  	_ =	swait.ge [sflag:s7], $0x5B00  }
0x431: {  	[sflag:s7] =	ssyncset.done $0x0  }
0x432: {  	[sflag:s7] =	ssyncadd.s32 $0xFFFFA500  }
0x433: {  	[hbm4b:s24+s1] =	stream.linear.scatter [tilespmem:s15], [sflag:$0x3], $0x5AA0, $0x38;
	[tilespmem:$0x1DF80] =	vst v63  }
0x434: {  	_ =	swait.ge [sflag:s12], $0x3200  }
0x435: {  	[sflag:s12] =	ssyncset.done $0x0  }
0x436: {  	[sflag:s12] =	ssyncadd.s32 $0xFFFFCE00  }
0x437: {  	_ =	swait.ge [sflag:s11], $0x3200  }
0x438: {  	[sflag:s11] =	ssyncset.done $0x0  }
0x439: {  	[sflag:s11] =	ssyncadd.s32 $0xFFFFCE00  }
0x43a: {  	_ =	swait.ge [sflag:s12], $0x3200  }
0x43b: {  	[sflag:s12] =	ssyncset.done $0x0  }
0x43c: {  	[sflag:s12] =	ssyncadd.s32 $0xFFFFCE00  }
0x43d: {  	_ =	swait.ge [sflag:s11], $0x5AA0  }
0x43e: {  	[sflag:s11] =	ssyncset.done $0x0  }
0x43f: {  	[sflag:s11] =	ssyncadd.s32 $0xFFFFA560  }
0x440: {  	s20 =	rddreg [dreg:$0x1]  }
0x441: {  	[tilespmem:s1], [sflag:$0x6] =	stream.linear.gather [hbm4b:s20+s1], $0x4000, $0x38;
	[tilespmem:$0x1DF80] =	vst v63  }
0x442: {  	_ =	swait.ge [sflag:s0], $0x4000  }
0x443: {  	[sflag:s0] =	ssyncset.done $0x0  }
0x444: {  	[sflag:s0] =	ssyncadd.s32 $0xFFFFC000  }
0x445: {  	[tilespmem:s4], [sflag:$0x5] =	stream.indirect.gather [hbm4b:s16+s4], $0x1, s1, s4, $0xb8;
	[tilespmem:$0x1DF80] =	vst v63  }
0x446: {  	s17 =	sadd.s32 $0x1, s17;
	_ =	swait.ge [sflag:s14], $0x4000  }
0x447: {  	p0 =	sne.s32 s17, s30;
	[sflag:s14] =	ssyncset.done $0x0  }
.Ltmp1:
0x448: {  	[sflag:s14] =	ssyncadd.s32 $0xFFFFC000;
	(pc) =	sbr.rel @p0 .LBB2_1-.Ltmp1, $4  }
0x449: {  	[hbm4b:s29+s2] =	stream.strided.scatter [tilespmem:s4], [sflag:$0x6], $0x4000, s3, s2, $0x38;
	[tilespmem:$0x1DF80] =	vst v63  }
0x44a: {  	_ =	swait.ge [sflag:s0], $0x4000  }
0x44b: {  	[sflag:s0] =	ssyncset.done $0x0  }
0x44c: {  	[sflag:s0] =	ssyncadd.s32 $0xFFFFC000  }
0x44d: {  	_ =	sfence.sel $0x180000  }
0x44e: {  	[bflag:$0x0] =	sbarrier.arrive $0xFFFF  }
0x44f: {  	_ =	strace $0x90000047  }
0x450: {  	s0 =	stileid.u32;
	[bflag:$0x2] =	sbarrier.arrive $0xFFFF  }
0x451: {  	p0 =	sne.s32 s0, $0x0;
	s0 =	rddreg [dreg:$0x6]  }
0x452: {  	s0 =	sadd.s32 @!p0 $0x100000, s0  }
0x453: {  	[sflag:s0] =	ssyncadd.tile.s32 @!p0 $0x1;
	_ =	shalt  }
.Lfunc_end2:
_tile_overlayer_lowered:
.L_overlay_start_2:
0x454: {  	(tag) =	ssettag $0x2  }
0x455: {  	s0 =	rddreg [dreg:$0x0];
	s2 =	stileid.u32  }
0x456: {  	s1 =	rddreg [dreg:$0x1];
	p0 =	sne.s32 s2, $0x0  }
0x457: {  	s3 =	rddreg [dreg:$0x2];
	[bflag:$0x3] =	sbarrier.arrive $0xFFFF;
	s2 =	simm.s32 @!p0 $0x1C06  }
0x458: {  	[timem:s3], [sflag:s2] =	dma.local @!p0 [hbm:s0], s1  }
0x459: {  	s0 =	simm.s32 @!p0 $0x6  }
0x45a: {  	_ =	swait.ge @!p0 [sflag:s0], s1  }
0x45b: {  	s1 =	ssub.s32 @!p0 $0x0, s1;
	[sflag:s0] =	ssyncset.done @!p0 $0x0  }
0x45c: {  	[sflag:s0] =	ssyncadd.s32 @!p0 s1  }
0x45d: {  	[bflag:$0x3] =	sbarrier.arrive $0xFFFF  }
0x45e: {  	_ =	shalt  }

</sc_bundles>
